<compile_context>
chip_gen: v7x
topology: tpu7x:2x2x1
jax: 0.10.2.dev20260603
libtpu: 0.0.44.dev20260713+nightly
codegen_flags: <defaults>
</compile_context>

<pallas_src>
import functools

import jax
import jax.numpy as jnp
from jax import lax
from jax.experimental import pallas as pl
from jax.experimental.pallas import tpu as pltpu
from jax.experimental.pallas import tpu_sc as plsc

B, S, D = 1, 2048, 1024
H = 16
HD = D // H
E = 64
K = 8
DE = 256
DS = 1024
EPS = 1e-05
THETA = 10000.0
RSF = 1.0

T = B * S
TK = T * K
RB = 256
NRB = S // RB
GM = 128
NT = TK + E * GM
NTILES = NT // GM


def _rmsnorm(x, w):
    return x * lax.rsqrt(jnp.mean(x * x, axis=-1, keepdims=True) + EPS) * w


def _qkv_body(x_ref, w_ref, nw_ref, cos_ref, sin_ref, o_ref):
    x = x_ref[...]
    xn = _rmsnorm(x, nw_ref[...]).astype(jnp.bfloat16)
    qkv = jnp.dot(xn, w_ref[...], preferred_element_type=jnp.float32)
    cos = cos_ref[...]
    sin = sin_ref[...]
    for h in range(H):
        o_ref[2 * H + h, :, :] = qkv[:, 2 * D + h * HD:2 * D + (h + 1) * HD]
        for hi, base in ((h, 0), (H + h, D)):
            c0 = base + h * HD
            x1 = qkv[:, c0:c0 + HD // 2]
            x2 = qkv[:, c0 + HD // 2:c0 + HD]
            o_ref[hi, :, :HD // 2] = x1 * cos + x2 * sin
            o_ref[hi, :, HD // 2:] = x2 * cos - x1 * sin


def _qkv_call(x, W_qkv, attn_norm_w, cos, sin):
    return pl.pallas_call(
        _qkv_body,
        grid=(NRB,),
        in_specs=[
            pl.BlockSpec((RB, D), lambda i: (i, 0)),
            pl.BlockSpec((D, 3 * D), lambda i: (0, 0)),
            pl.BlockSpec((1, D), lambda i: (0, 0)),
            pl.BlockSpec((RB, HD // 2), lambda i: (i, 0)),
            pl.BlockSpec((RB, HD // 2), lambda i: (i, 0)),
        ],
        out_specs=pl.BlockSpec((3 * H, RB, HD), lambda i: (0, i, 0)),
        out_shape=jax.ShapeDtypeStruct((3 * H, S, HD), jnp.float32),
    )(x, W_qkv, attn_norm_w, cos, sin)


def _attn_body(q_ref, k_ref, v_ref, o_ref):
    qi = pl.program_id(1)
    q = (q_ref[0] * (1.0 / (HD ** 0.5))).astype(jnp.bfloat16)
    row = qi * RB + lax.broadcasted_iota(jnp.int32, (RB, RB), 0)

    def step(j, carry):
        acc, m, l = carry
        kb = k_ref[0, pl.ds(j * RB, RB), :].astype(jnp.bfloat16)
        s = lax.dot_general(q, kb, (((1,), (1,)), ((), ())),
                            preferred_element_type=jnp.float32)
        col = j * RB + lax.broadcasted_iota(jnp.int32, (RB, RB), 1)
        s = jnp.where(col <= row, s, -1e30)
        m_new = jnp.maximum(m, jnp.max(s, axis=-1, keepdims=True))
        alpha = jnp.exp(m - m_new)
        p = jnp.exp(s - m_new)
        l = l * alpha + jnp.sum(p, axis=-1, keepdims=True)
        vb = v_ref[0, pl.ds(j * RB, RB), :].astype(jnp.bfloat16)
        acc = acc * alpha + jnp.dot(p.astype(jnp.bfloat16), vb,
                                    preferred_element_type=jnp.float32)
        return acc, m_new, l

    acc, m, l = lax.fori_loop(
        0, qi + 1, step,
        (jnp.zeros((RB, HD), jnp.float32),
         jnp.full((RB, 1), -1e30, jnp.float32),
         jnp.zeros((RB, 1), jnp.float32)))
    o_ref[0] = acc / l


def _attn_call(qkv):
    return pl.pallas_call(
        _attn_body,
        grid=(H, NRB),
        in_specs=[
            pl.BlockSpec((1, RB, HD), lambda h, i: (h, i, 0)),
            pl.BlockSpec((1, S, HD), lambda h, i: (H + h, 0, 0)),
            pl.BlockSpec((1, S, HD), lambda h, i: (2 * H + h, 0, 0)),
        ],
        out_specs=pl.BlockSpec((1, RB, HD), lambda h, i: (h, i, 0)),
        out_shape=jax.ShapeDtypeStruct((H, S, HD), jnp.float32),
    )(qkv, qkv, qkv)


def _oproj_body(xa_ref, xin_ref, wo_ref, nw_ref, mk_ref, idx_ref, val_ref,
                bias_ref, xfi_ref, xf_ref, sc_ref):
    xa = jnp.concatenate([xa_ref[h] for h in range(H)],
                         axis=-1).astype(jnp.bfloat16)
    x_ffn_input = jnp.dot(xa, wo_ref[...],
                          preferred_element_type=jnp.float32) + xin_ref[...]
    xfi_ref[...] = x_ffn_input
    xf = _rmsnorm(x_ffn_input, nw_ref[...])
    xf_ref[...] = xf
    logits = jnp.dot(xf, mk_ref[...], preferred_element_type=jnp.float32)
    idx = idx_ref[...]
    eids = lax.broadcasted_iota(jnp.int32, (RB, K, E), 2)
    oh = (idx[:, :, None] == eids).astype(jnp.float32)
    tv = jnp.sum(oh * logits[:, None, :], axis=-1)
    bg = jnp.sum(oh * bias_ref[...][None, :, :], axis=-1)
    vals = val_ref[...] + tv + bg
    sc = jax.nn.sigmoid(vals)
    sc = sc / jnp.sum(sc, axis=-1, keepdims=True)
    sc_ref[...] = sc * RSF


def _oproj_call(xa, x_input, W_o, ffn_norm_w, main_keys, indices, values,
                main_bias):
    return pl.pallas_call(
        _oproj_body,
        grid=(NRB,),
        in_specs=[
            pl.BlockSpec((H, RB, HD), lambda i: (0, i, 0)),
            pl.BlockSpec((RB, D), lambda i: (i, 0)),
            pl.BlockSpec((D, D), lambda i: (0, 0)),
            pl.BlockSpec((1, D), lambda i: (0, 0)),
            pl.BlockSpec((D, E), lambda i: (0, 0)),
            pl.BlockSpec((RB, K), lambda i: (i, 0)),
            pl.BlockSpec((RB, K), lambda i: (i, 0)),
            pl.BlockSpec((1, E), lambda i: (0, 0)),
        ],
        out_specs=[
            pl.BlockSpec((RB, D), lambda i: (i, 0)),
            pl.BlockSpec((RB, D), lambda i: (i, 0)),
            pl.BlockSpec((RB, K), lambda i: (i, 0)),
        ],
        out_shape=[
            jax.ShapeDtypeStruct((T, D), jnp.float32),
            jax.ShapeDtypeStruct((T, D), jnp.float32),
            jax.ShapeDtypeStruct((T, K), jnp.float32),
        ],
    )(xa, x_input, W_o, ffn_norm_w, main_keys, indices, values, main_bias)


NC, NS = 2, 16
NW = NC * NS


@functools.lru_cache(maxsize=None)
def _sc_gather_kernel(n_rows, ch):
    mesh = plsc.VectorSubcoreMesh(core_axis_name="c", subcore_axis_name="s")
    rpw = n_rows // NW
    nch = rpw // ch

    @functools.partial(
        pl.kernel, mesh=mesh,
        out_type=jax.ShapeDtypeStruct((n_rows, D), jnp.float32),
        scratch_types=[
            pltpu.VMEM((2, ch), jnp.int32),
            pltpu.VMEM((2, ch, D), jnp.float32),
            pltpu.SemaphoreType.DMA,
            pltpu.SemaphoreType.DMA,
        ],
    )
    def body(tab_hbm, idx_hbm, out_hbm, idx_v, rows_v, sem0, sem1):
        wid = lax.axis_index("s") * NC + lax.axis_index("c")
        sems = (sem0, sem1)

        def base(c):
            return pl.multiple_of(wid * rpw + c * ch, 8)

        pltpu.sync_copy(idx_hbm.at[pl.ds(base(0), ch)], idx_v.at[0])
        cps = [pltpu.async_copy(tab_hbm.at[idx_v.at[0]], rows_v.at[0], sem0),
               None]
        for c in range(nch):
            b = c % 2
            nb = (c + 1) % 2
            if c + 1 < nch:
                pltpu.sync_copy(idx_hbm.at[pl.ds(base(c + 1), ch)],
                                idx_v.at[nb])
                cps[nb] = pltpu.async_copy(tab_hbm.at[idx_v.at[nb]],
                                           rows_v.at[nb], sems[nb])
            cps[b].wait()
            pltpu.sync_copy(rows_v.at[b], out_hbm.at[pl.ds(base(c), ch)])

    return body


def _sc_cgather(os_, pos_slot):
    return _sc_gather_kernel(TK, 32)(os_, pos_slot)


def _moe_body(te_ref, nvt_ref, tok_ref, w_ref, xf_ref, w0_ref, w1_ref,
              w2_ref, os_ref, xg_ref):
    i = pl.program_id(0)

    @pl.when(i < nvt_ref[0])
    def _():
        def gather(j, c):
            t = tok_ref[0, 0, j]
            xg_ref[pl.ds(j, 1), :] = xf_ref[pl.ds(t, 1), :]
            return c

        lax.fori_loop(0, GM, gather, 0, unroll=8)
        x = xg_ref[...].astype(jnp.bfloat16)
        a0 = jnp.dot(x, w0_ref[0], preferred_element_type=jnp.float32)
        a1 = jnp.dot(x, w1_ref[0], preferred_element_type=jnp.float32)
        h = (a0 * jax.nn.sigmoid(a0) * a1).astype(jnp.bfloat16)
        og = lax.dot_general(h, w2_ref[0], (((1,), (1,)), ((), ())),
                             preferred_element_type=jnp.float32)
        os_ref[...] = og * w_ref[...]


def _moe_call(te, nvt, tok_pad, w_col, xf, w0, w1, w2):
    grid_spec = pltpu.PrefetchScalarGridSpec(
        num_scalar_prefetch=2,
        grid=(NTILES,),
        in_specs=[
            pl.BlockSpec((1, 1, GM), lambda i, te_r, nv_r: (i, 0, 0),
                         memory_space=pltpu.SMEM),
            pl.BlockSpec((GM, 1),
                         lambda i, te_r, nv_r: (jnp.minimum(i, nv_r[0] - 1),
                                                0)),
            pl.BlockSpec((T, D), lambda i, te_r, nv_r: (0, 0)),
            pl.BlockSpec((1, D, DE), lambda i, te_r, nv_r: (te_r[i], 0, 0)),
            pl.BlockSpec((1, D, DE), lambda i, te_r, nv_r: (te_r[i], 0, 0)),
            pl.BlockSpec((1, D, DE), lambda i, te_r, nv_r: (te_r[i], 0, 0)),
        ],
        out_specs=pl.BlockSpec(
            (GM, D),
            lambda i, te_r, nv_r: (jnp.minimum(i, nv_r[0] - 1), 0)),
        scratch_shapes=[pltpu.VMEM((GM, D), jnp.float32)],
    )
    return pl.pallas_call(
        _moe_body,
        grid_spec=grid_spec,
        out_shape=jax.ShapeDtypeStruct((NT, D), jnp.float32),
    )(te, nvt, tok_pad, w_col, xf, w0, w1, w2)


def _shared_body(xf_ref, xfi_ref, wu_ref, wd_ref, snw_ref, y_ref):
    xf = xf_ref[...].astype(jnp.bfloat16)
    up = jnp.dot(xf, wu_ref[...], preferred_element_type=jnp.float32)
    u1 = up[:, :DS]
    u2 = up[:, DS:]
    hsh = (u1 * jax.nn.sigmoid(u1) * u2).astype(jnp.bfloat16)
    sh = jnp.dot(hsh, wd_ref[...], preferred_element_type=jnp.float32)
    y_ref[...] = _rmsnorm(sh, snw_ref[...]) + xfi_ref[...]


def _shared_call(xf, xfi, W_up, W_down, shared_norm_w):
    return pl.pallas_call(
        _shared_body,
        grid=(NRB,),
        in_specs=[
            pl.BlockSpec((RB, D), lambda i: (i, 0)),
            pl.BlockSpec((RB, D), lambda i: (i, 0)),
            pl.BlockSpec((D, 2 * DS), lambda i: (0, 0)),
            pl.BlockSpec((DS, D), lambda i: (0, 0)),
            pl.BlockSpec((1, D), lambda i: (0, 0)),
        ],
        out_specs=pl.BlockSpec((RB, D), lambda i: (i, 0)),
        out_shape=jax.ShapeDtypeStruct((T, D), jnp.float32),
    )(xf, xfi, W_up, W_down, shared_norm_w)


def _combine_body(og_ref, part_ref, oc_ref, y_ref):
    acc = jnp.sum(og_ref[...].reshape(RB, K, D), axis=1)
    y_ref[...] = part_ref[...] + acc * oc_ref[...]


def _combine_call(og_slots, partial, output_coeff):
    return pl.pallas_call(
        _combine_body,
        grid=(NRB,),
        in_specs=[
            pl.BlockSpec((RB * K, D), lambda i: (i, 0)),
            pl.BlockSpec((RB, D), lambda i: (i, 0)),
            pl.BlockSpec((1, D), lambda i: (0, 0)),
        ],
        out_specs=pl.BlockSpec((RB, D), lambda i: (i, 0)),
        out_shape=jax.ShapeDtypeStruct((T, D), jnp.float32),
    )(og_slots, partial, output_coeff)


def kernel(x_input, indices, values, W_qkv, W_o, attn_norm_w, ffn_norm_w,
           ffn_experts, main_keys, main_bias, output_coeff, W_up, W_down,
           shared_norm_w):
    x = x_input.reshape(S, D)

    inv_freq = (1.0 / THETA) ** (jnp.arange(0, HD, 2, dtype=jnp.float32) / HD)
    t = jnp.arange(S, dtype=jnp.float32)
    f = jnp.outer(t, inv_freq)
    cos, sin = jnp.cos(f), jnp.sin(f)

    qkv = _qkv_call(x, W_qkv.astype(jnp.bfloat16),
                    attn_norm_w.reshape(1, D), cos, sin)
    xa = _attn_call(qkv)
    xfi, xf, sc = _oproj_call(xa, x, W_o.astype(jnp.bfloat16),
                              ffn_norm_w.reshape(1, D),
                              main_keys, indices, values,
                              main_bias.reshape(1, E))

    fexp = indices.reshape(TK)
    order = jnp.argsort(fexp)
    e_s = fexp[order]
    tok_s = (order // K).astype(jnp.int32)
    counts = jnp.bincount(fexp, length=E)
    pc = ((counts + GM - 1) // GM) * GM
    p_end = jnp.cumsum(pc)
    p_start = p_end - pc
    c_end = jnp.cumsum(counts)
    c_start = c_end - counts
    pos = (p_start[e_s] + (jnp.arange(TK) - c_start[e_s])).astype(jnp.int32)
    tok_pad = (jnp.arange(NT, dtype=jnp.int32) % T).at[pos].set(tok_s)
    w_pad = jnp.zeros((NT,), jnp.float32).at[pos].set(sc.reshape(TK)[order])
    pos_slot = jnp.zeros((TK,), jnp.int32).at[order].set(pos)
    tile_rows = jnp.arange(NTILES, dtype=jnp.int32) * GM
    te = jnp.searchsorted(p_end, tile_rows, side='right').astype(jnp.int32)
    te = jnp.minimum(te, E - 1)
    nvt = ((p_end[-1] + GM - 1) // GM).astype(jnp.int32).reshape(1)

    fe = ffn_experts.astype(jnp.bfloat16)
    partial = _shared_call(xf, xfi, W_up.astype(jnp.bfloat16),
                           W_down.astype(jnp.bfloat16),
                           shared_norm_w.reshape(1, D))
    os_ = _moe_call(te, nvt, tok_pad.reshape(NTILES, 1, GM),
                    w_pad.reshape(NT, 1), xf, fe[0], fe[1], fe[2])
    og_slots = _sc_cgather(os_, pos_slot)
    y = _combine_call(og_slots, partial, output_coeff.reshape(1, D))
    return y.reshape(B, S, D)

# --- scband reference (transcript-rebuilt; emitter-appended) ---
"""Pipeline reference for scband-mo-elayer-63556926046479 (READ-ONLY COPY).

The authoritative reference and input builder live on the scoring server;
editing this copy changes nothing except your own understanding.
"""

import jax, jax.numpy as jnp
import numpy as np

B, S, D = 1, 2048, 1024
H = 16
HD = D // H
E = 64
K = 8
DE = 256
DS = 1024
EPS = 1e-05
THETA = 10000.0
RSF = 1.0


def rmsnorm(x, w):
    return x * jax.lax.rsqrt(jnp.mean(x * x, axis=-1, keepdims=True) + EPS) * w


def rope(x):
    s, hd = x.shape[2], x.shape[3]
    inv_freq = (1.0 / THETA) ** (jnp.arange(0, hd, 2, dtype=jnp.float32) / hd)
    t = jnp.arange(s, dtype=jnp.float32)
    f = jnp.outer(t, inv_freq)[None, None, :, :]
    cos, sin = jnp.cos(f), jnp.sin(f)
    x1, x2 = jnp.split(x, 2, axis=-1)
    return jnp.concatenate([x1 * cos + x2 * sin, -x1 * sin + x2 * cos], axis=-1)


def setup_inputs(seed: int = 0):
    key = jax.random.key(seed)
    ks = [jax.random.fold_in(key, i) for i in range(16)]
    inp = {}
    inp['x_input'] = jax.random.normal(ks[0], (B, S, D), jnp.float32)
    inp['indices'] = jax.random.randint(ks[1], (B * S, K), 0, E, dtype=jnp.int32)
    inp['values'] = jax.random.normal(ks[2], (B * S, K), jnp.float32)
    inp['W_qkv'] = 0.02 * jax.random.normal(ks[3], (D, 3 * D), jnp.float32)
    inp['W_o'] = 0.02 * jax.random.normal(ks[4], (D, D), jnp.float32)
    inp['attn_norm_w'] = jnp.ones((D,), jnp.float32)
    inp['ffn_norm_w'] = jnp.ones((D,), jnp.float32)
    inp['ffn_experts'] = 0.02 * jax.random.normal(ks[5], (3, E, D, DE), jnp.float32)
    inp['main_keys'] = 0.02 * jax.random.normal(ks[6], (D, E), jnp.float32)
    inp['main_bias'] = jnp.zeros((E,), jnp.float32)
    inp['output_coeff'] = jnp.ones((1, 1, D), jnp.float32)
    inp['W_up'] = 0.02 * jax.random.normal(ks[7], (D, 2 * DS), jnp.float32)
    inp['W_down'] = 0.02 * jax.random.normal(ks[8], (DS, D), jnp.float32)
    inp['shared_norm_w'] = jnp.ones((D,), jnp.float32)
    return inp


def reference(x_input, indices, values, W_qkv, W_o, attn_norm_w, ffn_norm_w, ffn_experts, main_keys, main_bias, output_coeff, W_up, W_down, shared_norm_w):
    # attention block
    x = rmsnorm(x_input, attn_norm_w)
    qkv = x @ W_qkv
    xq, xk, xv = jnp.split(qkv, 3, axis=-1)

    def to_heads(t):
        return t.reshape(B, S, H, HD).transpose(0, 2, 1, 3)

    q = rope(to_heads(xq))
    k = rope(to_heads(xk))
    v = to_heads(xv)
    att = jnp.einsum('bhsd,bhtd->bhst', q, k) / jnp.sqrt(jnp.float32(HD))
    causal = jnp.tril(jnp.ones((S, S), dtype=bool))
    att = jnp.where(causal[None, None], att, -1e9)
    p = jax.nn.softmax(att, axis=-1)
    xa = jnp.einsum('bhst,bhtd->bhsd', p, v).transpose(0, 2, 1, 3).reshape(B, S, D)
    x_attn_o = xa @ W_o
    x_ffn_input = x_attn_o + x_input
    x_ffn = rmsnorm(x_ffn_input, ffn_norm_w)
    # router: gate values on pre-selected top-k expert indices
    T = B * S
    xf = x_ffn.reshape(T, D)
    token_values = jnp.take_along_axis(xf @ main_keys, indices, axis=-1)
    vals = values + token_values + main_bias[indices]
    sc = jax.nn.sigmoid(vals)
    sc = sc / jnp.sum(sc, axis=-1, keepdims=True)
    sc_scaled = sc * RSF
    # grouped GEMM over experts (gather tokens -> expert FFN -> scatter-add)
    w0, w1, w2 = ffn_experts[0], ffn_experts[1], ffn_experts[2]
    acc = jnp.zeros((T, D), jnp.float32)
    for e in range(E):
        h = jax.nn.silu(xf @ w0[e]) * (xf @ w1[e])
        out = h @ w2[e].T
        w_e = jnp.sum(jnp.where(indices == e, sc_scaled, 0.0), axis=-1)
        acc = acc + out * w_e[:, None]
    y = acc.reshape(B, S, D) * output_coeff
    # shared expert
    up = x_ffn @ W_up
    u1, u2 = jnp.split(up, 2, axis=-1)
    y_shared = rmsnorm((jax.nn.silu(u1) * u2) @ W_down, shared_norm_w)
    y = y + y_shared
    y = y + x_ffn_input
    return y

if __name__ == "__main__":
    import jax
    _d = setup_inputs()
    print(jax.jit(kernel)(*tuple(_d.values())))

</pallas_src>

<mosaic_0001>
#map = affine_map<(d0, d1) -> (0, 0)>
#map1 = affine_map<(d0, d1) -> (0)>
module attributes {stable_mosaic.version = 14 : i64} {
  func.func @body(%arg0: i32, %arg1: i32, %arg2: memref<24576x1024xf32, #tpu.memory_space<hbm>>, %arg3: memref<16384xi32, #tpu.memory_space<hbm>>, %arg4: memref<16384x1024xf32, #tpu.memory_space<hbm>>, %arg5: memref<2x32xi32, #tpu.memory_space<vmem>>, %arg6: memref<2x32x1024xf32, #tpu.memory_space<vmem>>, %arg7: memref<!tpu.dma_semaphore, #tpu.memory_space<semaphore_mem>>, %arg8: memref<!tpu.dma_semaphore, #tpu.memory_space<semaphore_mem>>) attributes {dimension_semantics = [#tpu.dimension_semantics<core_parallel>, #tpu.dimension_semantics<subcore_parallel>], iteration_bounds = array<i64: 2, 16>, scalar_prefetch = 0 : i64, scratch_operands = 4 : i64, tpu.core_type = #tpu.core_type<sc_vector_subcore>, window_params = [{transform_indices = #map}, {transform_indices = #map1}, {transform_indices = #map}]} {
    %mul3A = arith.constant 2 : i32
    %mul3A_0 = arith.muli %arg1, %mul3A : i32
    %add3A = arith.addi %mul3A_0, %arg0 : i32
    %mul3A_1 = arith.constant 512 : i32
    %mul3A_2 = arith.muli %add3A, %mul3A_1 : i32
    %add3A_3 = arith.constant 0 : i32
    %add3A_4 = arith.addi %mul3A_2, %add3A_3 : i32
    %multiple_of3A = tpu.assume_multiple %add3A_4, 8 : i32
    %run_scoped3A = arith.constant 0 : i32
    "tpu.region"() ({
      %run_scoped3A_573 = tpu.sem_alloc : memref<!tpu.dma_semaphore, #tpu.memory_space<semaphore_mem>>
      %dma_start3A_574 = arith.constant 0 : i32
      %dma_start3A_575 = tpu.memref_slice %arg5[%run_scoped3A, %dma_start3A_574] : memref<2x32xi32, #tpu.memory_space<vmem>> -> memref<1x32xi32, #tpu.memory_space<vmem>>
      %dma_start3A_576 = tpu.memref_squeeze %dma_start3A_575 : memref<1x32xi32, #tpu.memory_space<vmem>> -> memref<32xi32, #tpu.memory_space<vmem>>
      %dma_start3A_577 = tpu.memref_slice %arg3[%multiple_of3A] : memref<16384xi32, #tpu.memory_space<hbm>> -> memref<32xi32, #tpu.memory_space<hbm>>
      %dma_start3A_578 = arith.constant 0 : i32
      %dma_start3A_579 = tpu.memref_slice %arg5[%run_scoped3A, %dma_start3A_578] : memref<2x32xi32, #tpu.memory_space<vmem>> -> memref<1x32xi32, #tpu.memory_space<vmem>>
      %dma_start3A_580 = tpu.memref_squeeze %dma_start3A_579 : memref<1x32xi32, #tpu.memory_space<vmem>> -> memref<32xi32, #tpu.memory_space<vmem>>
      %dma_start3A_581 = tpu.memref_slice %arg3[%multiple_of3A] : memref<16384xi32, #tpu.memory_space<hbm>> -> memref<32xi32, #tpu.memory_space<hbm>>
      tpu.enqueue_dma source(%dma_start3A_581 : memref<32xi32, #tpu.memory_space<hbm>>) target(%dma_start3A_580 : memref<32xi32, #tpu.memory_space<vmem>>) target_semaphore(%run_scoped3A_573 : memref<!tpu.dma_semaphore, #tpu.memory_space<semaphore_mem>>)
      %dma_wait3A_582 = arith.constant 0 : i32
      %dma_wait3A_583 = tpu.memref_slice %arg5[%run_scoped3A, %dma_wait3A_582] : memref<2x32xi32, #tpu.memory_space<vmem>> -> memref<1x32xi32, #tpu.memory_space<vmem>>
      %dma_wait3A_584 = tpu.memref_squeeze %dma_wait3A_583 : memref<1x32xi32, #tpu.memory_space<vmem>> -> memref<32xi32, #tpu.memory_space<vmem>>
      %dma_wait3A_585 = tpu.memref_slice %arg3[%multiple_of3A] : memref<16384xi32, #tpu.memory_space<hbm>> -> memref<32xi32, #tpu.memory_space<hbm>>
      %dma_wait3A_586 = arith.constant 0 : i32
      %dma_wait3A_587 = tpu.memref_slice %arg5[%run_scoped3A, %dma_wait3A_586] : memref<2x32xi32, #tpu.memory_space<vmem>> -> memref<1x32xi32, #tpu.memory_space<vmem>>
      %dma_wait3A_588 = tpu.memref_squeeze %dma_wait3A_587 : memref<1x32xi32, #tpu.memory_space<vmem>> -> memref<32xi32, #tpu.memory_space<vmem>>
      %dma_wait3A_589 = tpu.memref_slice %arg3[%multiple_of3A] : memref<16384xi32, #tpu.memory_space<hbm>> -> memref<32xi32, #tpu.memory_space<hbm>>
      tpu.wait_dma2 semaphore(%run_scoped3A_573 : memref<!tpu.dma_semaphore, #tpu.memory_space<semaphore_mem>>) src(%dma_wait3A_589 : memref<32xi32, #tpu.memory_space<hbm>>) dst(%dma_wait3A_588 : memref<32xi32, #tpu.memory_space<vmem>>)
      tpu.yield
    }) : () -> ()
    %dma_start3A = arith.constant 0 : i32
    %dma_start3A_5 = arith.constant 0 : i32
    %dma_start3A_6 = arith.constant 0 : i32
    %dma_start3A_7 = arith.constant 0 : i32
    %dma_start3A_8 = tpu.memref_slice %arg6[%dma_start3A_5, %dma_start3A_6, %dma_start3A_7] : memref<2x32x1024xf32, #tpu.memory_space<vmem>> -> memref<1x32x1024xf32, #tpu.memory_space<vmem>>
    %dma_start3A_9 = tpu.memref_squeeze %dma_start3A_8 : memref<1x32x1024xf32, #tpu.memory_space<vmem>> -> memref<32x1024xf32, #tpu.memory_space<vmem>>
    %dma_start3A_10 = arith.constant 0 : i32
    %dma_start3A_11 = tpu.memref_slice %arg5[%dma_start3A, %dma_start3A_10] : memref<2x32xi32, #tpu.memory_space<vmem>> -> memref<1x32xi32, #tpu.memory_space<vmem>>
    %dma_start3A_12 = tpu.memref_squeeze %dma_start3A_11 : memref<1x32xi32, #tpu.memory_space<vmem>> -> memref<32xi32, #tpu.memory_space<vmem>>
    %dma_start3A_13 = arith.constant 0 : i32
    %dma_start3A_14 = arith.constant 0 : i32
    %dma_start3A_15 = tpu.memref_slice %arg2[%dma_start3A_13, %dma_start3A_14] : memref<24576x1024xf32, #tpu.memory_space<hbm>> -> memref<24576x1024xf32, #tpu.memory_space<hbm>>
    tpu.enqueue_indirect_dma source(%dma_start3A_15 : memref<24576x1024xf32, #tpu.memory_space<hbm>>) target(%dma_start3A_9 : memref<32x1024xf32, #tpu.memory_space<vmem>>) offsets(%dma_start3A_12 : memref<32xi32, #tpu.memory_space<vmem>>) semaphore(%arg7 : memref<!tpu.dma_semaphore, #tpu.memory_space<semaphore_mem>>)
    %mul3A_16 = arith.constant 512 : i32
    %mul3A_17 = arith.muli %add3A, %mul3A_16 : i32
    %add3A_18 = arith.constant 32 : i32
    %add3A_19 = arith.addi %mul3A_17, %add3A_18 : i32
    %multiple_of3A_20 = tpu.assume_multiple %add3A_19, 8 : i32
    %run_scoped3A_21 = arith.constant 1 : i32
    "tpu.region"() ({
      %run_scoped3A_573 = tpu.sem_alloc : memref<!tpu.dma_semaphore, #tpu.memory_space<semaphore_mem>>
      %dma_start3A_574 = arith.constant 0 : i32
      %dma_start3A_575 = tpu.memref_slice %arg5[%run_scoped3A_21, %dma_start3A_574] : memref<2x32xi32, #tpu.memory_space<vmem>> -> memref<1x32xi32, #tpu.memory_space<vmem>>
      %dma_start3A_576 = tpu.memref_squeeze %dma_start3A_575 : memref<1x32xi32, #tpu.memory_space<vmem>> -> memref<32xi32, #tpu.memory_space<vmem>>
      %dma_start3A_577 = tpu.memref_slice %arg3[%multiple_of3A_20] : memref<16384xi32, #tpu.memory_space<hbm>> -> memref<32xi32, #tpu.memory_space<hbm>>
      %dma_start3A_578 = arith.constant 0 : i32
      %dma_start3A_579 = tpu.memref_slice %arg5[%run_scoped3A_21, %dma_start3A_578] : memref<2x32xi32, #tpu.memory_space<vmem>> -> memref<1x32xi32, #tpu.memory_space<vmem>>
      %dma_start3A_580 = tpu.memref_squeeze %dma_start3A_579 : memref<1x32xi32, #tpu.memory_space<vmem>> -> memref<32xi32, #tpu.memory_space<vmem>>
      %dma_start3A_581 = tpu.memref_slice %arg3[%multiple_of3A_20] : memref<16384xi32, #tpu.memory_space<hbm>> -> memref<32xi32, #tpu.memory_space<hbm>>
      tpu.enqueue_dma source(%dma_start3A_581 : memref<32xi32, #tpu.memory_space<hbm>>) target(%dma_start3A_580 : memref<32xi32, #tpu.memory_space<vmem>>) target_semaphore(%run_scoped3A_573 : memref<!tpu.dma_semaphore, #tpu.memory_space<semaphore_mem>>)
      %dma_wait3A_582 = arith.constant 0 : i32
      %dma_wait3A_583 = tpu.memref_slice %arg5[%run_scoped3A_21, %dma_wait3A_582] : memref<2x32xi32, #tpu.memory_space<vmem>> -> memref<1x32xi32, #tpu.memory_space<vmem>>
      %dma_wait3A_584 = tpu.memref_squeeze %dma_wait3A_583 : memref<1x32xi32, #tpu.memory_space<vmem>> -> memref<32xi32, #tpu.memory_space<vmem>>
      %dma_wait3A_585 = tpu.memref_slice %arg3[%multiple_of3A_20] : memref<16384xi32, #tpu.memory_space<hbm>> -> memref<32xi32, #tpu.memory_space<hbm>>
      %dma_wait3A_586 = arith.constant 0 : i32
      %dma_wait3A_587 = tpu.memref_slice %arg5[%run_scoped3A_21, %dma_wait3A_586] : memref<2x32xi32, #tpu.memory_space<vmem>> -> memref<1x32xi32, #tpu.memory_space<vmem>>
      %dma_wait3A_588 = tpu.memref_squeeze %dma_wait3A_587 : memref<1x32xi32, #tpu.memory_space<vmem>> -> memref<32xi32, #tpu.memory_space<vmem>>
      %dma_wait3A_589 = tpu.memref_slice %arg3[%multiple_of3A_20] : memref<16384xi32, #tpu.memory_space<hbm>> -> memref<32xi32, #tpu.memory_space<hbm>>
      tpu.wait_dma2 semaphore(%run_scoped3A_573 : memref<!tpu.dma_semaphore, #tpu.memory_space<semaphore_mem>>) src(%dma_wait3A_589 : memref<32xi32, #tpu.memory_space<hbm>>) dst(%dma_wait3A_588 : memref<32xi32, #tpu.memory_space<vmem>>)
      tpu.yield
    }) : () -> ()
    %dma_start3A_22 = arith.constant 1 : i32
    %dma_start3A_23 = arith.constant 1 : i32
    %dma_start3A_24 = arith.constant 0 : i32
    %dma_start3A_25 = arith.constant 0 : i32
    %dma_start3A_26 = tpu.memref_slice %arg6[%dma_start3A_23, %dma_start3A_24, %dma_start3A_25] : memref<2x32x1024xf32, #tpu.memory_space<vmem>> -> memref<1x32x1024xf32, #tpu.memory_space<vmem>>
    %dma_start3A_27 = tpu.memref_squeeze %dma_start3A_26 : memref<1x32x1024xf32, #tpu.memory_space<vmem>> -> memref<32x1024xf32, #tpu.memory_space<vmem>>
    %dma_start3A_28 = arith.constant 0 : i32
    %dma_start3A_29 = tpu.memref_slice %arg5[%dma_start3A_22, %dma_start3A_28] : memref<2x32xi32, #tpu.memory_space<vmem>> -> memref<1x32xi32, #tpu.memory_space<vmem>>
    %dma_start3A_30 = tpu.memref_squeeze %dma_start3A_29 : memref<1x32xi32, #tpu.memory_space<vmem>> -> memref<32xi32, #tpu.memory_space<vmem>>
    %dma_start3A_31 = arith.constant 0 : i32
    %dma_start3A_32 = arith.constant 0 : i32
    %dma_start3A_33 = tpu.memref_slice %arg2[%dma_start3A_31, %dma_start3A_32] : memref<24576x1024xf32, #tpu.memory_space<hbm>> -> memref<24576x1024xf32, #tpu.memory_space<hbm>>
    tpu.enqueue_indirect_dma source(%dma_start3A_33 : memref<24576x1024xf32, #tpu.memory_space<hbm>>) target(%dma_start3A_27 : memref<32x1024xf32, #tpu.memory_space<vmem>>) offsets(%dma_start3A_30 : memref<32xi32, #tpu.memory_space<vmem>>) semaphore(%arg8 : memref<!tpu.dma_semaphore, #tpu.memory_space<semaphore_mem>>)
    %dma_wait3A = arith.constant 0 : i32
    %dma_wait3A_34 = arith.constant 0 : i32
    %dma_wait3A_35 = arith.constant 0 : i32
    %dma_wait3A_36 = arith.constant 0 : i32
    %dma_wait3A_37 = tpu.memref_slice %arg6[%dma_wait3A_34, %dma_wait3A_35, %dma_wait3A_36] : memref<2x32x1024xf32, #tpu.memory_space<vmem>> -> memref<1x32x1024xf32, #tpu.memory_space<vmem>>
    %dma_wait3A_38 = tpu.memref_squeeze %dma_wait3A_37 : memref<1x32x1024xf32, #tpu.memory_space<vmem>> -> memref<32x1024xf32, #tpu.memory_space<vmem>>
    %dma_wait3A_39 = arith.constant 0 : i32
    %dma_wait3A_40 = tpu.memref_slice %arg5[%dma_wait3A, %dma_wait3A_39] : memref<2x32xi32, #tpu.memory_space<vmem>> -> memref<1x32xi32, #tpu.memory_space<vmem>>
    %dma_wait3A_41 = tpu.memref_squeeze %dma_wait3A_40 : memref<1x32xi32, #tpu.memory_space<vmem>> -> memref<32xi32, #tpu.memory_space<vmem>>
    %dma_wait3A_42 = arith.constant 0 : i32
    %dma_wait3A_43 = arith.constant 0 : i32
    %dma_wait3A_44 = tpu.memref_slice %arg2[%dma_wait3A_42, %dma_wait3A_43] : memref<24576x1024xf32, #tpu.memory_space<hbm>> -> memref<24576x1024xf32, #tpu.memory_space<hbm>>
    tpu.wait_indirect_dma semaphore(%arg7 : memref<!tpu.dma_semaphore, #tpu.memory_space<semaphore_mem>>) src(%dma_wait3A_44 : memref<24576x1024xf32, #tpu.memory_space<hbm>>) dst(%dma_wait3A_38 : memref<32x1024xf32, #tpu.memory_space<vmem>>)
    %mul3A_45 = arith.constant 512 : i32
    %mul3A_46 = arith.muli %add3A, %mul3A_45 : i32
    %add3A_47 = arith.constant 0 : i32
    %add3A_48 = arith.addi %mul3A_46, %add3A_47 : i32
    %multiple_of3A_49 = tpu.assume_multiple %add3A_48, 8 : i32
    %run_scoped3A_50 = arith.constant 0 : i32
    "tpu.region"() ({
      %run_scoped3A_573 = tpu.sem_alloc : memref<!tpu.dma_semaphore, #tpu.memory_space<semaphore_mem>>
      %dma_start3A_574 = arith.constant 0 : i32
      %dma_start3A_575 = arith.constant 0 : i32
      %dma_start3A_576 = tpu.memref_slice %arg6[%run_scoped3A_50, %dma_start3A_574, %dma_start3A_575] : memref<2x32x1024xf32, #tpu.memory_space<vmem>> -> memref<1x32x1024xf32, #tpu.memory_space<vmem>>
      %dma_start3A_577 = tpu.memref_squeeze %dma_start3A_576 : memref<1x32x1024xf32, #tpu.memory_space<vmem>> -> memref<32x1024xf32, #tpu.memory_space<vmem>>
      %dma_start3A_578 = arith.constant 0 : i32
      %dma_start3A_579 = tpu.memref_slice %arg4[%multiple_of3A_49, %dma_start3A_578] : memref<16384x1024xf32, #tpu.memory_space<hbm>> -> memref<32x1024xf32, #tpu.memory_space<hbm>>
      %dma_start3A_580 = arith.constant 0 : i32
      %dma_start3A_581 = tpu.memref_slice %arg4[%multiple_of3A_49, %dma_start3A_580] : memref<16384x1024xf32, #tpu.memory_space<hbm>> -> memref<32x1024xf32, #tpu.memory_space<hbm>>
      %dma_start3A_582 = arith.constant 0 : i32
      %dma_start3A_583 = arith.constant 0 : i32
      %dma_start3A_584 = tpu.memref_slice %arg6[%run_scoped3A_50, %dma_start3A_582, %dma_start3A_583] : memref<2x32x1024xf32, #tpu.memory_space<vmem>> -> memref<1x32x1024xf32, #tpu.memory_space<vmem>>
      %dma_start3A_585 = tpu.memref_squeeze %dma_start3A_584 : memref<1x32x1024xf32, #tpu.memory_space<vmem>> -> memref<32x1024xf32, #tpu.memory_space<vmem>>
      tpu.enqueue_dma source(%dma_start3A_585 : memref<32x1024xf32, #tpu.memory_space<vmem>>) target(%dma_start3A_581 : memref<32x1024xf32, #tpu.memory_space<hbm>>) target_semaphore(%run_scoped3A_573 : memref<!tpu.dma_semaphore, #tpu.memory_space<semaphore_mem>>)
      %dma_wait3A_586 = arith.constant 0 : i32
      %dma_wait3A_587 = arith.constant 0 : i32
      %dma_wait3A_588 = tpu.memref_slice %arg6[%run_scoped3A_50, %dma_wait3A_586, %dma_wait3A_587] : memref<2x32x1024xf32, #tpu.memory_space<vmem>> -> memref<1x32x1024xf32, #tpu.memory_space<vmem>>
      %dma_wait3A_589 = tpu.memref_squeeze %dma_wait3A_588 : memref<1x32x1024xf32, #tpu.memory_space<vmem>> -> memref<32x1024xf32, #tpu.memory_space<vmem>>
      %dma_wait3A_590 = arith.constant 0 : i32
      %dma_wait3A_591 = tpu.memref_slice %arg4[%multiple_of3A_49, %dma_wait3A_590] : memref<16384x1024xf32, #tpu.memory_space<hbm>> -> memref<32x1024xf32, #tpu.memory_space<hbm>>
      %dma_wait3A_592 = arith.constant 0 : i32
      %dma_wait3A_593 = tpu.memref_slice %arg4[%multiple_of3A_49, %dma_wait3A_592] : memref<16384x1024xf32, #tpu.memory_space<hbm>> -> memref<32x1024xf32, #tpu.memory_space<hbm>>
      %dma_wait3A_594 = arith.constant 0 : i32
      %dma_wait3A_595 = arith.constant 0 : i32
      %dma_wait3A_596 = tpu.memref_slice %arg6[%run_scoped3A_50, %dma_wait3A_594, %dma_wait3A_595] : memref<2x32x1024xf32, #tpu.memory_space<vmem>> -> memref<1x32x1024xf32, #tpu.memory_space<vmem>>
      %dma_wait3A_597 = tpu.memref_squeeze %dma_wait3A_596 : memref<1x32x1024xf32, #tpu.memory_space<vmem>> -> memref<32x1024xf32, #tpu.memory_space<vmem>>
      tpu.wait_dma2 semaphore(%run_scoped3A_573 : memref<!tpu.dma_semaphore, #tpu.memory_space<semaphore_mem>>) src(%dma_wait3A_597 : memref<32x1024xf32, #tpu.memory_space<vmem>>) dst(%dma_wait3A_593 : memref<32x1024xf32, #tpu.memory_space<hbm>>)
      tpu.yield
    }) : () -> ()
    %mul3A_51 = arith.constant 512 : i32
    %mul3A_52 = arith.muli %add3A, %mul3A_51 : i32
    %add3A_53 = arith.constant 64 : i32
    %add3A_54 = arith.addi %mul3A_52, %add3A_53 : i32
    %multiple_of3A_55 = tpu.assume_multiple %add3A_54, 8 : i32
    %run_scoped3A_56 = arith.constant 0 : i32
    "tpu.region"() ({
      %run_scoped3A_573 = tpu.sem_alloc : memref<!tpu.dma_semaphore, #tpu.memory_space<semaphore_mem>>
      %dma_start3A_574 = arith.constant 0 : i32
      %dma_start3A_575 = tpu.memref_slice %arg5[%run_scoped3A_56, %dma_start3A_574] : memref<2x32xi32, #tpu.memory_space<vmem>> -> memref<1x32xi32, #tpu.memory_space<vmem>>
      %dma_start3A_576 = tpu.memref_squeeze %dma_start3A_575 : memref<1x32xi32, #tpu.memory_space<vmem>> -> memref<32xi32, #tpu.memory_space<vmem>>
      %dma_start3A_577 = tpu.memref_slice %arg3[%multiple_of3A_55] : memref<16384xi32, #tpu.memory_space<hbm>> -> memref<32xi32, #tpu.memory_space<hbm>>
      %dma_start3A_578 = arith.constant 0 : i32
      %dma_start3A_579 = tpu.memref_slice %arg5[%run_scoped3A_56, %dma_start3A_578] : memref<2x32xi32, #tpu.memory_space<vmem>> -> memref<1x32xi32, #tpu.memory_space<vmem>>
      %dma_start3A_580 = tpu.memref_squeeze %dma_start3A_579 : memref<1x32xi32, #tpu.memory_space<vmem>> -> memref<32xi32, #tpu.memory_space<vmem>>
      %dma_start3A_581 = tpu.memref_slice %arg3[%multiple_of3A_55] : memref<16384xi32, #tpu.memory_space<hbm>> -> memref<32xi32, #tpu.memory_space<hbm>>
      tpu.enqueue_dma source(%dma_start3A_581 : memref<32xi32, #tpu.memory_space<hbm>>) target(%dma_start3A_580 : memref<32xi32, #tpu.memory_space<vmem>>) target_semaphore(%run_scoped3A_573 : memref<!tpu.dma_semaphore, #tpu.memory_space<semaphore_mem>>)
      %dma_wait3A_582 = arith.constant 0 : i32
      %dma_wait3A_583 = tpu.memref_slice %arg5[%run_scoped3A_56, %dma_wait3A_582] : memref<2x32xi32, #tpu.memory_space<vmem>> -> memref<1x32xi32, #tpu.memory_space<vmem>>
      %dma_wait3A_584 = tpu.memref_squeeze %dma_wait3A_583 : memref<1x32xi32, #tpu.memory_space<vmem>> -> memref<32xi32, #tpu.memory_space<vmem>>
      %dma_wait3A_585 = tpu.memref_slice %arg3[%multiple_of3A_55] : memref<16384xi32, #tpu.memory_space<hbm>> -> memref<32xi32, #tpu.memory_space<hbm>>
      %dma_wait3A_586 = arith.constant 0 : i32
      %dma_wait3A_587 = tpu.memref_slice %arg5[%run_scoped3A_56, %dma_wait3A_586] : memref<2x32xi32, #tpu.memory_space<vmem>> -> memref<1x32xi32, #tpu.memory_space<vmem>>
      %dma_wait3A_588 = tpu.memref_squeeze %dma_wait3A_587 : memref<1x32xi32, #tpu.memory_space<vmem>> -> memref<32xi32, #tpu.memory_space<vmem>>
      %dma_wait3A_589 = tpu.memref_slice %arg3[%multiple_of3A_55] : memref<16384xi32, #tpu.memory_space<hbm>> -> memref<32xi32, #tpu.memory_space<hbm>>
      tpu.wait_dma2 semaphore(%run_scoped3A_573 : memref<!tpu.dma_semaphore, #tpu.memory_space<semaphore_mem>>) src(%dma_wait3A_589 : memref<32xi32, #tpu.memory_space<hbm>>) dst(%dma_wait3A_588 : memref<32xi32, #tpu.memory_space<vmem>>)
      tpu.yield
    }) : () -> ()
    %dma_start3A_57 = arith.constant 0 : i32
    %dma_start3A_58 = arith.constant 0 : i32
    %dma_start3A_59 = arith.constant 0 : i32
    %dma_start3A_60 = arith.constant 0 : i32
    %dma_start3A_61 = tpu.memref_slice %arg6[%dma_start3A_58, %dma_start3A_59, %dma_start3A_60] : memref<2x32x1024xf32, #tpu.memory_space<vmem>> -> memref<1x32x1024xf32, #tpu.memory_space<vmem>>
    %dma_start3A_62 = tpu.memref_squeeze %dma_start3A_61 : memref<1x32x1024xf32, #tpu.memory_space<vmem>> -> memref<32x1024xf32, #tpu.memory_space<vmem>>
    %dma_start3A_63 = arith.constant 0 : i32
    %dma_start3A_64 = tpu.memref_slice %arg5[%dma_start3A_57, %dma_start3A_63] : memref<2x32xi32, #tpu.memory_space<vmem>> -> memref<1x32xi32, #tpu.memory_space<vmem>>
    %dma_start3A_65 = tpu.memref_squeeze %dma_start3A_64 : memref<1x32xi32, #tpu.memory_space<vmem>> -> memref<32xi32, #tpu.memory_space<vmem>>
    %dma_start3A_66 = arith.constant 0 : i32
    %dma_start3A_67 = arith.constant 0 : i32
    %dma_start3A_68 = tpu.memref_slice %arg2[%dma_start3A_66, %dma_start3A_67] : memref<24576x1024xf32, #tpu.memory_space<hbm>> -> memref<24576x1024xf32, #tpu.memory_space<hbm>>
    tpu.enqueue_indirect_dma source(%dma_start3A_68 : memref<24576x1024xf32, #tpu.memory_space<hbm>>) target(%dma_start3A_62 : memref<32x1024xf32, #tpu.memory_space<vmem>>) offsets(%dma_start3A_65 : memref<32xi32, #tpu.memory_space<vmem>>) semaphore(%arg7 : memref<!tpu.dma_semaphore, #tpu.memory_space<semaphore_mem>>)
    %dma_wait3A_69 = arith.constant 1 : i32
    %dma_wait3A_70 = arith.constant 1 : i32
    %dma_wait3A_71 = arith.constant 0 : i32
    %dma_wait3A_72 = arith.constant 0 : i32
    %dma_wait3A_73 = tpu.memref_slice %arg6[%dma_wait3A_70, %dma_wait3A_71, %dma_wait3A_72] : memref<2x32x1024xf32, #tpu.memory_space<vmem>> -> memref<1x32x1024xf32, #tpu.memory_space<vmem>>
    %dma_wait3A_74 = tpu.memref_squeeze %dma_wait3A_73 : memref<1x32x1024xf32, #tpu.memory_space<vmem>> -> memref<32x1024xf32, #tpu.memory_space<vmem>>
    %dma_wait3A_75 = arith.constant 0 : i32
    %dma_wait3A_76 = tpu.memref_slice %arg5[%dma_wait3A_69, %dma_wait3A_75] : memref<2x32xi32, #tpu.memory_space<vmem>> -> memref<1x32xi32, #tpu.memory_space<vmem>>
    %dma_wait3A_77 = tpu.memref_squeeze %dma_wait3A_76 : memref<1x32xi32, #tpu.memory_space<vmem>> -> memref<32xi32, #tpu.memory_space<vmem>>
    %dma_wait3A_78 = arith.constant 0 : i32
    %dma_wait3A_79 = arith.constant 0 : i32
    %dma_wait3A_80 = tpu.memref_slice %arg2[%dma_wait3A_78, %dma_wait3A_79] : memref<24576x1024xf32, #tpu.memory_space<hbm>> -> memref<24576x1024xf32, #tpu.memory_space<hbm>>
    tpu.wait_indirect_dma semaphore(%arg8 : memref<!tpu.dma_semaphore, #tpu.memory_space<semaphore_mem>>) src(%dma_wait3A_80 : memref<24576x1024xf32, #tpu.memory_space<hbm>>) dst(%dma_wait3A_74 : memref<32x1024xf32, #tpu.memory_space<vmem>>)
    %mul3A_81 = arith.constant 512 : i32
    %mul3A_82 = arith.muli %add3A, %mul3A_81 : i32
    %add3A_83 = arith.constant 32 : i32
    %add3A_84 = arith.addi %mul3A_82, %add3A_83 : i32
    %multiple_of3A_85 = tpu.assume_multiple %add3A_84, 8 : i32
    %run_scoped3A_86 = arith.constant 1 : i32
    "tpu.region"() ({
      %run_scoped3A_573 = tpu.sem_alloc : memref<!tpu.dma_semaphore, #tpu.memory_space<semaphore_mem>>
      %dma_start3A_574 = arith.constant 0 : i32
      %dma_start3A_575 = arith.constant 0 : i32
      %dma_start3A_576 = tpu.memref_slice %arg6[%run_scoped3A_86, %dma_start3A_574, %dma_start3A_575] : memref<2x32x1024xf32, #tpu.memory_space<vmem>> -> memref<1x32x1024xf32, #tpu.memory_space<vmem>>
      %dma_start3A_577 = tpu.memref_squeeze %dma_start3A_576 : memref<1x32x1024xf32, #tpu.memory_space<vmem>> -> memref<32x1024xf32, #tpu.memory_space<vmem>>
      %dma_start3A_578 = arith.constant 0 : i32
      %dma_start3A_579 = tpu.memref_slice %arg4[%multiple_of3A_85, %dma_start3A_578] : memref<16384x1024xf32, #tpu.memory_space<hbm>> -> memref<32x1024xf32, #tpu.memory_space<hbm>>
      %dma_start3A_580 = arith.constant 0 : i32
      %dma_start3A_581 = tpu.memref_slice %arg4[%multiple_of3A_85, %dma_start3A_580] : memref<16384x1024xf32, #tpu.memory_space<hbm>> -> memref<32x1024xf32, #tpu.memory_space<hbm>>
      %dma_start3A_582 = arith.constant 0 : i32
      %dma_start3A_583 = arith.constant 0 : i32
      %dma_start3A_584 = tpu.memref_slice %arg6[%run_scoped3A_86, %dma_start3A_582, %dma_start3A_583] : memref<2x32x1024xf32, #tpu.memory_space<vmem>> -> memref<1x32x1024xf32, #tpu.memory_space<vmem>>
      %dma_start3A_585 = tpu.memref_squeeze %dma_start3A_584 : memref<1x32x1024xf32, #tpu.memory_space<vmem>> -> memref<32x1024xf32, #tpu.memory_space<vmem>>
      tpu.enqueue_dma source(%dma_start3A_585 : memref<32x1024xf32, #tpu.memory_space<vmem>>) target(%dma_start3A_581 : memref<32x1024xf32, #tpu.memory_space<hbm>>) target_semaphore(%run_scoped3A_573 : memref<!tpu.dma_semaphore, #tpu.memory_space<semaphore_mem>>)
      %dma_wait3A_586 = arith.constant 0 : i32
      %dma_wait3A_587 = arith.constant 0 : i32
      %dma_wait3A_588 = tpu.memref_slice %arg6[%run_scoped3A_86, %dma_wait3A_586, %dma_wait3A_587] : memref<2x32x1024xf32, #tpu.memory_space<vmem>> -> memref<1x32x1024xf32, #tpu.memory_space<vmem>>
      %dma_wait3A_589 = tpu.memref_squeeze %dma_wait3A_588 : memref<1x32x1024xf32, #tpu.memory_space<vmem>> -> memref<32x1024xf32, #tpu.memory_space<vmem>>
      %dma_wait3A_590 = arith.constant 0 : i32
      %dma_wait3A_591 = tpu.memref_slice %arg4[%multiple_of3A_85, %dma_wait3A_590] : memref<16384x1024xf32, #tpu.memory_space<hbm>> -> memref<32x1024xf32, #tpu.memory_space<hbm>>
      %dma_wait3A_592 = arith.constant 0 : i32
      %dma_wait3A_593 = tpu.memref_slice %arg4[%multiple_of3A_85, %dma_wait3A_592] : memref<16384x1024xf32, #tpu.memory_space<hbm>> -> memref<32x1024xf32, #tpu.memory_space<hbm>>
      %dma_wait3A_594 = arith.constant 0 : i32
      %dma_wait3A_595 = arith.constant 0 : i32
      %dma_wait3A_596 = tpu.memref_slice %arg6[%run_scoped3A_86, %dma_wait3A_594, %dma_wait3A_595] : memref<2x32x1024xf32, #tpu.memory_space<vmem>> -> memref<1x32x1024xf32, #tpu.memory_space<vmem>>
      %dma_wait3A_597 = tpu.memref_squeeze %dma_wait3A_596 : memref<1x32x1024xf32, #tpu.memory_space<vmem>> -> memref<32x1024xf32, #tpu.memory_space<vmem>>
      tpu.wait_dma2 semaphore(%run_scoped3A_573 : memref<!tpu.dma_semaphore, #tpu.memory_space<semaphore_mem>>) src(%dma_wait3A_597 : memref<32x1024xf32, #tpu.memory_space<vmem>>) dst(%dma_wait3A_593 : memref<32x1024xf32, #tpu.memory_space<hbm>>)
      tpu.yield
    }) : () -> ()
    %mul3A_87 = arith.constant 512 : i32
    %mul3A_88 = arith.muli %add3A, %mul3A_87 : i32
    %add3A_89 = arith.constant 96 : i32
    %add3A_90 = arith.addi %mul3A_88, %add3A_89 : i32
    %multiple_of3A_91 = tpu.assume_multiple %add3A_90, 8 : i32
    %run_scoped3A_92 = arith.constant 1 : i32
    "tpu.region"() ({
      %run_scoped3A_573 = tpu.sem_alloc : memref<!tpu.dma_semaphore, #tpu.memory_space<semaphore_mem>>
      %dma_start3A_574 = arith.constant 0 : i32
      %dma_start3A_575 = tpu.memref_slice %arg5[%run_scoped3A_92, %dma_start3A_574] : memref<2x32xi32, #tpu.memory_space<vmem>> -> memref<1x32xi32, #tpu.memory_space<vmem>>
      %dma_start3A_576 = tpu.memref_squeeze %dma_start3A_575 : memref<1x32xi32, #tpu.memory_space<vmem>> -> memref<32xi32, #tpu.memory_space<vmem>>
      %dma_start3A_577 = tpu.memref_slice %arg3[%multiple_of3A_91] : memref<16384xi32, #tpu.memory_space<hbm>> -> memref<32xi32, #tpu.memory_space<hbm>>
      %dma_start3A_578 = arith.constant 0 : i32
      %dma_start3A_579 = tpu.memref_slice %arg5[%run_scoped3A_92, %dma_start3A_578] : memref<2x32xi32, #tpu.memory_space<vmem>> -> memref<1x32xi32, #tpu.memory_space<vmem>>
      %dma_start3A_580 = tpu.memref_squeeze %dma_start3A_579 : memref<1x32xi32, #tpu.memory_space<vmem>> -> memref<32xi32, #tpu.memory_space<vmem>>
      %dma_start3A_581 = tpu.memref_slice %arg3[%multiple_of3A_91] : memref<16384xi32, #tpu.memory_space<hbm>> -> memref<32xi32, #tpu.memory_space<hbm>>
      tpu.enqueue_dma source(%dma_start3A_581 : memref<32xi32, #tpu.memory_space<hbm>>) target(%dma_start3A_580 : memref<32xi32, #tpu.memory_space<vmem>>) target_semaphore(%run_scoped3A_573 : memref<!tpu.dma_semaphore, #tpu.memory_space<semaphore_mem>>)
      %dma_wait3A_582 = arith.constant 0 : i32
      %dma_wait3A_583 = tpu.memref_slice %arg5[%run_scoped3A_92, %dma_wait3A_582] : memref<2x32xi32, #tpu.memory_space<vmem>> -> memref<1x32xi32, #tpu.memory_space<vmem>>
      %dma_wait3A_584 = tpu.memref_squeeze %dma_wait3A_583 : memref<1x32xi32, #tpu.memory_space<vmem>> -> memref<32xi32, #tpu.memory_space<vmem>>
      %dma_wait3A_585 = tpu.memref_slice %arg3[%multiple_of3A_91] : memref<16384xi32, #tpu.memory_space<hbm>> -> memref<32xi32, #tpu.memory_space<hbm>>
      %dma_wait3A_586 = arith.constant 0 : i32
      %dma_wait3A_587 = tpu.memref_slice %arg5[%run_scoped3A_92, %dma_wait3A_586] : memref<2x32xi32, #tpu.memory_space<vmem>> -> memref<1x32xi32, #tpu.memory_space<vmem>>
      %dma_wait3A_588 = tpu.memref_squeeze %dma_wait3A_587 : memref<1x32xi32, #tpu.memory_space<vmem>> -> memref<32xi32, #tpu.memory_space<vmem>>
      %dma_wait3A_589 = tpu.memref_slice %arg3[%multiple_of3A_91] : memref<16384xi32, #tpu.memory_space<hbm>> -> memref<32xi32, #tpu.memory_space<hbm>>
      tpu.wait_dma2 semaphore(%run_scoped3A_573 : memref<!tpu.dma_semaphore, #tpu.memory_space<semaphore_mem>>) src(%dma_wait3A_589 : memref<32xi32, #tpu.memory_space<hbm>>) dst(%dma_wait3A_588 : memref<32xi32, #tpu.memory_space<vmem>>)
      tpu.yield
    }) : () -> ()
    %dma_start3A_93 = arith.constant 1 : i32
    %dma_start3A_94 = arith.constant 1 : i32
    %dma_start3A_95 = arith.constant 0 : i32
    %dma_start3A_96 = arith.constant 0 : i32
    %dma_start3A_97 = tpu.memref_slice %arg6[%dma_start3A_94, %dma_start3A_95, %dma_start3A_96] : memref<2x32x1024xf32, #tpu.memory_space<vmem>> -> memref<1x32x1024xf32, #tpu.memory_space<vmem>>
    %dma_start3A_98 = tpu.memref_squeeze %dma_start3A_97 : memref<1x32x1024xf32, #tpu.memory_space<vmem>> -> memref<32x1024xf32, #tpu.memory_space<vmem>>
    %dma_start3A_99 = arith.constant 0 : i32
    %dma_start3A_100 = tpu.memref_slice %arg5[%dma_start3A_93, %dma_start3A_99] : memref<2x32xi32, #tpu.memory_space<vmem>> -> memref<1x32xi32, #tpu.memory_space<vmem>>
    %dma_start3A_101 = tpu.memref_squeeze %dma_start3A_100 : memref<1x32xi32, #tpu.memory_space<vmem>> -> memref<32xi32, #tpu.memory_space<vmem>>
    %dma_start3A_102 = arith.constant 0 : i32
    %dma_start3A_103 = arith.constant 0 : i32
    %dma_start3A_104 = tpu.memref_slice %arg2[%dma_start3A_102, %dma_start3A_103] : memref<24576x1024xf32, #tpu.memory_space<hbm>> -> memref<24576x1024xf32, #tpu.memory_space<hbm>>
    tpu.enqueue_indirect_dma source(%dma_start3A_104 : memref<24576x1024xf32, #tpu.memory_space<hbm>>) target(%dma_start3A_98 : memref<32x1024xf32, #tpu.memory_space<vmem>>) offsets(%dma_start3A_101 : memref<32xi32, #tpu.memory_space<vmem>>) semaphore(%arg8 : memref<!tpu.dma_semaphore, #tpu.memory_space<semaphore_mem>>)
    %dma_wait3A_105 = arith.constant 0 : i32
    %dma_wait3A_106 = arith.constant 0 : i32
    %dma_wait3A_107 = arith.constant 0 : i32
    %dma_wait3A_108 = arith.constant 0 : i32
    %dma_wait3A_109 = tpu.memref_slice %arg6[%dma_wait3A_106, %dma_wait3A_107, %dma_wait3A_108] : memref<2x32x1024xf32, #tpu.memory_space<vmem>> -> memref<1x32x1024xf32, #tpu.memory_space<vmem>>
    %dma_wait3A_110 = tpu.memref_squeeze %dma_wait3A_109 : memref<1x32x1024xf32, #tpu.memory_space<vmem>> -> memref<32x1024xf32, #tpu.memory_space<vmem>>
    %dma_wait3A_111 = arith.constant 0 : i32
    %dma_wait3A_112 = tpu.memref_slice %arg5[%dma_wait3A_105, %dma_wait3A_111] : memref<2x32xi32, #tpu.memory_space<vmem>> -> memref<1x32xi32, #tpu.memory_space<vmem>>
    %dma_wait3A_113 = tpu.memref_squeeze %dma_wait3A_112 : memref<1x32xi32, #tpu.memory_space<vmem>> -> memref<32xi32, #tpu.memory_space<vmem>>
    %dma_wait3A_114 = arith.constant 0 : i32
    %dma_wait3A_115 = arith.constant 0 : i32
    %dma_wait3A_116 = tpu.memref_slice %arg2[%dma_wait3A_114, %dma_wait3A_115] : memref<24576x1024xf32, #tpu.memory_space<hbm>> -> memref<24576x1024xf32, #tpu.memory_space<hbm>>
    tpu.wait_indirect_dma semaphore(%arg7 : memref<!tpu.dma_semaphore, #tpu.memory_space<semaphore_mem>>) src(%dma_wait3A_116 : memref<24576x1024xf32, #tpu.memory_space<hbm>>) dst(%dma_wait3A_110 : memref<32x1024xf32, #tpu.memory_space<vmem>>)
    %mul3A_117 = arith.constant 512 : i32
    %mul3A_118 = arith.muli %add3A, %mul3A_117 : i32
    %add3A_119 = arith.constant 64 : i32
    %add3A_120 = arith.addi %mul3A_118, %add3A_119 : i32
    %multiple_of3A_121 = tpu.assume_multiple %add3A_120, 8 : i32
    %run_scoped3A_122 = arith.constant 0 : i32
    "tpu.region"() ({
      %run_scoped3A_573 = tpu.sem_alloc : memref<!tpu.dma_semaphore, #tpu.memory_space<semaphore_mem>>
      %dma_start3A_574 = arith.constant 0 : i32
      %dma_start3A_575 = arith.constant 0 : i32
      %dma_start3A_576 = tpu.memref_slice %arg6[%run_scoped3A_122, %dma_start3A_574, %dma_start3A_575] : memref<2x32x1024xf32, #tpu.memory_space<vmem>> -> memref<1x32x1024xf32, #tpu.memory_space<vmem>>
      %dma_start3A_577 = tpu.memref_squeeze %dma_start3A_576 : memref<1x32x1024xf32, #tpu.memory_space<vmem>> -> memref<32x1024xf32, #tpu.memory_space<vmem>>
      %dma_start3A_578 = arith.constant 0 : i32
      %dma_start3A_579 = tpu.memref_slice %arg4[%multiple_of3A_121, %dma_start3A_578] : memref<16384x1024xf32, #tpu.memory_space<hbm>> -> memref<32x1024xf32, #tpu.memory_space<hbm>>
      %dma_start3A_580 = arith.constant 0 : i32
      %dma_start3A_581 = tpu.memref_slice %arg4[%multiple_of3A_121, %dma_start3A_580] : memref<16384x1024xf32, #tpu.memory_space<hbm>> -> memref<32x1024xf32, #tpu.memory_space<hbm>>
      %dma_start3A_582 = arith.constant 0 : i32
      %dma_start3A_583 = arith.constant 0 : i32
      %dma_start3A_584 = tpu.memref_slice %arg6[%run_scoped3A_122, %dma_start3A_582, %dma_start3A_583] : memref<2x32x1024xf32, #tpu.memory_space<vmem>> -> memref<1x32x1024xf32, #tpu.memory_space<vmem>>
      %dma_start3A_585 = tpu.memref_squeeze %dma_start3A_584 : memref<1x32x1024xf32, #tpu.memory_space<vmem>> -> memref<32x1024xf32, #tpu.memory_space<vmem>>
      tpu.enqueue_dma source(%dma_start3A_585 : memref<32x1024xf32, #tpu.memory_space<vmem>>) target(%dma_start3A_581 : memref<32x1024xf32, #tpu.memory_space<hbm>>) target_semaphore(%run_scoped3A_573 : memref<!tpu.dma_semaphore, #tpu.memory_space<semaphore_mem>>)
      %dma_wait3A_586 = arith.constant 0 : i32
      %dma_wait3A_587 = arith.constant 0 : i32
      %dma_wait3A_588 = tpu.memref_slice %arg6[%run_scoped3A_122, %dma_wait3A_586, %dma_wait3A_587] : memref<2x32x1024xf32, #tpu.memory_space<vmem>> -> memref<1x32x1024xf32, #tpu.memory_space<vmem>>
      %dma_wait3A_589 = tpu.memref_squeeze %dma_wait3A_588 : memref<1x32x1024xf32, #tpu.memory_space<vmem>> -> memref<32x1024xf32, #tpu.memory_space<vmem>>
      %dma_wait3A_590 = arith.constant 0 : i32
      %dma_wait3A_591 = tpu.memref_slice %arg4[%multiple_of3A_121, %dma_wait3A_590] : memref<16384x1024xf32, #tpu.memory_space<hbm>> -> memref<32x1024xf32, #tpu.memory_space<hbm>>
      %dma_wait3A_592 = arith.constant 0 : i32
      %dma_wait3A_593 = tpu.memref_slice %arg4[%multiple_of3A_121, %dma_wait3A_592] : memref<16384x1024xf32, #tpu.memory_space<hbm>> -> memref<32x1024xf32, #tpu.memory_space<hbm>>
      %dma_wait3A_594 = arith.constant 0 : i32
      %dma_wait3A_595 = arith.constant 0 : i32
      %dma_wait3A_596 = tpu.memref_slice %arg6[%run_scoped3A_122, %dma_wait3A_594, %dma_wait3A_595] : memref<2x32x1024xf32, #tpu.memory_space<vmem>> -> memref<1x32x1024xf32, #tpu.memory_space<vmem>>
      %dma_wait3A_597 = tpu.memref_squeeze %dma_wait3A_596 : memref<1x32x1024xf32, #tpu.memory_space<vmem>> -> memref<32x1024xf32, #tpu.memory_space<vmem>>
      tpu.wait_dma2 semaphore(%run_scoped3A_573 : memref<!tpu.dma_semaphore, #tpu.memory_space<semaphore_mem>>) src(%dma_wait3A_597 : memref<32x1024xf32, #tpu.memory_space<vmem>>) dst(%dma_wait3A_593 : memref<32x1024xf32, #tpu.memory_space<hbm>>)
      tpu.yield
    }) : () -> ()
    %mul3A_123 = arith.constant 512 : i32
    %mul3A_124 = arith.muli %add3A, %mul3A_123 : i32
    %add3A_125 = arith.constant 128 : i32
    %add3A_126 = arith.addi %mul3A_124, %add3A_125 : i32
    %multiple_of3A_127 = tpu.assume_multiple %add3A_126, 8 : i32
    %run_scoped3A_128 = arith.constant 0 : i32
    "tpu.region"() ({
      %run_scoped3A_573 = tpu.sem_alloc : memref<!tpu.dma_semaphore, #tpu.memory_space<semaphore_mem>>
      %dma_start3A_574 = arith.constant 0 : i32
      %dma_start3A_575 = tpu.memref_slice %arg5[%run_scoped3A_128, %dma_start3A_574] : memref<2x32xi32, #tpu.memory_space<vmem>> -> memref<1x32xi32, #tpu.memory_space<vmem>>
      %dma_start3A_576 = tpu.memref_squeeze %dma_start3A_575 : memref<1x32xi32, #tpu.memory_space<vmem>> -> memref<32xi32, #tpu.memory_space<vmem>>
      %dma_start3A_577 = tpu.memref_slice %arg3[%multiple_of3A_127] : memref<16384xi32, #tpu.memory_space<hbm>> -> memref<32xi32, #tpu.memory_space<hbm>>
      %dma_start3A_578 = arith.constant 0 : i32
      %dma_start3A_579 = tpu.memref_slice %arg5[%run_scoped3A_128, %dma_start3A_578] : memref<2x32xi32, #tpu.memory_space<vmem>> -> memref<1x32xi32, #tpu.memory_space<vmem>>
      %dma_start3A_580 = tpu.memref_squeeze %dma_start3A_579 : memref<1x32xi32, #tpu.memory_space<vmem>> -> memref<32xi32, #tpu.memory_space<vmem>>
      %dma_start3A_581 = tpu.memref_slice %arg3[%multiple_of3A_127] : memref<16384xi32, #tpu.memory_space<hbm>> -> memref<32xi32, #tpu.memory_space<hbm>>
      tpu.enqueue_dma source(%dma_start3A_581 : memref<32xi32, #tpu.memory_space<hbm>>) target(%dma_start3A_580 : memref<32xi32, #tpu.memory_space<vmem>>) target_semaphore(%run_scoped3A_573 : memref<!tpu.dma_semaphore, #tpu.memory_space<semaphore_mem>>)
      %dma_wait3A_582 = arith.constant 0 : i32
      %dma_wait3A_583 = tpu.memref_slice %arg5[%run_scoped3A_128, %dma_wait3A_582] : memref<2x32xi32, #tpu.memory_space<vmem>> -> memref<1x32xi32, #tpu.memory_space<vmem>>
      %dma_wait3A_584 = tpu.memref_squeeze %dma_wait3A_583 : memref<1x32xi32, #tpu.memory_space<vmem>> -> memref<32xi32, #tpu.memory_space<vmem>>
      %dma_wait3A_585 = tpu.memref_slice %arg3[%multiple_of3A_127] : memref<16384xi32, #tpu.memory_space<hbm>> -> memref<32xi32, #tpu.memory_space<hbm>>
      %dma_wait3A_586 = arith.constant 0 : i32
      %dma_wait3A_587 = tpu.memref_slice %arg5[%run_scoped3A_128, %dma_wait3A_586] : memref<2x32xi32, #tpu.memory_space<vmem>> -> memref<1x32xi32, #tpu.memory_space<vmem>>
      %dma_wait3A_588 = tpu.memref_squeeze %dma_wait3A_587 : memref<1x32xi32, #tpu.memory_space<vmem>> -> memref<32xi32, #tpu.memory_space<vmem>>
      %dma_wait3A_589 = tpu.memref_slice %arg3[%multiple_of3A_127] : memref<16384xi32, #tpu.memory_space<hbm>> -> memref<32xi32, #tpu.memory_space<hbm>>
      tpu.wait_dma2 semaphore(%run_scoped3A_573 : memref<!tpu.dma_semaphore, #tpu.memory_space<semaphore_mem>>) src(%dma_wait3A_589 : memref<32xi32, #tpu.memory_space<hbm>>) dst(%dma_wait3A_588 : memref<32xi32, #tpu.memory_space<vmem>>)
      tpu.yield
    }) : () -> ()
    %dma_start3A_129 = arith.constant 0 : i32
    %dma_start3A_130 = arith.constant 0 : i32
    %dma_start3A_131 = arith.constant 0 : i32
    %dma_start3A_132 = arith.constant 0 : i32
    %dma_start3A_133 = tpu.memref_slice %arg6[%dma_start3A_130, %dma_start3A_131, %dma_start3A_132] : memref<2x32x1024xf32, #tpu.memory_space<vmem>> -> memref<1x32x1024xf32, #tpu.memory_space<vmem>>
    %dma_start3A_134 = tpu.memref_squeeze %dma_start3A_133 : memref<1x32x1024xf32, #tpu.memory_space<vmem>> -> memref<32x1024xf32, #tpu.memory_space<vmem>>
    %dma_start3A_135 = arith.constant 0 : i32
    %dma_start3A_136 = tpu.memref_slice %arg5[%dma_start3A_129, %dma_start3A_135] : memref<2x32xi32, #tpu.memory_space<vmem>> -> memref<1x32xi32, #tpu.memory_space<vmem>>
    %dma_start3A_137 = tpu.memref_squeeze %dma_start3A_136 : memref<1x32xi32, #tpu.memory_space<vmem>> -> memref<32xi32, #tpu.memory_space<vmem>>
    %dma_start3A_138 = arith.constant 0 : i32
    %dma_start3A_139 = arith.constant 0 : i32
    %dma_start3A_140 = tpu.memref_slice %arg2[%dma_start3A_138, %dma_start3A_139] : memref<24576x1024xf32, #tpu.memory_space<hbm>> -> memref<24576x1024xf32, #tpu.memory_space<hbm>>
    tpu.enqueue_indirect_dma source(%dma_start3A_140 : memref<24576x1024xf32, #tpu.memory_space<hbm>>) target(%dma_start3A_134 : memref<32x1024xf32, #tpu.memory_space<vmem>>) offsets(%dma_start3A_137 : memref<32xi32, #tpu.memory_space<vmem>>) semaphore(%arg7 : memref<!tpu.dma_semaphore, #tpu.memory_space<semaphore_mem>>)
    %dma_wait3A_141 = arith.constant 1 : i32
    %dma_wait3A_142 = arith.constant 1 : i32
    %dma_wait3A_143 = arith.constant 0 : i32
    %dma_wait3A_144 = arith.constant 0 : i32
    %dma_wait3A_145 = tpu.memref_slice %arg6[%dma_wait3A_142, %dma_wait3A_143, %dma_wait3A_144] : memref<2x32x1024xf32, #tpu.memory_space<vmem>> -> memref<1x32x1024xf32, #tpu.memory_space<vmem>>
    %dma_wait3A_146 = tpu.memref_squeeze %dma_wait3A_145 : memref<1x32x1024xf32, #tpu.memory_space<vmem>> -> memref<32x1024xf32, #tpu.memory_space<vmem>>
    %dma_wait3A_147 = arith.constant 0 : i32
    %dma_wait3A_148 = tpu.memref_slice %arg5[%dma_wait3A_141, %dma_wait3A_147] : memref<2x32xi32, #tpu.memory_space<vmem>> -> memref<1x32xi32, #tpu.memory_space<vmem>>
    %dma_wait3A_149 = tpu.memref_squeeze %dma_wait3A_148 : memref<1x32xi32, #tpu.memory_space<vmem>> -> memref<32xi32, #tpu.memory_space<vmem>>
    %dma_wait3A_150 = arith.constant 0 : i32
    %dma_wait3A_151 = arith.constant 0 : i32
    %dma_wait3A_152 = tpu.memref_slice %arg2[%dma_wait3A_150, %dma_wait3A_151] : memref<24576x1024xf32, #tpu.memory_space<hbm>> -> memref<24576x1024xf32, #tpu.memory_space<hbm>>
    tpu.wait_indirect_dma semaphore(%arg8 : memref<!tpu.dma_semaphore, #tpu.memory_space<semaphore_mem>>) src(%dma_wait3A_152 : memref<24576x1024xf32, #tpu.memory_space<hbm>>) dst(%dma_wait3A_146 : memref<32x1024xf32, #tpu.memory_space<vmem>>)
    %mul3A_153 = arith.constant 512 : i32
    %mul3A_154 = arith.muli %add3A, %mul3A_153 : i32
    %add3A_155 = arith.constant 96 : i32
    %add3A_156 = arith.addi %mul3A_154, %add3A_155 : i32
    %multiple_of3A_157 = tpu.assume_multiple %add3A_156, 8 : i32
    %run_scoped3A_158 = arith.constant 1 : i32
    "tpu.region"() ({
      %run_scoped3A_573 = tpu.sem_alloc : memref<!tpu.dma_semaphore, #tpu.memory_space<semaphore_mem>>
      %dma_start3A_574 = arith.constant 0 : i32
      %dma_start3A_575 = arith.constant 0 : i32
      %dma_start3A_576 = tpu.memref_slice %arg6[%run_scoped3A_158, %dma_start3A_574, %dma_start3A_575] : memref<2x32x1024xf32, #tpu.memory_space<vmem>> -> memref<1x32x1024xf32, #tpu.memory_space<vmem>>
      %dma_start3A_577 = tpu.memref_squeeze %dma_start3A_576 : memref<1x32x1024xf32, #tpu.memory_space<vmem>> -> memref<32x1024xf32, #tpu.memory_space<vmem>>
      %dma_start3A_578 = arith.constant 0 : i32
      %dma_start3A_579 = tpu.memref_slice %arg4[%multiple_of3A_157, %dma_start3A_578] : memref<16384x1024xf32, #tpu.memory_space<hbm>> -> memref<32x1024xf32, #tpu.memory_space<hbm>>
      %dma_start3A_580 = arith.constant 0 : i32
      %dma_start3A_581 = tpu.memref_slice %arg4[%multiple_of3A_157, %dma_start3A_580] : memref<16384x1024xf32, #tpu.memory_space<hbm>> -> memref<32x1024xf32, #tpu.memory_space<hbm>>
      %dma_start3A_582 = arith.constant 0 : i32
      %dma_start3A_583 = arith.constant 0 : i32
      %dma_start3A_584 = tpu.memref_slice %arg6[%run_scoped3A_158, %dma_start3A_582, %dma_start3A_583] : memref<2x32x1024xf32, #tpu.memory_space<vmem>> -> memref<1x32x1024xf32, #tpu.memory_space<vmem>>
      %dma_start3A_585 = tpu.memref_squeeze %dma_start3A_584 : memref<1x32x1024xf32, #tpu.memory_space<vmem>> -> memref<32x1024xf32, #tpu.memory_space<vmem>>
      tpu.enqueue_dma source(%dma_start3A_585 : memref<32x1024xf32, #tpu.memory_space<vmem>>) target(%dma_start3A_581 : memref<32x1024xf32, #tpu.memory_space<hbm>>) target_semaphore(%run_scoped3A_573 : memref<!tpu.dma_semaphore, #tpu.memory_space<semaphore_mem>>)
      %dma_wait3A_586 = arith.constant 0 : i32
      %dma_wait3A_587 = arith.constant 0 : i32
      %dma_wait3A_588 = tpu.memref_slice %arg6[%run_scoped3A_158, %dma_wait3A_586, %dma_wait3A_587] : memref<2x32x1024xf32, #tpu.memory_space<vmem>> -> memref<1x32x1024xf32, #tpu.memory_space<vmem>>
      %dma_wait3A_589 = tpu.memref_squeeze %dma_wait3A_588 : memref<1x32x1024xf32, #tpu.memory_space<vmem>> -> memref<32x1024xf32, #tpu.memory_space<vmem>>
      %dma_wait3A_590 = arith.constant 0 : i32
      %dma_wait3A_591 = tpu.memref_slice %arg4[%multiple_of3A_157, %dma_wait3A_590] : memref<16384x1024xf32, #tpu.memory_space<hbm>> -> memref<32x1024xf32, #tpu.memory_space<hbm>>
      %dma_wait3A_592 = arith.constant 0 : i32
      %dma_wait3A_593 = tpu.memref_slice %arg4[%multiple_of3A_157, %dma_wait3A_592] : memref<16384x1024xf32, #tpu.memory_space<hbm>> -> memref<32x1024xf32, #tpu.memory_space<hbm>>
      %dma_wait3A_594 = arith.constant 0 : i32
      %dma_wait3A_595 = arith.constant 0 : i32
      %dma_wait3A_596 = tpu.memref_slice %arg6[%run_scoped3A_158, %dma_wait3A_594, %dma_wait3A_595] : memref<2x32x1024xf32, #tpu.memory_space<vmem>> -> memref<1x32x1024xf32, #tpu.memory_space<vmem>>
      %dma_wait3A_597 = tpu.memref_squeeze %dma_wait3A_596 : memref<1x32x1024xf32, #tpu.memory_space<vmem>> -> memref<32x1024xf32, #tpu.memory_space<vmem>>
      tpu.wait_dma2 semaphore(%run_scoped3A_573 : memref<!tpu.dma_semaphore, #tpu.memory_space<semaphore_mem>>) src(%dma_wait3A_597 : memref<32x1024xf32, #tpu.memory_space<vmem>>) dst(%dma_wait3A_593 : memref<32x1024xf32, #tpu.memory_space<hbm>>)
      tpu.yield
    }) : () -> ()
    %mul3A_159 = arith.constant 512 : i32
    %mul3A_160 = arith.muli %add3A, %mul3A_159 : i32
    %add3A_161 = arith.constant 160 : i32
    %add3A_162 = arith.addi %mul3A_160, %add3A_161 : i32
    %multiple_of3A_163 = tpu.assume_multiple %add3A_162, 8 : i32
    %run_scoped3A_164 = arith.constant 1 : i32
    "tpu.region"() ({
      %run_scoped3A_573 = tpu.sem_alloc : memref<!tpu.dma_semaphore, #tpu.memory_space<semaphore_mem>>
      %dma_start3A_574 = arith.constant 0 : i32
      %dma_start3A_575 = tpu.memref_slice %arg5[%run_scoped3A_164, %dma_start3A_574] : memref<2x32xi32, #tpu.memory_space<vmem>> -> memref<1x32xi32, #tpu.memory_space<vmem>>
      %dma_start3A_576 = tpu.memref_squeeze %dma_start3A_575 : memref<1x32xi32, #tpu.memory_space<vmem>> -> memref<32xi32, #tpu.memory_space<vmem>>
      %dma_start3A_577 = tpu.memref_slice %arg3[%multiple_of3A_163] : memref<16384xi32, #tpu.memory_space<hbm>> -> memref<32xi32, #tpu.memory_space<hbm>>
      %dma_start3A_578 = arith.constant 0 : i32
      %dma_start3A_579 = tpu.memref_slice %arg5[%run_scoped3A_164, %dma_start3A_578] : memref<2x32xi32, #tpu.memory_space<vmem>> -> memref<1x32xi32, #tpu.memory_space<vmem>>
      %dma_start3A_580 = tpu.memref_squeeze %dma_start3A_579 : memref<1x32xi32, #tpu.memory_space<vmem>> -> memref<32xi32, #tpu.memory_space<vmem>>
      %dma_start3A_581 = tpu.memref_slice %arg3[%multiple_of3A_163] : memref<16384xi32, #tpu.memory_space<hbm>> -> memref<32xi32, #tpu.memory_space<hbm>>
      tpu.enqueue_dma source(%dma_start3A_581 : memref<32xi32, #tpu.memory_space<hbm>>) target(%dma_start3A_580 : memref<32xi32, #tpu.memory_space<vmem>>) target_semaphore(%run_scoped3A_573 : memref<!tpu.dma_semaphore, #tpu.memory_space<semaphore_mem>>)
      %dma_wait3A_582 = arith.constant 0 : i32
      %dma_wait3A_583 = tpu.memref_slice %arg5[%run_scoped3A_164, %dma_wait3A_582] : memref<2x32xi32, #tpu.memory_space<vmem>> -> memref<1x32xi32, #tpu.memory_space<vmem>>
      %dma_wait3A_584 = tpu.memref_squeeze %dma_wait3A_583 : memref<1x32xi32, #tpu.memory_space<vmem>> -> memref<32xi32, #tpu.memory_space<vmem>>
      %dma_wait3A_585 = tpu.memref_slice %arg3[%multiple_of3A_163] : memref<16384xi32, #tpu.memory_space<hbm>> -> memref<32xi32, #tpu.memory_space<hbm>>
      %dma_wait3A_586 = arith.constant 0 : i32
      %dma_wait3A_587 = tpu.memref_slice %arg5[%run_scoped3A_164, %dma_wait3A_586] : memref<2x32xi32, #tpu.memory_space<vmem>> -> memref<1x32xi32, #tpu.memory_space<vmem>>
      %dma_wait3A_588 = tpu.memref_squeeze %dma_wait3A_587 : memref<1x32xi32, #tpu.memory_space<vmem>> -> memref<32xi32, #tpu.memory_space<vmem>>
      %dma_wait3A_589 = tpu.memref_slice %arg3[%multiple_of3A_163] : memref<16384xi32, #tpu.memory_space<hbm>> -> memref<32xi32, #tpu.memory_space<hbm>>
      tpu.wait_dma2 semaphore(%run_scoped3A_573 : memref<!tpu.dma_semaphore, #tpu.memory_space<semaphore_mem>>) src(%dma_wait3A_589 : memref<32xi32, #tpu.memory_space<hbm>>) dst(%dma_wait3A_588 : memref<32xi32, #tpu.memory_space<vmem>>)
      tpu.yield
    }) : () -> ()
    %dma_start3A_165 = arith.constant 1 : i32
    %dma_start3A_166 = arith.constant 1 : i32
    %dma_start3A_167 = arith.constant 0 : i32
    %dma_start3A_168 = arith.constant 0 : i32
    %dma_start3A_169 = tpu.memref_slice %arg6[%dma_start3A_166, %dma_start3A_167, %dma_start3A_168] : memref<2x32x1024xf32, #tpu.memory_space<vmem>> -> memref<1x32x1024xf32, #tpu.memory_space<vmem>>
    %dma_start3A_170 = tpu.memref_squeeze %dma_start3A_169 : memref<1x32x1024xf32, #tpu.memory_space<vmem>> -> memref<32x1024xf32, #tpu.memory_space<vmem>>
    %dma_start3A_171 = arith.constant 0 : i32
    %dma_start3A_172 = tpu.memref_slice %arg5[%dma_start3A_165, %dma_start3A_171] : memref<2x32xi32, #tpu.memory_space<vmem>> -> memref<1x32xi32, #tpu.memory_space<vmem>>
    %dma_start3A_173 = tpu.memref_squeeze %dma_start3A_172 : memref<1x32xi32, #tpu.memory_space<vmem>> -> memref<32xi32, #tpu.memory_space<vmem>>
    %dma_start3A_174 = arith.constant 0 : i32
    %dma_start3A_175 = arith.constant 0 : i32
    %dma_start3A_176 = tpu.memref_slice %arg2[%dma_start3A_174, %dma_start3A_175] : memref<24576x1024xf32, #tpu.memory_space<hbm>> -> memref<24576x1024xf32, #tpu.memory_space<hbm>>
    tpu.enqueue_indirect_dma source(%dma_start3A_176 : memref<24576x1024xf32, #tpu.memory_space<hbm>>) target(%dma_start3A_170 : memref<32x1024xf32, #tpu.memory_space<vmem>>) offsets(%dma_start3A_173 : memref<32xi32, #tpu.memory_space<vmem>>) semaphore(%arg8 : memref<!tpu.dma_semaphore, #tpu.memory_space<semaphore_mem>>)
    %dma_wait3A_177 = arith.constant 0 : i32
    %dma_wait3A_178 = arith.constant 0 : i32
    %dma_wait3A_179 = arith.constant 0 : i32
    %dma_wait3A_180 = arith.constant 0 : i32
    %dma_wait3A_181 = tpu.memref_slice %arg6[%dma_wait3A_178, %dma_wait3A_179, %dma_wait3A_180] : memref<2x32x1024xf32, #tpu.memory_space<vmem>> -> memref<1x32x1024xf32, #tpu.memory_space<vmem>>
    %dma_wait3A_182 = tpu.memref_squeeze %dma_wait3A_181 : memref<1x32x1024xf32, #tpu.memory_space<vmem>> -> memref<32x1024xf32, #tpu.memory_space<vmem>>
    %dma_wait3A_183 = arith.constant 0 : i32
    %dma_wait3A_184 = tpu.memref_slice %arg5[%dma_wait3A_177, %dma_wait3A_183] : memref<2x32xi32, #tpu.memory_space<vmem>> -> memref<1x32xi32, #tpu.memory_space<vmem>>
    %dma_wait3A_185 = tpu.memref_squeeze %dma_wait3A_184 : memref<1x32xi32, #tpu.memory_space<vmem>> -> memref<32xi32, #tpu.memory_space<vmem>>
    %dma_wait3A_186 = arith.constant 0 : i32
    %dma_wait3A_187 = arith.constant 0 : i32
    %dma_wait3A_188 = tpu.memref_slice %arg2[%dma_wait3A_186, %dma_wait3A_187] : memref<24576x1024xf32, #tpu.memory_space<hbm>> -> memref<24576x1024xf32, #tpu.memory_space<hbm>>
    tpu.wait_indirect_dma semaphore(%arg7 : memref<!tpu.dma_semaphore, #tpu.memory_space<semaphore_mem>>) src(%dma_wait3A_188 : memref<24576x1024xf32, #tpu.memory_space<hbm>>) dst(%dma_wait3A_182 : memref<32x1024xf32, #tpu.memory_space<vmem>>)
    %mul3A_189 = arith.constant 512 : i32
    %mul3A_190 = arith.muli %add3A, %mul3A_189 : i32
    %add3A_191 = arith.constant 128 : i32
    %add3A_192 = arith.addi %mul3A_190, %add3A_191 : i32
    %multiple_of3A_193 = tpu.assume_multiple %add3A_192, 8 : i32
    %run_scoped3A_194 = arith.constant 0 : i32
    "tpu.region"() ({
      %run_scoped3A_573 = tpu.sem_alloc : memref<!tpu.dma_semaphore, #tpu.memory_space<semaphore_mem>>
      %dma_start3A_574 = arith.constant 0 : i32
      %dma_start3A_575 = arith.constant 0 : i32
      %dma_start3A_576 = tpu.memref_slice %arg6[%run_scoped3A_194, %dma_start3A_574, %dma_start3A_575] : memref<2x32x1024xf32, #tpu.memory_space<vmem>> -> memref<1x32x1024xf32, #tpu.memory_space<vmem>>
      %dma_start3A_577 = tpu.memref_squeeze %dma_start3A_576 : memref<1x32x1024xf32, #tpu.memory_space<vmem>> -> memref<32x1024xf32, #tpu.memory_space<vmem>>
      %dma_start3A_578 = arith.constant 0 : i32
      %dma_start3A_579 = tpu.memref_slice %arg4[%multiple_of3A_193, %dma_start3A_578] : memref<16384x1024xf32, #tpu.memory_space<hbm>> -> memref<32x1024xf32, #tpu.memory_space<hbm>>
      %dma_start3A_580 = arith.constant 0 : i32
      %dma_start3A_581 = tpu.memref_slice %arg4[%multiple_of3A_193, %dma_start3A_580] : memref<16384x1024xf32, #tpu.memory_space<hbm>> -> memref<32x1024xf32, #tpu.memory_space<hbm>>
      %dma_start3A_582 = arith.constant 0 : i32
      %dma_start3A_583 = arith.constant 0 : i32
      %dma_start3A_584 = tpu.memref_slice %arg6[%run_scoped3A_194, %dma_start3A_582, %dma_start3A_583] : memref<2x32x1024xf32, #tpu.memory_space<vmem>> -> memref<1x32x1024xf32, #tpu.memory_space<vmem>>
      %dma_start3A_585 = tpu.memref_squeeze %dma_start3A_584 : memref<1x32x1024xf32, #tpu.memory_space<vmem>> -> memref<32x1024xf32, #tpu.memory_space<vmem>>
      tpu.enqueue_dma source(%dma_start3A_585 : memref<32x1024xf32, #tpu.memory_space<vmem>>) target(%dma_start3A_581 : memref<32x1024xf32, #tpu.memory_space<hbm>>) target_semaphore(%run_scoped3A_573 : memref<!tpu.dma_semaphore, #tpu.memory_space<semaphore_mem>>)
      %dma_wait3A_586 = arith.constant 0 : i32
      %dma_wait3A_587 = arith.constant 0 : i32
      %dma_wait3A_588 = tpu.memref_slice %arg6[%run_scoped3A_194, %dma_wait3A_586, %dma_wait3A_587] : memref<2x32x1024xf32, #tpu.memory_space<vmem>> -> memref<1x32x1024xf32, #tpu.memory_space<vmem>>
      %dma_wait3A_589 = tpu.memref_squeeze %dma_wait3A_588 : memref<1x32x1024xf32, #tpu.memory_space<vmem>> -> memref<32x1024xf32, #tpu.memory_space<vmem>>
      %dma_wait3A_590 = arith.constant 0 : i32
      %dma_wait3A_591 = tpu.memref_slice %arg4[%multiple_of3A_193, %dma_wait3A_590] : memref<16384x1024xf32, #tpu.memory_space<hbm>> -> memref<32x1024xf32, #tpu.memory_space<hbm>>
      %dma_wait3A_592 = arith.constant 0 : i32
      %dma_wait3A_593 = tpu.memref_slice %arg4[%multiple_of3A_193, %dma_wait3A_592] : memref<16384x1024xf32, #tpu.memory_space<hbm>> -> memref<32x1024xf32, #tpu.memory_space<hbm>>
      %dma_wait3A_594 = arith.constant 0 : i32
      %dma_wait3A_595 = arith.constant 0 : i32
      %dma_wait3A_596 = tpu.memref_slice %arg6[%run_scoped3A_194, %dma_wait3A_594, %dma_wait3A_595] : memref<2x32x1024xf32, #tpu.memory_space<vmem>> -> memref<1x32x1024xf32, #tpu.memory_space<vmem>>
      %dma_wait3A_597 = tpu.memref_squeeze %dma_wait3A_596 : memref<1x32x1024xf32, #tpu.memory_space<vmem>> -> memref<32x1024xf32, #tpu.memory_space<vmem>>
      tpu.wait_dma2 semaphore(%run_scoped3A_573 : memref<!tpu.dma_semaphore, #tpu.memory_space<semaphore_mem>>) src(%dma_wait3A_597 : memref<32x1024xf32, #tpu.memory_space<vmem>>) dst(%dma_wait3A_593 : memref<32x1024xf32, #tpu.memory_space<hbm>>)
      tpu.yield
    }) : () -> ()
    %mul3A_195 = arith.constant 512 : i32
    %mul3A_196 = arith.muli %add3A, %mul3A_195 : i32
    %add3A_197 = arith.constant 192 : i32
    %add3A_198 = arith.addi %mul3A_196, %add3A_197 : i32
    %multiple_of3A_199 = tpu.assume_multiple %add3A_198, 8 : i32
    %run_scoped3A_200 = arith.constant 0 : i32
    "tpu.region"() ({
      %run_scoped3A_573 = tpu.sem_alloc : memref<!tpu.dma_semaphore, #tpu.memory_space<semaphore_mem>>
      %dma_start3A_574 = arith.constant 0 : i32
      %dma_start3A_575 = tpu.memref_slice %arg5[%run_scoped3A_200, %dma_start3A_574] : memref<2x32xi32, #tpu.memory_space<vmem>> -> memref<1x32xi32, #tpu.memory_space<vmem>>
      %dma_start3A_576 = tpu.memref_squeeze %dma_start3A_575 : memref<1x32xi32, #tpu.memory_space<vmem>> -> memref<32xi32, #tpu.memory_space<vmem>>
      %dma_start3A_577 = tpu.memref_slice %arg3[%multiple_of3A_199] : memref<16384xi32, #tpu.memory_space<hbm>> -> memref<32xi32, #tpu.memory_space<hbm>>
      %dma_start3A_578 = arith.constant 0 : i32
      %dma_start3A_579 = tpu.memref_slice %arg5[%run_scoped3A_200, %dma_start3A_578] : memref<2x32xi32, #tpu.memory_space<vmem>> -> memref<1x32xi32, #tpu.memory_space<vmem>>
      %dma_start3A_580 = tpu.memref_squeeze %dma_start3A_579 : memref<1x32xi32, #tpu.memory_space<vmem>> -> memref<32xi32, #tpu.memory_space<vmem>>
      %dma_start3A_581 = tpu.memref_slice %arg3[%multiple_of3A_199] : memref<16384xi32, #tpu.memory_space<hbm>> -> memref<32xi32, #tpu.memory_space<hbm>>
      tpu.enqueue_dma source(%dma_start3A_581 : memref<32xi32, #tpu.memory_space<hbm>>) target(%dma_start3A_580 : memref<32xi32, #tpu.memory_space<vmem>>) target_semaphore(%run_scoped3A_573 : memref<!tpu.dma_semaphore, #tpu.memory_space<semaphore_mem>>)
      %dma_wait3A_582 = arith.constant 0 : i32
      %dma_wait3A_583 = tpu.memref_slice %arg5[%run_scoped3A_200, %dma_wait3A_582] : memref<2x32xi32, #tpu.memory_space<vmem>> -> memref<1x32xi32, #tpu.memory_space<vmem>>
      %dma_wait3A_584 = tpu.memref_squeeze %dma_wait3A_583 : memref<1x32xi32, #tpu.memory_space<vmem>> -> memref<32xi32, #tpu.memory_space<vmem>>
      %dma_wait3A_585 = tpu.memref_slice %arg3[%multiple_of3A_199] : memref<16384xi32, #tpu.memory_space<hbm>> -> memref<32xi32, #tpu.memory_space<hbm>>
      %dma_wait3A_586 = arith.constant 0 : i32
      %dma_wait3A_587 = tpu.memref_slice %arg5[%run_scoped3A_200, %dma_wait3A_586] : memref<2x32xi32, #tpu.memory_space<vmem>> -> memref<1x32xi32, #tpu.memory_space<vmem>>
      %dma_wait3A_588 = tpu.memref_squeeze %dma_wait3A_587 : memref<1x32xi32, #tpu.memory_space<vmem>> -> memref<32xi32, #tpu.memory_space<vmem>>
      %dma_wait3A_589 = tpu.memref_slice %arg3[%multiple_of3A_199] : memref<16384xi32, #tpu.memory_space<hbm>> -> memref<32xi32, #tpu.memory_space<hbm>>
      tpu.wait_dma2 semaphore(%run_scoped3A_573 : memref<!tpu.dma_semaphore, #tpu.memory_space<semaphore_mem>>) src(%dma_wait3A_589 : memref<32xi32, #tpu.memory_space<hbm>>) dst(%dma_wait3A_588 : memref<32xi32, #tpu.memory_space<vmem>>)
      tpu.yield
    }) : () -> ()
    %dma_start3A_201 = arith.constant 0 : i32
    %dma_start3A_202 = arith.constant 0 : i32
    %dma_start3A_203 = arith.constant 0 : i32
    %dma_start3A_204 = arith.constant 0 : i32
    %dma_start3A_205 = tpu.memref_slice %arg6[%dma_start3A_202, %dma_start3A_203, %dma_start3A_204] : memref<2x32x1024xf32, #tpu.memory_space<vmem>> -> memref<1x32x1024xf32, #tpu.memory_space<vmem>>
    %dma_start3A_206 = tpu.memref_squeeze %dma_start3A_205 : memref<1x32x1024xf32, #tpu.memory_space<vmem>> -> memref<32x1024xf32, #tpu.memory_space<vmem>>
    %dma_start3A_207 = arith.constant 0 : i32
    %dma_start3A_208 = tpu.memref_slice %arg5[%dma_start3A_201, %dma_start3A_207] : memref<2x32xi32, #tpu.memory_space<vmem>> -> memref<1x32xi32, #tpu.memory_space<vmem>>
    %dma_start3A_209 = tpu.memref_squeeze %dma_start3A_208 : memref<1x32xi32, #tpu.memory_space<vmem>> -> memref<32xi32, #tpu.memory_space<vmem>>
    %dma_start3A_210 = arith.constant 0 : i32
    %dma_start3A_211 = arith.constant 0 : i32
    %dma_start3A_212 = tpu.memref_slice %arg2[%dma_start3A_210, %dma_start3A_211] : memref<24576x1024xf32, #tpu.memory_space<hbm>> -> memref<24576x1024xf32, #tpu.memory_space<hbm>>
    tpu.enqueue_indirect_dma source(%dma_start3A_212 : memref<24576x1024xf32, #tpu.memory_space<hbm>>) target(%dma_start3A_206 : memref<32x1024xf32, #tpu.memory_space<vmem>>) offsets(%dma_start3A_209 : memref<32xi32, #tpu.memory_space<vmem>>) semaphore(%arg7 : memref<!tpu.dma_semaphore, #tpu.memory_space<semaphore_mem>>)
    %dma_wait3A_213 = arith.constant 1 : i32
    %dma_wait3A_214 = arith.constant 1 : i32
    %dma_wait3A_215 = arith.constant 0 : i32
    %dma_wait3A_216 = arith.constant 0 : i32
    %dma_wait3A_217 = tpu.memref_slice %arg6[%dma_wait3A_214, %dma_wait3A_215, %dma_wait3A_216] : memref<2x32x1024xf32, #tpu.memory_space<vmem>> -> memref<1x32x1024xf32, #tpu.memory_space<vmem>>
    %dma_wait3A_218 = tpu.memref_squeeze %dma_wait3A_217 : memref<1x32x1024xf32, #tpu.memory_space<vmem>> -> memref<32x1024xf32, #tpu.memory_space<vmem>>
    %dma_wait3A_219 = arith.constant 0 : i32
    %dma_wait3A_220 = tpu.memref_slice %arg5[%dma_wait3A_213, %dma_wait3A_219] : memref<2x32xi32, #tpu.memory_space<vmem>> -> memref<1x32xi32, #tpu.memory_space<vmem>>
    %dma_wait3A_221 = tpu.memref_squeeze %dma_wait3A_220 : memref<1x32xi32, #tpu.memory_space<vmem>> -> memref<32xi32, #tpu.memory_space<vmem>>
    %dma_wait3A_222 = arith.constant 0 : i32
    %dma_wait3A_223 = arith.constant 0 : i32
    %dma_wait3A_224 = tpu.memref_slice %arg2[%dma_wait3A_222, %dma_wait3A_223] : memref<24576x1024xf32, #tpu.memory_space<hbm>> -> memref<24576x1024xf32, #tpu.memory_space<hbm>>
    tpu.wait_indirect_dma semaphore(%arg8 : memref<!tpu.dma_semaphore, #tpu.memory_space<semaphore_mem>>) src(%dma_wait3A_224 : memref<24576x1024xf32, #tpu.memory_space<hbm>>) dst(%dma_wait3A_218 : memref<32x1024xf32, #tpu.memory_space<vmem>>)
    %mul3A_225 = arith.constant 512 : i32
    %mul3A_226 = arith.muli %add3A, %mul3A_225 : i32
    %add3A_227 = arith.constant 160 : i32
    %add3A_228 = arith.addi %mul3A_226, %add3A_227 : i32
    %multiple_of3A_229 = tpu.assume_multiple %add3A_228, 8 : i32
    %run_scoped3A_230 = arith.constant 1 : i32
    "tpu.region"() ({
      %run_scoped3A_573 = tpu.sem_alloc : memref<!tpu.dma_semaphore, #tpu.memory_space<semaphore_mem>>
      %dma_start3A_574 = arith.constant 0 : i32
      %dma_start3A_575 = arith.constant 0 : i32
      %dma_start3A_576 = tpu.memref_slice %arg6[%run_scoped3A_230, %dma_start3A_574, %dma_start3A_575] : memref<2x32x1024xf32, #tpu.memory_space<vmem>> -> memref<1x32x1024xf32, #tpu.memory_space<vmem>>
      %dma_start3A_577 = tpu.memref_squeeze %dma_start3A_576 : memref<1x32x1024xf32, #tpu.memory_space<vmem>> -> memref<32x1024xf32, #tpu.memory_space<vmem>>
      %dma_start3A_578 = arith.constant 0 : i32
      %dma_start3A_579 = tpu.memref_slice %arg4[%multiple_of3A_229, %dma_start3A_578] : memref<16384x1024xf32, #tpu.memory_space<hbm>> -> memref<32x1024xf32, #tpu.memory_space<hbm>>
      %dma_start3A_580 = arith.constant 0 : i32
      %dma_start3A_581 = tpu.memref_slice %arg4[%multiple_of3A_229, %dma_start3A_580] : memref<16384x1024xf32, #tpu.memory_space<hbm>> -> memref<32x1024xf32, #tpu.memory_space<hbm>>
      %dma_start3A_582 = arith.constant 0 : i32
      %dma_start3A_583 = arith.constant 0 : i32
      %dma_start3A_584 = tpu.memref_slice %arg6[%run_scoped3A_230, %dma_start3A_582, %dma_start3A_583] : memref<2x32x1024xf32, #tpu.memory_space<vmem>> -> memref<1x32x1024xf32, #tpu.memory_space<vmem>>
      %dma_start3A_585 = tpu.memref_squeeze %dma_start3A_584 : memref<1x32x1024xf32, #tpu.memory_space<vmem>> -> memref<32x1024xf32, #tpu.memory_space<vmem>>
      tpu.enqueue_dma source(%dma_start3A_585 : memref<32x1024xf32, #tpu.memory_space<vmem>>) target(%dma_start3A_581 : memref<32x1024xf32, #tpu.memory_space<hbm>>) target_semaphore(%run_scoped3A_573 : memref<!tpu.dma_semaphore, #tpu.memory_space<semaphore_mem>>)
      %dma_wait3A_586 = arith.constant 0 : i32
      %dma_wait3A_587 = arith.constant 0 : i32
      %dma_wait3A_588 = tpu.memref_slice %arg6[%run_scoped3A_230, %dma_wait3A_586, %dma_wait3A_587] : memref<2x32x1024xf32, #tpu.memory_space<vmem>> -> memref<1x32x1024xf32, #tpu.memory_space<vmem>>
      %dma_wait3A_589 = tpu.memref_squeeze %dma_wait3A_588 : memref<1x32x1024xf32, #tpu.memory_space<vmem>> -> memref<32x1024xf32, #tpu.memory_space<vmem>>
      %dma_wait3A_590 = arith.constant 0 : i32
      %dma_wait3A_591 = tpu.memref_slice %arg4[%multiple_of3A_229, %dma_wait3A_590] : memref<16384x1024xf32, #tpu.memory_space<hbm>> -> memref<32x1024xf32, #tpu.memory_space<hbm>>
      %dma_wait3A_592 = arith.constant 0 : i32
      %dma_wait3A_593 = tpu.memref_slice %arg4[%multiple_of3A_229, %dma_wait3A_592] : memref<16384x1024xf32, #tpu.memory_space<hbm>> -> memref<32x1024xf32, #tpu.memory_space<hbm>>
      %dma_wait3A_594 = arith.constant 0 : i32
      %dma_wait3A_595 = arith.constant 0 : i32
      %dma_wait3A_596 = tpu.memref_slice %arg6[%run_scoped3A_230, %dma_wait3A_594, %dma_wait3A_595] : memref<2x32x1024xf32, #tpu.memory_space<vmem>> -> memref<1x32x1024xf32, #tpu.memory_space<vmem>>
      %dma_wait3A_597 = tpu.memref_squeeze %dma_wait3A_596 : memref<1x32x1024xf32, #tpu.memory_space<vmem>> -> memref<32x1024xf32, #tpu.memory_space<vmem>>
      tpu.wait_dma2 semaphore(%run_scoped3A_573 : memref<!tpu.dma_semaphore, #tpu.memory_space<semaphore_mem>>) src(%dma_wait3A_597 : memref<32x1024xf32, #tpu.memory_space<vmem>>) dst(%dma_wait3A_593 : memref<32x1024xf32, #tpu.memory_space<hbm>>)
      tpu.yield
    }) : () -> ()
    %mul3A_231 = arith.constant 512 : i32
    %mul3A_232 = arith.muli %add3A, %mul3A_231 : i32
    %add3A_233 = arith.constant 224 : i32
    %add3A_234 = arith.addi %mul3A_232, %add3A_233 : i32
    %multiple_of3A_235 = tpu.assume_multiple %add3A_234, 8 : i32
    %run_scoped3A_236 = arith.constant 1 : i32
    "tpu.region"() ({
      %run_scoped3A_573 = tpu.sem_alloc : memref<!tpu.dma_semaphore, #tpu.memory_space<semaphore_mem>>
      %dma_start3A_574 = arith.constant 0 : i32
      %dma_start3A_575 = tpu.memref_slice %arg5[%run_scoped3A_236, %dma_start3A_574] : memref<2x32xi32, #tpu.memory_space<vmem>> -> memref<1x32xi32, #tpu.memory_space<vmem>>
      %dma_start3A_576 = tpu.memref_squeeze %dma_start3A_575 : memref<1x32xi32, #tpu.memory_space<vmem>> -> memref<32xi32, #tpu.memory_space<vmem>>
      %dma_start3A_577 = tpu.memref_slice %arg3[%multiple_of3A_235] : memref<16384xi32, #tpu.memory_space<hbm>> -> memref<32xi32, #tpu.memory_space<hbm>>
      %dma_start3A_578 = arith.constant 0 : i32
      %dma_start3A_579 = tpu.memref_slice %arg5[%run_scoped3A_236, %dma_start3A_578] : memref<2x32xi32, #tpu.memory_space<vmem>> -> memref<1x32xi32, #tpu.memory_space<vmem>>
      %dma_start3A_580 = tpu.memref_squeeze %dma_start3A_579 : memref<1x32xi32, #tpu.memory_space<vmem>> -> memref<32xi32, #tpu.memory_space<vmem>>
      %dma_start3A_581 = tpu.memref_slice %arg3[%multiple_of3A_235] : memref<16384xi32, #tpu.memory_space<hbm>> -> memref<32xi32, #tpu.memory_space<hbm>>
      tpu.enqueue_dma source(%dma_start3A_581 : memref<32xi32, #tpu.memory_space<hbm>>) target(%dma_start3A_580 : memref<32xi32, #tpu.memory_space<vmem>>) target_semaphore(%run_scoped3A_573 : memref<!tpu.dma_semaphore, #tpu.memory_space<semaphore_mem>>)
      %dma_wait3A_582 = arith.constant 0 : i32
      %dma_wait3A_583 = tpu.memref_slice %arg5[%run_scoped3A_236, %dma_wait3A_582] : memref<2x32xi32, #tpu.memory_space<vmem>> -> memref<1x32xi32, #tpu.memory_space<vmem>>
      %dma_wait3A_584 = tpu.memref_squeeze %dma_wait3A_583 : memref<1x32xi32, #tpu.memory_space<vmem>> -> memref<32xi32, #tpu.memory_space<vmem>>
      %dma_wait3A_585 = tpu.memref_slice %arg3[%multiple_of3A_235] : memref<16384xi32, #tpu.memory_space<hbm>> -> memref<32xi32, #tpu.memory_space<hbm>>
      %dma_wait3A_586 = arith.constant 0 : i32
      %dma_wait3A_587 = tpu.memref_slice %arg5[%run_scoped3A_236, %dma_wait3A_586] : memref<2x32xi32, #tpu.memory_space<vmem>> -> memref<1x32xi32, #tpu.memory_space<vmem>>
      %dma_wait3A_588 = tpu.memref_squeeze %dma_wait3A_587 : memref<1x32xi32, #tpu.memory_space<vmem>> -> memref<32xi32, #tpu.memory_space<vmem>>
      %dma_wait3A_589 = tpu.memref_slice %arg3[%multiple_of3A_235] : memref<16384xi32, #tpu.memory_space<hbm>> -> memref<32xi32, #tpu.memory_space<hbm>>
      tpu.wait_dma2 semaphore(%run_scoped3A_573 : memref<!tpu.dma_semaphore, #tpu.memory_space<semaphore_mem>>) src(%dma_wait3A_589 : memref<32xi32, #tpu.memory_space<hbm>>) dst(%dma_wait3A_588 : memref<32xi32, #tpu.memory_space<vmem>>)
      tpu.yield
    }) : () -> ()
    %dma_start3A_237 = arith.constant 1 : i32
    %dma_start3A_238 = arith.constant 1 : i32
    %dma_start3A_239 = arith.constant 0 : i32
    %dma_start3A_240 = arith.constant 0 : i32
    %dma_start3A_241 = tpu.memref_slice %arg6[%dma_start3A_238, %dma_start3A_239, %dma_start3A_240] : memref<2x32x1024xf32, #tpu.memory_space<vmem>> -> memref<1x32x1024xf32, #tpu.memory_space<vmem>>
    %dma_start3A_242 = tpu.memref_squeeze %dma_start3A_241 : memref<1x32x1024xf32, #tpu.memory_space<vmem>> -> memref<32x1024xf32, #tpu.memory_space<vmem>>
    %dma_start3A_243 = arith.constant 0 : i32
    %dma_start3A_244 = tpu.memref_slice %arg5[%dma_start3A_237, %dma_start3A_243] : memref<2x32xi32, #tpu.memory_space<vmem>> -> memref<1x32xi32, #tpu.memory_space<vmem>>
    %dma_start3A_245 = tpu.memref_squeeze %dma_start3A_244 : memref<1x32xi32, #tpu.memory_space<vmem>> -> memref<32xi32, #tpu.memory_space<vmem>>
    %dma_start3A_246 = arith.constant 0 : i32
    %dma_start3A_247 = arith.constant 0 : i32
    %dma_start3A_248 = tpu.memref_slice %arg2[%dma_start3A_246, %dma_start3A_247] : memref<24576x1024xf32, #tpu.memory_space<hbm>> -> memref<24576x1024xf32, #tpu.memory_space<hbm>>
    tpu.enqueue_indirect_dma source(%dma_start3A_248 : memref<24576x1024xf32, #tpu.memory_space<hbm>>) target(%dma_start3A_242 : memref<32x1024xf32, #tpu.memory_space<vmem>>) offsets(%dma_start3A_245 : memref<32xi32, #tpu.memory_space<vmem>>) semaphore(%arg8 : memref<!tpu.dma_semaphore, #tpu.memory_space<semaphore_mem>>)
    %dma_wait3A_249 = arith.constant 0 : i32
    %dma_wait3A_250 = arith.constant 0 : i32
    %dma_wait3A_251 = arith.constant 0 : i32
    %dma_wait3A_252 = arith.constant 0 : i32
    %dma_wait3A_253 = tpu.memref_slice %arg6[%dma_wait3A_250, %dma_wait3A_251, %dma_wait3A_252] : memref<2x32x1024xf32, #tpu.memory_space<vmem>> -> memref<1x32x1024xf32, #tpu.memory_space<vmem>>
    %dma_wait3A_254 = tpu.memref_squeeze %dma_wait3A_253 : memref<1x32x1024xf32, #tpu.memory_space<vmem>> -> memref<32x1024xf32, #tpu.memory_space<vmem>>
    %dma_wait3A_255 = arith.constant 0 : i32
    %dma_wait3A_256 = tpu.memref_slice %arg5[%dma_wait3A_249, %dma_wait3A_255] : memref<2x32xi32, #tpu.memory_space<vmem>> -> memref<1x32xi32, #tpu.memory_space<vmem>>
    %dma_wait3A_257 = tpu.memref_squeeze %dma_wait3A_256 : memref<1x32xi32, #tpu.memory_space<vmem>> -> memref<32xi32, #tpu.memory_space<vmem>>
    %dma_wait3A_258 = arith.constant 0 : i32
    %dma_wait3A_259 = arith.constant 0 : i32
    %dma_wait3A_260 = tpu.memref_slice %arg2[%dma_wait3A_258, %dma_wait3A_259] : memref<24576x1024xf32, #tpu.memory_space<hbm>> -> memref<24576x1024xf32, #tpu.memory_space<hbm>>
    tpu.wait_indirect_dma semaphore(%arg7 : memref<!tpu.dma_semaphore, #tpu.memory_space<semaphore_mem>>) src(%dma_wait3A_260 : memref<24576x1024xf32, #tpu.memory_space<hbm>>) dst(%dma_wait3A_254 : memref<32x1024xf32, #tpu.memory_space<vmem>>)
    %mul3A_261 = arith.constant 512 : i32
    %mul3A_262 = arith.muli %add3A, %mul3A_261 : i32
    %add3A_263 = arith.constant 192 : i32
    %add3A_264 = arith.addi %mul3A_262, %add3A_263 : i32
    %multiple_of3A_265 = tpu.assume_multiple %add3A_264, 8 : i32
    %run_scoped3A_266 = arith.constant 0 : i32
    "tpu.region"() ({
      %run_scoped3A_573 = tpu.sem_alloc : memref<!tpu.dma_semaphore, #tpu.memory_space<semaphore_mem>>
      %dma_start3A_574 = arith.constant 0 : i32
      %dma_start3A_575 = arith.constant 0 : i32
      %dma_start3A_576 = tpu.memref_slice %arg6[%run_scoped3A_266, %dma_start3A_574, %dma_start3A_575] : memref<2x32x1024xf32, #tpu.memory_space<vmem>> -> memref<1x32x1024xf32, #tpu.memory_space<vmem>>
      %dma_start3A_577 = tpu.memref_squeeze %dma_start3A_576 : memref<1x32x1024xf32, #tpu.memory_space<vmem>> -> memref<32x1024xf32, #tpu.memory_space<vmem>>
      %dma_start3A_578 = arith.constant 0 : i32
      %dma_start3A_579 = tpu.memref_slice %arg4[%multiple_of3A_265, %dma_start3A_578] : memref<16384x1024xf32, #tpu.memory_space<hbm>> -> memref<32x1024xf32, #tpu.memory_space<hbm>>
      %dma_start3A_580 = arith.constant 0 : i32
      %dma_start3A_581 = tpu.memref_slice %arg4[%multiple_of3A_265, %dma_start3A_580] : memref<16384x1024xf32, #tpu.memory_space<hbm>> -> memref<32x1024xf32, #tpu.memory_space<hbm>>
      %dma_start3A_582 = arith.constant 0 : i32
      %dma_start3A_583 = arith.constant 0 : i32
      %dma_start3A_584 = tpu.memref_slice %arg6[%run_scoped3A_266, %dma_start3A_582, %dma_start3A_583] : memref<2x32x1024xf32, #tpu.memory_space<vmem>> -> memref<1x32x1024xf32, #tpu.memory_space<vmem>>
      %dma_start3A_585 = tpu.memref_squeeze %dma_start3A_584 : memref<1x32x1024xf32, #tpu.memory_space<vmem>> -> memref<32x1024xf32, #tpu.memory_space<vmem>>
      tpu.enqueue_dma source(%dma_start3A_585 : memref<32x1024xf32, #tpu.memory_space<vmem>>) target(%dma_start3A_581 : memref<32x1024xf32, #tpu.memory_space<hbm>>) target_semaphore(%run_scoped3A_573 : memref<!tpu.dma_semaphore, #tpu.memory_space<semaphore_mem>>)
      %dma_wait3A_586 = arith.constant 0 : i32
      %dma_wait3A_587 = arith.constant 0 : i32
      %dma_wait3A_588 = tpu.memref_slice %arg6[%run_scoped3A_266, %dma_wait3A_586, %dma_wait3A_587] : memref<2x32x1024xf32, #tpu.memory_space<vmem>> -> memref<1x32x1024xf32, #tpu.memory_space<vmem>>
      %dma_wait3A_589 = tpu.memref_squeeze %dma_wait3A_588 : memref<1x32x1024xf32, #tpu.memory_space<vmem>> -> memref<32x1024xf32, #tpu.memory_space<vmem>>
      %dma_wait3A_590 = arith.constant 0 : i32
      %dma_wait3A_591 = tpu.memref_slice %arg4[%multiple_of3A_265, %dma_wait3A_590] : memref<16384x1024xf32, #tpu.memory_space<hbm>> -> memref<32x1024xf32, #tpu.memory_space<hbm>>
      %dma_wait3A_592 = arith.constant 0 : i32
      %dma_wait3A_593 = tpu.memref_slice %arg4[%multiple_of3A_265, %dma_wait3A_592] : memref<16384x1024xf32, #tpu.memory_space<hbm>> -> memref<32x1024xf32, #tpu.memory_space<hbm>>
      %dma_wait3A_594 = arith.constant 0 : i32
      %dma_wait3A_595 = arith.constant 0 : i32
      %dma_wait3A_596 = tpu.memref_slice %arg6[%run_scoped3A_266, %dma_wait3A_594, %dma_wait3A_595] : memref<2x32x1024xf32, #tpu.memory_space<vmem>> -> memref<1x32x1024xf32, #tpu.memory_space<vmem>>
      %dma_wait3A_597 = tpu.memref_squeeze %dma_wait3A_596 : memref<1x32x1024xf32, #tpu.memory_space<vmem>> -> memref<32x1024xf32, #tpu.memory_space<vmem>>
      tpu.wait_dma2 semaphore(%run_scoped3A_573 : memref<!tpu.dma_semaphore, #tpu.memory_space<semaphore_mem>>) src(%dma_wait3A_597 : memref<32x1024xf32, #tpu.memory_space<vmem>>) dst(%dma_wait3A_593 : memref<32x1024xf32, #tpu.memory_space<hbm>>)
      tpu.yield
    }) : () -> ()
    %mul3A_267 = arith.constant 512 : i32
    %mul3A_268 = arith.muli %add3A, %mul3A_267 : i32
    %add3A_269 = arith.constant 256 : i32
    %add3A_270 = arith.addi %mul3A_268, %add3A_269 : i32
    %multiple_of3A_271 = tpu.assume_multiple %add3A_270, 8 : i32
    %run_scoped3A_272 = arith.constant 0 : i32
    "tpu.region"() ({
      %run_scoped3A_573 = tpu.sem_alloc : memref<!tpu.dma_semaphore, #tpu.memory_space<semaphore_mem>>
      %dma_start3A_574 = arith.constant 0 : i32
      %dma_start3A_575 = tpu.memref_slice %arg5[%run_scoped3A_272, %dma_start3A_574] : memref<2x32xi32, #tpu.memory_space<vmem>> -> memref<1x32xi32, #tpu.memory_space<vmem>>
      %dma_start3A_576 = tpu.memref_squeeze %dma_start3A_575 : memref<1x32xi32, #tpu.memory_space<vmem>> -> memref<32xi32, #tpu.memory_space<vmem>>
      %dma_start3A_577 = tpu.memref_slice %arg3[%multiple_of3A_271] : memref<16384xi32, #tpu.memory_space<hbm>> -> memref<32xi32, #tpu.memory_space<hbm>>
      %dma_start3A_578 = arith.constant 0 : i32
      %dma_start3A_579 = tpu.memref_slice %arg5[%run_scoped3A_272, %dma_start3A_578] : memref<2x32xi32, #tpu.memory_space<vmem>> -> memref<1x32xi32, #tpu.memory_space<vmem>>
      %dma_start3A_580 = tpu.memref_squeeze %dma_start3A_579 : memref<1x32xi32, #tpu.memory_space<vmem>> -> memref<32xi32, #tpu.memory_space<vmem>>
      %dma_start3A_581 = tpu.memref_slice %arg3[%multiple_of3A_271] : memref<16384xi32, #tpu.memory_space<hbm>> -> memref<32xi32, #tpu.memory_space<hbm>>
      tpu.enqueue_dma source(%dma_start3A_581 : memref<32xi32, #tpu.memory_space<hbm>>) target(%dma_start3A_580 : memref<32xi32, #tpu.memory_space<vmem>>) target_semaphore(%run_scoped3A_573 : memref<!tpu.dma_semaphore, #tpu.memory_space<semaphore_mem>>)
      %dma_wait3A_582 = arith.constant 0 : i32
      %dma_wait3A_583 = tpu.memref_slice %arg5[%run_scoped3A_272, %dma_wait3A_582] : memref<2x32xi32, #tpu.memory_space<vmem>> -> memref<1x32xi32, #tpu.memory_space<vmem>>
      %dma_wait3A_584 = tpu.memref_squeeze %dma_wait3A_583 : memref<1x32xi32, #tpu.memory_space<vmem>> -> memref<32xi32, #tpu.memory_space<vmem>>
      %dma_wait3A_585 = tpu.memref_slice %arg3[%multiple_of3A_271] : memref<16384xi32, #tpu.memory_space<hbm>> -> memref<32xi32, #tpu.memory_space<hbm>>
      %dma_wait3A_586 = arith.constant 0 : i32
      %dma_wait3A_587 = tpu.memref_slice %arg5[%run_scoped3A_272, %dma_wait3A_586] : memref<2x32xi32, #tpu.memory_space<vmem>> -> memref<1x32xi32, #tpu.memory_space<vmem>>
      %dma_wait3A_588 = tpu.memref_squeeze %dma_wait3A_587 : memref<1x32xi32, #tpu.memory_space<vmem>> -> memref<32xi32, #tpu.memory_space<vmem>>
      %dma_wait3A_589 = tpu.memref_slice %arg3[%multiple_of3A_271] : memref<16384xi32, #tpu.memory_space<hbm>> -> memref<32xi32, #tpu.memory_space<hbm>>
      tpu.wait_dma2 semaphore(%run_scoped3A_573 : memref<!tpu.dma_semaphore, #tpu.memory_space<semaphore_mem>>) src(%dma_wait3A_589 : memref<32xi32, #tpu.memory_space<hbm>>) dst(%dma_wait3A_588 : memref<32xi32, #tpu.memory_space<vmem>>)
      tpu.yield
    }) : () -> ()
    %dma_start3A_273 = arith.constant 0 : i32
    %dma_start3A_274 = arith.constant 0 : i32
    %dma_start3A_275 = arith.constant 0 : i32
    %dma_start3A_276 = arith.constant 0 : i32
    %dma_start3A_277 = tpu.memref_slice %arg6[%dma_start3A_274, %dma_start3A_275, %dma_start3A_276] : memref<2x32x1024xf32, #tpu.memory_space<vmem>> -> memref<1x32x1024xf32, #tpu.memory_space<vmem>>
    %dma_start3A_278 = tpu.memref_squeeze %dma_start3A_277 : memref<1x32x1024xf32, #tpu.memory_space<vmem>> -> memref<32x1024xf32, #tpu.memory_space<vmem>>
    %dma_start3A_279 = arith.constant 0 : i32
    %dma_start3A_280 = tpu.memref_slice %arg5[%dma_start3A_273, %dma_start3A_279] : memref<2x32xi32, #tpu.memory_space<vmem>> -> memref<1x32xi32, #tpu.memory_space<vmem>>
    %dma_start3A_281 = tpu.memref_squeeze %dma_start3A_280 : memref<1x32xi32, #tpu.memory_space<vmem>> -> memref<32xi32, #tpu.memory_space<vmem>>
    %dma_start3A_282 = arith.constant 0 : i32
    %dma_start3A_283 = arith.constant 0 : i32
    %dma_start3A_284 = tpu.memref_slice %arg2[%dma_start3A_282, %dma_start3A_283] : memref<24576x1024xf32, #tpu.memory_space<hbm>> -> memref<24576x1024xf32, #tpu.memory_space<hbm>>
    tpu.enqueue_indirect_dma source(%dma_start3A_284 : memref<24576x1024xf32, #tpu.memory_space<hbm>>) target(%dma_start3A_278 : memref<32x1024xf32, #tpu.memory_space<vmem>>) offsets(%dma_start3A_281 : memref<32xi32, #tpu.memory_space<vmem>>) semaphore(%arg7 : memref<!tpu.dma_semaphore, #tpu.memory_space<semaphore_mem>>)
    %dma_wait3A_285 = arith.constant 1 : i32
    %dma_wait3A_286 = arith.constant 1 : i32
    %dma_wait3A_287 = arith.constant 0 : i32
    %dma_wait3A_288 = arith.constant 0 : i32
    %dma_wait3A_289 = tpu.memref_slice %arg6[%dma_wait3A_286, %dma_wait3A_287, %dma_wait3A_288] : memref<2x32x1024xf32, #tpu.memory_space<vmem>> -> memref<1x32x1024xf32, #tpu.memory_space<vmem>>
    %dma_wait3A_290 = tpu.memref_squeeze %dma_wait3A_289 : memref<1x32x1024xf32, #tpu.memory_space<vmem>> -> memref<32x1024xf32, #tpu.memory_space<vmem>>
    %dma_wait3A_291 = arith.constant 0 : i32
    %dma_wait3A_292 = tpu.memref_slice %arg5[%dma_wait3A_285, %dma_wait3A_291] : memref<2x32xi32, #tpu.memory_space<vmem>> -> memref<1x32xi32, #tpu.memory_space<vmem>>
    %dma_wait3A_293 = tpu.memref_squeeze %dma_wait3A_292 : memref<1x32xi32, #tpu.memory_space<vmem>> -> memref<32xi32, #tpu.memory_space<vmem>>
    %dma_wait3A_294 = arith.constant 0 : i32
    %dma_wait3A_295 = arith.constant 0 : i32
    %dma_wait3A_296 = tpu.memref_slice %arg2[%dma_wait3A_294, %dma_wait3A_295] : memref<24576x1024xf32, #tpu.memory_space<hbm>> -> memref<24576x1024xf32, #tpu.memory_space<hbm>>
    tpu.wait_indirect_dma semaphore(%arg8 : memref<!tpu.dma_semaphore, #tpu.memory_space<semaphore_mem>>) src(%dma_wait3A_296 : memref<24576x1024xf32, #tpu.memory_space<hbm>>) dst(%dma_wait3A_290 : memref<32x1024xf32, #tpu.memory_space<vmem>>)
    %mul3A_297 = arith.constant 512 : i32
    %mul3A_298 = arith.muli %add3A, %mul3A_297 : i32
    %add3A_299 = arith.constant 224 : i32
    %add3A_300 = arith.addi %mul3A_298, %add3A_299 : i32
    %multiple_of3A_301 = tpu.assume_multiple %add3A_300, 8 : i32
    %run_scoped3A_302 = arith.constant 1 : i32
    "tpu.region"() ({
      %run_scoped3A_573 = tpu.sem_alloc : memref<!tpu.dma_semaphore, #tpu.memory_space<semaphore_mem>>
      %dma_start3A_574 = arith.constant 0 : i32
      %dma_start3A_575 = arith.constant 0 : i32
      %dma_start3A_576 = tpu.memref_slice %arg6[%run_scoped3A_302, %dma_start3A_574, %dma_start3A_575] : memref<2x32x1024xf32, #tpu.memory_space<vmem>> -> memref<1x32x1024xf32, #tpu.memory_space<vmem>>
      %dma_start3A_577 = tpu.memref_squeeze %dma_start3A_576 : memref<1x32x1024xf32, #tpu.memory_space<vmem>> -> memref<32x1024xf32, #tpu.memory_space<vmem>>
      %dma_start3A_578 = arith.constant 0 : i32
      %dma_start3A_579 = tpu.memref_slice %arg4[%multiple_of3A_301, %dma_start3A_578] : memref<16384x1024xf32, #tpu.memory_space<hbm>> -> memref<32x1024xf32, #tpu.memory_space<hbm>>
      %dma_start3A_580 = arith.constant 0 : i32
      %dma_start3A_581 = tpu.memref_slice %arg4[%multiple_of3A_301, %dma_start3A_580] : memref<16384x1024xf32, #tpu.memory_space<hbm>> -> memref<32x1024xf32, #tpu.memory_space<hbm>>
      %dma_start3A_582 = arith.constant 0 : i32
      %dma_start3A_583 = arith.constant 0 : i32
      %dma_start3A_584 = tpu.memref_slice %arg6[%run_scoped3A_302, %dma_start3A_582, %dma_start3A_583] : memref<2x32x1024xf32, #tpu.memory_space<vmem>> -> memref<1x32x1024xf32, #tpu.memory_space<vmem>>
      %dma_start3A_585 = tpu.memref_squeeze %dma_start3A_584 : memref<1x32x1024xf32, #tpu.memory_space<vmem>> -> memref<32x1024xf32, #tpu.memory_space<vmem>>
      tpu.enqueue_dma source(%dma_start3A_585 : memref<32x1024xf32, #tpu.memory_space<vmem>>) target(%dma_start3A_581 : memref<32x1024xf32, #tpu.memory_space<hbm>>) target_semaphore(%run_scoped3A_573 : memref<!tpu.dma_semaphore, #tpu.memory_space<semaphore_mem>>)
      %dma_wait3A_586 = arith.constant 0 : i32
      %dma_wait3A_587 = arith.constant 0 : i32
      %dma_wait3A_588 = tpu.memref_slice %arg6[%run_scoped3A_302, %dma_wait3A_586, %dma_wait3A_587] : memref<2x32x1024xf32, #tpu.memory_space<vmem>> -> memref<1x32x1024xf32, #tpu.memory_space<vmem>>
      %dma_wait3A_589 = tpu.memref_squeeze %dma_wait3A_588 : memref<1x32x1024xf32, #tpu.memory_space<vmem>> -> memref<32x1024xf32, #tpu.memory_space<vmem>>
      %dma_wait3A_590 = arith.constant 0 : i32
      %dma_wait3A_591 = tpu.memref_slice %arg4[%multiple_of3A_301, %dma_wait3A_590] : memref<16384x1024xf32, #tpu.memory_space<hbm>> -> memref<32x1024xf32, #tpu.memory_space<hbm>>
      %dma_wait3A_592 = arith.constant 0 : i32
      %dma_wait3A_593 = tpu.memref_slice %arg4[%multiple_of3A_301, %dma_wait3A_592] : memref<16384x1024xf32, #tpu.memory_space<hbm>> -> memref<32x1024xf32, #tpu.memory_space<hbm>>
      %dma_wait3A_594 = arith.constant 0 : i32
      %dma_wait3A_595 = arith.constant 0 : i32
      %dma_wait3A_596 = tpu.memref_slice %arg6[%run_scoped3A_302, %dma_wait3A_594, %dma_wait3A_595] : memref<2x32x1024xf32, #tpu.memory_space<vmem>> -> memref<1x32x1024xf32, #tpu.memory_space<vmem>>
      %dma_wait3A_597 = tpu.memref_squeeze %dma_wait3A_596 : memref<1x32x1024xf32, #tpu.memory_space<vmem>> -> memref<32x1024xf32, #tpu.memory_space<vmem>>
      tpu.wait_dma2 semaphore(%run_scoped3A_573 : memref<!tpu.dma_semaphore, #tpu.memory_space<semaphore_mem>>) src(%dma_wait3A_597 : memref<32x1024xf32, #tpu.memory_space<vmem>>) dst(%dma_wait3A_593 : memref<32x1024xf32, #tpu.memory_space<hbm>>)
      tpu.yield
    }) : () -> ()
    %mul3A_303 = arith.constant 512 : i32
    %mul3A_304 = arith.muli %add3A, %mul3A_303 : i32
    %add3A_305 = arith.constant 288 : i32
    %add3A_306 = arith.addi %mul3A_304, %add3A_305 : i32
    %multiple_of3A_307 = tpu.assume_multiple %add3A_306, 8 : i32
    %run_scoped3A_308 = arith.constant 1 : i32
    "tpu.region"() ({
      %run_scoped3A_573 = tpu.sem_alloc : memref<!tpu.dma_semaphore, #tpu.memory_space<semaphore_mem>>
      %dma_start3A_574 = arith.constant 0 : i32
      %dma_start3A_575 = tpu.memref_slice %arg5[%run_scoped3A_308, %dma_start3A_574] : memref<2x32xi32, #tpu.memory_space<vmem>> -> memref<1x32xi32, #tpu.memory_space<vmem>>
      %dma_start3A_576 = tpu.memref_squeeze %dma_start3A_575 : memref<1x32xi32, #tpu.memory_space<vmem>> -> memref<32xi32, #tpu.memory_space<vmem>>
      %dma_start3A_577 = tpu.memref_slice %arg3[%multiple_of3A_307] : memref<16384xi32, #tpu.memory_space<hbm>> -> memref<32xi32, #tpu.memory_space<hbm>>
      %dma_start3A_578 = arith.constant 0 : i32
      %dma_start3A_579 = tpu.memref_slice %arg5[%run_scoped3A_308, %dma_start3A_578] : memref<2x32xi32, #tpu.memory_space<vmem>> -> memref<1x32xi32, #tpu.memory_space<vmem>>
      %dma_start3A_580 = tpu.memref_squeeze %dma_start3A_579 : memref<1x32xi32, #tpu.memory_space<vmem>> -> memref<32xi32, #tpu.memory_space<vmem>>
      %dma_start3A_581 = tpu.memref_slice %arg3[%multiple_of3A_307] : memref<16384xi32, #tpu.memory_space<hbm>> -> memref<32xi32, #tpu.memory_space<hbm>>
      tpu.enqueue_dma source(%dma_start3A_581 : memref<32xi32, #tpu.memory_space<hbm>>) target(%dma_start3A_580 : memref<32xi32, #tpu.memory_space<vmem>>) target_semaphore(%run_scoped3A_573 : memref<!tpu.dma_semaphore, #tpu.memory_space<semaphore_mem>>)
      %dma_wait3A_582 = arith.constant 0 : i32
      %dma_wait3A_583 = tpu.memref_slice %arg5[%run_scoped3A_308, %dma_wait3A_582] : memref<2x32xi32, #tpu.memory_space<vmem>> -> memref<1x32xi32, #tpu.memory_space<vmem>>
      %dma_wait3A_584 = tpu.memref_squeeze %dma_wait3A_583 : memref<1x32xi32, #tpu.memory_space<vmem>> -> memref<32xi32, #tpu.memory_space<vmem>>
      %dma_wait3A_585 = tpu.memref_slice %arg3[%multiple_of3A_307] : memref<16384xi32, #tpu.memory_space<hbm>> -> memref<32xi32, #tpu.memory_space<hbm>>
      %dma_wait3A_586 = arith.constant 0 : i32
      %dma_wait3A_587 = tpu.memref_slice %arg5[%run_scoped3A_308, %dma_wait3A_586] : memref<2x32xi32, #tpu.memory_space<vmem>> -> memref<1x32xi32, #tpu.memory_space<vmem>>
      %dma_wait3A_588 = tpu.memref_squeeze %dma_wait3A_587 : memref<1x32xi32, #tpu.memory_space<vmem>> -> memref<32xi32, #tpu.memory_space<vmem>>
      %dma_wait3A_589 = tpu.memref_slice %arg3[%multiple_of3A_307] : memref<16384xi32, #tpu.memory_space<hbm>> -> memref<32xi32, #tpu.memory_space<hbm>>
      tpu.wait_dma2 semaphore(%run_scoped3A_573 : memref<!tpu.dma_semaphore, #tpu.memory_space<semaphore_mem>>) src(%dma_wait3A_589 : memref<32xi32, #tpu.memory_space<hbm>>) dst(%dma_wait3A_588 : memref<32xi32, #tpu.memory_space<vmem>>)
      tpu.yield
    }) : () -> ()
    %dma_start3A_309 = arith.constant 1 : i32
    %dma_start3A_310 = arith.constant 1 : i32
    %dma_start3A_311 = arith.constant 0 : i32
    %dma_start3A_312 = arith.constant 0 : i32
    %dma_start3A_313 = tpu.memref_slice %arg6[%dma_start3A_310, %dma_start3A_311, %dma_start3A_312] : memref<2x32x1024xf32, #tpu.memory_space<vmem>> -> memref<1x32x1024xf32, #tpu.memory_space<vmem>>
    %dma_start3A_314 = tpu.memref_squeeze %dma_start3A_313 : memref<1x32x1024xf32, #tpu.memory_space<vmem>> -> memref<32x1024xf32, #tpu.memory_space<vmem>>
    %dma_start3A_315 = arith.constant 0 : i32
    %dma_start3A_316 = tpu.memref_slice %arg5[%dma_start3A_309, %dma_start3A_315] : memref<2x32xi32, #tpu.memory_space<vmem>> -> memref<1x32xi32, #tpu.memory_space<vmem>>
    %dma_start3A_317 = tpu.memref_squeeze %dma_start3A_316 : memref<1x32xi32, #tpu.memory_space<vmem>> -> memref<32xi32, #tpu.memory_space<vmem>>
    %dma_start3A_318 = arith.constant 0 : i32
    %dma_start3A_319 = arith.constant 0 : i32
    %dma_start3A_320 = tpu.memref_slice %arg2[%dma_start3A_318, %dma_start3A_319] : memref<24576x1024xf32, #tpu.memory_space<hbm>> -> memref<24576x1024xf32, #tpu.memory_space<hbm>>
    tpu.enqueue_indirect_dma source(%dma_start3A_320 : memref<24576x1024xf32, #tpu.memory_space<hbm>>) target(%dma_start3A_314 : memref<32x1024xf32, #tpu.memory_space<vmem>>) offsets(%dma_start3A_317 : memref<32xi32, #tpu.memory_space<vmem>>) semaphore(%arg8 : memref<!tpu.dma_semaphore, #tpu.memory_space<semaphore_mem>>)
    %dma_wait3A_321 = arith.constant 0 : i32
    %dma_wait3A_322 = arith.constant 0 : i32
    %dma_wait3A_323 = arith.constant 0 : i32
    %dma_wait3A_324 = arith.constant 0 : i32
    %dma_wait3A_325 = tpu.memref_slice %arg6[%dma_wait3A_322, %dma_wait3A_323, %dma_wait3A_324] : memref<2x32x1024xf32, #tpu.memory_space<vmem>> -> memref<1x32x1024xf32, #tpu.memory_space<vmem>>
    %dma_wait3A_326 = tpu.memref_squeeze %dma_wait3A_325 : memref<1x32x1024xf32, #tpu.memory_space<vmem>> -> memref<32x1024xf32, #tpu.memory_space<vmem>>
    %dma_wait3A_327 = arith.constant 0 : i32
    %dma_wait3A_328 = tpu.memref_slice %arg5[%dma_wait3A_321, %dma_wait3A_327] : memref<2x32xi32, #tpu.memory_space<vmem>> -> memref<1x32xi32, #tpu.memory_space<vmem>>
    %dma_wait3A_329 = tpu.memref_squeeze %dma_wait3A_328 : memref<1x32xi32, #tpu.memory_space<vmem>> -> memref<32xi32, #tpu.memory_space<vmem>>
    %dma_wait3A_330 = arith.constant 0 : i32
    %dma_wait3A_331 = arith.constant 0 : i32
    %dma_wait3A_332 = tpu.memref_slice %arg2[%dma_wait3A_330, %dma_wait3A_331] : memref<24576x1024xf32, #tpu.memory_space<hbm>> -> memref<24576x1024xf32, #tpu.memory_space<hbm>>
    tpu.wait_indirect_dma semaphore(%arg7 : memref<!tpu.dma_semaphore, #tpu.memory_space<semaphore_mem>>) src(%dma_wait3A_332 : memref<24576x1024xf32, #tpu.memory_space<hbm>>) dst(%dma_wait3A_326 : memref<32x1024xf32, #tpu.memory_space<vmem>>)
    %mul3A_333 = arith.constant 512 : i32
    %mul3A_334 = arith.muli %add3A, %mul3A_333 : i32
    %add3A_335 = arith.constant 256 : i32
    %add3A_336 = arith.addi %mul3A_334, %add3A_335 : i32
    %multiple_of3A_337 = tpu.assume_multiple %add3A_336, 8 : i32
    %run_scoped3A_338 = arith.constant 0 : i32
    "tpu.region"() ({
      %run_scoped3A_573 = tpu.sem_alloc : memref<!tpu.dma_semaphore, #tpu.memory_space<semaphore_mem>>
      %dma_start3A_574 = arith.constant 0 : i32
      %dma_start3A_575 = arith.constant 0 : i32
      %dma_start3A_576 = tpu.memref_slice %arg6[%run_scoped3A_338, %dma_start3A_574, %dma_start3A_575] : memref<2x32x1024xf32, #tpu.memory_space<vmem>> -> memref<1x32x1024xf32, #tpu.memory_space<vmem>>
      %dma_start3A_577 = tpu.memref_squeeze %dma_start3A_576 : memref<1x32x1024xf32, #tpu.memory_space<vmem>> -> memref<32x1024xf32, #tpu.memory_space<vmem>>
      %dma_start3A_578 = arith.constant 0 : i32
      %dma_start3A_579 = tpu.memref_slice %arg4[%multiple_of3A_337, %dma_start3A_578] : memref<16384x1024xf32, #tpu.memory_space<hbm>> -> memref<32x1024xf32, #tpu.memory_space<hbm>>
      %dma_start3A_580 = arith.constant 0 : i32
      %dma_start3A_581 = tpu.memref_slice %arg4[%multiple_of3A_337, %dma_start3A_580] : memref<16384x1024xf32, #tpu.memory_space<hbm>> -> memref<32x1024xf32, #tpu.memory_space<hbm>>
      %dma_start3A_582 = arith.constant 0 : i32
      %dma_start3A_583 = arith.constant 0 : i32
      %dma_start3A_584 = tpu.memref_slice %arg6[%run_scoped3A_338, %dma_start3A_582, %dma_start3A_583] : memref<2x32x1024xf32, #tpu.memory_space<vmem>> -> memref<1x32x1024xf32, #tpu.memory_space<vmem>>
      %dma_start3A_585 = tpu.memref_squeeze %dma_start3A_584 : memref<1x32x1024xf32, #tpu.memory_space<vmem>> -> memref<32x1024xf32, #tpu.memory_space<vmem>>
      tpu.enqueue_dma source(%dma_start3A_585 : memref<32x1024xf32, #tpu.memory_space<vmem>>) target(%dma_start3A_581 : memref<32x1024xf32, #tpu.memory_space<hbm>>) target_semaphore(%run_scoped3A_573 : memref<!tpu.dma_semaphore, #tpu.memory_space<semaphore_mem>>)
      %dma_wait3A_586 = arith.constant 0 : i32
      %dma_wait3A_587 = arith.constant 0 : i32
      %dma_wait3A_588 = tpu.memref_slice %arg6[%run_scoped3A_338, %dma_wait3A_586, %dma_wait3A_587] : memref<2x32x1024xf32, #tpu.memory_space<vmem>> -> memref<1x32x1024xf32, #tpu.memory_space<vmem>>
      %dma_wait3A_589 = tpu.memref_squeeze %dma_wait3A_588 : memref<1x32x1024xf32, #tpu.memory_space<vmem>> -> memref<32x1024xf32, #tpu.memory_space<vmem>>
      %dma_wait3A_590 = arith.constant 0 : i32
      %dma_wait3A_591 = tpu.memref_slice %arg4[%multiple_of3A_337, %dma_wait3A_590] : memref<16384x1024xf32, #tpu.memory_space<hbm>> -> memref<32x1024xf32, #tpu.memory_space<hbm>>
      %dma_wait3A_592 = arith.constant 0 : i32
      %dma_wait3A_593 = tpu.memref_slice %arg4[%multiple_of3A_337, %dma_wait3A_592] : memref<16384x1024xf32, #tpu.memory_space<hbm>> -> memref<32x1024xf32, #tpu.memory_space<hbm>>
      %dma_wait3A_594 = arith.constant 0 : i32
      %dma_wait3A_595 = arith.constant 0 : i32
      %dma_wait3A_596 = tpu.memref_slice %arg6[%run_scoped3A_338, %dma_wait3A_594, %dma_wait3A_595] : memref<2x32x1024xf32, #tpu.memory_space<vmem>> -> memref<1x32x1024xf32, #tpu.memory_space<vmem>>
      %dma_wait3A_597 = tpu.memref_squeeze %dma_wait3A_596 : memref<1x32x1024xf32, #tpu.memory_space<vmem>> -> memref<32x1024xf32, #tpu.memory_space<vmem>>
      tpu.wait_dma2 semaphore(%run_scoped3A_573 : memref<!tpu.dma_semaphore, #tpu.memory_space<semaphore_mem>>) src(%dma_wait3A_597 : memref<32x1024xf32, #tpu.memory_space<vmem>>) dst(%dma_wait3A_593 : memref<32x1024xf32, #tpu.memory_space<hbm>>)
      tpu.yield
    }) : () -> ()
    %mul3A_339 = arith.constant 512 : i32
    %mul3A_340 = arith.muli %add3A, %mul3A_339 : i32
    %add3A_341 = arith.constant 320 : i32
    %add3A_342 = arith.addi %mul3A_340, %add3A_341 : i32
    %multiple_of3A_343 = tpu.assume_multiple %add3A_342, 8 : i32
    %run_scoped3A_344 = arith.constant 0 : i32
    "tpu.region"() ({
      %run_scoped3A_573 = tpu.sem_alloc : memref<!tpu.dma_semaphore, #tpu.memory_space<semaphore_mem>>
      %dma_start3A_574 = arith.constant 0 : i32
      %dma_start3A_575 = tpu.memref_slice %arg5[%run_scoped3A_344, %dma_start3A_574] : memref<2x32xi32, #tpu.memory_space<vmem>> -> memref<1x32xi32, #tpu.memory_space<vmem>>
      %dma_start3A_576 = tpu.memref_squeeze %dma_start3A_575 : memref<1x32xi32, #tpu.memory_space<vmem>> -> memref<32xi32, #tpu.memory_space<vmem>>
      %dma_start3A_577 = tpu.memref_slice %arg3[%multiple_of3A_343] : memref<16384xi32, #tpu.memory_space<hbm>> -> memref<32xi32, #tpu.memory_space<hbm>>
      %dma_start3A_578 = arith.constant 0 : i32
      %dma_start3A_579 = tpu.memref_slice %arg5[%run_scoped3A_344, %dma_start3A_578] : memref<2x32xi32, #tpu.memory_space<vmem>> -> memref<1x32xi32, #tpu.memory_space<vmem>>
      %dma_start3A_580 = tpu.memref_squeeze %dma_start3A_579 : memref<1x32xi32, #tpu.memory_space<vmem>> -> memref<32xi32, #tpu.memory_space<vmem>>
      %dma_start3A_581 = tpu.memref_slice %arg3[%multiple_of3A_343] : memref<16384xi32, #tpu.memory_space<hbm>> -> memref<32xi32, #tpu.memory_space<hbm>>
      tpu.enqueue_dma source(%dma_start3A_581 : memref<32xi32, #tpu.memory_space<hbm>>) target(%dma_start3A_580 : memref<32xi32, #tpu.memory_space<vmem>>) target_semaphore(%run_scoped3A_573 : memref<!tpu.dma_semaphore, #tpu.memory_space<semaphore_mem>>)
      %dma_wait3A_582 = arith.constant 0 : i32
      %dma_wait3A_583 = tpu.memref_slice %arg5[%run_scoped3A_344, %dma_wait3A_582] : memref<2x32xi32, #tpu.memory_space<vmem>> -> memref<1x32xi32, #tpu.memory_space<vmem>>
      %dma_wait3A_584 = tpu.memref_squeeze %dma_wait3A_583 : memref<1x32xi32, #tpu.memory_space<vmem>> -> memref<32xi32, #tpu.memory_space<vmem>>
      %dma_wait3A_585 = tpu.memref_slice %arg3[%multiple_of3A_343] : memref<16384xi32, #tpu.memory_space<hbm>> -> memref<32xi32, #tpu.memory_space<hbm>>
      %dma_wait3A_586 = arith.constant 0 : i32
      %dma_wait3A_587 = tpu.memref_slice %arg5[%run_scoped3A_344, %dma_wait3A_586] : memref<2x32xi32, #tpu.memory_space<vmem>> -> memref<1x32xi32, #tpu.memory_space<vmem>>
      %dma_wait3A_588 = tpu.memref_squeeze %dma_wait3A_587 : memref<1x32xi32, #tpu.memory_space<vmem>> -> memref<32xi32, #tpu.memory_space<vmem>>
      %dma_wait3A_589 = tpu.memref_slice %arg3[%multiple_of3A_343] : memref<16384xi32, #tpu.memory_space<hbm>> -> memref<32xi32, #tpu.memory_space<hbm>>
      tpu.wait_dma2 semaphore(%run_scoped3A_573 : memref<!tpu.dma_semaphore, #tpu.memory_space<semaphore_mem>>) src(%dma_wait3A_589 : memref<32xi32, #tpu.memory_space<hbm>>) dst(%dma_wait3A_588 : memref<32xi32, #tpu.memory_space<vmem>>)
      tpu.yield
    }) : () -> ()
    %dma_start3A_345 = arith.constant 0 : i32
    %dma_start3A_346 = arith.constant 0 : i32
    %dma_start3A_347 = arith.constant 0 : i32
    %dma_start3A_348 = arith.constant 0 : i32
    %dma_start3A_349 = tpu.memref_slice %arg6[%dma_start3A_346, %dma_start3A_347, %dma_start3A_348] : memref<2x32x1024xf32, #tpu.memory_space<vmem>> -> memref<1x32x1024xf32, #tpu.memory_space<vmem>>
    %dma_start3A_350 = tpu.memref_squeeze %dma_start3A_349 : memref<1x32x1024xf32, #tpu.memory_space<vmem>> -> memref<32x1024xf32, #tpu.memory_space<vmem>>
    %dma_start3A_351 = arith.constant 0 : i32
    %dma_start3A_352 = tpu.memref_slice %arg5[%dma_start3A_345, %dma_start3A_351] : memref<2x32xi32, #tpu.memory_space<vmem>> -> memref<1x32xi32, #tpu.memory_space<vmem>>
    %dma_start3A_353 = tpu.memref_squeeze %dma_start3A_352 : memref<1x32xi32, #tpu.memory_space<vmem>> -> memref<32xi32, #tpu.memory_space<vmem>>
    %dma_start3A_354 = arith.constant 0 : i32
    %dma_start3A_355 = arith.constant 0 : i32
    %dma_start3A_356 = tpu.memref_slice %arg2[%dma_start3A_354, %dma_start3A_355] : memref<24576x1024xf32, #tpu.memory_space<hbm>> -> memref<24576x1024xf32, #tpu.memory_space<hbm>>
    tpu.enqueue_indirect_dma source(%dma_start3A_356 : memref<24576x1024xf32, #tpu.memory_space<hbm>>) target(%dma_start3A_350 : memref<32x1024xf32, #tpu.memory_space<vmem>>) offsets(%dma_start3A_353 : memref<32xi32, #tpu.memory_space<vmem>>) semaphore(%arg7 : memref<!tpu.dma_semaphore, #tpu.memory_space<semaphore_mem>>)
    %dma_wait3A_357 = arith.constant 1 : i32
    %dma_wait3A_358 = arith.constant 1 : i32
    %dma_wait3A_359 = arith.constant 0 : i32
    %dma_wait3A_360 = arith.constant 0 : i32
    %dma_wait3A_361 = tpu.memref_slice %arg6[%dma_wait3A_358, %dma_wait3A_359, %dma_wait3A_360] : memref<2x32x1024xf32, #tpu.memory_space<vmem>> -> memref<1x32x1024xf32, #tpu.memory_space<vmem>>
    %dma_wait3A_362 = tpu.memref_squeeze %dma_wait3A_361 : memref<1x32x1024xf32, #tpu.memory_space<vmem>> -> memref<32x1024xf32, #tpu.memory_space<vmem>>
    %dma_wait3A_363 = arith.constant 0 : i32
    %dma_wait3A_364 = tpu.memref_slice %arg5[%dma_wait3A_357, %dma_wait3A_363] : memref<2x32xi32, #tpu.memory_space<vmem>> -> memref<1x32xi32, #tpu.memory_space<vmem>>
    %dma_wait3A_365 = tpu.memref_squeeze %dma_wait3A_364 : memref<1x32xi32, #tpu.memory_space<vmem>> -> memref<32xi32, #tpu.memory_space<vmem>>
    %dma_wait3A_366 = arith.constant 0 : i32
    %dma_wait3A_367 = arith.constant 0 : i32
    %dma_wait3A_368 = tpu.memref_slice %arg2[%dma_wait3A_366, %dma_wait3A_367] : memref<24576x1024xf32, #tpu.memory_space<hbm>> -> memref<24576x1024xf32, #tpu.memory_space<hbm>>
    tpu.wait_indirect_dma semaphore(%arg8 : memref<!tpu.dma_semaphore, #tpu.memory_space<semaphore_mem>>) src(%dma_wait3A_368 : memref<24576x1024xf32, #tpu.memory_space<hbm>>) dst(%dma_wait3A_362 : memref<32x1024xf32, #tpu.memory_space<vmem>>)
    %mul3A_369 = arith.constant 512 : i32
    %mul3A_370 = arith.muli %add3A, %mul3A_369 : i32
    %add3A_371 = arith.constant 288 : i32
    %add3A_372 = arith.addi %mul3A_370, %add3A_371 : i32
    %multiple_of3A_373 = tpu.assume_multiple %add3A_372, 8 : i32
    %run_scoped3A_374 = arith.constant 1 : i32
    "tpu.region"() ({
      %run_scoped3A_573 = tpu.sem_alloc : memref<!tpu.dma_semaphore, #tpu.memory_space<semaphore_mem>>
      %dma_start3A_574 = arith.constant 0 : i32
      %dma_start3A_575 = arith.constant 0 : i32
      %dma_start3A_576 = tpu.memref_slice %arg6[%run_scoped3A_374, %dma_start3A_574, %dma_start3A_575] : memref<2x32x1024xf32, #tpu.memory_space<vmem>> -> memref<1x32x1024xf32, #tpu.memory_space<vmem>>
      %dma_start3A_577 = tpu.memref_squeeze %dma_start3A_576 : memref<1x32x1024xf32, #tpu.memory_space<vmem>> -> memref<32x1024xf32, #tpu.memory_space<vmem>>
      %dma_start3A_578 = arith.constant 0 : i32
      %dma_start3A_579 = tpu.memref_slice %arg4[%multiple_of3A_373, %dma_start3A_578] : memref<16384x1024xf32, #tpu.memory_space<hbm>> -> memref<32x1024xf32, #tpu.memory_space<hbm>>
      %dma_start3A_580 = arith.constant 0 : i32
      %dma_start3A_581 = tpu.memref_slice %arg4[%multiple_of3A_373, %dma_start3A_580] : memref<16384x1024xf32, #tpu.memory_space<hbm>> -> memref<32x1024xf32, #tpu.memory_space<hbm>>
      %dma_start3A_582 = arith.constant 0 : i32
      %dma_start3A_583 = arith.constant 0 : i32
      %dma_start3A_584 = tpu.memref_slice %arg6[%run_scoped3A_374, %dma_start3A_582, %dma_start3A_583] : memref<2x32x1024xf32, #tpu.memory_space<vmem>> -> memref<1x32x1024xf32, #tpu.memory_space<vmem>>
      %dma_start3A_585 = tpu.memref_squeeze %dma_start3A_584 : memref<1x32x1024xf32, #tpu.memory_space<vmem>> -> memref<32x1024xf32, #tpu.memory_space<vmem>>
      tpu.enqueue_dma source(%dma_start3A_585 : memref<32x1024xf32, #tpu.memory_space<vmem>>) target(%dma_start3A_581 : memref<32x1024xf32, #tpu.memory_space<hbm>>) target_semaphore(%run_scoped3A_573 : memref<!tpu.dma_semaphore, #tpu.memory_space<semaphore_mem>>)
      %dma_wait3A_586 = arith.constant 0 : i32
      %dma_wait3A_587 = arith.constant 0 : i32
      %dma_wait3A_588 = tpu.memref_slice %arg6[%run_scoped3A_374, %dma_wait3A_586, %dma_wait3A_587] : memref<2x32x1024xf32, #tpu.memory_space<vmem>> -> memref<1x32x1024xf32, #tpu.memory_space<vmem>>
      %dma_wait3A_589 = tpu.memref_squeeze %dma_wait3A_588 : memref<1x32x1024xf32, #tpu.memory_space<vmem>> -> memref<32x1024xf32, #tpu.memory_space<vmem>>
      %dma_wait3A_590 = arith.constant 0 : i32
      %dma_wait3A_591 = tpu.memref_slice %arg4[%multiple_of3A_373, %dma_wait3A_590] : memref<16384x1024xf32, #tpu.memory_space<hbm>> -> memref<32x1024xf32, #tpu.memory_space<hbm>>
      %dma_wait3A_592 = arith.constant 0 : i32
      %dma_wait3A_593 = tpu.memref_slice %arg4[%multiple_of3A_373, %dma_wait3A_592] : memref<16384x1024xf32, #tpu.memory_space<hbm>> -> memref<32x1024xf32, #tpu.memory_space<hbm>>
      %dma_wait3A_594 = arith.constant 0 : i32
      %dma_wait3A_595 = arith.constant 0 : i32
      %dma_wait3A_596 = tpu.memref_slice %arg6[%run_scoped3A_374, %dma_wait3A_594, %dma_wait3A_595] : memref<2x32x1024xf32, #tpu.memory_space<vmem>> -> memref<1x32x1024xf32, #tpu.memory_space<vmem>>
      %dma_wait3A_597 = tpu.memref_squeeze %dma_wait3A_596 : memref<1x32x1024xf32, #tpu.memory_space<vmem>> -> memref<32x1024xf32, #tpu.memory_space<vmem>>
      tpu.wait_dma2 semaphore(%run_scoped3A_573 : memref<!tpu.dma_semaphore, #tpu.memory_space<semaphore_mem>>) src(%dma_wait3A_597 : memref<32x1024xf32, #tpu.memory_space<vmem>>) dst(%dma_wait3A_593 : memref<32x1024xf32, #tpu.memory_space<hbm>>)
      tpu.yield
    }) : () -> ()
    %mul3A_375 = arith.constant 512 : i32
    %mul3A_376 = arith.muli %add3A, %mul3A_375 : i32
    %add3A_377 = arith.constant 352 : i32
    %add3A_378 = arith.addi %mul3A_376, %add3A_377 : i32
    %multiple_of3A_379 = tpu.assume_multiple %add3A_378, 8 : i32
    %run_scoped3A_380 = arith.constant 1 : i32
    "tpu.region"() ({
      %run_scoped3A_573 = tpu.sem_alloc : memref<!tpu.dma_semaphore, #tpu.memory_space<semaphore_mem>>
      %dma_start3A_574 = arith.constant 0 : i32
      %dma_start3A_575 = tpu.memref_slice %arg5[%run_scoped3A_380, %dma_start3A_574] : memref<2x32xi32, #tpu.memory_space<vmem>> -> memref<1x32xi32, #tpu.memory_space<vmem>>
      %dma_start3A_576 = tpu.memref_squeeze %dma_start3A_575 : memref<1x32xi32, #tpu.memory_space<vmem>> -> memref<32xi32, #tpu.memory_space<vmem>>
      %dma_start3A_577 = tpu.memref_slice %arg3[%multiple_of3A_379] : memref<16384xi32, #tpu.memory_space<hbm>> -> memref<32xi32, #tpu.memory_space<hbm>>
      %dma_start3A_578 = arith.constant 0 : i32
      %dma_start3A_579 = tpu.memref_slice %arg5[%run_scoped3A_380, %dma_start3A_578] : memref<2x32xi32, #tpu.memory_space<vmem>> -> memref<1x32xi32, #tpu.memory_space<vmem>>
      %dma_start3A_580 = tpu.memref_squeeze %dma_start3A_579 : memref<1x32xi32, #tpu.memory_space<vmem>> -> memref<32xi32, #tpu.memory_space<vmem>>
      %dma_start3A_581 = tpu.memref_slice %arg3[%multiple_of3A_379] : memref<16384xi32, #tpu.memory_space<hbm>> -> memref<32xi32, #tpu.memory_space<hbm>>
      tpu.enqueue_dma source(%dma_start3A_581 : memref<32xi32, #tpu.memory_space<hbm>>) target(%dma_start3A_580 : memref<32xi32, #tpu.memory_space<vmem>>) target_semaphore(%run_scoped3A_573 : memref<!tpu.dma_semaphore, #tpu.memory_space<semaphore_mem>>)
      %dma_wait3A_582 = arith.constant 0 : i32
      %dma_wait3A_583 = tpu.memref_slice %arg5[%run_scoped3A_380, %dma_wait3A_582] : memref<2x32xi32, #tpu.memory_space<vmem>> -> memref<1x32xi32, #tpu.memory_space<vmem>>
      %dma_wait3A_584 = tpu.memref_squeeze %dma_wait3A_583 : memref<1x32xi32, #tpu.memory_space<vmem>> -> memref<32xi32, #tpu.memory_space<vmem>>
      %dma_wait3A_585 = tpu.memref_slice %arg3[%multiple_of3A_379] : memref<16384xi32, #tpu.memory_space<hbm>> -> memref<32xi32, #tpu.memory_space<hbm>>
      %dma_wait3A_586 = arith.constant 0 : i32
      %dma_wait3A_587 = tpu.memref_slice %arg5[%run_scoped3A_380, %dma_wait3A_586] : memref<2x32xi32, #tpu.memory_space<vmem>> -> memref<1x32xi32, #tpu.memory_space<vmem>>
      %dma_wait3A_588 = tpu.memref_squeeze %dma_wait3A_587 : memref<1x32xi32, #tpu.memory_space<vmem>> -> memref<32xi32, #tpu.memory_space<vmem>>
      %dma_wait3A_589 = tpu.memref_slice %arg3[%multiple_of3A_379] : memref<16384xi32, #tpu.memory_space<hbm>> -> memref<32xi32, #tpu.memory_space<hbm>>
      tpu.wait_dma2 semaphore(%run_scoped3A_573 : memref<!tpu.dma_semaphore, #tpu.memory_space<semaphore_mem>>) src(%dma_wait3A_589 : memref<32xi32, #tpu.memory_space<hbm>>) dst(%dma_wait3A_588 : memref<32xi32, #tpu.memory_space<vmem>>)
      tpu.yield
    }) : () -> ()
    %dma_start3A_381 = arith.constant 1 : i32
    %dma_start3A_382 = arith.constant 1 : i32
    %dma_start3A_383 = arith.constant 0 : i32
    %dma_start3A_384 = arith.constant 0 : i32
    %dma_start3A_385 = tpu.memref_slice %arg6[%dma_start3A_382, %dma_start3A_383, %dma_start3A_384] : memref<2x32x1024xf32, #tpu.memory_space<vmem>> -> memref<1x32x1024xf32, #tpu.memory_space<vmem>>
    %dma_start3A_386 = tpu.memref_squeeze %dma_start3A_385 : memref<1x32x1024xf32, #tpu.memory_space<vmem>> -> memref<32x1024xf32, #tpu.memory_space<vmem>>
    %dma_start3A_387 = arith.constant 0 : i32
    %dma_start3A_388 = tpu.memref_slice %arg5[%dma_start3A_381, %dma_start3A_387] : memref<2x32xi32, #tpu.memory_space<vmem>> -> memref<1x32xi32, #tpu.memory_space<vmem>>
    %dma_start3A_389 = tpu.memref_squeeze %dma_start3A_388 : memref<1x32xi32, #tpu.memory_space<vmem>> -> memref<32xi32, #tpu.memory_space<vmem>>
    %dma_start3A_390 = arith.constant 0 : i32
    %dma_start3A_391 = arith.constant 0 : i32
    %dma_start3A_392 = tpu.memref_slice %arg2[%dma_start3A_390, %dma_start3A_391] : memref<24576x1024xf32, #tpu.memory_space<hbm>> -> memref<24576x1024xf32, #tpu.memory_space<hbm>>
    tpu.enqueue_indirect_dma source(%dma_start3A_392 : memref<24576x1024xf32, #tpu.memory_space<hbm>>) target(%dma_start3A_386 : memref<32x1024xf32, #tpu.memory_space<vmem>>) offsets(%dma_start3A_389 : memref<32xi32, #tpu.memory_space<vmem>>) semaphore(%arg8 : memref<!tpu.dma_semaphore, #tpu.memory_space<semaphore_mem>>)
    %dma_wait3A_393 = arith.constant 0 : i32
    %dma_wait3A_394 = arith.constant 0 : i32
    %dma_wait3A_395 = arith.constant 0 : i32
    %dma_wait3A_396 = arith.constant 0 : i32
    %dma_wait3A_397 = tpu.memref_slice %arg6[%dma_wait3A_394, %dma_wait3A_395, %dma_wait3A_396] : memref<2x32x1024xf32, #tpu.memory_space<vmem>> -> memref<1x32x1024xf32, #tpu.memory_space<vmem>>
    %dma_wait3A_398 = tpu.memref_squeeze %dma_wait3A_397 : memref<1x32x1024xf32, #tpu.memory_space<vmem>> -> memref<32x1024xf32, #tpu.memory_space<vmem>>
    %dma_wait3A_399 = arith.constant 0 : i32
    %dma_wait3A_400 = tpu.memref_slice %arg5[%dma_wait3A_393, %dma_wait3A_399] : memref<2x32xi32, #tpu.memory_space<vmem>> -> memref<1x32xi32, #tpu.memory_space<vmem>>
    %dma_wait3A_401 = tpu.memref_squeeze %dma_wait3A_400 : memref<1x32xi32, #tpu.memory_space<vmem>> -> memref<32xi32, #tpu.memory_space<vmem>>
    %dma_wait3A_402 = arith.constant 0 : i32
    %dma_wait3A_403 = arith.constant 0 : i32
    %dma_wait3A_404 = tpu.memref_slice %arg2[%dma_wait3A_402, %dma_wait3A_403] : memref<24576x1024xf32, #tpu.memory_space<hbm>> -> memref<24576x1024xf32, #tpu.memory_space<hbm>>
    tpu.wait_indirect_dma semaphore(%arg7 : memref<!tpu.dma_semaphore, #tpu.memory_space<semaphore_mem>>) src(%dma_wait3A_404 : memref<24576x1024xf32, #tpu.memory_space<hbm>>) dst(%dma_wait3A_398 : memref<32x1024xf32, #tpu.memory_space<vmem>>)
    %mul3A_405 = arith.constant 512 : i32
    %mul3A_406 = arith.muli %add3A, %mul3A_405 : i32
    %add3A_407 = arith.constant 320 : i32
    %add3A_408 = arith.addi %mul3A_406, %add3A_407 : i32
    %multiple_of3A_409 = tpu.assume_multiple %add3A_408, 8 : i32
    %run_scoped3A_410 = arith.constant 0 : i32
    "tpu.region"() ({
      %run_scoped3A_573 = tpu.sem_alloc : memref<!tpu.dma_semaphore, #tpu.memory_space<semaphore_mem>>
      %dma_start3A_574 = arith.constant 0 : i32
      %dma_start3A_575 = arith.constant 0 : i32
      %dma_start3A_576 = tpu.memref_slice %arg6[%run_scoped3A_410, %dma_start3A_574, %dma_start3A_575] : memref<2x32x1024xf32, #tpu.memory_space<vmem>> -> memref<1x32x1024xf32, #tpu.memory_space<vmem>>
      %dma_start3A_577 = tpu.memref_squeeze %dma_start3A_576 : memref<1x32x1024xf32, #tpu.memory_space<vmem>> -> memref<32x1024xf32, #tpu.memory_space<vmem>>
      %dma_start3A_578 = arith.constant 0 : i32
      %dma_start3A_579 = tpu.memref_slice %arg4[%multiple_of3A_409, %dma_start3A_578] : memref<16384x1024xf32, #tpu.memory_space<hbm>> -> memref<32x1024xf32, #tpu.memory_space<hbm>>
      %dma_start3A_580 = arith.constant 0 : i32
      %dma_start3A_581 = tpu.memref_slice %arg4[%multiple_of3A_409, %dma_start3A_580] : memref<16384x1024xf32, #tpu.memory_space<hbm>> -> memref<32x1024xf32, #tpu.memory_space<hbm>>
      %dma_start3A_582 = arith.constant 0 : i32
      %dma_start3A_583 = arith.constant 0 : i32
      %dma_start3A_584 = tpu.memref_slice %arg6[%run_scoped3A_410, %dma_start3A_582, %dma_start3A_583] : memref<2x32x1024xf32, #tpu.memory_space<vmem>> -> memref<1x32x1024xf32, #tpu.memory_space<vmem>>
      %dma_start3A_585 = tpu.memref_squeeze %dma_start3A_584 : memref<1x32x1024xf32, #tpu.memory_space<vmem>> -> memref<32x1024xf32, #tpu.memory_space<vmem>>
      tpu.enqueue_dma source(%dma_start3A_585 : memref<32x1024xf32, #tpu.memory_space<vmem>>) target(%dma_start3A_581 : memref<32x1024xf32, #tpu.memory_space<hbm>>) target_semaphore(%run_scoped3A_573 : memref<!tpu.dma_semaphore, #tpu.memory_space<semaphore_mem>>)
      %dma_wait3A_586 = arith.constant 0 : i32
      %dma_wait3A_587 = arith.constant 0 : i32
      %dma_wait3A_588 = tpu.memref_slice %arg6[%run_scoped3A_410, %dma_wait3A_586, %dma_wait3A_587] : memref<2x32x1024xf32, #tpu.memory_space<vmem>> -> memref<1x32x1024xf32, #tpu.memory_space<vmem>>
      %dma_wait3A_589 = tpu.memref_squeeze %dma_wait3A_588 : memref<1x32x1024xf32, #tpu.memory_space<vmem>> -> memref<32x1024xf32, #tpu.memory_space<vmem>>
      %dma_wait3A_590 = arith.constant 0 : i32
      %dma_wait3A_591 = tpu.memref_slice %arg4[%multiple_of3A_409, %dma_wait3A_590] : memref<16384x1024xf32, #tpu.memory_space<hbm>> -> memref<32x1024xf32, #tpu.memory_space<hbm>>
      %dma_wait3A_592 = arith.constant 0 : i32
      %dma_wait3A_593 = tpu.memref_slice %arg4[%multiple_of3A_409, %dma_wait3A_592] : memref<16384x1024xf32, #tpu.memory_space<hbm>> -> memref<32x1024xf32, #tpu.memory_space<hbm>>
      %dma_wait3A_594 = arith.constant 0 : i32
      %dma_wait3A_595 = arith.constant 0 : i32
      %dma_wait3A_596 = tpu.memref_slice %arg6[%run_scoped3A_410, %dma_wait3A_594, %dma_wait3A_595] : memref<2x32x1024xf32, #tpu.memory_space<vmem>> -> memref<1x32x1024xf32, #tpu.memory_space<vmem>>
      %dma_wait3A_597 = tpu.memref_squeeze %dma_wait3A_596 : memref<1x32x1024xf32, #tpu.memory_space<vmem>> -> memref<32x1024xf32, #tpu.memory_space<vmem>>
      tpu.wait_dma2 semaphore(%run_scoped3A_573 : memref<!tpu.dma_semaphore, #tpu.memory_space<semaphore_mem>>) src(%dma_wait3A_597 : memref<32x1024xf32, #tpu.memory_space<vmem>>) dst(%dma_wait3A_593 : memref<32x1024xf32, #tpu.memory_space<hbm>>)
      tpu.yield
    }) : () -> ()
    %mul3A_411 = arith.constant 512 : i32
    %mul3A_412 = arith.muli %add3A, %mul3A_411 : i32
    %add3A_413 = arith.constant 384 : i32
    %add3A_414 = arith.addi %mul3A_412, %add3A_413 : i32
    %multiple_of3A_415 = tpu.assume_multiple %add3A_414, 8 : i32
    %run_scoped3A_416 = arith.constant 0 : i32
    "tpu.region"() ({
      %run_scoped3A_573 = tpu.sem_alloc : memref<!tpu.dma_semaphore, #tpu.memory_space<semaphore_mem>>
      %dma_start3A_574 = arith.constant 0 : i32
      %dma_start3A_575 = tpu.memref_slice %arg5[%run_scoped3A_416, %dma_start3A_574] : memref<2x32xi32, #tpu.memory_space<vmem>> -> memref<1x32xi32, #tpu.memory_space<vmem>>
      %dma_start3A_576 = tpu.memref_squeeze %dma_start3A_575 : memref<1x32xi32, #tpu.memory_space<vmem>> -> memref<32xi32, #tpu.memory_space<vmem>>
      %dma_start3A_577 = tpu.memref_slice %arg3[%multiple_of3A_415] : memref<16384xi32, #tpu.memory_space<hbm>> -> memref<32xi32, #tpu.memory_space<hbm>>
      %dma_start3A_578 = arith.constant 0 : i32
      %dma_start3A_579 = tpu.memref_slice %arg5[%run_scoped3A_416, %dma_start3A_578] : memref<2x32xi32, #tpu.memory_space<vmem>> -> memref<1x32xi32, #tpu.memory_space<vmem>>
      %dma_start3A_580 = tpu.memref_squeeze %dma_start3A_579 : memref<1x32xi32, #tpu.memory_space<vmem>> -> memref<32xi32, #tpu.memory_space<vmem>>
      %dma_start3A_581 = tpu.memref_slice %arg3[%multiple_of3A_415] : memref<16384xi32, #tpu.memory_space<hbm>> -> memref<32xi32, #tpu.memory_space<hbm>>
      tpu.enqueue_dma source(%dma_start3A_581 : memref<32xi32, #tpu.memory_space<hbm>>) target(%dma_start3A_580 : memref<32xi32, #tpu.memory_space<vmem>>) target_semaphore(%run_scoped3A_573 : memref<!tpu.dma_semaphore, #tpu.memory_space<semaphore_mem>>)
      %dma_wait3A_582 = arith.constant 0 : i32
      %dma_wait3A_583 = tpu.memref_slice %arg5[%run_scoped3A_416, %dma_wait3A_582] : memref<2x32xi32, #tpu.memory_space<vmem>> -> memref<1x32xi32, #tpu.memory_space<vmem>>
      %dma_wait3A_584 = tpu.memref_squeeze %dma_wait3A_583 : memref<1x32xi32, #tpu.memory_space<vmem>> -> memref<32xi32, #tpu.memory_space<vmem>>
      %dma_wait3A_585 = tpu.memref_slice %arg3[%multiple_of3A_415] : memref<16384xi32, #tpu.memory_space<hbm>> -> memref<32xi32, #tpu.memory_space<hbm>>
      %dma_wait3A_586 = arith.constant 0 : i32
      %dma_wait3A_587 = tpu.memref_slice %arg5[%run_scoped3A_416, %dma_wait3A_586] : memref<2x32xi32, #tpu.memory_space<vmem>> -> memref<1x32xi32, #tpu.memory_space<vmem>>
      %dma_wait3A_588 = tpu.memref_squeeze %dma_wait3A_587 : memref<1x32xi32, #tpu.memory_space<vmem>> -> memref<32xi32, #tpu.memory_space<vmem>>
      %dma_wait3A_589 = tpu.memref_slice %arg3[%multiple_of3A_415] : memref<16384xi32, #tpu.memory_space<hbm>> -> memref<32xi32, #tpu.memory_space<hbm>>
      tpu.wait_dma2 semaphore(%run_scoped3A_573 : memref<!tpu.dma_semaphore, #tpu.memory_space<semaphore_mem>>) src(%dma_wait3A_589 : memref<32xi32, #tpu.memory_space<hbm>>) dst(%dma_wait3A_588 : memref<32xi32, #tpu.memory_space<vmem>>)
      tpu.yield
    }) : () -> ()
    %dma_start3A_417 = arith.constant 0 : i32
    %dma_start3A_418 = arith.constant 0 : i32
    %dma_start3A_419 = arith.constant 0 : i32
    %dma_start3A_420 = arith.constant 0 : i32
    %dma_start3A_421 = tpu.memref_slice %arg6[%dma_start3A_418, %dma_start3A_419, %dma_start3A_420] : memref<2x32x1024xf32, #tpu.memory_space<vmem>> -> memref<1x32x1024xf32, #tpu.memory_space<vmem>>
    %dma_start3A_422 = tpu.memref_squeeze %dma_start3A_421 : memref<1x32x1024xf32, #tpu.memory_space<vmem>> -> memref<32x1024xf32, #tpu.memory_space<vmem>>
    %dma_start3A_423 = arith.constant 0 : i32
    %dma_start3A_424 = tpu.memref_slice %arg5[%dma_start3A_417, %dma_start3A_423] : memref<2x32xi32, #tpu.memory_space<vmem>> -> memref<1x32xi32, #tpu.memory_space<vmem>>
    %dma_start3A_425 = tpu.memref_squeeze %dma_start3A_424 : memref<1x32xi32, #tpu.memory_space<vmem>> -> memref<32xi32, #tpu.memory_space<vmem>>
    %dma_start3A_426 = arith.constant 0 : i32
    %dma_start3A_427 = arith.constant 0 : i32
    %dma_start3A_428 = tpu.memref_slice %arg2[%dma_start3A_426, %dma_start3A_427] : memref<24576x1024xf32, #tpu.memory_space<hbm>> -> memref<24576x1024xf32, #tpu.memory_space<hbm>>
    tpu.enqueue_indirect_dma source(%dma_start3A_428 : memref<24576x1024xf32, #tpu.memory_space<hbm>>) target(%dma_start3A_422 : memref<32x1024xf32, #tpu.memory_space<vmem>>) offsets(%dma_start3A_425 : memref<32xi32, #tpu.memory_space<vmem>>) semaphore(%arg7 : memref<!tpu.dma_semaphore, #tpu.memory_space<semaphore_mem>>)
    %dma_wait3A_429 = arith.constant 1 : i32
    %dma_wait3A_430 = arith.constant 1 : i32
    %dma_wait3A_431 = arith.constant 0 : i32
    %dma_wait3A_432 = arith.constant 0 : i32
    %dma_wait3A_433 = tpu.memref_slice %arg6[%dma_wait3A_430, %dma_wait3A_431, %dma_wait3A_432] : memref<2x32x1024xf32, #tpu.memory_space<vmem>> -> memref<1x32x1024xf32, #tpu.memory_space<vmem>>
    %dma_wait3A_434 = tpu.memref_squeeze %dma_wait3A_433 : memref<1x32x1024xf32, #tpu.memory_space<vmem>> -> memref<32x1024xf32, #tpu.memory_space<vmem>>
    %dma_wait3A_435 = arith.constant 0 : i32
    %dma_wait3A_436 = tpu.memref_slice %arg5[%dma_wait3A_429, %dma_wait3A_435] : memref<2x32xi32, #tpu.memory_space<vmem>> -> memref<1x32xi32, #tpu.memory_space<vmem>>
    %dma_wait3A_437 = tpu.memref_squeeze %dma_wait3A_436 : memref<1x32xi32, #tpu.memory_space<vmem>> -> memref<32xi32, #tpu.memory_space<vmem>>
    %dma_wait3A_438 = arith.constant 0 : i32
    %dma_wait3A_439 = arith.constant 0 : i32
    %dma_wait3A_440 = tpu.memref_slice %arg2[%dma_wait3A_438, %dma_wait3A_439] : memref<24576x1024xf32, #tpu.memory_space<hbm>> -> memref<24576x1024xf32, #tpu.memory_space<hbm>>
    tpu.wait_indirect_dma semaphore(%arg8 : memref<!tpu.dma_semaphore, #tpu.memory_space<semaphore_mem>>) src(%dma_wait3A_440 : memref<24576x1024xf32, #tpu.memory_space<hbm>>) dst(%dma_wait3A_434 : memref<32x1024xf32, #tpu.memory_space<vmem>>)
    %mul3A_441 = arith.constant 512 : i32
    %mul3A_442 = arith.muli %add3A, %mul3A_441 : i32
    %add3A_443 = arith.constant 352 : i32
    %add3A_444 = arith.addi %mul3A_442, %add3A_443 : i32
    %multiple_of3A_445 = tpu.assume_multiple %add3A_444, 8 : i32
    %run_scoped3A_446 = arith.constant 1 : i32
    "tpu.region"() ({
      %run_scoped3A_573 = tpu.sem_alloc : memref<!tpu.dma_semaphore, #tpu.memory_space<semaphore_mem>>
      %dma_start3A_574 = arith.constant 0 : i32
      %dma_start3A_575 = arith.constant 0 : i32
      %dma_start3A_576 = tpu.memref_slice %arg6[%run_scoped3A_446, %dma_start3A_574, %dma_start3A_575] : memref<2x32x1024xf32, #tpu.memory_space<vmem>> -> memref<1x32x1024xf32, #tpu.memory_space<vmem>>
      %dma_start3A_577 = tpu.memref_squeeze %dma_start3A_576 : memref<1x32x1024xf32, #tpu.memory_space<vmem>> -> memref<32x1024xf32, #tpu.memory_space<vmem>>
      %dma_start3A_578 = arith.constant 0 : i32
      %dma_start3A_579 = tpu.memref_slice %arg4[%multiple_of3A_445, %dma_start3A_578] : memref<16384x1024xf32, #tpu.memory_space<hbm>> -> memref<32x1024xf32, #tpu.memory_space<hbm>>
      %dma_start3A_580 = arith.constant 0 : i32
      %dma_start3A_581 = tpu.memref_slice %arg4[%multiple_of3A_445, %dma_start3A_580] : memref<16384x1024xf32, #tpu.memory_space<hbm>> -> memref<32x1024xf32, #tpu.memory_space<hbm>>
      %dma_start3A_582 = arith.constant 0 : i32
      %dma_start3A_583 = arith.constant 0 : i32
      %dma_start3A_584 = tpu.memref_slice %arg6[%run_scoped3A_446, %dma_start3A_582, %dma_start3A_583] : memref<2x32x1024xf32, #tpu.memory_space<vmem>> -> memref<1x32x1024xf32, #tpu.memory_space<vmem>>
      %dma_start3A_585 = tpu.memref_squeeze %dma_start3A_584 : memref<1x32x1024xf32, #tpu.memory_space<vmem>> -> memref<32x1024xf32, #tpu.memory_space<vmem>>
      tpu.enqueue_dma source(%dma_start3A_585 : memref<32x1024xf32, #tpu.memory_space<vmem>>) target(%dma_start3A_581 : memref<32x1024xf32, #tpu.memory_space<hbm>>) target_semaphore(%run_scoped3A_573 : memref<!tpu.dma_semaphore, #tpu.memory_space<semaphore_mem>>)
      %dma_wait3A_586 = arith.constant 0 : i32
      %dma_wait3A_587 = arith.constant 0 : i32
      %dma_wait3A_588 = tpu.memref_slice %arg6[%run_scoped3A_446, %dma_wait3A_586, %dma_wait3A_587] : memref<2x32x1024xf32, #tpu.memory_space<vmem>> -> memref<1x32x1024xf32, #tpu.memory_space<vmem>>
      %dma_wait3A_589 = tpu.memref_squeeze %dma_wait3A_588 : memref<1x32x1024xf32, #tpu.memory_space<vmem>> -> memref<32x1024xf32, #tpu.memory_space<vmem>>
      %dma_wait3A_590 = arith.constant 0 : i32
      %dma_wait3A_591 = tpu.memref_slice %arg4[%multiple_of3A_445, %dma_wait3A_590] : memref<16384x1024xf32, #tpu.memory_space<hbm>> -> memref<32x1024xf32, #tpu.memory_space<hbm>>
      %dma_wait3A_592 = arith.constant 0 : i32
      %dma_wait3A_593 = tpu.memref_slice %arg4[%multiple_of3A_445, %dma_wait3A_592] : memref<16384x1024xf32, #tpu.memory_space<hbm>> -> memref<32x1024xf32, #tpu.memory_space<hbm>>
      %dma_wait3A_594 = arith.constant 0 : i32
      %dma_wait3A_595 = arith.constant 0 : i32
      %dma_wait3A_596 = tpu.memref_slice %arg6[%run_scoped3A_446, %dma_wait3A_594, %dma_wait3A_595] : memref<2x32x1024xf32, #tpu.memory_space<vmem>> -> memref<1x32x1024xf32, #tpu.memory_space<vmem>>
      %dma_wait3A_597 = tpu.memref_squeeze %dma_wait3A_596 : memref<1x32x1024xf32, #tpu.memory_space<vmem>> -> memref<32x1024xf32, #tpu.memory_space<vmem>>
      tpu.wait_dma2 semaphore(%run_scoped3A_573 : memref<!tpu.dma_semaphore, #tpu.memory_space<semaphore_mem>>) src(%dma_wait3A_597 : memref<32x1024xf32, #tpu.memory_space<vmem>>) dst(%dma_wait3A_593 : memref<32x1024xf32, #tpu.memory_space<hbm>>)
      tpu.yield
    }) : () -> ()
    %mul3A_447 = arith.constant 512 : i32
    %mul3A_448 = arith.muli %add3A, %mul3A_447 : i32
    %add3A_449 = arith.constant 416 : i32
    %add3A_450 = arith.addi %mul3A_448, %add3A_449 : i32
    %multiple_of3A_451 = tpu.assume_multiple %add3A_450, 8 : i32
    %run_scoped3A_452 = arith.constant 1 : i32
    "tpu.region"() ({
      %run_scoped3A_573 = tpu.sem_alloc : memref<!tpu.dma_semaphore, #tpu.memory_space<semaphore_mem>>
      %dma_start3A_574 = arith.constant 0 : i32
      %dma_start3A_575 = tpu.memref_slice %arg5[%run_scoped3A_452, %dma_start3A_574] : memref<2x32xi32, #tpu.memory_space<vmem>> -> memref<1x32xi32, #tpu.memory_space<vmem>>
      %dma_start3A_576 = tpu.memref_squeeze %dma_start3A_575 : memref<1x32xi32, #tpu.memory_space<vmem>> -> memref<32xi32, #tpu.memory_space<vmem>>
      %dma_start3A_577 = tpu.memref_slice %arg3[%multiple_of3A_451] : memref<16384xi32, #tpu.memory_space<hbm>> -> memref<32xi32, #tpu.memory_space<hbm>>
      %dma_start3A_578 = arith.constant 0 : i32
      %dma_start3A_579 = tpu.memref_slice %arg5[%run_scoped3A_452, %dma_start3A_578] : memref<2x32xi32, #tpu.memory_space<vmem>> -> memref<1x32xi32, #tpu.memory_space<vmem>>
      %dma_start3A_580 = tpu.memref_squeeze %dma_start3A_579 : memref<1x32xi32, #tpu.memory_space<vmem>> -> memref<32xi32, #tpu.memory_space<vmem>>
      %dma_start3A_581 = tpu.memref_slice %arg3[%multiple_of3A_451] : memref<16384xi32, #tpu.memory_space<hbm>> -> memref<32xi32, #tpu.memory_space<hbm>>
      tpu.enqueue_dma source(%dma_start3A_581 : memref<32xi32, #tpu.memory_space<hbm>>) target(%dma_start3A_580 : memref<32xi32, #tpu.memory_space<vmem>>) target_semaphore(%run_scoped3A_573 : memref<!tpu.dma_semaphore, #tpu.memory_space<semaphore_mem>>)
      %dma_wait3A_582 = arith.constant 0 : i32
      %dma_wait3A_583 = tpu.memref_slice %arg5[%run_scoped3A_452, %dma_wait3A_582] : memref<2x32xi32, #tpu.memory_space<vmem>> -> memref<1x32xi32, #tpu.memory_space<vmem>>
      %dma_wait3A_584 = tpu.memref_squeeze %dma_wait3A_583 : memref<1x32xi32, #tpu.memory_space<vmem>> -> memref<32xi32, #tpu.memory_space<vmem>>
      %dma_wait3A_585 = tpu.memref_slice %arg3[%multiple_of3A_451] : memref<16384xi32, #tpu.memory_space<hbm>> -> memref<32xi32, #tpu.memory_space<hbm>>
      %dma_wait3A_586 = arith.constant 0 : i32
      %dma_wait3A_587 = tpu.memref_slice %arg5[%run_scoped3A_452, %dma_wait3A_586] : memref<2x32xi32, #tpu.memory_space<vmem>> -> memref<1x32xi32, #tpu.memory_space<vmem>>
      %dma_wait3A_588 = tpu.memref_squeeze %dma_wait3A_587 : memref<1x32xi32, #tpu.memory_space<vmem>> -> memref<32xi32, #tpu.memory_space<vmem>>
      %dma_wait3A_589 = tpu.memref_slice %arg3[%multiple_of3A_451] : memref<16384xi32, #tpu.memory_space<hbm>> -> memref<32xi32, #tpu.memory_space<hbm>>
      tpu.wait_dma2 semaphore(%run_scoped3A_573 : memref<!tpu.dma_semaphore, #tpu.memory_space<semaphore_mem>>) src(%dma_wait3A_589 : memref<32xi32, #tpu.memory_space<hbm>>) dst(%dma_wait3A_588 : memref<32xi32, #tpu.memory_space<vmem>>)
      tpu.yield
    }) : () -> ()
    %dma_start3A_453 = arith.constant 1 : i32
    %dma_start3A_454 = arith.constant 1 : i32
    %dma_start3A_455 = arith.constant 0 : i32
    %dma_start3A_456 = arith.constant 0 : i32
    %dma_start3A_457 = tpu.memref_slice %arg6[%dma_start3A_454, %dma_start3A_455, %dma_start3A_456] : memref<2x32x1024xf32, #tpu.memory_space<vmem>> -> memref<1x32x1024xf32, #tpu.memory_space<vmem>>
    %dma_start3A_458 = tpu.memref_squeeze %dma_start3A_457 : memref<1x32x1024xf32, #tpu.memory_space<vmem>> -> memref<32x1024xf32, #tpu.memory_space<vmem>>
    %dma_start3A_459 = arith.constant 0 : i32
    %dma_start3A_460 = tpu.memref_slice %arg5[%dma_start3A_453, %dma_start3A_459] : memref<2x32xi32, #tpu.memory_space<vmem>> -> memref<1x32xi32, #tpu.memory_space<vmem>>
    %dma_start3A_461 = tpu.memref_squeeze %dma_start3A_460 : memref<1x32xi32, #tpu.memory_space<vmem>> -> memref<32xi32, #tpu.memory_space<vmem>>
    %dma_start3A_462 = arith.constant 0 : i32
    %dma_start3A_463 = arith.constant 0 : i32
    %dma_start3A_464 = tpu.memref_slice %arg2[%dma_start3A_462, %dma_start3A_463] : memref<24576x1024xf32, #tpu.memory_space<hbm>> -> memref<24576x1024xf32, #tpu.memory_space<hbm>>
    tpu.enqueue_indirect_dma source(%dma_start3A_464 : memref<24576x1024xf32, #tpu.memory_space<hbm>>) target(%dma_start3A_458 : memref<32x1024xf32, #tpu.memory_space<vmem>>) offsets(%dma_start3A_461 : memref<32xi32, #tpu.memory_space<vmem>>) semaphore(%arg8 : memref<!tpu.dma_semaphore, #tpu.memory_space<semaphore_mem>>)
    %dma_wait3A_465 = arith.constant 0 : i32
    %dma_wait3A_466 = arith.constant 0 : i32
    %dma_wait3A_467 = arith.constant 0 : i32
    %dma_wait3A_468 = arith.constant 0 : i32
    %dma_wait3A_469 = tpu.memref_slice %arg6[%dma_wait3A_466, %dma_wait3A_467, %dma_wait3A_468] : memref<2x32x1024xf32, #tpu.memory_space<vmem>> -> memref<1x32x1024xf32, #tpu.memory_space<vmem>>
    %dma_wait3A_470 = tpu.memref_squeeze %dma_wait3A_469 : memref<1x32x1024xf32, #tpu.memory_space<vmem>> -> memref<32x1024xf32, #tpu.memory_space<vmem>>
    %dma_wait3A_471 = arith.constant 0 : i32
    %dma_wait3A_472 = tpu.memref_slice %arg5[%dma_wait3A_465, %dma_wait3A_471] : memref<2x32xi32, #tpu.memory_space<vmem>> -> memref<1x32xi32, #tpu.memory_space<vmem>>
    %dma_wait3A_473 = tpu.memref_squeeze %dma_wait3A_472 : memref<1x32xi32, #tpu.memory_space<vmem>> -> memref<32xi32, #tpu.memory_space<vmem>>
    %dma_wait3A_474 = arith.constant 0 : i32
    %dma_wait3A_475 = arith.constant 0 : i32
    %dma_wait3A_476 = tpu.memref_slice %arg2[%dma_wait3A_474, %dma_wait3A_475] : memref<24576x1024xf32, #tpu.memory_space<hbm>> -> memref<24576x1024xf32, #tpu.memory_space<hbm>>
    tpu.wait_indirect_dma semaphore(%arg7 : memref<!tpu.dma_semaphore, #tpu.memory_space<semaphore_mem>>) src(%dma_wait3A_476 : memref<24576x1024xf32, #tpu.memory_space<hbm>>) dst(%dma_wait3A_470 : memref<32x1024xf32, #tpu.memory_space<vmem>>)
    %mul3A_477 = arith.constant 512 : i32
    %mul3A_478 = arith.muli %add3A, %mul3A_477 : i32
    %add3A_479 = arith.constant 384 : i32
    %add3A_480 = arith.addi %mul3A_478, %add3A_479 : i32
    %multiple_of3A_481 = tpu.assume_multiple %add3A_480, 8 : i32
    %run_scoped3A_482 = arith.constant 0 : i32
    "tpu.region"() ({
      %run_scoped3A_573 = tpu.sem_alloc : memref<!tpu.dma_semaphore, #tpu.memory_space<semaphore_mem>>
      %dma_start3A_574 = arith.constant 0 : i32
      %dma_start3A_575 = arith.constant 0 : i32
      %dma_start3A_576 = tpu.memref_slice %arg6[%run_scoped3A_482, %dma_start3A_574, %dma_start3A_575] : memref<2x32x1024xf32, #tpu.memory_space<vmem>> -> memref<1x32x1024xf32, #tpu.memory_space<vmem>>
      %dma_start3A_577 = tpu.memref_squeeze %dma_start3A_576 : memref<1x32x1024xf32, #tpu.memory_space<vmem>> -> memref<32x1024xf32, #tpu.memory_space<vmem>>
      %dma_start3A_578 = arith.constant 0 : i32
      %dma_start3A_579 = tpu.memref_slice %arg4[%multiple_of3A_481, %dma_start3A_578] : memref<16384x1024xf32, #tpu.memory_space<hbm>> -> memref<32x1024xf32, #tpu.memory_space<hbm>>
      %dma_start3A_580 = arith.constant 0 : i32
      %dma_start3A_581 = tpu.memref_slice %arg4[%multiple_of3A_481, %dma_start3A_580] : memref<16384x1024xf32, #tpu.memory_space<hbm>> -> memref<32x1024xf32, #tpu.memory_space<hbm>>
      %dma_start3A_582 = arith.constant 0 : i32
      %dma_start3A_583 = arith.constant 0 : i32
      %dma_start3A_584 = tpu.memref_slice %arg6[%run_scoped3A_482, %dma_start3A_582, %dma_start3A_583] : memref<2x32x1024xf32, #tpu.memory_space<vmem>> -> memref<1x32x1024xf32, #tpu.memory_space<vmem>>
      %dma_start3A_585 = tpu.memref_squeeze %dma_start3A_584 : memref<1x32x1024xf32, #tpu.memory_space<vmem>> -> memref<32x1024xf32, #tpu.memory_space<vmem>>
      tpu.enqueue_dma source(%dma_start3A_585 : memref<32x1024xf32, #tpu.memory_space<vmem>>) target(%dma_start3A_581 : memref<32x1024xf32, #tpu.memory_space<hbm>>) target_semaphore(%run_scoped3A_573 : memref<!tpu.dma_semaphore, #tpu.memory_space<semaphore_mem>>)
      %dma_wait3A_586 = arith.constant 0 : i32
      %dma_wait3A_587 = arith.constant 0 : i32
      %dma_wait3A_588 = tpu.memref_slice %arg6[%run_scoped3A_482, %dma_wait3A_586, %dma_wait3A_587] : memref<2x32x1024xf32, #tpu.memory_space<vmem>> -> memref<1x32x1024xf32, #tpu.memory_space<vmem>>
      %dma_wait3A_589 = tpu.memref_squeeze %dma_wait3A_588 : memref<1x32x1024xf32, #tpu.memory_space<vmem>> -> memref<32x1024xf32, #tpu.memory_space<vmem>>
      %dma_wait3A_590 = arith.constant 0 : i32
      %dma_wait3A_591 = tpu.memref_slice %arg4[%multiple_of3A_481, %dma_wait3A_590] : memref<16384x1024xf32, #tpu.memory_space<hbm>> -> memref<32x1024xf32, #tpu.memory_space<hbm>>
      %dma_wait3A_592 = arith.constant 0 : i32
      %dma_wait3A_593 = tpu.memref_slice %arg4[%multiple_of3A_481, %dma_wait3A_592] : memref<16384x1024xf32, #tpu.memory_space<hbm>> -> memref<32x1024xf32, #tpu.memory_space<hbm>>
      %dma_wait3A_594 = arith.constant 0 : i32
      %dma_wait3A_595 = arith.constant 0 : i32
      %dma_wait3A_596 = tpu.memref_slice %arg6[%run_scoped3A_482, %dma_wait3A_594, %dma_wait3A_595] : memref<2x32x1024xf32, #tpu.memory_space<vmem>> -> memref<1x32x1024xf32, #tpu.memory_space<vmem>>
      %dma_wait3A_597 = tpu.memref_squeeze %dma_wait3A_596 : memref<1x32x1024xf32, #tpu.memory_space<vmem>> -> memref<32x1024xf32, #tpu.memory_space<vmem>>
      tpu.wait_dma2 semaphore(%run_scoped3A_573 : memref<!tpu.dma_semaphore, #tpu.memory_space<semaphore_mem>>) src(%dma_wait3A_597 : memref<32x1024xf32, #tpu.memory_space<vmem>>) dst(%dma_wait3A_593 : memref<32x1024xf32, #tpu.memory_space<hbm>>)
      tpu.yield
    }) : () -> ()
    %mul3A_483 = arith.constant 512 : i32
    %mul3A_484 = arith.muli %add3A, %mul3A_483 : i32
    %add3A_485 = arith.constant 448 : i32
    %add3A_486 = arith.addi %mul3A_484, %add3A_485 : i32
    %multiple_of3A_487 = tpu.assume_multiple %add3A_486, 8 : i32
    %run_scoped3A_488 = arith.constant 0 : i32
    "tpu.region"() ({
      %run_scoped3A_573 = tpu.sem_alloc : memref<!tpu.dma_semaphore, #tpu.memory_space<semaphore_mem>>
      %dma_start3A_574 = arith.constant 0 : i32
      %dma_start3A_575 = tpu.memref_slice %arg5[%run_scoped3A_488, %dma_start3A_574] : memref<2x32xi32, #tpu.memory_space<vmem>> -> memref<1x32xi32, #tpu.memory_space<vmem>>
      %dma_start3A_576 = tpu.memref_squeeze %dma_start3A_575 : memref<1x32xi32, #tpu.memory_space<vmem>> -> memref<32xi32, #tpu.memory_space<vmem>>
      %dma_start3A_577 = tpu.memref_slice %arg3[%multiple_of3A_487] : memref<16384xi32, #tpu.memory_space<hbm>> -> memref<32xi32, #tpu.memory_space<hbm>>
      %dma_start3A_578 = arith.constant 0 : i32
      %dma_start3A_579 = tpu.memref_slice %arg5[%run_scoped3A_488, %dma_start3A_578] : memref<2x32xi32, #tpu.memory_space<vmem>> -> memref<1x32xi32, #tpu.memory_space<vmem>>
      %dma_start3A_580 = tpu.memref_squeeze %dma_start3A_579 : memref<1x32xi32, #tpu.memory_space<vmem>> -> memref<32xi32, #tpu.memory_space<vmem>>
      %dma_start3A_581 = tpu.memref_slice %arg3[%multiple_of3A_487] : memref<16384xi32, #tpu.memory_space<hbm>> -> memref<32xi32, #tpu.memory_space<hbm>>
      tpu.enqueue_dma source(%dma_start3A_581 : memref<32xi32, #tpu.memory_space<hbm>>) target(%dma_start3A_580 : memref<32xi32, #tpu.memory_space<vmem>>) target_semaphore(%run_scoped3A_573 : memref<!tpu.dma_semaphore, #tpu.memory_space<semaphore_mem>>)
      %dma_wait3A_582 = arith.constant 0 : i32
      %dma_wait3A_583 = tpu.memref_slice %arg5[%run_scoped3A_488, %dma_wait3A_582] : memref<2x32xi32, #tpu.memory_space<vmem>> -> memref<1x32xi32, #tpu.memory_space<vmem>>
      %dma_wait3A_584 = tpu.memref_squeeze %dma_wait3A_583 : memref<1x32xi32, #tpu.memory_space<vmem>> -> memref<32xi32, #tpu.memory_space<vmem>>
      %dma_wait3A_585 = tpu.memref_slice %arg3[%multiple_of3A_487] : memref<16384xi32, #tpu.memory_space<hbm>> -> memref<32xi32, #tpu.memory_space<hbm>>
      %dma_wait3A_586 = arith.constant 0 : i32
      %dma_wait3A_587 = tpu.memref_slice %arg5[%run_scoped3A_488, %dma_wait3A_586] : memref<2x32xi32, #tpu.memory_space<vmem>> -> memref<1x32xi32, #tpu.memory_space<vmem>>
      %dma_wait3A_588 = tpu.memref_squeeze %dma_wait3A_587 : memref<1x32xi32, #tpu.memory_space<vmem>> -> memref<32xi32, #tpu.memory_space<vmem>>
      %dma_wait3A_589 = tpu.memref_slice %arg3[%multiple_of3A_487] : memref<16384xi32, #tpu.memory_space<hbm>> -> memref<32xi32, #tpu.memory_space<hbm>>
      tpu.wait_dma2 semaphore(%run_scoped3A_573 : memref<!tpu.dma_semaphore, #tpu.memory_space<semaphore_mem>>) src(%dma_wait3A_589 : memref<32xi32, #tpu.memory_space<hbm>>) dst(%dma_wait3A_588 : memref<32xi32, #tpu.memory_space<vmem>>)
      tpu.yield
    }) : () -> ()
    %dma_start3A_489 = arith.constant 0 : i32
    %dma_start3A_490 = arith.constant 0 : i32
    %dma_start3A_491 = arith.constant 0 : i32
    %dma_start3A_492 = arith.constant 0 : i32
    %dma_start3A_493 = tpu.memref_slice %arg6[%dma_start3A_490, %dma_start3A_491, %dma_start3A_492] : memref<2x32x1024xf32, #tpu.memory_space<vmem>> -> memref<1x32x1024xf32, #tpu.memory_space<vmem>>
    %dma_start3A_494 = tpu.memref_squeeze %dma_start3A_493 : memref<1x32x1024xf32, #tpu.memory_space<vmem>> -> memref<32x1024xf32, #tpu.memory_space<vmem>>
    %dma_start3A_495 = arith.constant 0 : i32
    %dma_start3A_496 = tpu.memref_slice %arg5[%dma_start3A_489, %dma_start3A_495] : memref<2x32xi32, #tpu.memory_space<vmem>> -> memref<1x32xi32, #tpu.memory_space<vmem>>
    %dma_start3A_497 = tpu.memref_squeeze %dma_start3A_496 : memref<1x32xi32, #tpu.memory_space<vmem>> -> memref<32xi32, #tpu.memory_space<vmem>>
    %dma_start3A_498 = arith.constant 0 : i32
    %dma_start3A_499 = arith.constant 0 : i32
    %dma_start3A_500 = tpu.memref_slice %arg2[%dma_start3A_498, %dma_start3A_499] : memref<24576x1024xf32, #tpu.memory_space<hbm>> -> memref<24576x1024xf32, #tpu.memory_space<hbm>>
    tpu.enqueue_indirect_dma source(%dma_start3A_500 : memref<24576x1024xf32, #tpu.memory_space<hbm>>) target(%dma_start3A_494 : memref<32x1024xf32, #tpu.memory_space<vmem>>) offsets(%dma_start3A_497 : memref<32xi32, #tpu.memory_space<vmem>>) semaphore(%arg7 : memref<!tpu.dma_semaphore, #tpu.memory_space<semaphore_mem>>)
    %dma_wait3A_501 = arith.constant 1 : i32
    %dma_wait3A_502 = arith.constant 1 : i32
    %dma_wait3A_503 = arith.constant 0 : i32
    %dma_wait3A_504 = arith.constant 0 : i32
    %dma_wait3A_505 = tpu.memref_slice %arg6[%dma_wait3A_502, %dma_wait3A_503, %dma_wait3A_504] : memref<2x32x1024xf32, #tpu.memory_space<vmem>> -> memref<1x32x1024xf32, #tpu.memory_space<vmem>>
    %dma_wait3A_506 = tpu.memref_squeeze %dma_wait3A_505 : memref<1x32x1024xf32, #tpu.memory_space<vmem>> -> memref<32x1024xf32, #tpu.memory_space<vmem>>
    %dma_wait3A_507 = arith.constant 0 : i32
    %dma_wait3A_508 = tpu.memref_slice %arg5[%dma_wait3A_501, %dma_wait3A_507] : memref<2x32xi32, #tpu.memory_space<vmem>> -> memref<1x32xi32, #tpu.memory_space<vmem>>
    %dma_wait3A_509 = tpu.memref_squeeze %dma_wait3A_508 : memref<1x32xi32, #tpu.memory_space<vmem>> -> memref<32xi32, #tpu.memory_space<vmem>>
    %dma_wait3A_510 = arith.constant 0 : i32
    %dma_wait3A_511 = arith.constant 0 : i32
    %dma_wait3A_512 = tpu.memref_slice %arg2[%dma_wait3A_510, %dma_wait3A_511] : memref<24576x1024xf32, #tpu.memory_space<hbm>> -> memref<24576x1024xf32, #tpu.memory_space<hbm>>
    tpu.wait_indirect_dma semaphore(%arg8 : memref<!tpu.dma_semaphore, #tpu.memory_space<semaphore_mem>>) src(%dma_wait3A_512 : memref<24576x1024xf32, #tpu.memory_space<hbm>>) dst(%dma_wait3A_506 : memref<32x1024xf32, #tpu.memory_space<vmem>>)
    %mul3A_513 = arith.constant 512 : i32
    %mul3A_514 = arith.muli %add3A, %mul3A_513 : i32
    %add3A_515 = arith.constant 416 : i32
    %add3A_516 = arith.addi %mul3A_514, %add3A_515 : i32
    %multiple_of3A_517 = tpu.assume_multiple %add3A_516, 8 : i32
    %run_scoped3A_518 = arith.constant 1 : i32
    "tpu.region"() ({
      %run_scoped3A_573 = tpu.sem_alloc : memref<!tpu.dma_semaphore, #tpu.memory_space<semaphore_mem>>
      %dma_start3A_574 = arith.constant 0 : i32
      %dma_start3A_575 = arith.constant 0 : i32
      %dma_start3A_576 = tpu.memref_slice %arg6[%run_scoped3A_518, %dma_start3A_574, %dma_start3A_575] : memref<2x32x1024xf32, #tpu.memory_space<vmem>> -> memref<1x32x1024xf32, #tpu.memory_space<vmem>>
      %dma_start3A_577 = tpu.memref_squeeze %dma_start3A_576 : memref<1x32x1024xf32, #tpu.memory_space<vmem>> -> memref<32x1024xf32, #tpu.memory_space<vmem>>
      %dma_start3A_578 = arith.constant 0 : i32
      %dma_start3A_579 = tpu.memref_slice %arg4[%multiple_of3A_517, %dma_start3A_578] : memref<16384x1024xf32, #tpu.memory_space<hbm>> -> memref<32x1024xf32, #tpu.memory_space<hbm>>
      %dma_start3A_580 = arith.constant 0 : i32
      %dma_start3A_581 = tpu.memref_slice %arg4[%multiple_of3A_517, %dma_start3A_580] : memref<16384x1024xf32, #tpu.memory_space<hbm>> -> memref<32x1024xf32, #tpu.memory_space<hbm>>
      %dma_start3A_582 = arith.constant 0 : i32
      %dma_start3A_583 = arith.constant 0 : i32
      %dma_start3A_584 = tpu.memref_slice %arg6[%run_scoped3A_518, %dma_start3A_582, %dma_start3A_583] : memref<2x32x1024xf32, #tpu.memory_space<vmem>> -> memref<1x32x1024xf32, #tpu.memory_space<vmem>>
      %dma_start3A_585 = tpu.memref_squeeze %dma_start3A_584 : memref<1x32x1024xf32, #tpu.memory_space<vmem>> -> memref<32x1024xf32, #tpu.memory_space<vmem>>
      tpu.enqueue_dma source(%dma_start3A_585 : memref<32x1024xf32, #tpu.memory_space<vmem>>) target(%dma_start3A_581 : memref<32x1024xf32, #tpu.memory_space<hbm>>) target_semaphore(%run_scoped3A_573 : memref<!tpu.dma_semaphore, #tpu.memory_space<semaphore_mem>>)
      %dma_wait3A_586 = arith.constant 0 : i32
      %dma_wait3A_587 = arith.constant 0 : i32
      %dma_wait3A_588 = tpu.memref_slice %arg6[%run_scoped3A_518, %dma_wait3A_586, %dma_wait3A_587] : memref<2x32x1024xf32, #tpu.memory_space<vmem>> -> memref<1x32x1024xf32, #tpu.memory_space<vmem>>
      %dma_wait3A_589 = tpu.memref_squeeze %dma_wait3A_588 : memref<1x32x1024xf32, #tpu.memory_space<vmem>> -> memref<32x1024xf32, #tpu.memory_space<vmem>>
      %dma_wait3A_590 = arith.constant 0 : i32
      %dma_wait3A_591 = tpu.memref_slice %arg4[%multiple_of3A_517, %dma_wait3A_590] : memref<16384x1024xf32, #tpu.memory_space<hbm>> -> memref<32x1024xf32, #tpu.memory_space<hbm>>
      %dma_wait3A_592 = arith.constant 0 : i32
      %dma_wait3A_593 = tpu.memref_slice %arg4[%multiple_of3A_517, %dma_wait3A_592] : memref<16384x1024xf32, #tpu.memory_space<hbm>> -> memref<32x1024xf32, #tpu.memory_space<hbm>>
      %dma_wait3A_594 = arith.constant 0 : i32
      %dma_wait3A_595 = arith.constant 0 : i32
      %dma_wait3A_596 = tpu.memref_slice %arg6[%run_scoped3A_518, %dma_wait3A_594, %dma_wait3A_595] : memref<2x32x1024xf32, #tpu.memory_space<vmem>> -> memref<1x32x1024xf32, #tpu.memory_space<vmem>>
      %dma_wait3A_597 = tpu.memref_squeeze %dma_wait3A_596 : memref<1x32x1024xf32, #tpu.memory_space<vmem>> -> memref<32x1024xf32, #tpu.memory_space<vmem>>
      tpu.wait_dma2 semaphore(%run_scoped3A_573 : memref<!tpu.dma_semaphore, #tpu.memory_space<semaphore_mem>>) src(%dma_wait3A_597 : memref<32x1024xf32, #tpu.memory_space<vmem>>) dst(%dma_wait3A_593 : memref<32x1024xf32, #tpu.memory_space<hbm>>)
      tpu.yield
    }) : () -> ()
    %mul3A_519 = arith.constant 512 : i32
    %mul3A_520 = arith.muli %add3A, %mul3A_519 : i32
    %add3A_521 = arith.constant 480 : i32
    %add3A_522 = arith.addi %mul3A_520, %add3A_521 : i32
    %multiple_of3A_523 = tpu.assume_multiple %add3A_522, 8 : i32
    %run_scoped3A_524 = arith.constant 1 : i32
    "tpu.region"() ({
      %run_scoped3A_573 = tpu.sem_alloc : memref<!tpu.dma_semaphore, #tpu.memory_space<semaphore_mem>>
      %dma_start3A_574 = arith.constant 0 : i32
      %dma_start3A_575 = tpu.memref_slice %arg5[%run_scoped3A_524, %dma_start3A_574] : memref<2x32xi32, #tpu.memory_space<vmem>> -> memref<1x32xi32, #tpu.memory_space<vmem>>
      %dma_start3A_576 = tpu.memref_squeeze %dma_start3A_575 : memref<1x32xi32, #tpu.memory_space<vmem>> -> memref<32xi32, #tpu.memory_space<vmem>>
      %dma_start3A_577 = tpu.memref_slice %arg3[%multiple_of3A_523] : memref<16384xi32, #tpu.memory_space<hbm>> -> memref<32xi32, #tpu.memory_space<hbm>>
      %dma_start3A_578 = arith.constant 0 : i32
      %dma_start3A_579 = tpu.memref_slice %arg5[%run_scoped3A_524, %dma_start3A_578] : memref<2x32xi32, #tpu.memory_space<vmem>> -> memref<1x32xi32, #tpu.memory_space<vmem>>
      %dma_start3A_580 = tpu.memref_squeeze %dma_start3A_579 : memref<1x32xi32, #tpu.memory_space<vmem>> -> memref<32xi32, #tpu.memory_space<vmem>>
      %dma_start3A_581 = tpu.memref_slice %arg3[%multiple_of3A_523] : memref<16384xi32, #tpu.memory_space<hbm>> -> memref<32xi32, #tpu.memory_space<hbm>>
      tpu.enqueue_dma source(%dma_start3A_581 : memref<32xi32, #tpu.memory_space<hbm>>) target(%dma_start3A_580 : memref<32xi32, #tpu.memory_space<vmem>>) target_semaphore(%run_scoped3A_573 : memref<!tpu.dma_semaphore, #tpu.memory_space<semaphore_mem>>)
      %dma_wait3A_582 = arith.constant 0 : i32
      %dma_wait3A_583 = tpu.memref_slice %arg5[%run_scoped3A_524, %dma_wait3A_582] : memref<2x32xi32, #tpu.memory_space<vmem>> -> memref<1x32xi32, #tpu.memory_space<vmem>>
      %dma_wait3A_584 = tpu.memref_squeeze %dma_wait3A_583 : memref<1x32xi32, #tpu.memory_space<vmem>> -> memref<32xi32, #tpu.memory_space<vmem>>
      %dma_wait3A_585 = tpu.memref_slice %arg3[%multiple_of3A_523] : memref<16384xi32, #tpu.memory_space<hbm>> -> memref<32xi32, #tpu.memory_space<hbm>>
      %dma_wait3A_586 = arith.constant 0 : i32
      %dma_wait3A_587 = tpu.memref_slice %arg5[%run_scoped3A_524, %dma_wait3A_586] : memref<2x32xi32, #tpu.memory_space<vmem>> -> memref<1x32xi32, #tpu.memory_space<vmem>>
      %dma_wait3A_588 = tpu.memref_squeeze %dma_wait3A_587 : memref<1x32xi32, #tpu.memory_space<vmem>> -> memref<32xi32, #tpu.memory_space<vmem>>
      %dma_wait3A_589 = tpu.memref_slice %arg3[%multiple_of3A_523] : memref<16384xi32, #tpu.memory_space<hbm>> -> memref<32xi32, #tpu.memory_space<hbm>>
      tpu.wait_dma2 semaphore(%run_scoped3A_573 : memref<!tpu.dma_semaphore, #tpu.memory_space<semaphore_mem>>) src(%dma_wait3A_589 : memref<32xi32, #tpu.memory_space<hbm>>) dst(%dma_wait3A_588 : memref<32xi32, #tpu.memory_space<vmem>>)
      tpu.yield
    }) : () -> ()
    %dma_start3A_525 = arith.constant 1 : i32
    %dma_start3A_526 = arith.constant 1 : i32
    %dma_start3A_527 = arith.constant 0 : i32
    %dma_start3A_528 = arith.constant 0 : i32
    %dma_start3A_529 = tpu.memref_slice %arg6[%dma_start3A_526, %dma_start3A_527, %dma_start3A_528] : memref<2x32x1024xf32, #tpu.memory_space<vmem>> -> memref<1x32x1024xf32, #tpu.memory_space<vmem>>
    %dma_start3A_530 = tpu.memref_squeeze %dma_start3A_529 : memref<1x32x1024xf32, #tpu.memory_space<vmem>> -> memref<32x1024xf32, #tpu.memory_space<vmem>>
    %dma_start3A_531 = arith.constant 0 : i32
    %dma_start3A_532 = tpu.memref_slice %arg5[%dma_start3A_525, %dma_start3A_531] : memref<2x32xi32, #tpu.memory_space<vmem>> -> memref<1x32xi32, #tpu.memory_space<vmem>>
    %dma_start3A_533 = tpu.memref_squeeze %dma_start3A_532 : memref<1x32xi32, #tpu.memory_space<vmem>> -> memref<32xi32, #tpu.memory_space<vmem>>
    %dma_start3A_534 = arith.constant 0 : i32
    %dma_start3A_535 = arith.constant 0 : i32
    %dma_start3A_536 = tpu.memref_slice %arg2[%dma_start3A_534, %dma_start3A_535] : memref<24576x1024xf32, #tpu.memory_space<hbm>> -> memref<24576x1024xf32, #tpu.memory_space<hbm>>
    tpu.enqueue_indirect_dma source(%dma_start3A_536 : memref<24576x1024xf32, #tpu.memory_space<hbm>>) target(%dma_start3A_530 : memref<32x1024xf32, #tpu.memory_space<vmem>>) offsets(%dma_start3A_533 : memref<32xi32, #tpu.memory_space<vmem>>) semaphore(%arg8 : memref<!tpu.dma_semaphore, #tpu.memory_space<semaphore_mem>>)
    %dma_wait3A_537 = arith.constant 0 : i32
    %dma_wait3A_538 = arith.constant 0 : i32
    %dma_wait3A_539 = arith.constant 0 : i32
    %dma_wait3A_540 = arith.constant 0 : i32
    %dma_wait3A_541 = tpu.memref_slice %arg6[%dma_wait3A_538, %dma_wait3A_539, %dma_wait3A_540] : memref<2x32x1024xf32, #tpu.memory_space<vmem>> -> memref<1x32x1024xf32, #tpu.memory_space<vmem>>
    %dma_wait3A_542 = tpu.memref_squeeze %dma_wait3A_541 : memref<1x32x1024xf32, #tpu.memory_space<vmem>> -> memref<32x1024xf32, #tpu.memory_space<vmem>>
    %dma_wait3A_543 = arith.constant 0 : i32
    %dma_wait3A_544 = tpu.memref_slice %arg5[%dma_wait3A_537, %dma_wait3A_543] : memref<2x32xi32, #tpu.memory_space<vmem>> -> memref<1x32xi32, #tpu.memory_space<vmem>>
    %dma_wait3A_545 = tpu.memref_squeeze %dma_wait3A_544 : memref<1x32xi32, #tpu.memory_space<vmem>> -> memref<32xi32, #tpu.memory_space<vmem>>
    %dma_wait3A_546 = arith.constant 0 : i32
    %dma_wait3A_547 = arith.constant 0 : i32
    %dma_wait3A_548 = tpu.memref_slice %arg2[%dma_wait3A_546, %dma_wait3A_547] : memref<24576x1024xf32, #tpu.memory_space<hbm>> -> memref<24576x1024xf32, #tpu.memory_space<hbm>>
    tpu.wait_indirect_dma semaphore(%arg7 : memref<!tpu.dma_semaphore, #tpu.memory_space<semaphore_mem>>) src(%dma_wait3A_548 : memref<24576x1024xf32, #tpu.memory_space<hbm>>) dst(%dma_wait3A_542 : memref<32x1024xf32, #tpu.memory_space<vmem>>)
    %mul3A_549 = arith.constant 512 : i32
    %mul3A_550 = arith.muli %add3A, %mul3A_549 : i32
    %add3A_551 = arith.constant 448 : i32
    %add3A_552 = arith.addi %mul3A_550, %add3A_551 : i32
    %multiple_of3A_553 = tpu.assume_multiple %add3A_552, 8 : i32
    %run_scoped3A_554 = arith.constant 0 : i32
    "tpu.region"() ({
      %run_scoped3A_573 = tpu.sem_alloc : memref<!tpu.dma_semaphore, #tpu.memory_space<semaphore_mem>>
      %dma_start3A_574 = arith.constant 0 : i32
      %dma_start3A_575 = arith.constant 0 : i32
      %dma_start3A_576 = tpu.memref_slice %arg6[%run_scoped3A_554, %dma_start3A_574, %dma_start3A_575] : memref<2x32x1024xf32, #tpu.memory_space<vmem>> -> memref<1x32x1024xf32, #tpu.memory_space<vmem>>
      %dma_start3A_577 = tpu.memref_squeeze %dma_start3A_576 : memref<1x32x1024xf32, #tpu.memory_space<vmem>> -> memref<32x1024xf32, #tpu.memory_space<vmem>>
      %dma_start3A_578 = arith.constant 0 : i32
      %dma_start3A_579 = tpu.memref_slice %arg4[%multiple_of3A_553, %dma_start3A_578] : memref<16384x1024xf32, #tpu.memory_space<hbm>> -> memref<32x1024xf32, #tpu.memory_space<hbm>>
      %dma_start3A_580 = arith.constant 0 : i32
      %dma_start3A_581 = tpu.memref_slice %arg4[%multiple_of3A_553, %dma_start3A_580] : memref<16384x1024xf32, #tpu.memory_space<hbm>> -> memref<32x1024xf32, #tpu.memory_space<hbm>>
      %dma_start3A_582 = arith.constant 0 : i32
      %dma_start3A_583 = arith.constant 0 : i32
      %dma_start3A_584 = tpu.memref_slice %arg6[%run_scoped3A_554, %dma_start3A_582, %dma_start3A_583] : memref<2x32x1024xf32, #tpu.memory_space<vmem>> -> memref<1x32x1024xf32, #tpu.memory_space<vmem>>
      %dma_start3A_585 = tpu.memref_squeeze %dma_start3A_584 : memref<1x32x1024xf32, #tpu.memory_space<vmem>> -> memref<32x1024xf32, #tpu.memory_space<vmem>>
      tpu.enqueue_dma source(%dma_start3A_585 : memref<32x1024xf32, #tpu.memory_space<vmem>>) target(%dma_start3A_581 : memref<32x1024xf32, #tpu.memory_space<hbm>>) target_semaphore(%run_scoped3A_573 : memref<!tpu.dma_semaphore, #tpu.memory_space<semaphore_mem>>)
      %dma_wait3A_586 = arith.constant 0 : i32
      %dma_wait3A_587 = arith.constant 0 : i32
      %dma_wait3A_588 = tpu.memref_slice %arg6[%run_scoped3A_554, %dma_wait3A_586, %dma_wait3A_587] : memref<2x32x1024xf32, #tpu.memory_space<vmem>> -> memref<1x32x1024xf32, #tpu.memory_space<vmem>>
      %dma_wait3A_589 = tpu.memref_squeeze %dma_wait3A_588 : memref<1x32x1024xf32, #tpu.memory_space<vmem>> -> memref<32x1024xf32, #tpu.memory_space<vmem>>
      %dma_wait3A_590 = arith.constant 0 : i32
      %dma_wait3A_591 = tpu.memref_slice %arg4[%multiple_of3A_553, %dma_wait3A_590] : memref<16384x1024xf32, #tpu.memory_space<hbm>> -> memref<32x1024xf32, #tpu.memory_space<hbm>>
      %dma_wait3A_592 = arith.constant 0 : i32
      %dma_wait3A_593 = tpu.memref_slice %arg4[%multiple_of3A_553, %dma_wait3A_592] : memref<16384x1024xf32, #tpu.memory_space<hbm>> -> memref<32x1024xf32, #tpu.memory_space<hbm>>
      %dma_wait3A_594 = arith.constant 0 : i32
      %dma_wait3A_595 = arith.constant 0 : i32
      %dma_wait3A_596 = tpu.memref_slice %arg6[%run_scoped3A_554, %dma_wait3A_594, %dma_wait3A_595] : memref<2x32x1024xf32, #tpu.memory_space<vmem>> -> memref<1x32x1024xf32, #tpu.memory_space<vmem>>
      %dma_wait3A_597 = tpu.memref_squeeze %dma_wait3A_596 : memref<1x32x1024xf32, #tpu.memory_space<vmem>> -> memref<32x1024xf32, #tpu.memory_space<vmem>>
      tpu.wait_dma2 semaphore(%run_scoped3A_573 : memref<!tpu.dma_semaphore, #tpu.memory_space<semaphore_mem>>) src(%dma_wait3A_597 : memref<32x1024xf32, #tpu.memory_space<vmem>>) dst(%dma_wait3A_593 : memref<32x1024xf32, #tpu.memory_space<hbm>>)
      tpu.yield
    }) : () -> ()
    %dma_wait3A_555 = arith.constant 1 : i32
    %dma_wait3A_556 = arith.constant 1 : i32
    %dma_wait3A_557 = arith.constant 0 : i32
    %dma_wait3A_558 = arith.constant 0 : i32
    %dma_wait3A_559 = tpu.memref_slice %arg6[%dma_wait3A_556, %dma_wait3A_557, %dma_wait3A_558] : memref<2x32x1024xf32, #tpu.memory_space<vmem>> -> memref<1x32x1024xf32, #tpu.memory_space<vmem>>
    %dma_wait3A_560 = tpu.memref_squeeze %dma_wait3A_559 : memref<1x32x1024xf32, #tpu.memory_space<vmem>> -> memref<32x1024xf32, #tpu.memory_space<vmem>>
    %dma_wait3A_561 = arith.constant 0 : i32
    %dma_wait3A_562 = tpu.memref_slice %arg5[%dma_wait3A_555, %dma_wait3A_561] : memref<2x32xi32, #tpu.memory_space<vmem>> -> memref<1x32xi32, #tpu.memory_space<vmem>>
    %dma_wait3A_563 = tpu.memref_squeeze %dma_wait3A_562 : memref<1x32xi32, #tpu.memory_space<vmem>> -> memref<32xi32, #tpu.memory_space<vmem>>
    %dma_wait3A_564 = arith.constant 0 : i32
    %dma_wait3A_565 = arith.constant 0 : i32
    %dma_wait3A_566 = tpu.memref_slice %arg2[%dma_wait3A_564, %dma_wait3A_565] : memref<24576x1024xf32, #tpu.memory_space<hbm>> -> memref<24576x1024xf32, #tpu.memory_space<hbm>>
    tpu.wait_indirect_dma semaphore(%arg8 : memref<!tpu.dma_semaphore, #tpu.memory_space<semaphore_mem>>) src(%dma_wait3A_566 : memref<24576x1024xf32, #tpu.memory_space<hbm>>) dst(%dma_wait3A_560 : memref<32x1024xf32, #tpu.memory_space<vmem>>)
    %mul3A_567 = arith.constant 512 : i32
    %mul3A_568 = arith.muli %add3A, %mul3A_567 : i32
    %add3A_569 = arith.constant 480 : i32
    %add3A_570 = arith.addi %mul3A_568, %add3A_569 : i32
    %multiple_of3A_571 = tpu.assume_multiple %add3A_570, 8 : i32
    %run_scoped3A_572 = arith.constant 1 : i32
    "tpu.region"() ({
      %run_scoped3A_573 = tpu.sem_alloc : memref<!tpu.dma_semaphore, #tpu.memory_space<semaphore_mem>>
      %dma_start3A_574 = arith.constant 0 : i32
      %dma_start3A_575 = arith.constant 0 : i32
      %dma_start3A_576 = tpu.memref_slice %arg6[%run_scoped3A_572, %dma_start3A_574, %dma_start3A_575] : memref<2x32x1024xf32, #tpu.memory_space<vmem>> -> memref<1x32x1024xf32, #tpu.memory_space<vmem>>
      %dma_start3A_577 = tpu.memref_squeeze %dma_start3A_576 : memref<1x32x1024xf32, #tpu.memory_space<vmem>> -> memref<32x1024xf32, #tpu.memory_space<vmem>>
      %dma_start3A_578 = arith.constant 0 : i32
      %dma_start3A_579 = tpu.memref_slice %arg4[%multiple_of3A_571, %dma_start3A_578] : memref<16384x1024xf32, #tpu.memory_space<hbm>> -> memref<32x1024xf32, #tpu.memory_space<hbm>>
      %dma_start3A_580 = arith.constant 0 : i32
      %dma_start3A_581 = tpu.memref_slice %arg4[%multiple_of3A_571, %dma_start3A_580] : memref<16384x1024xf32, #tpu.memory_space<hbm>> -> memref<32x1024xf32, #tpu.memory_space<hbm>>
      %dma_start3A_582 = arith.constant 0 : i32
      %dma_start3A_583 = arith.constant 0 : i32
      %dma_start3A_584 = tpu.memref_slice %arg6[%run_scoped3A_572, %dma_start3A_582, %dma_start3A_583] : memref<2x32x1024xf32, #tpu.memory_space<vmem>> -> memref<1x32x1024xf32, #tpu.memory_space<vmem>>
      %dma_start3A_585 = tpu.memref_squeeze %dma_start3A_584 : memref<1x32x1024xf32, #tpu.memory_space<vmem>> -> memref<32x1024xf32, #tpu.memory_space<vmem>>
      tpu.enqueue_dma source(%dma_start3A_585 : memref<32x1024xf32, #tpu.memory_space<vmem>>) target(%dma_start3A_581 : memref<32x1024xf32, #tpu.memory_space<hbm>>) target_semaphore(%run_scoped3A_573 : memref<!tpu.dma_semaphore, #tpu.memory_space<semaphore_mem>>)
      %dma_wait3A_586 = arith.constant 0 : i32
      %dma_wait3A_587 = arith.constant 0 : i32
      %dma_wait3A_588 = tpu.memref_slice %arg6[%run_scoped3A_572, %dma_wait3A_586, %dma_wait3A_587] : memref<2x32x1024xf32, #tpu.memory_space<vmem>> -> memref<1x32x1024xf32, #tpu.memory_space<vmem>>
      %dma_wait3A_589 = tpu.memref_squeeze %dma_wait3A_588 : memref<1x32x1024xf32, #tpu.memory_space<vmem>> -> memref<32x1024xf32, #tpu.memory_space<vmem>>
      %dma_wait3A_590 = arith.constant 0 : i32
      %dma_wait3A_591 = tpu.memref_slice %arg4[%multiple_of3A_571, %dma_wait3A_590] : memref<16384x1024xf32, #tpu.memory_space<hbm>> -> memref<32x1024xf32, #tpu.memory_space<hbm>>
      %dma_wait3A_592 = arith.constant 0 : i32
      %dma_wait3A_593 = tpu.memref_slice %arg4[%multiple_of3A_571, %dma_wait3A_592] : memref<16384x1024xf32, #tpu.memory_space<hbm>> -> memref<32x1024xf32, #tpu.memory_space<hbm>>
      %dma_wait3A_594 = arith.constant 0 : i32
      %dma_wait3A_595 = arith.constant 0 : i32
      %dma_wait3A_596 = tpu.memref_slice %arg6[%run_scoped3A_572, %dma_wait3A_594, %dma_wait3A_595] : memref<2x32x1024xf32, #tpu.memory_space<vmem>> -> memref<1x32x1024xf32, #tpu.memory_space<vmem>>
      %dma_wait3A_597 = tpu.memref_squeeze %dma_wait3A_596 : memref<1x32x1024xf32, #tpu.memory_space<vmem>> -> memref<32x1024xf32, #tpu.memory_space<vmem>>
      tpu.wait_dma2 semaphore(%run_scoped3A_573 : memref<!tpu.dma_semaphore, #tpu.memory_space<semaphore_mem>>) src(%dma_wait3A_597 : memref<32x1024xf32, #tpu.memory_space<vmem>>) dst(%dma_wait3A_593 : memref<32x1024xf32, #tpu.memory_space<hbm>>)
      tpu.yield
    }) : () -> ()
    return
  }
}

module attributes {stable_mosaic.version = 14 : i64} {
  func.func @_qkv_body(%arg0: i32, %arg1: memref<256x1024xf32, #tpu.memory_space<vmem>>, %arg2: memref<1024x3072xbf16, #tpu.memory_space<vmem>>, %arg3: memref<1x1024xf32, #tpu.memory_space<vmem>>, %arg4: memref<256x32xf32, #tpu.memory_space<vmem>>, %arg5: memref<256x32xf32, #tpu.memory_space<vmem>>, %arg6: memref<48x256x64xf32, #tpu.memory_space<vmem>>) attributes {dimension_semantics = [#tpu.dimension_semantics<arbitrary>], iteration_bounds = array<i64: 8>, scalar_prefetch = 0 : i64, scratch_operands = 0 : i64, tpu.core_type = #tpu.core_type<tc>, window_params = [{transform_indices = @transform_0, window_bounds = array<i64: 256, 1024>}, {pipeline_mode = #tpu.pipeline_mode<synchronous>, transform_indices = @transform_1, window_bounds = array<i64: 1024, 3072>}, {pipeline_mode = #tpu.pipeline_mode<synchronous>, transform_indices = @transform_2, window_bounds = array<i64: 1, 1024>}, {transform_indices = @transform_3, window_bounds = array<i64: 256, 32>}, {transform_indices = @transform_4, window_bounds = array<i64: 256, 32>}, {transform_indices = @transform_5, window_bounds = array<i64: 48, 256, 64>}]} {
    %get3A = arith.constant 0 : index
    %get3A_0 = arith.constant 0 : index
    %get3A_1 = vector.load %arg1[%get3A, %get3A_0] : memref<256x1024xf32, #tpu.memory_space<vmem>>, vector<256x1024xf32>
    %get3A_2 = arith.constant 0 : index
    %get3A_3 = arith.constant 0 : index
    %get3A_4 = vector.load %arg3[%get3A_2, %get3A_3] : memref<1x1024xf32, #tpu.memory_space<vmem>>, vector<1x1024xf32>
    %mul3A = arith.mulf %get3A_1, %get3A_1 : vector<256x1024xf32>
    %reduce_sum3A = arith.constant dense<0.000000e+00> : vector<256xf32>
    %reduce_sum3A_5 = vector.multi_reduction <add>, %mul3A, %reduce_sum3A [1] : vector<256x1024xf32> to vector<256xf32>
    %broadcast_in_dim3A = vector.shape_cast %reduce_sum3A_5 : vector<256xf32> to vector<256x1xf32>
    %div3A = arith.constant 1.024000e+03 : f32
    %div3A_6 = vector.broadcast %div3A : f32 to vector<256x1xf32>
    %div3A_7 = arith.divf %broadcast_in_dim3A, %div3A_6 : vector<256x1xf32>
    %add3A = arith.constant 9.99999974E-6 : f32
    %add3A_8 = vector.broadcast %add3A : f32 to vector<256x1xf32>
    %add3A_9 = arith.addf %div3A_7, %add3A_8 : vector<256x1xf32>
    %rsqrt3A = math.rsqrt %add3A_9 : vector<256x1xf32>
    %mul3A_10 = vector.broadcast %rsqrt3A : vector<256x1xf32> to vector<256x1024xf32>
    %mul3A_11 = arith.mulf %get3A_1, %mul3A_10 : vector<256x1024xf32>
    %mul3A_12 = vector.broadcast %get3A_4 : vector<1x1024xf32> to vector<256x1024xf32>
    %mul3A_13 = arith.mulf %mul3A_11, %mul3A_12 : vector<256x1024xf32>
    %convert_element_type3A = arith.truncf %mul3A_13 : vector<256x1024xf32> to vector<256x1024xbf16>
    %get3A_14 = arith.constant 0 : index
    %get3A_15 = arith.constant 0 : index
    %get3A_16 = vector.load %arg2[%get3A_14, %get3A_15] : memref<1024x3072xbf16, #tpu.memory_space<vmem>>, vector<1024x3072xbf16>
    %dot_general3A = arith.constant dense<0.000000e+00> : vector<256x3072xf32>
    %dot_general3A_17 = tpu.matmul %convert_element_type3A, %get3A_16, %dot_general3A {dimension_numbers = #tpu.dot_dimension_numbers<[1], [0], [0], [1], [0, 0, 1, 1], [], []>, transpose_lhs_hint = false} : vector<256x1024xbf16>, vector<1024x3072xbf16>, vector<256x3072xf32> -> vector<256x3072xf32>
    %get3A_18 = arith.constant 0 : index
    %get3A_19 = arith.constant 0 : index
    %get3A_20 = vector.load %arg4[%get3A_18, %get3A_19] : memref<256x32xf32, #tpu.memory_space<vmem>>, vector<256x32xf32>
    %get3A_21 = arith.constant 0 : index
    %get3A_22 = arith.constant 0 : index
    %get3A_23 = vector.load %arg5[%get3A_21, %get3A_22] : memref<256x32xf32, #tpu.memory_space<vmem>>, vector<256x32xf32>
    %slice3A = vector.extract_strided_slice %dot_general3A_17 {offsets = [0, 2048], sizes = [256, 64], strides = [1, 1]} : vector<256x3072xf32> to vector<256x64xf32>
    %swap3A = arith.constant 32 : index
    %swap3A_24 = arith.constant 0 : index
    %swap3A_25 = arith.constant 0 : index
    %swap3A_26 = vector.load %arg6[%swap3A, %swap3A_24, %swap3A_25] : memref<48x256x64xf32, #tpu.memory_space<vmem>>, vector<1x256x64xf32>
    %swap3A_27 = vector.shape_cast %swap3A_26 : vector<1x256x64xf32> to vector<256x64xf32>
    %swap3A_28 = vector.shape_cast %slice3A : vector<256x64xf32> to vector<1x256x64xf32>
    tpu.vector_store %arg6[%swap3A, %swap3A_24, %swap3A_25], %swap3A_28 {strides = array<i32>} : memref<48x256x64xf32, #tpu.memory_space<vmem>>, vector<1x256x64xf32>,
    %slice3A_29 = vector.extract_strided_slice %dot_general3A_17 {offsets = [0, 0], sizes = [256, 32], strides = [1, 1]} : vector<256x3072xf32> to vector<256x32xf32>
    %slice3A_30 = vector.extract_strided_slice %dot_general3A_17 {offsets = [0, 32], sizes = [256, 32], strides = [1, 1]} : vector<256x3072xf32> to vector<256x32xf32>
    %mul3A_31 = arith.mulf %slice3A_29, %get3A_20 : vector<256x32xf32>
    %mul3A_32 = arith.mulf %slice3A_30, %get3A_23 : vector<256x32xf32>
    %add3A_33 = arith.addf %mul3A_31, %mul3A_32 : vector<256x32xf32>
    %swap3A_34 = arith.constant 0 : index
    %swap3A_35 = arith.constant 0 : index
    %swap3A_36 = arith.constant 0 : index
    %swap3A_37 = vector.load %arg6[%swap3A_34, %swap3A_35, %swap3A_36] : memref<48x256x64xf32, #tpu.memory_space<vmem>>, vector<1x256x32xf32>
    %swap3A_38 = vector.shape_cast %swap3A_37 : vector<1x256x32xf32> to vector<256x32xf32>
    %swap3A_39 = vector.shape_cast %add3A_33 : vector<256x32xf32> to vector<1x256x32xf32>
    tpu.vector_store %arg6[%swap3A_34, %swap3A_35, %swap3A_36], %swap3A_39 {strides = array<i32>} : memref<48x256x64xf32, #tpu.memory_space<vmem>>, vector<1x256x32xf32>,
    %mul3A_40 = arith.mulf %slice3A_30, %get3A_20 : vector<256x32xf32>
    %mul3A_41 = arith.mulf %slice3A_29, %get3A_23 : vector<256x32xf32>
    %sub3A = arith.subf %mul3A_40, %mul3A_41 : vector<256x32xf32>
    %swap3A_42 = arith.constant 0 : index
    %swap3A_43 = arith.constant 0 : index
    %swap3A_44 = arith.constant 32 : index
    %swap3A_45 = vector.load %arg6[%swap3A_42, %swap3A_43, %swap3A_44] : memref<48x256x64xf32, #tpu.memory_space<vmem>>, vector<1x256x32xf32>
    %swap3A_46 = vector.shape_cast %swap3A_45 : vector<1x256x32xf32> to vector<256x32xf32>
    %swap3A_47 = vector.shape_cast %sub3A : vector<256x32xf32> to vector<1x256x32xf32>
    tpu.vector_store %arg6[%swap3A_42, %swap3A_43, %swap3A_44], %swap3A_47 {strides = array<i32>} : memref<48x256x64xf32, #tpu.memory_space<vmem>>, vector<1x256x32xf32>,
    %slice3A_48 = vector.extract_strided_slice %dot_general3A_17 {offsets = [0, 1024], sizes = [256, 32], strides = [1, 1]} : vector<256x3072xf32> to vector<256x32xf32>
    %slice3A_49 = vector.extract_strided_slice %dot_general3A_17 {offsets = [0, 1056], sizes = [256, 32], strides = [1, 1]} : vector<256x3072xf32> to vector<256x32xf32>
    %mul3A_50 = arith.mulf %slice3A_48, %get3A_20 : vector<256x32xf32>
    %mul3A_51 = arith.mulf %slice3A_49, %get3A_23 : vector<256x32xf32>
    %add3A_52 = arith.addf %mul3A_50, %mul3A_51 : vector<256x32xf32>
    %swap3A_53 = arith.constant 16 : index
    %swap3A_54 = arith.constant 0 : index
    %swap3A_55 = arith.constant 0 : index
    %swap3A_56 = vector.load %arg6[%swap3A_53, %swap3A_54, %swap3A_55] : memref<48x256x64xf32, #tpu.memory_space<vmem>>, vector<1x256x32xf32>
    %swap3A_57 = vector.shape_cast %swap3A_56 : vector<1x256x32xf32> to vector<256x32xf32>
    %swap3A_58 = vector.shape_cast %add3A_52 : vector<256x32xf32> to vector<1x256x32xf32>
    tpu.vector_store %arg6[%swap3A_53, %swap3A_54, %swap3A_55], %swap3A_58 {strides = array<i32>} : memref<48x256x64xf32, #tpu.memory_space<vmem>>, vector<1x256x32xf32>,
    %mul3A_59 = arith.mulf %slice3A_49, %get3A_20 : vector<256x32xf32>
    %mul3A_60 = arith.mulf %slice3A_48, %get3A_23 : vector<256x32xf32>
    %sub3A_61 = arith.subf %mul3A_59, %mul3A_60 : vector<256x32xf32>
    %swap3A_62 = arith.constant 16 : index
    %swap3A_63 = arith.constant 0 : index
    %swap3A_64 = arith.constant 32 : index
    %swap3A_65 = vector.load %arg6[%swap3A_62, %swap3A_63, %swap3A_64] : memref<48x256x64xf32, #tpu.memory_space<vmem>>, vector<1x256x32xf32>
    %swap3A_66 = vector.shape_cast %swap3A_65 : vector<1x256x32xf32> to vector<256x32xf32>
    %swap3A_67 = vector.shape_cast %sub3A_61 : vector<256x32xf32> to vector<1x256x32xf32>
    tpu.vector_store %arg6[%swap3A_62, %swap3A_63, %swap3A_64], %swap3A_67 {strides = array<i32>} : memref<48x256x64xf32, #tpu.memory_space<vmem>>, vector<1x256x32xf32>,
    %slice3A_68 = vector.extract_strided_slice %dot_general3A_17 {offsets = [0, 2112], sizes = [256, 64], strides = [1, 1]} : vector<256x3072xf32> to vector<256x64xf32>
    %swap3A_69 = arith.constant 33 : index
    %swap3A_70 = arith.constant 0 : index
    %swap3A_71 = arith.constant 0 : index
    %swap3A_72 = vector.load %arg6[%swap3A_69, %swap3A_70, %swap3A_71] : memref<48x256x64xf32, #tpu.memory_space<vmem>>, vector<1x256x64xf32>
    %swap3A_73 = vector.shape_cast %swap3A_72 : vector<1x256x64xf32> to vector<256x64xf32>
    %swap3A_74 = vector.shape_cast %slice3A_68 : vector<256x64xf32> to vector<1x256x64xf32>
    tpu.vector_store %arg6[%swap3A_69, %swap3A_70, %swap3A_71], %swap3A_74 {strides = array<i32>} : memref<48x256x64xf32, #tpu.memory_space<vmem>>, vector<1x256x64xf32>,
    %slice3A_75 = vector.extract_strided_slice %dot_general3A_17 {offsets = [0, 64], sizes = [256, 32], strides = [1, 1]} : vector<256x3072xf32> to vector<256x32xf32>
    %slice3A_76 = vector.extract_strided_slice %dot_general3A_17 {offsets = [0, 96], sizes = [256, 32], strides = [1, 1]} : vector<256x3072xf32> to vector<256x32xf32>
    %mul3A_77 = arith.mulf %slice3A_75, %get3A_20 : vector<256x32xf32>
    %mul3A_78 = arith.mulf %slice3A_76, %get3A_23 : vector<256x32xf32>
    %add3A_79 = arith.addf %mul3A_77, %mul3A_78 : vector<256x32xf32>
    %swap3A_80 = arith.constant 1 : index
    %swap3A_81 = arith.constant 0 : index
    %swap3A_82 = arith.constant 0 : index
    %swap3A_83 = vector.load %arg6[%swap3A_80, %swap3A_81, %swap3A_82] : memref<48x256x64xf32, #tpu.memory_space<vmem>>, vector<1x256x32xf32>
    %swap3A_84 = vector.shape_cast %swap3A_83 : vector<1x256x32xf32> to vector<256x32xf32>
    %swap3A_85 = vector.shape_cast %add3A_79 : vector<256x32xf32> to vector<1x256x32xf32>
    tpu.vector_store %arg6[%swap3A_80, %swap3A_81, %swap3A_82], %swap3A_85 {strides = array<i32>} : memref<48x256x64xf32, #tpu.memory_space<vmem>>, vector<1x256x32xf32>,
    %mul3A_86 = arith.mulf %slice3A_76, %get3A_20 : vector<256x32xf32>
    %mul3A_87 = arith.mulf %slice3A_75, %get3A_23 : vector<256x32xf32>
    %sub3A_88 = arith.subf %mul3A_86, %mul3A_87 : vector<256x32xf32>
    %swap3A_89 = arith.constant 1 : index
    %swap3A_90 = arith.constant 0 : index
    %swap3A_91 = arith.constant 32 : index
    %swap3A_92 = vector.load %arg6[%swap3A_89, %swap3A_90, %swap3A_91] : memref<48x256x64xf32, #tpu.memory_space<vmem>>, vector<1x256x32xf32>
    %swap3A_93 = vector.shape_cast %swap3A_92 : vector<1x256x32xf32> to vector<256x32xf32>
    %swap3A_94 = vector.shape_cast %sub3A_88 : vector<256x32xf32> to vector<1x256x32xf32>
    tpu.vector_store %arg6[%swap3A_89, %swap3A_90, %swap3A_91], %swap3A_94 {strides = array<i32>} : memref<48x256x64xf32, #tpu.memory_space<vmem>>, vector<1x256x32xf32>,
    %slice3A_95 = vector.extract_strided_slice %dot_general3A_17 {offsets = [0, 1088], sizes = [256, 32], strides = [1, 1]} : vector<256x3072xf32> to vector<256x32xf32>
    %slice3A_96 = vector.extract_strided_slice %dot_general3A_17 {offsets = [0, 1120], sizes = [256, 32], strides = [1, 1]} : vector<256x3072xf32> to vector<256x32xf32>
    %mul3A_97 = arith.mulf %slice3A_95, %get3A_20 : vector<256x32xf32>
    %mul3A_98 = arith.mulf %slice3A_96, %get3A_23 : vector<256x32xf32>
    %add3A_99 = arith.addf %mul3A_97, %mul3A_98 : vector<256x32xf32>
    %swap3A_100 = arith.constant 17 : index
    %swap3A_101 = arith.constant 0 : index
    %swap3A_102 = arith.constant 0 : index
    %swap3A_103 = vector.load %arg6[%swap3A_100, %swap3A_101, %swap3A_102] : memref<48x256x64xf32, #tpu.memory_space<vmem>>, vector<1x256x32xf32>
    %swap3A_104 = vector.shape_cast %swap3A_103 : vector<1x256x32xf32> to vector<256x32xf32>
    %swap3A_105 = vector.shape_cast %add3A_99 : vector<256x32xf32> to vector<1x256x32xf32>
    tpu.vector_store %arg6[%swap3A_100, %swap3A_101, %swap3A_102], %swap3A_105 {strides = array<i32>} : memref<48x256x64xf32, #tpu.memory_space<vmem>>, vector<1x256x32xf32>,
    %mul3A_106 = arith.mulf %slice3A_96, %get3A_20 : vector<256x32xf32>
    %mul3A_107 = arith.mulf %slice3A_95, %get3A_23 : vector<256x32xf32>
    %sub3A_108 = arith.subf %mul3A_106, %mul3A_107 : vector<256x32xf32>
    %swap3A_109 = arith.constant 17 : index
    %swap3A_110 = arith.constant 0 : index
    %swap3A_111 = arith.constant 32 : index
    %swap3A_112 = vector.load %arg6[%swap3A_109, %swap3A_110, %swap3A_111] : memref<48x256x64xf32, #tpu.memory_space<vmem>>, vector<1x256x32xf32>
    %swap3A_113 = vector.shape_cast %swap3A_112 : vector<1x256x32xf32> to vector<256x32xf32>
    %swap3A_114 = vector.shape_cast %sub3A_108 : vector<256x32xf32> to vector<1x256x32xf32>
    tpu.vector_store %arg6[%swap3A_109, %swap3A_110, %swap3A_111], %swap3A_114 {strides = array<i32>} : memref<48x256x64xf32, #tpu.memory_space<vmem>>, vector<1x256x32xf32>,
    %slice3A_115 = vector.extract_strided_slice %dot_general3A_17 {offsets = [0, 2176], sizes = [256, 64], strides = [1, 1]} : vector<256x3072xf32> to vector<256x64xf32>
    %swap3A_116 = arith.constant 34 : index
    %swap3A_117 = arith.constant 0 : index
    %swap3A_118 = arith.constant 0 : index
    %swap3A_119 = vector.load %arg6[%swap3A_116, %swap3A_117, %swap3A_118] : memref<48x256x64xf32, #tpu.memory_space<vmem>>, vector<1x256x64xf32>
    %swap3A_120 = vector.shape_cast %swap3A_119 : vector<1x256x64xf32> to vector<256x64xf32>
    %swap3A_121 = vector.shape_cast %slice3A_115 : vector<256x64xf32> to vector<1x256x64xf32>
    tpu.vector_store %arg6[%swap3A_116, %swap3A_117, %swap3A_118], %swap3A_121 {strides = array<i32>} : memref<48x256x64xf32, #tpu.memory_space<vmem>>, vector<1x256x64xf32>,
    %slice3A_122 = vector.extract_strided_slice %dot_general3A_17 {offsets = [0, 128], sizes = [256, 32], strides = [1, 1]} : vector<256x3072xf32> to vector<256x32xf32>
    %slice3A_123 = vector.extract_strided_slice %dot_general3A_17 {offsets = [0, 160], sizes = [256, 32], strides = [1, 1]} : vector<256x3072xf32> to vector<256x32xf32>
    %mul3A_124 = arith.mulf %slice3A_122, %get3A_20 : vector<256x32xf32>
    %mul3A_125 = arith.mulf %slice3A_123, %get3A_23 : vector<256x32xf32>
    %add3A_126 = arith.addf %mul3A_124, %mul3A_125 : vector<256x32xf32>
    %swap3A_127 = arith.constant 2 : index
    %swap3A_128 = arith.constant 0 : index
    %swap3A_129 = arith.constant 0 : index
    %swap3A_130 = vector.load %arg6[%swap3A_127, %swap3A_128, %swap3A_129] : memref<48x256x64xf32, #tpu.memory_space<vmem>>, vector<1x256x32xf32>
    %swap3A_131 = vector.shape_cast %swap3A_130 : vector<1x256x32xf32> to vector<256x32xf32>
    %swap3A_132 = vector.shape_cast %add3A_126 : vector<256x32xf32> to vector<1x256x32xf32>
    tpu.vector_store %arg6[%swap3A_127, %swap3A_128, %swap3A_129], %swap3A_132 {strides = array<i32>} : memref<48x256x64xf32, #tpu.memory_space<vmem>>, vector<1x256x32xf32>,
    %mul3A_133 = arith.mulf %slice3A_123, %get3A_20 : vector<256x32xf32>
    %mul3A_134 = arith.mulf %slice3A_122, %get3A_23 : vector<256x32xf32>
    %sub3A_135 = arith.subf %mul3A_133, %mul3A_134 : vector<256x32xf32>
    %swap3A_136 = arith.constant 2 : index
    %swap3A_137 = arith.constant 0 : index
    %swap3A_138 = arith.constant 32 : index
    %swap3A_139 = vector.load %arg6[%swap3A_136, %swap3A_137, %swap3A_138] : memref<48x256x64xf32, #tpu.memory_space<vmem>>, vector<1x256x32xf32>
    %swap3A_140 = vector.shape_cast %swap3A_139 : vector<1x256x32xf32> to vector<256x32xf32>
    %swap3A_141 = vector.shape_cast %sub3A_135 : vector<256x32xf32> to vector<1x256x32xf32>
    tpu.vector_store %arg6[%swap3A_136, %swap3A_137, %swap3A_138], %swap3A_141 {strides = array<i32>} : memref<48x256x64xf32, #tpu.memory_space<vmem>>, vector<1x256x32xf32>,
    %slice3A_142 = vector.extract_strided_slice %dot_general3A_17 {offsets = [0, 1152], sizes = [256, 32], strides = [1, 1]} : vector<256x3072xf32> to vector<256x32xf32>
    %slice3A_143 = vector.extract_strided_slice %dot_general3A_17 {offsets = [0, 1184], sizes = [256, 32], strides = [1, 1]} : vector<256x3072xf32> to vector<256x32xf32>
    %mul3A_144 = arith.mulf %slice3A_142, %get3A_20 : vector<256x32xf32>
    %mul3A_145 = arith.mulf %slice3A_143, %get3A_23 : vector<256x32xf32>
    %add3A_146 = arith.addf %mul3A_144, %mul3A_145 : vector<256x32xf32>
    %swap3A_147 = arith.constant 18 : index
    %swap3A_148 = arith.constant 0 : index
    %swap3A_149 = arith.constant 0 : index
    %swap3A_150 = vector.load %arg6[%swap3A_147, %swap3A_148, %swap3A_149] : memref<48x256x64xf32, #tpu.memory_space<vmem>>, vector<1x256x32xf32>
    %swap3A_151 = vector.shape_cast %swap3A_150 : vector<1x256x32xf32> to vector<256x32xf32>
    %swap3A_152 = vector.shape_cast %add3A_146 : vector<256x32xf32> to vector<1x256x32xf32>
    tpu.vector_store %arg6[%swap3A_147, %swap3A_148, %swap3A_149], %swap3A_152 {strides = array<i32>} : memref<48x256x64xf32, #tpu.memory_space<vmem>>, vector<1x256x32xf32>,
    %mul3A_153 = arith.mulf %slice3A_143, %get3A_20 : vector<256x32xf32>
    %mul3A_154 = arith.mulf %slice3A_142, %get3A_23 : vector<256x32xf32>
    %sub3A_155 = arith.subf %mul3A_153, %mul3A_154 : vector<256x32xf32>
    %swap3A_156 = arith.constant 18 : index
    %swap3A_157 = arith.constant 0 : index
    %swap3A_158 = arith.constant 32 : index
    %swap3A_159 = vector.load %arg6[%swap3A_156, %swap3A_157, %swap3A_158] : memref<48x256x64xf32, #tpu.memory_space<vmem>>, vector<1x256x32xf32>
    %swap3A_160 = vector.shape_cast %swap3A_159 : vector<1x256x32xf32> to vector<256x32xf32>
    %swap3A_161 = vector.shape_cast %sub3A_155 : vector<256x32xf32> to vector<1x256x32xf32>
    tpu.vector_store %arg6[%swap3A_156, %swap3A_157, %swap3A_158], %swap3A_161 {strides = array<i32>} : memref<48x256x64xf32, #tpu.memory_space<vmem>>, vector<1x256x32xf32>,
    %slice3A_162 = vector.extract_strided_slice %dot_general3A_17 {offsets = [0, 2240], sizes = [256, 64], strides = [1, 1]} : vector<256x3072xf32> to vector<256x64xf32>
    %swap3A_163 = arith.constant 35 : index
    %swap3A_164 = arith.constant 0 : index
    %swap3A_165 = arith.constant 0 : index
    %swap3A_166 = vector.load %arg6[%swap3A_163, %swap3A_164, %swap3A_165] : memref<48x256x64xf32, #tpu.memory_space<vmem>>, vector<1x256x64xf32>
    %swap3A_167 = vector.shape_cast %swap3A_166 : vector<1x256x64xf32> to vector<256x64xf32>
    %swap3A_168 = vector.shape_cast %slice3A_162 : vector<256x64xf32> to vector<1x256x64xf32>
    tpu.vector_store %arg6[%swap3A_163, %swap3A_164, %swap3A_165], %swap3A_168 {strides = array<i32>} : memref<48x256x64xf32, #tpu.memory_space<vmem>>, vector<1x256x64xf32>,
    %slice3A_169 = vector.extract_strided_slice %dot_general3A_17 {offsets = [0, 192], sizes = [256, 32], strides = [1, 1]} : vector<256x3072xf32> to vector<256x32xf32>
    %slice3A_170 = vector.extract_strided_slice %dot_general3A_17 {offsets = [0, 224], sizes = [256, 32], strides = [1, 1]} : vector<256x3072xf32> to vector<256x32xf32>
    %mul3A_171 = arith.mulf %slice3A_169, %get3A_20 : vector<256x32xf32>
    %mul3A_172 = arith.mulf %slice3A_170, %get3A_23 : vector<256x32xf32>
    %add3A_173 = arith.addf %mul3A_171, %mul3A_172 : vector<256x32xf32>
    %swap3A_174 = arith.constant 3 : index
    %swap3A_175 = arith.constant 0 : index
    %swap3A_176 = arith.constant 0 : index
    %swap3A_177 = vector.load %arg6[%swap3A_174, %swap3A_175, %swap3A_176] : memref<48x256x64xf32, #tpu.memory_space<vmem>>, vector<1x256x32xf32>
    %swap3A_178 = vector.shape_cast %swap3A_177 : vector<1x256x32xf32> to vector<256x32xf32>
    %swap3A_179 = vector.shape_cast %add3A_173 : vector<256x32xf32> to vector<1x256x32xf32>
    tpu.vector_store %arg6[%swap3A_174, %swap3A_175, %swap3A_176], %swap3A_179 {strides = array<i32>} : memref<48x256x64xf32, #tpu.memory_space<vmem>>, vector<1x256x32xf32>,
    %mul3A_180 = arith.mulf %slice3A_170, %get3A_20 : vector<256x32xf32>
    %mul3A_181 = arith.mulf %slice3A_169, %get3A_23 : vector<256x32xf32>
    %sub3A_182 = arith.subf %mul3A_180, %mul3A_181 : vector<256x32xf32>
    %swap3A_183 = arith.constant 3 : index
    %swap3A_184 = arith.constant 0 : index
    %swap3A_185 = arith.constant 32 : index
    %swap3A_186 = vector.load %arg6[%swap3A_183, %swap3A_184, %swap3A_185] : memref<48x256x64xf32, #tpu.memory_space<vmem>>, vector<1x256x32xf32>
    %swap3A_187 = vector.shape_cast %swap3A_186 : vector<1x256x32xf32> to vector<256x32xf32>
    %swap3A_188 = vector.shape_cast %sub3A_182 : vector<256x32xf32> to vector<1x256x32xf32>
    tpu.vector_store %arg6[%swap3A_183, %swap3A_184, %swap3A_185], %swap3A_188 {strides = array<i32>} : memref<48x256x64xf32, #tpu.memory_space<vmem>>, vector<1x256x32xf32>,
    %slice3A_189 = vector.extract_strided_slice %dot_general3A_17 {offsets = [0, 1216], sizes = [256, 32], strides = [1, 1]} : vector<256x3072xf32> to vector<256x32xf32>
    %slice3A_190 = vector.extract_strided_slice %dot_general3A_17 {offsets = [0, 1248], sizes = [256, 32], strides = [1, 1]} : vector<256x3072xf32> to vector<256x32xf32>
    %mul3A_191 = arith.mulf %slice3A_189, %get3A_20 : vector<256x32xf32>
    %mul3A_192 = arith.mulf %slice3A_190, %get3A_23 : vector<256x32xf32>
    %add3A_193 = arith.addf %mul3A_191, %mul3A_192 : vector<256x32xf32>
    %swap3A_194 = arith.constant 19 : index
    %swap3A_195 = arith.constant 0 : index
    %swap3A_196 = arith.constant 0 : index
    %swap3A_197 = vector.load %arg6[%swap3A_194, %swap3A_195, %swap3A_196] : memref<48x256x64xf32, #tpu.memory_space<vmem>>, vector<1x256x32xf32>
    %swap3A_198 = vector.shape_cast %swap3A_197 : vector<1x256x32xf32> to vector<256x32xf32>
    %swap3A_199 = vector.shape_cast %add3A_193 : vector<256x32xf32> to vector<1x256x32xf32>
    tpu.vector_store %arg6[%swap3A_194, %swap3A_195, %swap3A_196], %swap3A_199 {strides = array<i32>} : memref<48x256x64xf32, #tpu.memory_space<vmem>>, vector<1x256x32xf32>,
    %mul3A_200 = arith.mulf %slice3A_190, %get3A_20 : vector<256x32xf32>
    %mul3A_201 = arith.mulf %slice3A_189, %get3A_23 : vector<256x32xf32>
    %sub3A_202 = arith.subf %mul3A_200, %mul3A_201 : vector<256x32xf32>
    %swap3A_203 = arith.constant 19 : index
    %swap3A_204 = arith.constant 0 : index
    %swap3A_205 = arith.constant 32 : index
    %swap3A_206 = vector.load %arg6[%swap3A_203, %swap3A_204, %swap3A_205] : memref<48x256x64xf32, #tpu.memory_space<vmem>>, vector<1x256x32xf32>
    %swap3A_207 = vector.shape_cast %swap3A_206 : vector<1x256x32xf32> to vector<256x32xf32>
    %swap3A_208 = vector.shape_cast %sub3A_202 : vector<256x32xf32> to vector<1x256x32xf32>
    tpu.vector_store %arg6[%swap3A_203, %swap3A_204, %swap3A_205], %swap3A_208 {strides = array<i32>} : memref<48x256x64xf32, #tpu.memory_space<vmem>>, vector<1x256x32xf32>,
    %slice3A_209 = vector.extract_strided_slice %dot_general3A_17 {offsets = [0, 2304], sizes = [256, 64], strides = [1, 1]} : vector<256x3072xf32> to vector<256x64xf32>
    %swap3A_210 = arith.constant 36 : index
    %swap3A_211 = arith.constant 0 : index
    %swap3A_212 = arith.constant 0 : index
    %swap3A_213 = vector.load %arg6[%swap3A_210, %swap3A_211, %swap3A_212] : memref<48x256x64xf32, #tpu.memory_space<vmem>>, vector<1x256x64xf32>
    %swap3A_214 = vector.shape_cast %swap3A_213 : vector<1x256x64xf32> to vector<256x64xf32>
    %swap3A_215 = vector.shape_cast %slice3A_209 : vector<256x64xf32> to vector<1x256x64xf32>
    tpu.vector_store %arg6[%swap3A_210, %swap3A_211, %swap3A_212], %swap3A_215 {strides = array<i32>} : memref<48x256x64xf32, #tpu.memory_space<vmem>>, vector<1x256x64xf32>,
    %slice3A_216 = vector.extract_strided_slice %dot_general3A_17 {offsets = [0, 256], sizes = [256, 32], strides = [1, 1]} : vector<256x3072xf32> to vector<256x32xf32>
    %slice3A_217 = vector.extract_strided_slice %dot_general3A_17 {offsets = [0, 288], sizes = [256, 32], strides = [1, 1]} : vector<256x3072xf32> to vector<256x32xf32>
    %mul3A_218 = arith.mulf %slice3A_216, %get3A_20 : vector<256x32xf32>
    %mul3A_219 = arith.mulf %slice3A_217, %get3A_23 : vector<256x32xf32>
    %add3A_220 = arith.addf %mul3A_218, %mul3A_219 : vector<256x32xf32>
    %swap3A_221 = arith.constant 4 : index
    %swap3A_222 = arith.constant 0 : index
    %swap3A_223 = arith.constant 0 : index
    %swap3A_224 = vector.load %arg6[%swap3A_221, %swap3A_222, %swap3A_223] : memref<48x256x64xf32, #tpu.memory_space<vmem>>, vector<1x256x32xf32>
    %swap3A_225 = vector.shape_cast %swap3A_224 : vector<1x256x32xf32> to vector<256x32xf32>
    %swap3A_226 = vector.shape_cast %add3A_220 : vector<256x32xf32> to vector<1x256x32xf32>
    tpu.vector_store %arg6[%swap3A_221, %swap3A_222, %swap3A_223], %swap3A_226 {strides = array<i32>} : memref<48x256x64xf32, #tpu.memory_space<vmem>>, vector<1x256x32xf32>,
    %mul3A_227 = arith.mulf %slice3A_217, %get3A_20 : vector<256x32xf32>
    %mul3A_228 = arith.mulf %slice3A_216, %get3A_23 : vector<256x32xf32>
    %sub3A_229 = arith.subf %mul3A_227, %mul3A_228 : vector<256x32xf32>
    %swap3A_230 = arith.constant 4 : index
    %swap3A_231 = arith.constant 0 : index
    %swap3A_232 = arith.constant 32 : index
    %swap3A_233 = vector.load %arg6[%swap3A_230, %swap3A_231, %swap3A_232] : memref<48x256x64xf32, #tpu.memory_space<vmem>>, vector<1x256x32xf32>
    %swap3A_234 = vector.shape_cast %swap3A_233 : vector<1x256x32xf32> to vector<256x32xf32>
    %swap3A_235 = vector.shape_cast %sub3A_229 : vector<256x32xf32> to vector<1x256x32xf32>
    tpu.vector_store %arg6[%swap3A_230, %swap3A_231, %swap3A_232], %swap3A_235 {strides = array<i32>} : memref<48x256x64xf32, #tpu.memory_space<vmem>>, vector<1x256x32xf32>,
    %slice3A_236 = vector.extract_strided_slice %dot_general3A_17 {offsets = [0, 1280], sizes = [256, 32], strides = [1, 1]} : vector<256x3072xf32> to vector<256x32xf32>
    %slice3A_237 = vector.extract_strided_slice %dot_general3A_17 {offsets = [0, 1312], sizes = [256, 32], strides = [1, 1]} : vector<256x3072xf32> to vector<256x32xf32>
    %mul3A_238 = arith.mulf %slice3A_236, %get3A_20 : vector<256x32xf32>
    %mul3A_239 = arith.mulf %slice3A_237, %get3A_23 : vector<256x32xf32>
    %add3A_240 = arith.addf %mul3A_238, %mul3A_239 : vector<256x32xf32>
    %swap3A_241 = arith.constant 20 : index
    %swap3A_242 = arith.constant 0 : index
    %swap3A_243 = arith.constant 0 : index
    %swap3A_244 = vector.load %arg6[%swap3A_241, %swap3A_242, %swap3A_243] : memref<48x256x64xf32, #tpu.memory_space<vmem>>, vector<1x256x32xf32>
    %swap3A_245 = vector.shape_cast %swap3A_244 : vector<1x256x32xf32> to vector<256x32xf32>
    %swap3A_246 = vector.shape_cast %add3A_240 : vector<256x32xf32> to vector<1x256x32xf32>
    tpu.vector_store %arg6[%swap3A_241, %swap3A_242, %swap3A_243], %swap3A_246 {strides = array<i32>} : memref<48x256x64xf32, #tpu.memory_space<vmem>>, vector<1x256x32xf32>,
    %mul3A_247 = arith.mulf %slice3A_237, %get3A_20 : vector<256x32xf32>
    %mul3A_248 = arith.mulf %slice3A_236, %get3A_23 : vector<256x32xf32>
    %sub3A_249 = arith.subf %mul3A_247, %mul3A_248 : vector<256x32xf32>
    %swap3A_250 = arith.constant 20 : index
    %swap3A_251 = arith.constant 0 : index
    %swap3A_252 = arith.constant 32 : index
    %swap3A_253 = vector.load %arg6[%swap3A_250, %swap3A_251, %swap3A_252] : memref<48x256x64xf32, #tpu.memory_space<vmem>>, vector<1x256x32xf32>
    %swap3A_254 = vector.shape_cast %swap3A_253 : vector<1x256x32xf32> to vector<256x32xf32>
    %swap3A_255 = vector.shape_cast %sub3A_249 : vector<256x32xf32> to vector<1x256x32xf32>
    tpu.vector_store %arg6[%swap3A_250, %swap3A_251, %swap3A_252], %swap3A_255 {strides = array<i32>} : memref<48x256x64xf32, #tpu.memory_space<vmem>>, vector<1x256x32xf32>,
    %slice3A_256 = vector.extract_strided_slice %dot_general3A_17 {offsets = [0, 2368], sizes = [256, 64], strides = [1, 1]} : vector<256x3072xf32> to vector<256x64xf32>
    %swap3A_257 = arith.constant 37 : index
    %swap3A_258 = arith.constant 0 : index
    %swap3A_259 = arith.constant 0 : index
    %swap3A_260 = vector.load %arg6[%swap3A_257, %swap3A_258, %swap3A_259] : memref<48x256x64xf32, #tpu.memory_space<vmem>>, vector<1x256x64xf32>
    %swap3A_261 = vector.shape_cast %swap3A_260 : vector<1x256x64xf32> to vector<256x64xf32>
    %swap3A_262 = vector.shape_cast %slice3A_256 : vector<256x64xf32> to vector<1x256x64xf32>
    tpu.vector_store %arg6[%swap3A_257, %swap3A_258, %swap3A_259], %swap3A_262 {strides = array<i32>} : memref<48x256x64xf32, #tpu.memory_space<vmem>>, vector<1x256x64xf32>,
    %slice3A_263 = vector.extract_strided_slice %dot_general3A_17 {offsets = [0, 320], sizes = [256, 32], strides = [1, 1]} : vector<256x3072xf32> to vector<256x32xf32>
    %slice3A_264 = vector.extract_strided_slice %dot_general3A_17 {offsets = [0, 352], sizes = [256, 32], strides = [1, 1]} : vector<256x3072xf32> to vector<256x32xf32>
    %mul3A_265 = arith.mulf %slice3A_263, %get3A_20 : vector<256x32xf32>
    %mul3A_266 = arith.mulf %slice3A_264, %get3A_23 : vector<256x32xf32>
    %add3A_267 = arith.addf %mul3A_265, %mul3A_266 : vector<256x32xf32>
    %swap3A_268 = arith.constant 5 : index
    %swap3A_269 = arith.constant 0 : index
    %swap3A_270 = arith.constant 0 : index
    %swap3A_271 = vector.load %arg6[%swap3A_268, %swap3A_269, %swap3A_270] : memref<48x256x64xf32, #tpu.memory_space<vmem>>, vector<1x256x32xf32>
    %swap3A_272 = vector.shape_cast %swap3A_271 : vector<1x256x32xf32> to vector<256x32xf32>
    %swap3A_273 = vector.shape_cast %add3A_267 : vector<256x32xf32> to vector<1x256x32xf32>
    tpu.vector_store %arg6[%swap3A_268, %swap3A_269, %swap3A_270], %swap3A_273 {strides = array<i32>} : memref<48x256x64xf32, #tpu.memory_space<vmem>>, vector<1x256x32xf32>,
    %mul3A_274 = arith.mulf %slice3A_264, %get3A_20 : vector<256x32xf32>
    %mul3A_275 = arith.mulf %slice3A_263, %get3A_23 : vector<256x32xf32>
    %sub3A_276 = arith.subf %mul3A_274, %mul3A_275 : vector<256x32xf32>
    %swap3A_277 = arith.constant 5 : index
    %swap3A_278 = arith.constant 0 : index
    %swap3A_279 = arith.constant 32 : index
    %swap3A_280 = vector.load %arg6[%swap3A_277, %swap3A_278, %swap3A_279] : memref<48x256x64xf32, #tpu.memory_space<vmem>>, vector<1x256x32xf32>
    %swap3A_281 = vector.shape_cast %swap3A_280 : vector<1x256x32xf32> to vector<256x32xf32>
    %swap3A_282 = vector.shape_cast %sub3A_276 : vector<256x32xf32> to vector<1x256x32xf32>
    tpu.vector_store %arg6[%swap3A_277, %swap3A_278, %swap3A_279], %swap3A_282 {strides = array<i32>} : memref<48x256x64xf32, #tpu.memory_space<vmem>>, vector<1x256x32xf32>,
    %slice3A_283 = vector.extract_strided_slice %dot_general3A_17 {offsets = [0, 1344], sizes = [256, 32], strides = [1, 1]} : vector<256x3072xf32> to vector<256x32xf32>
    %slice3A_284 = vector.extract_strided_slice %dot_general3A_17 {offsets = [0, 1376], sizes = [256, 32], strides = [1, 1]} : vector<256x3072xf32> to vector<256x32xf32>
    %mul3A_285 = arith.mulf %slice3A_283, %get3A_20 : vector<256x32xf32>
    %mul3A_286 = arith.mulf %slice3A_284, %get3A_23 : vector<256x32xf32>
    %add3A_287 = arith.addf %mul3A_285, %mul3A_286 : vector<256x32xf32>
    %swap3A_288 = arith.constant 21 : index
    %swap3A_289 = arith.constant 0 : index
    %swap3A_290 = arith.constant 0 : index
    %swap3A_291 = vector.load %arg6[%swap3A_288, %swap3A_289, %swap3A_290] : memref<48x256x64xf32, #tpu.memory_space<vmem>>, vector<1x256x32xf32>
    %swap3A_292 = vector.shape_cast %swap3A_291 : vector<1x256x32xf32> to vector<256x32xf32>
    %swap3A_293 = vector.shape_cast %add3A_287 : vector<256x32xf32> to vector<1x256x32xf32>
    tpu.vector_store %arg6[%swap3A_288, %swap3A_289, %swap3A_290], %swap3A_293 {strides = array<i32>} : memref<48x256x64xf32, #tpu.memory_space<vmem>>, vector<1x256x32xf32>,
    %mul3A_294 = arith.mulf %slice3A_284, %get3A_20 : vector<256x32xf32>
    %mul3A_295 = arith.mulf %slice3A_283, %get3A_23 : vector<256x32xf32>
    %sub3A_296 = arith.subf %mul3A_294, %mul3A_295 : vector<256x32xf32>
    %swap3A_297 = arith.constant 21 : index
    %swap3A_298 = arith.constant 0 : index
    %swap3A_299 = arith.constant 32 : index
    %swap3A_300 = vector.load %arg6[%swap3A_297, %swap3A_298, %swap3A_299] : memref<48x256x64xf32, #tpu.memory_space<vmem>>, vector<1x256x32xf32>
    %swap3A_301 = vector.shape_cast %swap3A_300 : vector<1x256x32xf32> to vector<256x32xf32>
    %swap3A_302 = vector.shape_cast %sub3A_296 : vector<256x32xf32> to vector<1x256x32xf32>
    tpu.vector_store %arg6[%swap3A_297, %swap3A_298, %swap3A_299], %swap3A_302 {strides = array<i32>} : memref<48x256x64xf32, #tpu.memory_space<vmem>>, vector<1x256x32xf32>,
    %slice3A_303 = vector.extract_strided_slice %dot_general3A_17 {offsets = [0, 2432], sizes = [256, 64], strides = [1, 1]} : vector<256x3072xf32> to vector<256x64xf32>
    %swap3A_304 = arith.constant 38 : index
    %swap3A_305 = arith.constant 0 : index
    %swap3A_306 = arith.constant 0 : index
    %swap3A_307 = vector.load %arg6[%swap3A_304, %swap3A_305, %swap3A_306] : memref<48x256x64xf32, #tpu.memory_space<vmem>>, vector<1x256x64xf32>
    %swap3A_308 = vector.shape_cast %swap3A_307 : vector<1x256x64xf32> to vector<256x64xf32>
    %swap3A_309 = vector.shape_cast %slice3A_303 : vector<256x64xf32> to vector<1x256x64xf32>
    tpu.vector_store %arg6[%swap3A_304, %swap3A_305, %swap3A_306], %swap3A_309 {strides = array<i32>} : memref<48x256x64xf32, #tpu.memory_space<vmem>>, vector<1x256x64xf32>,
    %slice3A_310 = vector.extract_strided_slice %dot_general3A_17 {offsets = [0, 384], sizes = [256, 32], strides = [1, 1]} : vector<256x3072xf32> to vector<256x32xf32>
    %slice3A_311 = vector.extract_strided_slice %dot_general3A_17 {offsets = [0, 416], sizes = [256, 32], strides = [1, 1]} : vector<256x3072xf32> to vector<256x32xf32>
    %mul3A_312 = arith.mulf %slice3A_310, %get3A_20 : vector<256x32xf32>
    %mul3A_313 = arith.mulf %slice3A_311, %get3A_23 : vector<256x32xf32>
    %add3A_314 = arith.addf %mul3A_312, %mul3A_313 : vector<256x32xf32>
    %swap3A_315 = arith.constant 6 : index
    %swap3A_316 = arith.constant 0 : index
    %swap3A_317 = arith.constant 0 : index
    %swap3A_318 = vector.load %arg6[%swap3A_315, %swap3A_316, %swap3A_317] : memref<48x256x64xf32, #tpu.memory_space<vmem>>, vector<1x256x32xf32>
    %swap3A_319 = vector.shape_cast %swap3A_318 : vector<1x256x32xf32> to vector<256x32xf32>
    %swap3A_320 = vector.shape_cast %add3A_314 : vector<256x32xf32> to vector<1x256x32xf32>
    tpu.vector_store %arg6[%swap3A_315, %swap3A_316, %swap3A_317], %swap3A_320 {strides = array<i32>} : memref<48x256x64xf32, #tpu.memory_space<vmem>>, vector<1x256x32xf32>,
    %mul3A_321 = arith.mulf %slice3A_311, %get3A_20 : vector<256x32xf32>
    %mul3A_322 = arith.mulf %slice3A_310, %get3A_23 : vector<256x32xf32>
    %sub3A_323 = arith.subf %mul3A_321, %mul3A_322 : vector<256x32xf32>
    %swap3A_324 = arith.constant 6 : index
    %swap3A_325 = arith.constant 0 : index
    %swap3A_326 = arith.constant 32 : index
    %swap3A_327 = vector.load %arg6[%swap3A_324, %swap3A_325, %swap3A_326] : memref<48x256x64xf32, #tpu.memory_space<vmem>>, vector<1x256x32xf32>
    %swap3A_328 = vector.shape_cast %swap3A_327 : vector<1x256x32xf32> to vector<256x32xf32>
    %swap3A_329 = vector.shape_cast %sub3A_323 : vector<256x32xf32> to vector<1x256x32xf32>
    tpu.vector_store %arg6[%swap3A_324, %swap3A_325, %swap3A_326], %swap3A_329 {strides = array<i32>} : memref<48x256x64xf32, #tpu.memory_space<vmem>>, vector<1x256x32xf32>,
    %slice3A_330 = vector.extract_strided_slice %dot_general3A_17 {offsets = [0, 1408], sizes = [256, 32], strides = [1, 1]} : vector<256x3072xf32> to vector<256x32xf32>
    %slice3A_331 = vector.extract_strided_slice %dot_general3A_17 {offsets = [0, 1440], sizes = [256, 32], strides = [1, 1]} : vector<256x3072xf32> to vector<256x32xf32>
    %mul3A_332 = arith.mulf %slice3A_330, %get3A_20 : vector<256x32xf32>
    %mul3A_333 = arith.mulf %slice3A_331, %get3A_23 : vector<256x32xf32>
    %add3A_334 = arith.addf %mul3A_332, %mul3A_333 : vector<256x32xf32>
    %swap3A_335 = arith.constant 22 : index
    %swap3A_336 = arith.constant 0 : index
    %swap3A_337 = arith.constant 0 : index
    %swap3A_338 = vector.load %arg6[%swap3A_335, %swap3A_336, %swap3A_337] : memref<48x256x64xf32, #tpu.memory_space<vmem>>, vector<1x256x32xf32>
    %swap3A_339 = vector.shape_cast %swap3A_338 : vector<1x256x32xf32> to vector<256x32xf32>
    %swap3A_340 = vector.shape_cast %add3A_334 : vector<256x32xf32> to vector<1x256x32xf32>
    tpu.vector_store %arg6[%swap3A_335, %swap3A_336, %swap3A_337], %swap3A_340 {strides = array<i32>} : memref<48x256x64xf32, #tpu.memory_space<vmem>>, vector<1x256x32xf32>,
    %mul3A_341 = arith.mulf %slice3A_331, %get3A_20 : vector<256x32xf32>
    %mul3A_342 = arith.mulf %slice3A_330, %get3A_23 : vector<256x32xf32>
    %sub3A_343 = arith.subf %mul3A_341, %mul3A_342 : vector<256x32xf32>
    %swap3A_344 = arith.constant 22 : index
    %swap3A_345 = arith.constant 0 : index
    %swap3A_346 = arith.constant 32 : index
    %swap3A_347 = vector.load %arg6[%swap3A_344, %swap3A_345, %swap3A_346] : memref<48x256x64xf32, #tpu.memory_space<vmem>>, vector<1x256x32xf32>
    %swap3A_348 = vector.shape_cast %swap3A_347 : vector<1x256x32xf32> to vector<256x32xf32>
    %swap3A_349 = vector.shape_cast %sub3A_343 : vector<256x32xf32> to vector<1x256x32xf32>
    tpu.vector_store %arg6[%swap3A_344, %swap3A_345, %swap3A_346], %swap3A_349 {strides = array<i32>} : memref<48x256x64xf32, #tpu.memory_space<vmem>>, vector<1x256x32xf32>,
    %slice3A_350 = vector.extract_strided_slice %dot_general3A_17 {offsets = [0, 2496], sizes = [256, 64], strides = [1, 1]} : vector<256x3072xf32> to vector<256x64xf32>
    %swap3A_351 = arith.constant 39 : index
    %swap3A_352 = arith.constant 0 : index
    %swap3A_353 = arith.constant 0 : index
    %swap3A_354 = vector.load %arg6[%swap3A_351, %swap3A_352, %swap3A_353] : memref<48x256x64xf32, #tpu.memory_space<vmem>>, vector<1x256x64xf32>
    %swap3A_355 = vector.shape_cast %swap3A_354 : vector<1x256x64xf32> to vector<256x64xf32>
    %swap3A_356 = vector.shape_cast %slice3A_350 : vector<256x64xf32> to vector<1x256x64xf32>
    tpu.vector_store %arg6[%swap3A_351, %swap3A_352, %swap3A_353], %swap3A_356 {strides = array<i32>} : memref<48x256x64xf32, #tpu.memory_space<vmem>>, vector<1x256x64xf32>,
    %slice3A_357 = vector.extract_strided_slice %dot_general3A_17 {offsets = [0, 448], sizes = [256, 32], strides = [1, 1]} : vector<256x3072xf32> to vector<256x32xf32>
    %slice3A_358 = vector.extract_strided_slice %dot_general3A_17 {offsets = [0, 480], sizes = [256, 32], strides = [1, 1]} : vector<256x3072xf32> to vector<256x32xf32>
    %mul3A_359 = arith.mulf %slice3A_357, %get3A_20 : vector<256x32xf32>
    %mul3A_360 = arith.mulf %slice3A_358, %get3A_23 : vector<256x32xf32>
    %add3A_361 = arith.addf %mul3A_359, %mul3A_360 : vector<256x32xf32>
    %swap3A_362 = arith.constant 7 : index
    %swap3A_363 = arith.constant 0 : index
    %swap3A_364 = arith.constant 0 : index
    %swap3A_365 = vector.load %arg6[%swap3A_362, %swap3A_363, %swap3A_364] : memref<48x256x64xf32, #tpu.memory_space<vmem>>, vector<1x256x32xf32>
    %swap3A_366 = vector.shape_cast %swap3A_365 : vector<1x256x32xf32> to vector<256x32xf32>
    %swap3A_367 = vector.shape_cast %add3A_361 : vector<256x32xf32> to vector<1x256x32xf32>
    tpu.vector_store %arg6[%swap3A_362, %swap3A_363, %swap3A_364], %swap3A_367 {strides = array<i32>} : memref<48x256x64xf32, #tpu.memory_space<vmem>>, vector<1x256x32xf32>,
    %mul3A_368 = arith.mulf %slice3A_358, %get3A_20 : vector<256x32xf32>
    %mul3A_369 = arith.mulf %slice3A_357, %get3A_23 : vector<256x32xf32>
    %sub3A_370 = arith.subf %mul3A_368, %mul3A_369 : vector<256x32xf32>
    %swap3A_371 = arith.constant 7 : index
    %swap3A_372 = arith.constant 0 : index
    %swap3A_373 = arith.constant 32 : index
    %swap3A_374 = vector.load %arg6[%swap3A_371, %swap3A_372, %swap3A_373] : memref<48x256x64xf32, #tpu.memory_space<vmem>>, vector<1x256x32xf32>
    %swap3A_375 = vector.shape_cast %swap3A_374 : vector<1x256x32xf32> to vector<256x32xf32>
    %swap3A_376 = vector.shape_cast %sub3A_370 : vector<256x32xf32> to vector<1x256x32xf32>
    tpu.vector_store %arg6[%swap3A_371, %swap3A_372, %swap3A_373], %swap3A_376 {strides = array<i32>} : memref<48x256x64xf32, #tpu.memory_space<vmem>>, vector<1x256x32xf32>,
    %slice3A_377 = vector.extract_strided_slice %dot_general3A_17 {offsets = [0, 1472], sizes = [256, 32], strides = [1, 1]} : vector<256x3072xf32> to vector<256x32xf32>
    %slice3A_378 = vector.extract_strided_slice %dot_general3A_17 {offsets = [0, 1504], sizes = [256, 32], strides = [1, 1]} : vector<256x3072xf32> to vector<256x32xf32>
    %mul3A_379 = arith.mulf %slice3A_377, %get3A_20 : vector<256x32xf32>
    %mul3A_380 = arith.mulf %slice3A_378, %get3A_23 : vector<256x32xf32>
    %add3A_381 = arith.addf %mul3A_379, %mul3A_380 : vector<256x32xf32>
    %swap3A_382 = arith.constant 23 : index
    %swap3A_383 = arith.constant 0 : index
    %swap3A_384 = arith.constant 0 : index
    %swap3A_385 = vector.load %arg6[%swap3A_382, %swap3A_383, %swap3A_384] : memref<48x256x64xf32, #tpu.memory_space<vmem>>, vector<1x256x32xf32>
    %swap3A_386 = vector.shape_cast %swap3A_385 : vector<1x256x32xf32> to vector<256x32xf32>
    %swap3A_387 = vector.shape_cast %add3A_381 : vector<256x32xf32> to vector<1x256x32xf32>
    tpu.vector_store %arg6[%swap3A_382, %swap3A_383, %swap3A_384], %swap3A_387 {strides = array<i32>} : memref<48x256x64xf32, #tpu.memory_space<vmem>>, vector<1x256x32xf32>,
    %mul3A_388 = arith.mulf %slice3A_378, %get3A_20 : vector<256x32xf32>
    %mul3A_389 = arith.mulf %slice3A_377, %get3A_23 : vector<256x32xf32>
    %sub3A_390 = arith.subf %mul3A_388, %mul3A_389 : vector<256x32xf32>
    %swap3A_391 = arith.constant 23 : index
    %swap3A_392 = arith.constant 0 : index
    %swap3A_393 = arith.constant 32 : index
    %swap3A_394 = vector.load %arg6[%swap3A_391, %swap3A_392, %swap3A_393] : memref<48x256x64xf32, #tpu.memory_space<vmem>>, vector<1x256x32xf32>
    %swap3A_395 = vector.shape_cast %swap3A_394 : vector<1x256x32xf32> to vector<256x32xf32>
    %swap3A_396 = vector.shape_cast %sub3A_390 : vector<256x32xf32> to vector<1x256x32xf32>
    tpu.vector_store %arg6[%swap3A_391, %swap3A_392, %swap3A_393], %swap3A_396 {strides = array<i32>} : memref<48x256x64xf32, #tpu.memory_space<vmem>>, vector<1x256x32xf32>,
    %slice3A_397 = vector.extract_strided_slice %dot_general3A_17 {offsets = [0, 2560], sizes = [256, 64], strides = [1, 1]} : vector<256x3072xf32> to vector<256x64xf32>
    %swap3A_398 = arith.constant 40 : index
    %swap3A_399 = arith.constant 0 : index
    %swap3A_400 = arith.constant 0 : index
    %swap3A_401 = vector.load %arg6[%swap3A_398, %swap3A_399, %swap3A_400] : memref<48x256x64xf32, #tpu.memory_space<vmem>>, vector<1x256x64xf32>
    %swap3A_402 = vector.shape_cast %swap3A_401 : vector<1x256x64xf32> to vector<256x64xf32>
    %swap3A_403 = vector.shape_cast %slice3A_397 : vector<256x64xf32> to vector<1x256x64xf32>
    tpu.vector_store %arg6[%swap3A_398, %swap3A_399, %swap3A_400], %swap3A_403 {strides = array<i32>} : memref<48x256x64xf32, #tpu.memory_space<vmem>>, vector<1x256x64xf32>,
    %slice3A_404 = vector.extract_strided_slice %dot_general3A_17 {offsets = [0, 512], sizes = [256, 32], strides = [1, 1]} : vector<256x3072xf32> to vector<256x32xf32>
    %slice3A_405 = vector.extract_strided_slice %dot_general3A_17 {offsets = [0, 544], sizes = [256, 32], strides = [1, 1]} : vector<256x3072xf32> to vector<256x32xf32>
    %mul3A_406 = arith.mulf %slice3A_404, %get3A_20 : vector<256x32xf32>
    %mul3A_407 = arith.mulf %slice3A_405, %get3A_23 : vector<256x32xf32>
    %add3A_408 = arith.addf %mul3A_406, %mul3A_407 : vector<256x32xf32>
    %swap3A_409 = arith.constant 8 : index
    %swap3A_410 = arith.constant 0 : index
    %swap3A_411 = arith.constant 0 : index
    %swap3A_412 = vector.load %arg6[%swap3A_409, %swap3A_410, %swap3A_411] : memref<48x256x64xf32, #tpu.memory_space<vmem>>, vector<1x256x32xf32>
    %swap3A_413 = vector.shape_cast %swap3A_412 : vector<1x256x32xf32> to vector<256x32xf32>
    %swap3A_414 = vector.shape_cast %add3A_408 : vector<256x32xf32> to vector<1x256x32xf32>
    tpu.vector_store %arg6[%swap3A_409, %swap3A_410, %swap3A_411], %swap3A_414 {strides = array<i32>} : memref<48x256x64xf32, #tpu.memory_space<vmem>>, vector<1x256x32xf32>,
    %mul3A_415 = arith.mulf %slice3A_405, %get3A_20 : vector<256x32xf32>
    %mul3A_416 = arith.mulf %slice3A_404, %get3A_23 : vector<256x32xf32>
    %sub3A_417 = arith.subf %mul3A_415, %mul3A_416 : vector<256x32xf32>
    %swap3A_418 = arith.constant 8 : index
    %swap3A_419 = arith.constant 0 : index
    %swap3A_420 = arith.constant 32 : index
    %swap3A_421 = vector.load %arg6[%swap3A_418, %swap3A_419, %swap3A_420] : memref<48x256x64xf32, #tpu.memory_space<vmem>>, vector<1x256x32xf32>
    %swap3A_422 = vector.shape_cast %swap3A_421 : vector<1x256x32xf32> to vector<256x32xf32>
    %swap3A_423 = vector.shape_cast %sub3A_417 : vector<256x32xf32> to vector<1x256x32xf32>
    tpu.vector_store %arg6[%swap3A_418, %swap3A_419, %swap3A_420], %swap3A_423 {strides = array<i32>} : memref<48x256x64xf32, #tpu.memory_space<vmem>>, vector<1x256x32xf32>,
    %slice3A_424 = vector.extract_strided_slice %dot_general3A_17 {offsets = [0, 1536], sizes = [256, 32], strides = [1, 1]} : vector<256x3072xf32> to vector<256x32xf32>
    %slice3A_425 = vector.extract_strided_slice %dot_general3A_17 {offsets = [0, 1568], sizes = [256, 32], strides = [1, 1]} : vector<256x3072xf32> to vector<256x32xf32>
    %mul3A_426 = arith.mulf %slice3A_424, %get3A_20 : vector<256x32xf32>
    %mul3A_427 = arith.mulf %slice3A_425, %get3A_23 : vector<256x32xf32>
    %add3A_428 = arith.addf %mul3A_426, %mul3A_427 : vector<256x32xf32>
    %swap3A_429 = arith.constant 24 : index
    %swap3A_430 = arith.constant 0 : index
    %swap3A_431 = arith.constant 0 : index
    %swap3A_432 = vector.load %arg6[%swap3A_429, %swap3A_430, %swap3A_431] : memref<48x256x64xf32, #tpu.memory_space<vmem>>, vector<1x256x32xf32>
    %swap3A_433 = vector.shape_cast %swap3A_432 : vector<1x256x32xf32> to vector<256x32xf32>
    %swap3A_434 = vector.shape_cast %add3A_428 : vector<256x32xf32> to vector<1x256x32xf32>
    tpu.vector_store %arg6[%swap3A_429, %swap3A_430, %swap3A_431], %swap3A_434 {strides = array<i32>} : memref<48x256x64xf32, #tpu.memory_space<vmem>>, vector<1x256x32xf32>,
    %mul3A_435 = arith.mulf %slice3A_425, %get3A_20 : vector<256x32xf32>
    %mul3A_436 = arith.mulf %slice3A_424, %get3A_23 : vector<256x32xf32>
    %sub3A_437 = arith.subf %mul3A_435, %mul3A_436 : vector<256x32xf32>
    %swap3A_438 = arith.constant 24 : index
    %swap3A_439 = arith.constant 0 : index
    %swap3A_440 = arith.constant 32 : index
    %swap3A_441 = vector.load %arg6[%swap3A_438, %swap3A_439, %swap3A_440] : memref<48x256x64xf32, #tpu.memory_space<vmem>>, vector<1x256x32xf32>
    %swap3A_442 = vector.shape_cast %swap3A_441 : vector<1x256x32xf32> to vector<256x32xf32>
    %swap3A_443 = vector.shape_cast %sub3A_437 : vector<256x32xf32> to vector<1x256x32xf32>
    tpu.vector_store %arg6[%swap3A_438, %swap3A_439, %swap3A_440], %swap3A_443 {strides = array<i32>} : memref<48x256x64xf32, #tpu.memory_space<vmem>>, vector<1x256x32xf32>,
    %slice3A_444 = vector.extract_strided_slice %dot_general3A_17 {offsets = [0, 2624], sizes = [256, 64], strides = [1, 1]} : vector<256x3072xf32> to vector<256x64xf32>
    %swap3A_445 = arith.constant 41 : index
    %swap3A_446 = arith.constant 0 : index
    %swap3A_447 = arith.constant 0 : index
    %swap3A_448 = vector.load %arg6[%swap3A_445, %swap3A_446, %swap3A_447] : memref<48x256x64xf32, #tpu.memory_space<vmem>>, vector<1x256x64xf32>
    %swap3A_449 = vector.shape_cast %swap3A_448 : vector<1x256x64xf32> to vector<256x64xf32>
    %swap3A_450 = vector.shape_cast %slice3A_444 : vector<256x64xf32> to vector<1x256x64xf32>
    tpu.vector_store %arg6[%swap3A_445, %swap3A_446, %swap3A_447], %swap3A_450 {strides = array<i32>} : memref<48x256x64xf32, #tpu.memory_space<vmem>>, vector<1x256x64xf32>,
    %slice3A_451 = vector.extract_strided_slice %dot_general3A_17 {offsets = [0, 576], sizes = [256, 32], strides = [1, 1]} : vector<256x3072xf32> to vector<256x32xf32>
    %slice3A_452 = vector.extract_strided_slice %dot_general3A_17 {offsets = [0, 608], sizes = [256, 32], strides = [1, 1]} : vector<256x3072xf32> to vector<256x32xf32>
    %mul3A_453 = arith.mulf %slice3A_451, %get3A_20 : vector<256x32xf32>
    %mul3A_454 = arith.mulf %slice3A_452, %get3A_23 : vector<256x32xf32>
    %add3A_455 = arith.addf %mul3A_453, %mul3A_454 : vector<256x32xf32>
    %swap3A_456 = arith.constant 9 : index
    %swap3A_457 = arith.constant 0 : index
    %swap3A_458 = arith.constant 0 : index
    %swap3A_459 = vector.load %arg6[%swap3A_456, %swap3A_457, %swap3A_458] : memref<48x256x64xf32, #tpu.memory_space<vmem>>, vector<1x256x32xf32>
    %swap3A_460 = vector.shape_cast %swap3A_459 : vector<1x256x32xf32> to vector<256x32xf32>
    %swap3A_461 = vector.shape_cast %add3A_455 : vector<256x32xf32> to vector<1x256x32xf32>
    tpu.vector_store %arg6[%swap3A_456, %swap3A_457, %swap3A_458], %swap3A_461 {strides = array<i32>} : memref<48x256x64xf32, #tpu.memory_space<vmem>>, vector<1x256x32xf32>,
    %mul3A_462 = arith.mulf %slice3A_452, %get3A_20 : vector<256x32xf32>
    %mul3A_463 = arith.mulf %slice3A_451, %get3A_23 : vector<256x32xf32>
    %sub3A_464 = arith.subf %mul3A_462, %mul3A_463 : vector<256x32xf32>
    %swap3A_465 = arith.constant 9 : index
    %swap3A_466 = arith.constant 0 : index
    %swap3A_467 = arith.constant 32 : index
    %swap3A_468 = vector.load %arg6[%swap3A_465, %swap3A_466, %swap3A_467] : memref<48x256x64xf32, #tpu.memory_space<vmem>>, vector<1x256x32xf32>
    %swap3A_469 = vector.shape_cast %swap3A_468 : vector<1x256x32xf32> to vector<256x32xf32>
    %swap3A_470 = vector.shape_cast %sub3A_464 : vector<256x32xf32> to vector<1x256x32xf32>
    tpu.vector_store %arg6[%swap3A_465, %swap3A_466, %swap3A_467], %swap3A_470 {strides = array<i32>} : memref<48x256x64xf32, #tpu.memory_space<vmem>>, vector<1x256x32xf32>,
    %slice3A_471 = vector.extract_strided_slice %dot_general3A_17 {offsets = [0, 1600], sizes = [256, 32], strides = [1, 1]} : vector<256x3072xf32> to vector<256x32xf32>
    %slice3A_472 = vector.extract_strided_slice %dot_general3A_17 {offsets = [0, 1632], sizes = [256, 32], strides = [1, 1]} : vector<256x3072xf32> to vector<256x32xf32>
    %mul3A_473 = arith.mulf %slice3A_471, %get3A_20 : vector<256x32xf32>
    %mul3A_474 = arith.mulf %slice3A_472, %get3A_23 : vector<256x32xf32>
    %add3A_475 = arith.addf %mul3A_473, %mul3A_474 : vector<256x32xf32>
    %swap3A_476 = arith.constant 25 : index
    %swap3A_477 = arith.constant 0 : index
    %swap3A_478 = arith.constant 0 : index
    %swap3A_479 = vector.load %arg6[%swap3A_476, %swap3A_477, %swap3A_478] : memref<48x256x64xf32, #tpu.memory_space<vmem>>, vector<1x256x32xf32>
    %swap3A_480 = vector.shape_cast %swap3A_479 : vector<1x256x32xf32> to vector<256x32xf32>
    %swap3A_481 = vector.shape_cast %add3A_475 : vector<256x32xf32> to vector<1x256x32xf32>
    tpu.vector_store %arg6[%swap3A_476, %swap3A_477, %swap3A_478], %swap3A_481 {strides = array<i32>} : memref<48x256x64xf32, #tpu.memory_space<vmem>>, vector<1x256x32xf32>,
    %mul3A_482 = arith.mulf %slice3A_472, %get3A_20 : vector<256x32xf32>
    %mul3A_483 = arith.mulf %slice3A_471, %get3A_23 : vector<256x32xf32>
    %sub3A_484 = arith.subf %mul3A_482, %mul3A_483 : vector<256x32xf32>
    %swap3A_485 = arith.constant 25 : index
    %swap3A_486 = arith.constant 0 : index
    %swap3A_487 = arith.constant 32 : index
    %swap3A_488 = vector.load %arg6[%swap3A_485, %swap3A_486, %swap3A_487] : memref<48x256x64xf32, #tpu.memory_space<vmem>>, vector<1x256x32xf32>
    %swap3A_489 = vector.shape_cast %swap3A_488 : vector<1x256x32xf32> to vector<256x32xf32>
    %swap3A_490 = vector.shape_cast %sub3A_484 : vector<256x32xf32> to vector<1x256x32xf32>
    tpu.vector_store %arg6[%swap3A_485, %swap3A_486, %swap3A_487], %swap3A_490 {strides = array<i32>} : memref<48x256x64xf32, #tpu.memory_space<vmem>>, vector<1x256x32xf32>,
    %slice3A_491 = vector.extract_strided_slice %dot_general3A_17 {offsets = [0, 2688], sizes = [256, 64], strides = [1, 1]} : vector<256x3072xf32> to vector<256x64xf32>
    %swap3A_492 = arith.constant 42 : index
    %swap3A_493 = arith.constant 0 : index
    %swap3A_494 = arith.constant 0 : index
    %swap3A_495 = vector.load %arg6[%swap3A_492, %swap3A_493, %swap3A_494] : memref<48x256x64xf32, #tpu.memory_space<vmem>>, vector<1x256x64xf32>
    %swap3A_496 = vector.shape_cast %swap3A_495 : vector<1x256x64xf32> to vector<256x64xf32>
    %swap3A_497 = vector.shape_cast %slice3A_491 : vector<256x64xf32> to vector<1x256x64xf32>
    tpu.vector_store %arg6[%swap3A_492, %swap3A_493, %swap3A_494], %swap3A_497 {strides = array<i32>} : memref<48x256x64xf32, #tpu.memory_space<vmem>>, vector<1x256x64xf32>,
    %slice3A_498 = vector.extract_strided_slice %dot_general3A_17 {offsets = [0, 640], sizes = [256, 32], strides = [1, 1]} : vector<256x3072xf32> to vector<256x32xf32>
    %slice3A_499 = vector.extract_strided_slice %dot_general3A_17 {offsets = [0, 672], sizes = [256, 32], strides = [1, 1]} : vector<256x3072xf32> to vector<256x32xf32>
    %mul3A_500 = arith.mulf %slice3A_498, %get3A_20 : vector<256x32xf32>
    %mul3A_501 = arith.mulf %slice3A_499, %get3A_23 : vector<256x32xf32>
    %add3A_502 = arith.addf %mul3A_500, %mul3A_501 : vector<256x32xf32>
    %swap3A_503 = arith.constant 10 : index
    %swap3A_504 = arith.constant 0 : index
    %swap3A_505 = arith.constant 0 : index
    %swap3A_506 = vector.load %arg6[%swap3A_503, %swap3A_504, %swap3A_505] : memref<48x256x64xf32, #tpu.memory_space<vmem>>, vector<1x256x32xf32>
    %swap3A_507 = vector.shape_cast %swap3A_506 : vector<1x256x32xf32> to vector<256x32xf32>
    %swap3A_508 = vector.shape_cast %add3A_502 : vector<256x32xf32> to vector<1x256x32xf32>
    tpu.vector_store %arg6[%swap3A_503, %swap3A_504, %swap3A_505], %swap3A_508 {strides = array<i32>} : memref<48x256x64xf32, #tpu.memory_space<vmem>>, vector<1x256x32xf32>,
    %mul3A_509 = arith.mulf %slice3A_499, %get3A_20 : vector<256x32xf32>
    %mul3A_510 = arith.mulf %slice3A_498, %get3A_23 : vector<256x32xf32>
    %sub3A_511 = arith.subf %mul3A_509, %mul3A_510 : vector<256x32xf32>
    %swap3A_512 = arith.constant 10 : index
    %swap3A_513 = arith.constant 0 : index
    %swap3A_514 = arith.constant 32 : index
    %swap3A_515 = vector.load %arg6[%swap3A_512, %swap3A_513, %swap3A_514] : memref<48x256x64xf32, #tpu.memory_space<vmem>>, vector<1x256x32xf32>
    %swap3A_516 = vector.shape_cast %swap3A_515 : vector<1x256x32xf32> to vector<256x32xf32>
    %swap3A_517 = vector.shape_cast %sub3A_511 : vector<256x32xf32> to vector<1x256x32xf32>
    tpu.vector_store %arg6[%swap3A_512, %swap3A_513, %swap3A_514], %swap3A_517 {strides = array<i32>} : memref<48x256x64xf32, #tpu.memory_space<vmem>>, vector<1x256x32xf32>,
    %slice3A_518 = vector.extract_strided_slice %dot_general3A_17 {offsets = [0, 1664], sizes = [256, 32], strides = [1, 1]} : vector<256x3072xf32> to vector<256x32xf32>
    %slice3A_519 = vector.extract_strided_slice %dot_general3A_17 {offsets = [0, 1696], sizes = [256, 32], strides = [1, 1]} : vector<256x3072xf32> to vector<256x32xf32>
    %mul3A_520 = arith.mulf %slice3A_518, %get3A_20 : vector<256x32xf32>
    %mul3A_521 = arith.mulf %slice3A_519, %get3A_23 : vector<256x32xf32>
    %add3A_522 = arith.addf %mul3A_520, %mul3A_521 : vector<256x32xf32>
    %swap3A_523 = arith.constant 26 : index
    %swap3A_524 = arith.constant 0 : index
    %swap3A_525 = arith.constant 0 : index
    %swap3A_526 = vector.load %arg6[%swap3A_523, %swap3A_524, %swap3A_525] : memref<48x256x64xf32, #tpu.memory_space<vmem>>, vector<1x256x32xf32>
    %swap3A_527 = vector.shape_cast %swap3A_526 : vector<1x256x32xf32> to vector<256x32xf32>
    %swap3A_528 = vector.shape_cast %add3A_522 : vector<256x32xf32> to vector<1x256x32xf32>
    tpu.vector_store %arg6[%swap3A_523, %swap3A_524, %swap3A_525], %swap3A_528 {strides = array<i32>} : memref<48x256x64xf32, #tpu.memory_space<vmem>>, vector<1x256x32xf32>,
    %mul3A_529 = arith.mulf %slice3A_519, %get3A_20 : vector<256x32xf32>
    %mul3A_530 = arith.mulf %slice3A_518, %get3A_23 : vector<256x32xf32>
    %sub3A_531 = arith.subf %mul3A_529, %mul3A_530 : vector<256x32xf32>
    %swap3A_532 = arith.constant 26 : index
    %swap3A_533 = arith.constant 0 : index
    %swap3A_534 = arith.constant 32 : index
    %swap3A_535 = vector.load %arg6[%swap3A_532, %swap3A_533, %swap3A_534] : memref<48x256x64xf32, #tpu.memory_space<vmem>>, vector<1x256x32xf32>
    %swap3A_536 = vector.shape_cast %swap3A_535 : vector<1x256x32xf32> to vector<256x32xf32>
    %swap3A_537 = vector.shape_cast %sub3A_531 : vector<256x32xf32> to vector<1x256x32xf32>
    tpu.vector_store %arg6[%swap3A_532, %swap3A_533, %swap3A_534], %swap3A_537 {strides = array<i32>} : memref<48x256x64xf32, #tpu.memory_space<vmem>>, vector<1x256x32xf32>,
    %slice3A_538 = vector.extract_strided_slice %dot_general3A_17 {offsets = [0, 2752], sizes = [256, 64], strides = [1, 1]} : vector<256x3072xf32> to vector<256x64xf32>
    %swap3A_539 = arith.constant 43 : index
    %swap3A_540 = arith.constant 0 : index
    %swap3A_541 = arith.constant 0 : index
    %swap3A_542 = vector.load %arg6[%swap3A_539, %swap3A_540, %swap3A_541] : memref<48x256x64xf32, #tpu.memory_space<vmem>>, vector<1x256x64xf32>
    %swap3A_543 = vector.shape_cast %swap3A_542 : vector<1x256x64xf32> to vector<256x64xf32>
    %swap3A_544 = vector.shape_cast %slice3A_538 : vector<256x64xf32> to vector<1x256x64xf32>
    tpu.vector_store %arg6[%swap3A_539, %swap3A_540, %swap3A_541], %swap3A_544 {strides = array<i32>} : memref<48x256x64xf32, #tpu.memory_space<vmem>>, vector<1x256x64xf32>,
    %slice3A_545 = vector.extract_strided_slice %dot_general3A_17 {offsets = [0, 704], sizes = [256, 32], strides = [1, 1]} : vector<256x3072xf32> to vector<256x32xf32>
    %slice3A_546 = vector.extract_strided_slice %dot_general3A_17 {offsets = [0, 736], sizes = [256, 32], strides = [1, 1]} : vector<256x3072xf32> to vector<256x32xf32>
    %mul3A_547 = arith.mulf %slice3A_545, %get3A_20 : vector<256x32xf32>
    %mul3A_548 = arith.mulf %slice3A_546, %get3A_23 : vector<256x32xf32>
    %add3A_549 = arith.addf %mul3A_547, %mul3A_548 : vector<256x32xf32>
    %swap3A_550 = arith.constant 11 : index
    %swap3A_551 = arith.constant 0 : index
    %swap3A_552 = arith.constant 0 : index
    %swap3A_553 = vector.load %arg6[%swap3A_550, %swap3A_551, %swap3A_552] : memref<48x256x64xf32, #tpu.memory_space<vmem>>, vector<1x256x32xf32>
    %swap3A_554 = vector.shape_cast %swap3A_553 : vector<1x256x32xf32> to vector<256x32xf32>
    %swap3A_555 = vector.shape_cast %add3A_549 : vector<256x32xf32> to vector<1x256x32xf32>
    tpu.vector_store %arg6[%swap3A_550, %swap3A_551, %swap3A_552], %swap3A_555 {strides = array<i32>} : memref<48x256x64xf32, #tpu.memory_space<vmem>>, vector<1x256x32xf32>,
    %mul3A_556 = arith.mulf %slice3A_546, %get3A_20 : vector<256x32xf32>
    %mul3A_557 = arith.mulf %slice3A_545, %get3A_23 : vector<256x32xf32>
    %sub3A_558 = arith.subf %mul3A_556, %mul3A_557 : vector<256x32xf32>
    %swap3A_559 = arith.constant 11 : index
    %swap3A_560 = arith.constant 0 : index
    %swap3A_561 = arith.constant 32 : index
    %swap3A_562 = vector.load %arg6[%swap3A_559, %swap3A_560, %swap3A_561] : memref<48x256x64xf32, #tpu.memory_space<vmem>>, vector<1x256x32xf32>
    %swap3A_563 = vector.shape_cast %swap3A_562 : vector<1x256x32xf32> to vector<256x32xf32>
    %swap3A_564 = vector.shape_cast %sub3A_558 : vector<256x32xf32> to vector<1x256x32xf32>
    tpu.vector_store %arg6[%swap3A_559, %swap3A_560, %swap3A_561], %swap3A_564 {strides = array<i32>} : memref<48x256x64xf32, #tpu.memory_space<vmem>>, vector<1x256x32xf32>,
    %slice3A_565 = vector.extract_strided_slice %dot_general3A_17 {offsets = [0, 1728], sizes = [256, 32], strides = [1, 1]} : vector<256x3072xf32> to vector<256x32xf32>
    %slice3A_566 = vector.extract_strided_slice %dot_general3A_17 {offsets = [0, 1760], sizes = [256, 32], strides = [1, 1]} : vector<256x3072xf32> to vector<256x32xf32>
    %mul3A_567 = arith.mulf %slice3A_565, %get3A_20 : vector<256x32xf32>
    %mul3A_568 = arith.mulf %slice3A_566, %get3A_23 : vector<256x32xf32>
    %add3A_569 = arith.addf %mul3A_567, %mul3A_568 : vector<256x32xf32>
    %swap3A_570 = arith.constant 27 : index
    %swap3A_571 = arith.constant 0 : index
    %swap3A_572 = arith.constant 0 : index
    %swap3A_573 = vector.load %arg6[%swap3A_570, %swap3A_571, %swap3A_572] : memref<48x256x64xf32, #tpu.memory_space<vmem>>, vector<1x256x32xf32>
    %swap3A_574 = vector.shape_cast %swap3A_573 : vector<1x256x32xf32> to vector<256x32xf32>
    %swap3A_575 = vector.shape_cast %add3A_569 : vector<256x32xf32> to vector<1x256x32xf32>
    tpu.vector_store %arg6[%swap3A_570, %swap3A_571, %swap3A_572], %swap3A_575 {strides = array<i32>} : memref<48x256x64xf32, #tpu.memory_space<vmem>>, vector<1x256x32xf32>,
    %mul3A_576 = arith.mulf %slice3A_566, %get3A_20 : vector<256x32xf32>
    %mul3A_577 = arith.mulf %slice3A_565, %get3A_23 : vector<256x32xf32>
    %sub3A_578 = arith.subf %mul3A_576, %mul3A_577 : vector<256x32xf32>
    %swap3A_579 = arith.constant 27 : index
    %swap3A_580 = arith.constant 0 : index
    %swap3A_581 = arith.constant 32 : index
    %swap3A_582 = vector.load %arg6[%swap3A_579, %swap3A_580, %swap3A_581] : memref<48x256x64xf32, #tpu.memory_space<vmem>>, vector<1x256x32xf32>
    %swap3A_583 = vector.shape_cast %swap3A_582 : vector<1x256x32xf32> to vector<256x32xf32>
    %swap3A_584 = vector.shape_cast %sub3A_578 : vector<256x32xf32> to vector<1x256x32xf32>
    tpu.vector_store %arg6[%swap3A_579, %swap3A_580, %swap3A_581], %swap3A_584 {strides = array<i32>} : memref<48x256x64xf32, #tpu.memory_space<vmem>>, vector<1x256x32xf32>,
    %slice3A_585 = vector.extract_strided_slice %dot_general3A_17 {offsets = [0, 2816], sizes = [256, 64], strides = [1, 1]} : vector<256x3072xf32> to vector<256x64xf32>
    %swap3A_586 = arith.constant 44 : index
    %swap3A_587 = arith.constant 0 : index
    %swap3A_588 = arith.constant 0 : index
    %swap3A_589 = vector.load %arg6[%swap3A_586, %swap3A_587, %swap3A_588] : memref<48x256x64xf32, #tpu.memory_space<vmem>>, vector<1x256x64xf32>
    %swap3A_590 = vector.shape_cast %swap3A_589 : vector<1x256x64xf32> to vector<256x64xf32>
    %swap3A_591 = vector.shape_cast %slice3A_585 : vector<256x64xf32> to vector<1x256x64xf32>
    tpu.vector_store %arg6[%swap3A_586, %swap3A_587, %swap3A_588], %swap3A_591 {strides = array<i32>} : memref<48x256x64xf32, #tpu.memory_space<vmem>>, vector<1x256x64xf32>,
    %slice3A_592 = vector.extract_strided_slice %dot_general3A_17 {offsets = [0, 768], sizes = [256, 32], strides = [1, 1]} : vector<256x3072xf32> to vector<256x32xf32>
    %slice3A_593 = vector.extract_strided_slice %dot_general3A_17 {offsets = [0, 800], sizes = [256, 32], strides = [1, 1]} : vector<256x3072xf32> to vector<256x32xf32>
    %mul3A_594 = arith.mulf %slice3A_592, %get3A_20 : vector<256x32xf32>
    %mul3A_595 = arith.mulf %slice3A_593, %get3A_23 : vector<256x32xf32>
    %add3A_596 = arith.addf %mul3A_594, %mul3A_595 : vector<256x32xf32>
    %swap3A_597 = arith.constant 12 : index
    %swap3A_598 = arith.constant 0 : index
    %swap3A_599 = arith.constant 0 : index
    %swap3A_600 = vector.load %arg6[%swap3A_597, %swap3A_598, %swap3A_599] : memref<48x256x64xf32, #tpu.memory_space<vmem>>, vector<1x256x32xf32>
    %swap3A_601 = vector.shape_cast %swap3A_600 : vector<1x256x32xf32> to vector<256x32xf32>
    %swap3A_602 = vector.shape_cast %add3A_596 : vector<256x32xf32> to vector<1x256x32xf32>
    tpu.vector_store %arg6[%swap3A_597, %swap3A_598, %swap3A_599], %swap3A_602 {strides = array<i32>} : memref<48x256x64xf32, #tpu.memory_space<vmem>>, vector<1x256x32xf32>,
    %mul3A_603 = arith.mulf %slice3A_593, %get3A_20 : vector<256x32xf32>
    %mul3A_604 = arith.mulf %slice3A_592, %get3A_23 : vector<256x32xf32>
    %sub3A_605 = arith.subf %mul3A_603, %mul3A_604 : vector<256x32xf32>
    %swap3A_606 = arith.constant 12 : index
    %swap3A_607 = arith.constant 0 : index
    %swap3A_608 = arith.constant 32 : index
    %swap3A_609 = vector.load %arg6[%swap3A_606, %swap3A_607, %swap3A_608] : memref<48x256x64xf32, #tpu.memory_space<vmem>>, vector<1x256x32xf32>
    %swap3A_610 = vector.shape_cast %swap3A_609 : vector<1x256x32xf32> to vector<256x32xf32>
    %swap3A_611 = vector.shape_cast %sub3A_605 : vector<256x32xf32> to vector<1x256x32xf32>
    tpu.vector_store %arg6[%swap3A_606, %swap3A_607, %swap3A_608], %swap3A_611 {strides = array<i32>} : memref<48x256x64xf32, #tpu.memory_space<vmem>>, vector<1x256x32xf32>,
    %slice3A_612 = vector.extract_strided_slice %dot_general3A_17 {offsets = [0, 1792], sizes = [256, 32], strides = [1, 1]} : vector<256x3072xf32> to vector<256x32xf32>
    %slice3A_613 = vector.extract_strided_slice %dot_general3A_17 {offsets = [0, 1824], sizes = [256, 32], strides = [1, 1]} : vector<256x3072xf32> to vector<256x32xf32>
    %mul3A_614 = arith.mulf %slice3A_612, %get3A_20 : vector<256x32xf32>
    %mul3A_615 = arith.mulf %slice3A_613, %get3A_23 : vector<256x32xf32>
    %add3A_616 = arith.addf %mul3A_614, %mul3A_615 : vector<256x32xf32>
    %swap3A_617 = arith.constant 28 : index
    %swap3A_618 = arith.constant 0 : index
    %swap3A_619 = arith.constant 0 : index
    %swap3A_620 = vector.load %arg6[%swap3A_617, %swap3A_618, %swap3A_619] : memref<48x256x64xf32, #tpu.memory_space<vmem>>, vector<1x256x32xf32>
    %swap3A_621 = vector.shape_cast %swap3A_620 : vector<1x256x32xf32> to vector<256x32xf32>
    %swap3A_622 = vector.shape_cast %add3A_616 : vector<256x32xf32> to vector<1x256x32xf32>
    tpu.vector_store %arg6[%swap3A_617, %swap3A_618, %swap3A_619], %swap3A_622 {strides = array<i32>} : memref<48x256x64xf32, #tpu.memory_space<vmem>>, vector<1x256x32xf32>,
    %mul3A_623 = arith.mulf %slice3A_613, %get3A_20 : vector<256x32xf32>
    %mul3A_624 = arith.mulf %slice3A_612, %get3A_23 : vector<256x32xf32>
    %sub3A_625 = arith.subf %mul3A_623, %mul3A_624 : vector<256x32xf32>
    %swap3A_626 = arith.constant 28 : index
    %swap3A_627 = arith.constant 0 : index
    %swap3A_628 = arith.constant 32 : index
    %swap3A_629 = vector.load %arg6[%swap3A_626, %swap3A_627, %swap3A_628] : memref<48x256x64xf32, #tpu.memory_space<vmem>>, vector<1x256x32xf32>
    %swap3A_630 = vector.shape_cast %swap3A_629 : vector<1x256x32xf32> to vector<256x32xf32>
    %swap3A_631 = vector.shape_cast %sub3A_625 : vector<256x32xf32> to vector<1x256x32xf32>
    tpu.vector_store %arg6[%swap3A_626, %swap3A_627, %swap3A_628], %swap3A_631 {strides = array<i32>} : memref<48x256x64xf32, #tpu.memory_space<vmem>>, vector<1x256x32xf32>,
    %slice3A_632 = vector.extract_strided_slice %dot_general3A_17 {offsets = [0, 2880], sizes = [256, 64], strides = [1, 1]} : vector<256x3072xf32> to vector<256x64xf32>
    %swap3A_633 = arith.constant 45 : index
    %swap3A_634 = arith.constant 0 : index
    %swap3A_635 = arith.constant 0 : index
    %swap3A_636 = vector.load %arg6[%swap3A_633, %swap3A_634, %swap3A_635] : memref<48x256x64xf32, #tpu.memory_space<vmem>>, vector<1x256x64xf32>
    %swap3A_637 = vector.shape_cast %swap3A_636 : vector<1x256x64xf32> to vector<256x64xf32>
    %swap3A_638 = vector.shape_cast %slice3A_632 : vector<256x64xf32> to vector<1x256x64xf32>
    tpu.vector_store %arg6[%swap3A_633, %swap3A_634, %swap3A_635], %swap3A_638 {strides = array<i32>} : memref<48x256x64xf32, #tpu.memory_space<vmem>>, vector<1x256x64xf32>,
    %slice3A_639 = vector.extract_strided_slice %dot_general3A_17 {offsets = [0, 832], sizes = [256, 32], strides = [1, 1]} : vector<256x3072xf32> to vector<256x32xf32>
    %slice3A_640 = vector.extract_strided_slice %dot_general3A_17 {offsets = [0, 864], sizes = [256, 32], strides = [1, 1]} : vector<256x3072xf32> to vector<256x32xf32>
    %mul3A_641 = arith.mulf %slice3A_639, %get3A_20 : vector<256x32xf32>
    %mul3A_642 = arith.mulf %slice3A_640, %get3A_23 : vector<256x32xf32>
    %add3A_643 = arith.addf %mul3A_641, %mul3A_642 : vector<256x32xf32>
    %swap3A_644 = arith.constant 13 : index
    %swap3A_645 = arith.constant 0 : index
    %swap3A_646 = arith.constant 0 : index
    %swap3A_647 = vector.load %arg6[%swap3A_644, %swap3A_645, %swap3A_646] : memref<48x256x64xf32, #tpu.memory_space<vmem>>, vector<1x256x32xf32>
    %swap3A_648 = vector.shape_cast %swap3A_647 : vector<1x256x32xf32> to vector<256x32xf32>
    %swap3A_649 = vector.shape_cast %add3A_643 : vector<256x32xf32> to vector<1x256x32xf32>
    tpu.vector_store %arg6[%swap3A_644, %swap3A_645, %swap3A_646], %swap3A_649 {strides = array<i32>} : memref<48x256x64xf32, #tpu.memory_space<vmem>>, vector<1x256x32xf32>,
    %mul3A_650 = arith.mulf %slice3A_640, %get3A_20 : vector<256x32xf32>
    %mul3A_651 = arith.mulf %slice3A_639, %get3A_23 : vector<256x32xf32>
    %sub3A_652 = arith.subf %mul3A_650, %mul3A_651 : vector<256x32xf32>
    %swap3A_653 = arith.constant 13 : index
    %swap3A_654 = arith.constant 0 : index
    %swap3A_655 = arith.constant 32 : index
    %swap3A_656 = vector.load %arg6[%swap3A_653, %swap3A_654, %swap3A_655] : memref<48x256x64xf32, #tpu.memory_space<vmem>>, vector<1x256x32xf32>
    %swap3A_657 = vector.shape_cast %swap3A_656 : vector<1x256x32xf32> to vector<256x32xf32>
    %swap3A_658 = vector.shape_cast %sub3A_652 : vector<256x32xf32> to vector<1x256x32xf32>
    tpu.vector_store %arg6[%swap3A_653, %swap3A_654, %swap3A_655], %swap3A_658 {strides = array<i32>} : memref<48x256x64xf32, #tpu.memory_space<vmem>>, vector<1x256x32xf32>,
    %slice3A_659 = vector.extract_strided_slice %dot_general3A_17 {offsets = [0, 1856], sizes = [256, 32], strides = [1, 1]} : vector<256x3072xf32> to vector<256x32xf32>
    %slice3A_660 = vector.extract_strided_slice %dot_general3A_17 {offsets = [0, 1888], sizes = [256, 32], strides = [1, 1]} : vector<256x3072xf32> to vector<256x32xf32>
    %mul3A_661 = arith.mulf %slice3A_659, %get3A_20 : vector<256x32xf32>
    %mul3A_662 = arith.mulf %slice3A_660, %get3A_23 : vector<256x32xf32>
    %add3A_663 = arith.addf %mul3A_661, %mul3A_662 : vector<256x32xf32>
    %swap3A_664 = arith.constant 29 : index
    %swap3A_665 = arith.constant 0 : index
    %swap3A_666 = arith.constant 0 : index
    %swap3A_667 = vector.load %arg6[%swap3A_664, %swap3A_665, %swap3A_666] : memref<48x256x64xf32, #tpu.memory_space<vmem>>, vector<1x256x32xf32>
    %swap3A_668 = vector.shape_cast %swap3A_667 : vector<1x256x32xf32> to vector<256x32xf32>
    %swap3A_669 = vector.shape_cast %add3A_663 : vector<256x32xf32> to vector<1x256x32xf32>
    tpu.vector_store %arg6[%swap3A_664, %swap3A_665, %swap3A_666], %swap3A_669 {strides = array<i32>} : memref<48x256x64xf32, #tpu.memory_space<vmem>>, vector<1x256x32xf32>,
    %mul3A_670 = arith.mulf %slice3A_660, %get3A_20 : vector<256x32xf32>
    %mul3A_671 = arith.mulf %slice3A_659, %get3A_23 : vector<256x32xf32>
    %sub3A_672 = arith.subf %mul3A_670, %mul3A_671 : vector<256x32xf32>
    %swap3A_673 = arith.constant 29 : index
    %swap3A_674 = arith.constant 0 : index
    %swap3A_675 = arith.constant 32 : index
    %swap3A_676 = vector.load %arg6[%swap3A_673, %swap3A_674, %swap3A_675] : memref<48x256x64xf32, #tpu.memory_space<vmem>>, vector<1x256x32xf32>
    %swap3A_677 = vector.shape_cast %swap3A_676 : vector<1x256x32xf32> to vector<256x32xf32>
    %swap3A_678 = vector.shape_cast %sub3A_672 : vector<256x32xf32> to vector<1x256x32xf32>
    tpu.vector_store %arg6[%swap3A_673, %swap3A_674, %swap3A_675], %swap3A_678 {strides = array<i32>} : memref<48x256x64xf32, #tpu.memory_space<vmem>>, vector<1x256x32xf32>,
    %slice3A_679 = vector.extract_strided_slice %dot_general3A_17 {offsets = [0, 2944], sizes = [256, 64], strides = [1, 1]} : vector<256x3072xf32> to vector<256x64xf32>
    %swap3A_680 = arith.constant 46 : index
    %swap3A_681 = arith.constant 0 : index
    %swap3A_682 = arith.constant 0 : index
    %swap3A_683 = vector.load %arg6[%swap3A_680, %swap3A_681, %swap3A_682] : memref<48x256x64xf32, #tpu.memory_space<vmem>>, vector<1x256x64xf32>
    %swap3A_684 = vector.shape_cast %swap3A_683 : vector<1x256x64xf32> to vector<256x64xf32>
    %swap3A_685 = vector.shape_cast %slice3A_679 : vector<256x64xf32> to vector<1x256x64xf32>
    tpu.vector_store %arg6[%swap3A_680, %swap3A_681, %swap3A_682], %swap3A_685 {strides = array<i32>} : memref<48x256x64xf32, #tpu.memory_space<vmem>>, vector<1x256x64xf32>,
    %slice3A_686 = vector.extract_strided_slice %dot_general3A_17 {offsets = [0, 896], sizes = [256, 32], strides = [1, 1]} : vector<256x3072xf32> to vector<256x32xf32>
    %slice3A_687 = vector.extract_strided_slice %dot_general3A_17 {offsets = [0, 928], sizes = [256, 32], strides = [1, 1]} : vector<256x3072xf32> to vector<256x32xf32>
    %mul3A_688 = arith.mulf %slice3A_686, %get3A_20 : vector<256x32xf32>
    %mul3A_689 = arith.mulf %slice3A_687, %get3A_23 : vector<256x32xf32>
    %add3A_690 = arith.addf %mul3A_688, %mul3A_689 : vector<256x32xf32>
    %swap3A_691 = arith.constant 14 : index
    %swap3A_692 = arith.constant 0 : index
    %swap3A_693 = arith.constant 0 : index
    %swap3A_694 = vector.load %arg6[%swap3A_691, %swap3A_692, %swap3A_693] : memref<48x256x64xf32, #tpu.memory_space<vmem>>, vector<1x256x32xf32>
    %swap3A_695 = vector.shape_cast %swap3A_694 : vector<1x256x32xf32> to vector<256x32xf32>
    %swap3A_696 = vector.shape_cast %add3A_690 : vector<256x32xf32> to vector<1x256x32xf32>
    tpu.vector_store %arg6[%swap3A_691, %swap3A_692, %swap3A_693], %swap3A_696 {strides = array<i32>} : memref<48x256x64xf32, #tpu.memory_space<vmem>>, vector<1x256x32xf32>,
    %mul3A_697 = arith.mulf %slice3A_687, %get3A_20 : vector<256x32xf32>
    %mul3A_698 = arith.mulf %slice3A_686, %get3A_23 : vector<256x32xf32>
    %sub3A_699 = arith.subf %mul3A_697, %mul3A_698 : vector<256x32xf32>
    %swap3A_700 = arith.constant 14 : index
    %swap3A_701 = arith.constant 0 : index
    %swap3A_702 = arith.constant 32 : index
    %swap3A_703 = vector.load %arg6[%swap3A_700, %swap3A_701, %swap3A_702] : memref<48x256x64xf32, #tpu.memory_space<vmem>>, vector<1x256x32xf32>
    %swap3A_704 = vector.shape_cast %swap3A_703 : vector<1x256x32xf32> to vector<256x32xf32>
    %swap3A_705 = vector.shape_cast %sub3A_699 : vector<256x32xf32> to vector<1x256x32xf32>
    tpu.vector_store %arg6[%swap3A_700, %swap3A_701, %swap3A_702], %swap3A_705 {strides = array<i32>} : memref<48x256x64xf32, #tpu.memory_space<vmem>>, vector<1x256x32xf32>,
    %slice3A_706 = vector.extract_strided_slice %dot_general3A_17 {offsets = [0, 1920], sizes = [256, 32], strides = [1, 1]} : vector<256x3072xf32> to vector<256x32xf32>
    %slice3A_707 = vector.extract_strided_slice %dot_general3A_17 {offsets = [0, 1952], sizes = [256, 32], strides = [1, 1]} : vector<256x3072xf32> to vector<256x32xf32>
    %mul3A_708 = arith.mulf %slice3A_706, %get3A_20 : vector<256x32xf32>
    %mul3A_709 = arith.mulf %slice3A_707, %get3A_23 : vector<256x32xf32>
    %add3A_710 = arith.addf %mul3A_708, %mul3A_709 : vector<256x32xf32>
    %swap3A_711 = arith.constant 30 : index
    %swap3A_712 = arith.constant 0 : index
    %swap3A_713 = arith.constant 0 : index
    %swap3A_714 = vector.load %arg6[%swap3A_711, %swap3A_712, %swap3A_713] : memref<48x256x64xf32, #tpu.memory_space<vmem>>, vector<1x256x32xf32>
    %swap3A_715 = vector.shape_cast %swap3A_714 : vector<1x256x32xf32> to vector<256x32xf32>
    %swap3A_716 = vector.shape_cast %add3A_710 : vector<256x32xf32> to vector<1x256x32xf32>
    tpu.vector_store %arg6[%swap3A_711, %swap3A_712, %swap3A_713], %swap3A_716 {strides = array<i32>} : memref<48x256x64xf32, #tpu.memory_space<vmem>>, vector<1x256x32xf32>,
    %mul3A_717 = arith.mulf %slice3A_707, %get3A_20 : vector<256x32xf32>
    %mul3A_718 = arith.mulf %slice3A_706, %get3A_23 : vector<256x32xf32>
    %sub3A_719 = arith.subf %mul3A_717, %mul3A_718 : vector<256x32xf32>
    %swap3A_720 = arith.constant 30 : index
    %swap3A_721 = arith.constant 0 : index
    %swap3A_722 = arith.constant 32 : index
    %swap3A_723 = vector.load %arg6[%swap3A_720, %swap3A_721, %swap3A_722] : memref<48x256x64xf32, #tpu.memory_space<vmem>>, vector<1x256x32xf32>
    %swap3A_724 = vector.shape_cast %swap3A_723 : vector<1x256x32xf32> to vector<256x32xf32>
    %swap3A_725 = vector.shape_cast %sub3A_719 : vector<256x32xf32> to vector<1x256x32xf32>
    tpu.vector_store %arg6[%swap3A_720, %swap3A_721, %swap3A_722], %swap3A_725 {strides = array<i32>} : memref<48x256x64xf32, #tpu.memory_space<vmem>>, vector<1x256x32xf32>,
    %slice3A_726 = vector.extract_strided_slice %dot_general3A_17 {offsets = [0, 3008], sizes = [256, 64], strides = [1, 1]} : vector<256x3072xf32> to vector<256x64xf32>
    %swap3A_727 = arith.constant 47 : index
    %swap3A_728 = arith.constant 0 : index
    %swap3A_729 = arith.constant 0 : index
    %swap3A_730 = vector.load %arg6[%swap3A_727, %swap3A_728, %swap3A_729] : memref<48x256x64xf32, #tpu.memory_space<vmem>>, vector<1x256x64xf32>
    %swap3A_731 = vector.shape_cast %swap3A_730 : vector<1x256x64xf32> to vector<256x64xf32>
    %swap3A_732 = vector.shape_cast %slice3A_726 : vector<256x64xf32> to vector<1x256x64xf32>
    tpu.vector_store %arg6[%swap3A_727, %swap3A_728, %swap3A_729], %swap3A_732 {strides = array<i32>} : memref<48x256x64xf32, #tpu.memory_space<vmem>>, vector<1x256x64xf32>,
    %slice3A_733 = vector.extract_strided_slice %dot_general3A_17 {offsets = [0, 960], sizes = [256, 32], strides = [1, 1]} : vector<256x3072xf32> to vector<256x32xf32>
    %slice3A_734 = vector.extract_strided_slice %dot_general3A_17 {offsets = [0, 992], sizes = [256, 32], strides = [1, 1]} : vector<256x3072xf32> to vector<256x32xf32>
    %mul3A_735 = arith.mulf %slice3A_733, %get3A_20 : vector<256x32xf32>
    %mul3A_736 = arith.mulf %slice3A_734, %get3A_23 : vector<256x32xf32>
    %add3A_737 = arith.addf %mul3A_735, %mul3A_736 : vector<256x32xf32>
    %swap3A_738 = arith.constant 15 : index
    %swap3A_739 = arith.constant 0 : index
    %swap3A_740 = arith.constant 0 : index
    %swap3A_741 = vector.load %arg6[%swap3A_738, %swap3A_739, %swap3A_740] : memref<48x256x64xf32, #tpu.memory_space<vmem>>, vector<1x256x32xf32>
    %swap3A_742 = vector.shape_cast %swap3A_741 : vector<1x256x32xf32> to vector<256x32xf32>
    %swap3A_743 = vector.shape_cast %add3A_737 : vector<256x32xf32> to vector<1x256x32xf32>
    tpu.vector_store %arg6[%swap3A_738, %swap3A_739, %swap3A_740], %swap3A_743 {strides = array<i32>} : memref<48x256x64xf32, #tpu.memory_space<vmem>>, vector<1x256x32xf32>,
    %mul3A_744 = arith.mulf %slice3A_734, %get3A_20 : vector<256x32xf32>
    %mul3A_745 = arith.mulf %slice3A_733, %get3A_23 : vector<256x32xf32>
    %sub3A_746 = arith.subf %mul3A_744, %mul3A_745 : vector<256x32xf32>
    %swap3A_747 = arith.constant 15 : index
    %swap3A_748 = arith.constant 0 : index
    %swap3A_749 = arith.constant 32 : index
    %swap3A_750 = vector.load %arg6[%swap3A_747, %swap3A_748, %swap3A_749] : memref<48x256x64xf32, #tpu.memory_space<vmem>>, vector<1x256x32xf32>
    %swap3A_751 = vector.shape_cast %swap3A_750 : vector<1x256x32xf32> to vector<256x32xf32>
    %swap3A_752 = vector.shape_cast %sub3A_746 : vector<256x32xf32> to vector<1x256x32xf32>
    tpu.vector_store %arg6[%swap3A_747, %swap3A_748, %swap3A_749], %swap3A_752 {strides = array<i32>} : memref<48x256x64xf32, #tpu.memory_space<vmem>>, vector<1x256x32xf32>,
    %slice3A_753 = vector.extract_strided_slice %dot_general3A_17 {offsets = [0, 1984], sizes = [256, 32], strides = [1, 1]} : vector<256x3072xf32> to vector<256x32xf32>
    %slice3A_754 = vector.extract_strided_slice %dot_general3A_17 {offsets = [0, 2016], sizes = [256, 32], strides = [1, 1]} : vector<256x3072xf32> to vector<256x32xf32>
    %mul3A_755 = arith.mulf %slice3A_753, %get3A_20 : vector<256x32xf32>
    %mul3A_756 = arith.mulf %slice3A_754, %get3A_23 : vector<256x32xf32>
    %add3A_757 = arith.addf %mul3A_755, %mul3A_756 : vector<256x32xf32>
    %swap3A_758 = arith.constant 31 : index
    %swap3A_759 = arith.constant 0 : index
    %swap3A_760 = arith.constant 0 : index
    %swap3A_761 = vector.load %arg6[%swap3A_758, %swap3A_759, %swap3A_760] : memref<48x256x64xf32, #tpu.memory_space<vmem>>, vector<1x256x32xf32>
    %swap3A_762 = vector.shape_cast %swap3A_761 : vector<1x256x32xf32> to vector<256x32xf32>
    %swap3A_763 = vector.shape_cast %add3A_757 : vector<256x32xf32> to vector<1x256x32xf32>
    tpu.vector_store %arg6[%swap3A_758, %swap3A_759, %swap3A_760], %swap3A_763 {strides = array<i32>} : memref<48x256x64xf32, #tpu.memory_space<vmem>>, vector<1x256x32xf32>,
    %mul3A_764 = arith.mulf %slice3A_754, %get3A_20 : vector<256x32xf32>
    %mul3A_765 = arith.mulf %slice3A_753, %get3A_23 : vector<256x32xf32>
    %sub3A_766 = arith.subf %mul3A_764, %mul3A_765 : vector<256x32xf32>
    %swap3A_767 = arith.constant 31 : index
    %swap3A_768 = arith.constant 0 : index
    %swap3A_769 = arith.constant 32 : index
    %swap3A_770 = vector.load %arg6[%swap3A_767, %swap3A_768, %swap3A_769] : memref<48x256x64xf32, #tpu.memory_space<vmem>>, vector<1x256x32xf32>
    %swap3A_771 = vector.shape_cast %swap3A_770 : vector<1x256x32xf32> to vector<256x32xf32>
    %swap3A_772 = vector.shape_cast %sub3A_766 : vector<256x32xf32> to vector<1x256x32xf32>
    tpu.vector_store %arg6[%swap3A_767, %swap3A_768, %swap3A_769], %swap3A_772 {strides = array<i32>} : memref<48x256x64xf32, #tpu.memory_space<vmem>>, vector<1x256x32xf32>,
    return
  }
  func.func @transform_0(%arg0: i32) -> (i32, i32) {
    %c0_i32 = arith.constant 0 : i32
    %c0_i32_0 = arith.constant 0 : i32
    return %arg0, %c0_i32 : i32, i32
  }
  func.func @transform_1(%arg0: i32) -> (i32, i32) {
    %c0_i32 = arith.constant 0 : i32
    %c0_i32_0 = arith.constant 0 : i32
    %c0_i32_1 = arith.constant 0 : i32
    return %c0_i32, %c0_i32_0 : i32, i32
  }
  func.func @transform_2(%arg0: i32) -> (i32, i32) {
    %c0_i32 = arith.constant 0 : i32
    %c0_i32_0 = arith.constant 0 : i32
    %c0_i32_1 = arith.constant 0 : i32
    return %c0_i32, %c0_i32_0 : i32, i32
  }
  func.func @transform_3(%arg0: i32) -> (i32, i32) {
    %c0_i32 = arith.constant 0 : i32
    %c0_i32_0 = arith.constant 0 : i32
    return %arg0, %c0_i32 : i32, i32
  }
  func.func @transform_4(%arg0: i32) -> (i32, i32) {
    %c0_i32 = arith.constant 0 : i32
    %c0_i32_0 = arith.constant 0 : i32
    return %arg0, %c0_i32 : i32, i32
  }
  func.func @transform_5(%arg0: i32) -> (i32, i32, i32) {
    %c0_i32 = arith.constant 0 : i32
    %c0_i32_0 = arith.constant 0 : i32
    %c0_i32_1 = arith.constant 0 : i32
    return %c0_i32, %arg0, %c0_i32_0 : i32, i32, i32
  }
}

module attributes {stable_mosaic.version = 14 : i64} {
  func.func @_attn_body(%arg0: i32, %arg1: i32, %arg2: memref<1x256x64xf32, #tpu.memory_space<vmem>>, %arg3: memref<1x2048x64xf32, #tpu.memory_space<vmem>>, %arg4: memref<1x2048x64xf32, #tpu.memory_space<vmem>>, %arg5: memref<1x256x64xf32, #tpu.memory_space<vmem>>) attributes {dimension_semantics = [#tpu.dimension_semantics<arbitrary>, #tpu.dimension_semantics<arbitrary>], iteration_bounds = array<i64: 16, 8>, scalar_prefetch = 0 : i64, scratch_operands = 0 : i64, tpu.core_type = #tpu.core_type<tc>, window_params = [{transform_indices = @transform_0, window_bounds = array<i64: 1, 256, 64>}, {transform_indices = @transform_1, window_bounds = array<i64: 1, 2048, 64>}, {transform_indices = @transform_2, window_bounds = array<i64: 1, 2048, 64>}, {transform_indices = @transform_3, window_bounds = array<i64: 1, 256, 64>}]} {
    %get3A = arith.constant 0 : index
    %get3A_0 = arith.constant 0 : index
    %get3A_1 = arith.constant 0 : index
    %get3A_2 = vector.load %arg2[%get3A, %get3A_0, %get3A_1] : memref<1x256x64xf32, #tpu.memory_space<vmem>>, vector<1x256x64xf32>
    %get3A_3 = vector.shape_cast %get3A_2 : vector<1x256x64xf32> to vector<256x64xf32>
    %mul3A = arith.constant 1.250000e-01 : f32
    %mul3A_4 = vector.broadcast %mul3A : f32 to vector<256x64xf32>
    %mul3A_5 = arith.mulf %get3A_3, %mul3A_4 : vector<256x64xf32>
    %convert_element_type3A = arith.truncf %mul3A_5 : vector<256x64xf32> to vector<256x64xbf16>
    %mul3A_6 = arith.constant 256 : i32
    %mul3A_7 = arith.muli %arg1, %mul3A_6 : i32
    %iota3A = tpu.iota {dimensions = array<i32: 0>} : vector<256x256xi32>
    %add3A = vector.broadcast %mul3A_7 : i32 to vector<256x256xi32>
    %add3A_8 = arith.addi %add3A, %iota3A : vector<256x256xi32>
    %add3A_9 = arith.constant 1 : i32
    %add3A_10 = arith.addi %arg1, %add3A_9 : i32
    %broadcast_in_dim3A = arith.constant 0.000000e+00 : f32
    %broadcast_in_dim3A_11 = vector.broadcast %broadcast_in_dim3A : f32 to vector<256x64xf32>
    %broadcast_in_dim3A_12 = arith.constant -1.000000e+30 : f32
    %broadcast_in_dim3A_13 = vector.broadcast %broadcast_in_dim3A_12 : f32 to vector<256x1xf32>
    %broadcast_in_dim3A_14 = arith.constant 0.000000e+00 : f32
    %broadcast_in_dim3A_15 = vector.broadcast %broadcast_in_dim3A_14 : f32 to vector<256x1xf32>
    %while3A = arith.constant 0 : i32
    %while3A_16 = arith.subi %add3A_10, %while3A : i32
    %while3A_17 = arith.addi %while3A, %while3A_16 : i32
    %while3A_18 = arith.constant 1 : i32
    %while3A_19 = arith.divsi %while3A_16, %while3A_18 : i32
    %while3A_20 = arith.muli %while3A_19, %while3A_18 : i32
    %while3A_21 = arith.addi %while3A, %while3A_20 : i32
    %while3A_22 = arith.constant 1 : i32
    %while3A_23:3 = scf.for %while3A_32 = %while3A to %while3A_21 step %while3A_22 iter_args(%while3A_33 = %broadcast_in_dim3A_11, %while3A_34 = %broadcast_in_dim3A_13, %while3A_35 = %broadcast_in_dim3A_15) -> (vector<256x64xf32>, vector<256x1xf32>, vector<256x1xf32>)  : i32 {
      %mul3A_36 = arith.constant 256 : i32
      %mul3A_37 = arith.muli %while3A_32, %mul3A_36 : i32
      %get3A_38 = arith.constant 0 : index
      %get3A_39 = arith.index_cast %mul3A_37 : i32 to index
      %get3A_40 = arith.constant 0 : index
      %get3A_41 = vector.load %arg3[%get3A_38, %get3A_39, %get3A_40] : memref<1x2048x64xf32, #tpu.memory_space<vmem>>, vector<1x256x64xf32>
      %get3A_42 = vector.shape_cast %get3A_41 : vector<1x256x64xf32> to vector<256x64xf32>
      %convert_element_type3A_43 = arith.truncf %get3A_42 : vector<256x64xf32> to vector<256x64xbf16>
      %dot_general3A = arith.constant dense<0.000000e+00> : vector<256x256xf32>
      %dot_general3A_44 = tpu.matmul %convert_element_type3A, %convert_element_type3A_43, %dot_general3A {dimension_numbers = #tpu.dot_dimension_numbers<[1], [1], [0], [0], [0, 0, 1, 0], [], []>, transpose_lhs_hint = false} : vector<256x64xbf16>, vector<256x64xbf16>, vector<256x256xf32> -> vector<256x256xf32>
      %mul3A_45 = arith.constant 256 : i32
      %mul3A_46 = arith.muli %while3A_32, %mul3A_45 : i32
      %iota3A_47 = tpu.iota {dimensions = array<i32: 1>} : vector<256x256xi32>
      %add3A_48 = vector.broadcast %mul3A_46 : i32 to vector<256x256xi32>
      %add3A_49 = arith.addi %add3A_48, %iota3A_47 : vector<256x256xi32>
      %le3A = arith.cmpi sle, %add3A_49, %add3A_8 : vector<256x256xi32>
      %jit3A = arith.constant -1.000000e+30 : f32
      %broadcast_in_dim3A_50 = vector.broadcast %jit3A : f32 to vector<256x256xf32>
      %select_n3A = arith.select %le3A, %dot_general3A_44, %broadcast_in_dim3A_50 : vector<256x256xi1>, vector<256x256xf32>
      %reduce_max3A = arith.constant dense<0xFF800000> : vector<256xf32>
      %reduce_max3A_51 = vector.multi_reduction <maximumf>, %select_n3A, %reduce_max3A [1] : vector<256x256xf32> to vector<256xf32>
      %broadcast_in_dim3A_52 = vector.shape_cast %reduce_max3A_51 : vector<256xf32> to vector<256x1xf32>
      %max3A = arith.maximumf %while3A_34, %broadcast_in_dim3A_52 : vector<256x1xf32>
      %sub3A = arith.subf %while3A_34, %max3A : vector<256x1xf32>
      %exp3A = math.exp %sub3A : vector<256x1xf32>
      %sub3A_53 = vector.broadcast %max3A : vector<256x1xf32> to vector<256x256xf32>
      %sub3A_54 = arith.subf %select_n3A, %sub3A_53 : vector<256x256xf32>
      %exp3A_55 = math.exp %sub3A_54 : vector<256x256xf32>
      %mul3A_56 = arith.mulf %while3A_35, %exp3A : vector<256x1xf32>
      %reduce_sum3A = arith.constant dense<0.000000e+00> : vector<256xf32>
      %reduce_sum3A_57 = vector.multi_reduction <add>, %exp3A_55, %reduce_sum3A [1] : vector<256x256xf32> to vector<256xf32>
      %broadcast_in_dim3A_58 = vector.shape_cast %reduce_sum3A_57 : vector<256xf32> to vector<256x1xf32>
      %add3A_59 = arith.addf %mul3A_56, %broadcast_in_dim3A_58 : vector<256x1xf32>
      %mul3A_60 = arith.constant 256 : i32
      %mul3A_61 = arith.muli %while3A_32, %mul3A_60 : i32
      %get3A_62 = arith.constant 0 : index
      %get3A_63 = arith.index_cast %mul3A_61 : i32 to index
      %get3A_64 = arith.constant 0 : index
      %get3A_65 = vector.load %arg4[%get3A_62, %get3A_63, %get3A_64] : memref<1x2048x64xf32, #tpu.memory_space<vmem>>, vector<1x256x64xf32>
      %get3A_66 = vector.shape_cast %get3A_65 : vector<1x256x64xf32> to vector<256x64xf32>
      %convert_element_type3A_67 = arith.truncf %get3A_66 : vector<256x64xf32> to vector<256x64xbf16>
      %mul3A_68 = vector.broadcast %exp3A : vector<256x1xf32> to vector<256x64xf32>
      %mul3A_69 = arith.mulf %while3A_33, %mul3A_68 : vector<256x64xf32>
      %convert_element_type3A_70 = arith.truncf %exp3A_55 : vector<256x256xf32> to vector<256x256xbf16>
      %dot_general3A_71 = arith.constant dense<0.000000e+00> : vector<256x64xf32>
      %dot_general3A_72 = tpu.matmul %convert_element_type3A_70, %convert_element_type3A_67, %dot_general3A_71 {dimension_numbers = #tpu.dot_dimension_numbers<[1], [0], [0], [1], [0, 0, 1, 1], [], []>, transpose_lhs_hint = false} : vector<256x256xbf16>, vector<256x64xbf16>, vector<256x64xf32> -> vector<256x64xf32>
      %add3A_73 = arith.addf %mul3A_69, %dot_general3A_72 : vector<256x64xf32>
      scf.yield %add3A_73, %max3A, %add3A_59 : vector<256x64xf32>, vector<256x1xf32>, vector<256x1xf32>
    }
    %while3A_24 = arith.constant 1 : i32
    %while3A_25:3 = scf.for %while3A_32 = %while3A_21 to %while3A_17 step %while3A_24 iter_args(%while3A_33 = %while3A_23#0, %while3A_34 = %while3A_23#1, %while3A_35 = %while3A_23#2) -> (vector<256x64xf32>, vector<256x1xf32>, vector<256x1xf32>)  : i32 {
      %mul3A_36 = arith.constant 256 : i32
      %mul3A_37 = arith.muli %while3A_32, %mul3A_36 : i32
      %get3A_38 = arith.constant 0 : index
      %get3A_39 = arith.index_cast %mul3A_37 : i32 to index
      %get3A_40 = arith.constant 0 : index
      %get3A_41 = vector.load %arg3[%get3A_38, %get3A_39, %get3A_40] : memref<1x2048x64xf32, #tpu.memory_space<vmem>>, vector<1x256x64xf32>
      %get3A_42 = vector.shape_cast %get3A_41 : vector<1x256x64xf32> to vector<256x64xf32>
      %convert_element_type3A_43 = arith.truncf %get3A_42 : vector<256x64xf32> to vector<256x64xbf16>
      %dot_general3A = arith.constant dense<0.000000e+00> : vector<256x256xf32>
      %dot_general3A_44 = tpu.matmul %convert_element_type3A, %convert_element_type3A_43, %dot_general3A {dimension_numbers = #tpu.dot_dimension_numbers<[1], [1], [0], [0], [0, 0, 1, 0], [], []>, transpose_lhs_hint = false} : vector<256x64xbf16>, vector<256x64xbf16>, vector<256x256xf32> -> vector<256x256xf32>
      %mul3A_45 = arith.constant 256 : i32
      %mul3A_46 = arith.muli %while3A_32, %mul3A_45 : i32
      %iota3A_47 = tpu.iota {dimensions = array<i32: 1>} : vector<256x256xi32>
      %add3A_48 = vector.broadcast %mul3A_46 : i32 to vector<256x256xi32>
      %add3A_49 = arith.addi %add3A_48, %iota3A_47 : vector<256x256xi32>
      %le3A = arith.cmpi sle, %add3A_49, %add3A_8 : vector<256x256xi32>
      %jit3A = arith.constant -1.000000e+30 : f32
      %broadcast_in_dim3A_50 = vector.broadcast %jit3A : f32 to vector<256x256xf32>
      %select_n3A = arith.select %le3A, %dot_general3A_44, %broadcast_in_dim3A_50 : vector<256x256xi1>, vector<256x256xf32>
      %reduce_max3A = arith.constant dense<0xFF800000> : vector<256xf32>
      %reduce_max3A_51 = vector.multi_reduction <maximumf>, %select_n3A, %reduce_max3A [1] : vector<256x256xf32> to vector<256xf32>
      %broadcast_in_dim3A_52 = vector.shape_cast %reduce_max3A_51 : vector<256xf32> to vector<256x1xf32>
      %max3A = arith.maximumf %while3A_34, %broadcast_in_dim3A_52 : vector<256x1xf32>
      %sub3A = arith.subf %while3A_34, %max3A : vector<256x1xf32>
      %exp3A = math.exp %sub3A : vector<256x1xf32>
      %sub3A_53 = vector.broadcast %max3A : vector<256x1xf32> to vector<256x256xf32>
      %sub3A_54 = arith.subf %select_n3A, %sub3A_53 : vector<256x256xf32>
      %exp3A_55 = math.exp %sub3A_54 : vector<256x256xf32>
      %mul3A_56 = arith.mulf %while3A_35, %exp3A : vector<256x1xf32>
      %reduce_sum3A = arith.constant dense<0.000000e+00> : vector<256xf32>
      %reduce_sum3A_57 = vector.multi_reduction <add>, %exp3A_55, %reduce_sum3A [1] : vector<256x256xf32> to vector<256xf32>
      %broadcast_in_dim3A_58 = vector.shape_cast %reduce_sum3A_57 : vector<256xf32> to vector<256x1xf32>
      %add3A_59 = arith.addf %mul3A_56, %broadcast_in_dim3A_58 : vector<256x1xf32>
      %mul3A_60 = arith.constant 256 : i32
      %mul3A_61 = arith.muli %while3A_32, %mul3A_60 : i32
      %get3A_62 = arith.constant 0 : index
      %get3A_63 = arith.index_cast %mul3A_61 : i32 to index
      %get3A_64 = arith.constant 0 : index
      %get3A_65 = vector.load %arg4[%get3A_62, %get3A_63, %get3A_64] : memref<1x2048x64xf32, #tpu.memory_space<vmem>>, vector<1x256x64xf32>
      %get3A_66 = vector.shape_cast %get3A_65 : vector<1x256x64xf32> to vector<256x64xf32>
      %convert_element_type3A_67 = arith.truncf %get3A_66 : vector<256x64xf32> to vector<256x64xbf16>
      %mul3A_68 = vector.broadcast %exp3A : vector<256x1xf32> to vector<256x64xf32>
      %mul3A_69 = arith.mulf %while3A_33, %mul3A_68 : vector<256x64xf32>
      %convert_element_type3A_70 = arith.truncf %exp3A_55 : vector<256x256xf32> to vector<256x256xbf16>
      %dot_general3A_71 = arith.constant dense<0.000000e+00> : vector<256x64xf32>
      %dot_general3A_72 = tpu.matmul %convert_element_type3A_70, %convert_element_type3A_67, %dot_general3A_71 {dimension_numbers = #tpu.dot_dimension_numbers<[1], [0], [0], [1], [0, 0, 1, 1], [], []>, transpose_lhs_hint = false} : vector<256x256xbf16>, vector<256x64xbf16>, vector<256x64xf32> -> vector<256x64xf32>
      %add3A_73 = arith.addf %mul3A_69, %dot_general3A_72 : vector<256x64xf32>
      scf.yield %add3A_73, %max3A, %add3A_59 : vector<256x64xf32>, vector<256x1xf32>, vector<256x1xf32>
    }
    %div3A = vector.broadcast %while3A_25#2 : vector<256x1xf32> to vector<256x64xf32>
    %div3A_26 = arith.divf %while3A_25#0, %div3A : vector<256x64xf32>
    %swap3A = arith.constant 0 : index
    %swap3A_27 = arith.constant 0 : index
    %swap3A_28 = arith.constant 0 : index
    %swap3A_29 = vector.load %arg5[%swap3A, %swap3A_27, %swap3A_28] : memref<1x256x64xf32, #tpu.memory_space<vmem>>, vector<1x256x64xf32>
    %swap3A_30 = vector.shape_cast %swap3A_29 : vector<1x256x64xf32> to vector<256x64xf32>
    %swap3A_31 = vector.shape_cast %div3A_26 : vector<256x64xf32> to vector<1x256x64xf32>
    tpu.vector_store %arg5[%swap3A, %swap3A_27, %swap3A_28], %swap3A_31 {strides = array<i32>} : memref<1x256x64xf32, #tpu.memory_space<vmem>>, vector<1x256x64xf32>,
    return
  }
  func.func @transform_0(%arg0: i32, %arg1: i32) -> (i32, i32, i32) {
    %c0_i32 = arith.constant 0 : i32
    %c0_i32_0 = arith.constant 0 : i32
    return %arg0, %arg1, %c0_i32 : i32, i32, i32
  }
  func.func @transform_1(%arg0: i32, %arg1: i32) -> (i32, i32, i32) {
    %add3A = arith.constant 16 : i32
    %add3A_0 = arith.addi %add3A, %arg0 : i32
    %c0_i32 = arith.constant 0 : i32
    %c0_i32_1 = arith.constant 0 : i32
    %c0_i32_2 = arith.constant 0 : i32
    return %add3A_0, %c0_i32, %c0_i32_1 : i32, i32, i32
  }
  func.func @transform_2(%arg0: i32, %arg1: i32) -> (i32, i32, i32) {
    %add3A = arith.constant 32 : i32
    %add3A_0 = arith.addi %add3A, %arg0 : i32
    %c0_i32 = arith.constant 0 : i32
    %c0_i32_1 = arith.constant 0 : i32
    %c0_i32_2 = arith.constant 0 : i32
    return %add3A_0, %c0_i32, %c0_i32_1 : i32, i32, i32
  }
  func.func @transform_3(%arg0: i32, %arg1: i32) -> (i32, i32, i32) {
    %c0_i32 = arith.constant 0 : i32
    %c0_i32_0 = arith.constant 0 : i32
    return %arg0, %arg1, %c0_i32 : i32, i32, i32
  }
}

module attributes {stable_mosaic.version = 14 : i64} {
  func.func @_oproj_body(%arg0: i32, %arg1: memref<16x256x64xf32, #tpu.memory_space<vmem>>, %arg2: memref<256x1024xf32, #tpu.memory_space<vmem>>, %arg3: memref<1024x1024xbf16, #tpu.memory_space<vmem>>, %arg4: memref<1x1024xf32, #tpu.memory_space<vmem>>, %arg5: memref<1024x64xf32, #tpu.memory_space<vmem>>, %arg6: memref<256x8xi32, #tpu.memory_space<vmem>>, %arg7: memref<256x8xf32, #tpu.memory_space<vmem>>, %arg8: memref<1x64xf32, #tpu.memory_space<vmem>>, %arg9: memref<256x1024xf32, #tpu.memory_space<vmem>>, %arg10: memref<256x1024xf32, #tpu.memory_space<vmem>>, %arg11: memref<256x8xf32, #tpu.memory_space<vmem>>) attributes {dimension_semantics = [#tpu.dimension_semantics<arbitrary>], iteration_bounds = array<i64: 8>, scalar_prefetch = 0 : i64, scratch_operands = 0 : i64, tpu.core_type = #tpu.core_type<tc>, window_params = [{transform_indices = @transform_0, window_bounds = array<i64: 16, 256, 64>}, {transform_indices = @transform_1, window_bounds = array<i64: 256, 1024>}, {pipeline_mode = #tpu.pipeline_mode<synchronous>, transform_indices = @transform_2, window_bounds = array<i64: 1024, 1024>}, {pipeline_mode = #tpu.pipeline_mode<synchronous>, transform_indices = @transform_3, window_bounds = array<i64: 1, 1024>}, {pipeline_mode = #tpu.pipeline_mode<synchronous>, transform_indices = @transform_4, window_bounds = array<i64: 1024, 64>}, {transform_indices = @transform_5, window_bounds = array<i64: 256, 8>}, {transform_indices = @transform_6, window_bounds = array<i64: 256, 8>}, {pipeline_mode = #tpu.pipeline_mode<synchronous>, transform_indices = @transform_7, window_bounds = array<i64: 1, 64>}, {transform_indices = @transform_8, window_bounds = array<i64: 256, 1024>}, {transform_indices = @transform_9, window_bounds = array<i64: 256, 1024>}, {transform_indices = @transform_10, window_bounds = array<i64: 256, 8>}]} {
    %get3A = arith.constant 0 : index
    %get3A_0 = arith.constant 0 : index
    %get3A_1 = arith.constant 0 : index
    %get3A_2 = vector.load %arg1[%get3A, %get3A_0, %get3A_1] : memref<16x256x64xf32, #tpu.memory_space<vmem>>, vector<1x256x64xf32>
    %get3A_3 = vector.shape_cast %get3A_2 : vector<1x256x64xf32> to vector<256x64xf32>
    %get3A_4 = arith.constant 1 : index
    %get3A_5 = arith.constant 0 : index
    %get3A_6 = arith.constant 0 : index
    %get3A_7 = vector.load %arg1[%get3A_4, %get3A_5, %get3A_6] : memref<16x256x64xf32, #tpu.memory_space<vmem>>, vector<1x256x64xf32>
    %get3A_8 = vector.shape_cast %get3A_7 : vector<1x256x64xf32> to vector<256x64xf32>
    %get3A_9 = arith.constant 2 : index
    %get3A_10 = arith.constant 0 : index
    %get3A_11 = arith.constant 0 : index
    %get3A_12 = vector.load %arg1[%get3A_9, %get3A_10, %get3A_11] : memref<16x256x64xf32, #tpu.memory_space<vmem>>, vector<1x256x64xf32>
    %get3A_13 = vector.shape_cast %get3A_12 : vector<1x256x64xf32> to vector<256x64xf32>
    %get3A_14 = arith.constant 3 : index
    %get3A_15 = arith.constant 0 : index
    %get3A_16 = arith.constant 0 : index
    %get3A_17 = vector.load %arg1[%get3A_14, %get3A_15, %get3A_16] : memref<16x256x64xf32, #tpu.memory_space<vmem>>, vector<1x256x64xf32>
    %get3A_18 = vector.shape_cast %get3A_17 : vector<1x256x64xf32> to vector<256x64xf32>
    %get3A_19 = arith.constant 4 : index
    %get3A_20 = arith.constant 0 : index
    %get3A_21 = arith.constant 0 : index
    %get3A_22 = vector.load %arg1[%get3A_19, %get3A_20, %get3A_21] : memref<16x256x64xf32, #tpu.memory_space<vmem>>, vector<1x256x64xf32>
    %get3A_23 = vector.shape_cast %get3A_22 : vector<1x256x64xf32> to vector<256x64xf32>
    %get3A_24 = arith.constant 5 : index
    %get3A_25 = arith.constant 0 : index
    %get3A_26 = arith.constant 0 : index
    %get3A_27 = vector.load %arg1[%get3A_24, %get3A_25, %get3A_26] : memref<16x256x64xf32, #tpu.memory_space<vmem>>, vector<1x256x64xf32>
    %get3A_28 = vector.shape_cast %get3A_27 : vector<1x256x64xf32> to vector<256x64xf32>
    %get3A_29 = arith.constant 6 : index
    %get3A_30 = arith.constant 0 : index
    %get3A_31 = arith.constant 0 : index
    %get3A_32 = vector.load %arg1[%get3A_29, %get3A_30, %get3A_31] : memref<16x256x64xf32, #tpu.memory_space<vmem>>, vector<1x256x64xf32>
    %get3A_33 = vector.shape_cast %get3A_32 : vector<1x256x64xf32> to vector<256x64xf32>
    %get3A_34 = arith.constant 7 : index
    %get3A_35 = arith.constant 0 : index
    %get3A_36 = arith.constant 0 : index
    %get3A_37 = vector.load %arg1[%get3A_34, %get3A_35, %get3A_36] : memref<16x256x64xf32, #tpu.memory_space<vmem>>, vector<1x256x64xf32>
    %get3A_38 = vector.shape_cast %get3A_37 : vector<1x256x64xf32> to vector<256x64xf32>
    %get3A_39 = arith.constant 8 : index
    %get3A_40 = arith.constant 0 : index
    %get3A_41 = arith.constant 0 : index
    %get3A_42 = vector.load %arg1[%get3A_39, %get3A_40, %get3A_41] : memref<16x256x64xf32, #tpu.memory_space<vmem>>, vector<1x256x64xf32>
    %get3A_43 = vector.shape_cast %get3A_42 : vector<1x256x64xf32> to vector<256x64xf32>
    %get3A_44 = arith.constant 9 : index
    %get3A_45 = arith.constant 0 : index
    %get3A_46 = arith.constant 0 : index
    %get3A_47 = vector.load %arg1[%get3A_44, %get3A_45, %get3A_46] : memref<16x256x64xf32, #tpu.memory_space<vmem>>, vector<1x256x64xf32>
    %get3A_48 = vector.shape_cast %get3A_47 : vector<1x256x64xf32> to vector<256x64xf32>
    %get3A_49 = arith.constant 10 : index
    %get3A_50 = arith.constant 0 : index
    %get3A_51 = arith.constant 0 : index
    %get3A_52 = vector.load %arg1[%get3A_49, %get3A_50, %get3A_51] : memref<16x256x64xf32, #tpu.memory_space<vmem>>, vector<1x256x64xf32>
    %get3A_53 = vector.shape_cast %get3A_52 : vector<1x256x64xf32> to vector<256x64xf32>
    %get3A_54 = arith.constant 11 : index
    %get3A_55 = arith.constant 0 : index
    %get3A_56 = arith.constant 0 : index
    %get3A_57 = vector.load %arg1[%get3A_54, %get3A_55, %get3A_56] : memref<16x256x64xf32, #tpu.memory_space<vmem>>, vector<1x256x64xf32>
    %get3A_58 = vector.shape_cast %get3A_57 : vector<1x256x64xf32> to vector<256x64xf32>
    %get3A_59 = arith.constant 12 : index
    %get3A_60 = arith.constant 0 : index
    %get3A_61 = arith.constant 0 : index
    %get3A_62 = vector.load %arg1[%get3A_59, %get3A_60, %get3A_61] : memref<16x256x64xf32, #tpu.memory_space<vmem>>, vector<1x256x64xf32>
    %get3A_63 = vector.shape_cast %get3A_62 : vector<1x256x64xf32> to vector<256x64xf32>
    %get3A_64 = arith.constant 13 : index
    %get3A_65 = arith.constant 0 : index
    %get3A_66 = arith.constant 0 : index
    %get3A_67 = vector.load %arg1[%get3A_64, %get3A_65, %get3A_66] : memref<16x256x64xf32, #tpu.memory_space<vmem>>, vector<1x256x64xf32>
    %get3A_68 = vector.shape_cast %get3A_67 : vector<1x256x64xf32> to vector<256x64xf32>
    %get3A_69 = arith.constant 14 : index
    %get3A_70 = arith.constant 0 : index
    %get3A_71 = arith.constant 0 : index
    %get3A_72 = vector.load %arg1[%get3A_69, %get3A_70, %get3A_71] : memref<16x256x64xf32, #tpu.memory_space<vmem>>, vector<1x256x64xf32>
    %get3A_73 = vector.shape_cast %get3A_72 : vector<1x256x64xf32> to vector<256x64xf32>
    %get3A_74 = arith.constant 15 : index
    %get3A_75 = arith.constant 0 : index
    %get3A_76 = arith.constant 0 : index
    %get3A_77 = vector.load %arg1[%get3A_74, %get3A_75, %get3A_76] : memref<16x256x64xf32, #tpu.memory_space<vmem>>, vector<1x256x64xf32>
    %get3A_78 = vector.shape_cast %get3A_77 : vector<1x256x64xf32> to vector<256x64xf32>
    %concatenate3A = tpu.concatenate %get3A_3, %get3A_8, %get3A_13, %get3A_18, %get3A_23, %get3A_28, %get3A_33, %get3A_38, %get3A_43, %get3A_48, %get3A_53, %get3A_58, %get3A_63, %get3A_68, %get3A_73, %get3A_78 in 1 : vector<256x64xf32>, vector<256x64xf32>, vector<256x64xf32>, vector<256x64xf32>, vector<256x64xf32>, vector<256x64xf32>, vector<256x64xf32>, vector<256x64xf32>, vector<256x64xf32>, vector<256x64xf32>, vector<256x64xf32>, vector<256x64xf32>, vector<256x64xf32>, vector<256x64xf32>, vector<256x64xf32>, vector<256x64xf32> -> vector<256x1024xf32>
    %convert_element_type3A = arith.truncf %concatenate3A : vector<256x1024xf32> to vector<256x1024xbf16>
    %get3A_79 = arith.constant 0 : index
    %get3A_80 = arith.constant 0 : index
    %get3A_81 = vector.load %arg3[%get3A_79, %get3A_80] : memref<1024x1024xbf16, #tpu.memory_space<vmem>>, vector<1024x1024xbf16>
    %dot_general3A = arith.constant dense<0.000000e+00> : vector<256x1024xf32>
    %dot_general3A_82 = tpu.matmul %convert_element_type3A, %get3A_81, %dot_general3A {dimension_numbers = #tpu.dot_dimension_numbers<[1], [0], [0], [1], [0, 0, 1, 1], [], []>, transpose_lhs_hint = false} : vector<256x1024xbf16>, vector<1024x1024xbf16>, vector<256x1024xf32> -> vector<256x1024xf32>
    %get3A_83 = arith.constant 0 : index
    %get3A_84 = arith.constant 0 : index
    %get3A_85 = vector.load %arg2[%get3A_83, %get3A_84] : memref<256x1024xf32, #tpu.memory_space<vmem>>, vector<256x1024xf32>
    %add3A = arith.addf %dot_general3A_82, %get3A_85 : vector<256x1024xf32>
    %swap3A = arith.constant 0 : index
    %swap3A_86 = arith.constant 0 : index
    %swap3A_87 = vector.load %arg9[%swap3A, %swap3A_86] : memref<256x1024xf32, #tpu.memory_space<vmem>>, vector<256x1024xf32>
    tpu.vector_store %arg9[%swap3A, %swap3A_86], %add3A {strides = array<i32>} : memref<256x1024xf32, #tpu.memory_space<vmem>>, vector<256x1024xf32>,
    %get3A_88 = arith.constant 0 : index
    %get3A_89 = arith.constant 0 : index
    %get3A_90 = vector.load %arg4[%get3A_88, %get3A_89] : memref<1x1024xf32, #tpu.memory_space<vmem>>, vector<1x1024xf32>
    %mul3A = arith.mulf %add3A, %add3A : vector<256x1024xf32>
    %reduce_sum3A = arith.constant dense<0.000000e+00> : vector<256xf32>
    %reduce_sum3A_91 = vector.multi_reduction <add>, %mul3A, %reduce_sum3A [1] : vector<256x1024xf32> to vector<256xf32>
    %broadcast_in_dim3A = vector.shape_cast %reduce_sum3A_91 : vector<256xf32> to vector<256x1xf32>
    %div3A = arith.constant 1.024000e+03 : f32
    %div3A_92 = vector.broadcast %div3A : f32 to vector<256x1xf32>
    %div3A_93 = arith.divf %broadcast_in_dim3A, %div3A_92 : vector<256x1xf32>
    %add3A_94 = arith.constant 9.99999974E-6 : f32
    %add3A_95 = vector.broadcast %add3A_94 : f32 to vector<256x1xf32>
    %add3A_96 = arith.addf %div3A_93, %add3A_95 : vector<256x1xf32>
    %rsqrt3A = math.rsqrt %add3A_96 : vector<256x1xf32>
    %mul3A_97 = vector.broadcast %rsqrt3A : vector<256x1xf32> to vector<256x1024xf32>
    %mul3A_98 = arith.mulf %add3A, %mul3A_97 : vector<256x1024xf32>
    %mul3A_99 = vector.broadcast %get3A_90 : vector<1x1024xf32> to vector<256x1024xf32>
    %mul3A_100 = arith.mulf %mul3A_98, %mul3A_99 : vector<256x1024xf32>
    %swap3A_101 = arith.constant 0 : index
    %swap3A_102 = arith.constant 0 : index
    %swap3A_103 = vector.load %arg10[%swap3A_101, %swap3A_102] : memref<256x1024xf32, #tpu.memory_space<vmem>>, vector<256x1024xf32>
    tpu.vector_store %arg10[%swap3A_101, %swap3A_102], %mul3A_100 {strides = array<i32>} : memref<256x1024xf32, #tpu.memory_space<vmem>>, vector<256x1024xf32>,
    %get3A_104 = arith.constant 0 : index
    %get3A_105 = arith.constant 0 : index
    %get3A_106 = vector.load %arg5[%get3A_104, %get3A_105] : memref<1024x64xf32, #tpu.memory_space<vmem>>, vector<1024x64xf32>
    %dot_general3A_107 = arith.constant dense<0.000000e+00> : vector<256x64xf32>
    %dot_general3A_108 = tpu.matmul %mul3A_100, %get3A_106, %dot_general3A_107 {dimension_numbers = #tpu.dot_dimension_numbers<[1], [0], [0], [1], [0, 0, 1, 1], [], []>, transpose_lhs_hint = false} : vector<256x1024xf32>, vector<1024x64xf32>, vector<256x64xf32> -> vector<256x64xf32>
    %get3A_109 = arith.constant 0 : index
    %get3A_110 = arith.constant 0 : index
    %get3A_111 = vector.load %arg6[%get3A_109, %get3A_110] : memref<256x8xi32, #tpu.memory_space<vmem>>, vector<256x8xi32>
    %iota3A = tpu.iota {dimensions = array<i32: 2>} : vector<256x8x64xi32>
    %broadcast_in_dim3A_112 = vector.shape_cast %get3A_111 : vector<256x8xi32> to vector<256x8x1xi32>
    %eq3A = vector.broadcast %broadcast_in_dim3A_112 : vector<256x8x1xi32> to vector<256x8x64xi32>
    %eq3A_113 = arith.cmpi eq, %eq3A, %iota3A : vector<256x8x64xi32>
    %convert_element_type3A_114 = arith.extui %eq3A_113 : vector<256x8x64xi1> to vector<256x8x64xi32>
    %convert_element_type3A_115 = arith.sitofp %convert_element_type3A_114 : vector<256x8x64xi32> to vector<256x8x64xf32>
    %broadcast_in_dim3A_116 = vector.shape_cast %dot_general3A_108 : vector<256x64xf32> to vector<256x1x64xf32>
    %mul3A_117 = vector.broadcast %broadcast_in_dim3A_116 : vector<256x1x64xf32> to vector<256x8x64xf32>
    %mul3A_118 = arith.mulf %convert_element_type3A_115, %mul3A_117 : vector<256x8x64xf32>
    %reduce_sum3A_119 = arith.constant dense<0.000000e+00> : vector<256x8xf32>
    %reduce_sum3A_120 = vector.multi_reduction <add>, %mul3A_118, %reduce_sum3A_119 [2] : vector<256x8x64xf32> to vector<256x8xf32>
    %get3A_121 = arith.constant 0 : index
    %get3A_122 = arith.constant 0 : index
    %get3A_123 = vector.load %arg8[%get3A_121, %get3A_122] : memref<1x64xf32, #tpu.memory_space<vmem>>, vector<1x64xf32>
    %broadcast_in_dim3A_124 = vector.shape_cast %get3A_123 : vector<1x64xf32> to vector<1x1x64xf32>
    %mul3A_125 = vector.broadcast %broadcast_in_dim3A_124 : vector<1x1x64xf32> to vector<256x8x64xf32>
    %mul3A_126 = arith.mulf %convert_element_type3A_115, %mul3A_125 : vector<256x8x64xf32>
    %reduce_sum3A_127 = arith.constant dense<0.000000e+00> : vector<256x8xf32>
    %reduce_sum3A_128 = vector.multi_reduction <add>, %mul3A_126, %reduce_sum3A_127 [2] : vector<256x8x64xf32> to vector<256x8xf32>
    %get3A_129 = arith.constant 0 : index
    %get3A_130 = arith.constant 0 : index
    %get3A_131 = vector.load %arg7[%get3A_129, %get3A_130] : memref<256x8xf32, #tpu.memory_space<vmem>>, vector<256x8xf32>
    %add3A_132 = arith.addf %get3A_131, %reduce_sum3A_120 : vector<256x8xf32>
    %add3A_133 = arith.addf %add3A_132, %reduce_sum3A_128 : vector<256x8xf32>
    %logistic3A = arith.negf %add3A_133 : vector<256x8xf32>
    %logistic3A_134 = math.exp %logistic3A : vector<256x8xf32>
    %logistic3A_135 = arith.constant 1.000000e+00 : f32
    %logistic3A_136 = vector.broadcast %logistic3A_135 : f32 to vector<256x8xf32>
    %logistic3A_137 = arith.addf %logistic3A_136, %logistic3A_134 : vector<256x8xf32>
    %logistic3A_138 = arith.divf %logistic3A_136, %logistic3A_137 : vector<256x8xf32>
    %reduce_sum3A_139 = arith.constant dense<0.000000e+00> : vector<256xf32>
    %reduce_sum3A_140 = vector.multi_reduction <add>, %logistic3A_138, %reduce_sum3A_139 [1] : vector<256x8xf32> to vector<256xf32>
    %broadcast_in_dim3A_141 = vector.shape_cast %reduce_sum3A_140 : vector<256xf32> to vector<256x1xf32>
    %div3A_142 = vector.broadcast %broadcast_in_dim3A_141 : vector<256x1xf32> to vector<256x8xf32>
    %div3A_143 = arith.divf %logistic3A_138, %div3A_142 : vector<256x8xf32>
    %mul3A_144 = arith.constant 1.000000e+00 : f32
    %mul3A_145 = vector.broadcast %mul3A_144 : f32 to vector<256x8xf32>
    %mul3A_146 = arith.mulf %div3A_143, %mul3A_145 : vector<256x8xf32>
    %swap3A_147 = arith.constant 0 : index
    %swap3A_148 = arith.constant 0 : index
    %swap3A_149 = vector.load %arg11[%swap3A_147, %swap3A_148] : memref<256x8xf32, #tpu.memory_space<vmem>>, vector<256x8xf32>
    tpu.vector_store %arg11[%swap3A_147, %swap3A_148], %mul3A_146 {strides = array<i32>} : memref<256x8xf32, #tpu.memory_space<vmem>>, vector<256x8xf32>,
    return
  }
  func.func @transform_0(%arg0: i32) -> (i32, i32, i32) {
    %c0_i32 = arith.constant 0 : i32
    %c0_i32_0 = arith.constant 0 : i32
    %c0_i32_1 = arith.constant 0 : i32
    return %c0_i32, %arg0, %c0_i32_0 : i32, i32, i32
  }
  func.func @transform_1(%arg0: i32) -> (i32, i32) {
    %c0_i32 = arith.constant 0 : i32
    %c0_i32_0 = arith.constant 0 : i32
    return %arg0, %c0_i32 : i32, i32
  }
  func.func @transform_2(%arg0: i32) -> (i32, i32) {
    %c0_i32 = arith.constant 0 : i32
    %c0_i32_0 = arith.constant 0 : i32
    %c0_i32_1 = arith.constant 0 : i32
    return %c0_i32, %c0_i32_0 : i32, i32
  }
  func.func @transform_3(%arg0: i32) -> (i32, i32) {
    %c0_i32 = arith.constant 0 : i32
    %c0_i32_0 = arith.constant 0 : i32
    %c0_i32_1 = arith.constant 0 : i32
    return %c0_i32, %c0_i32_0 : i32, i32
  }
  func.func @transform_4(%arg0: i32) -> (i32, i32) {
    %c0_i32 = arith.constant 0 : i32
    %c0_i32_0 = arith.constant 0 : i32
    %c0_i32_1 = arith.constant 0 : i32
    return %c0_i32, %c0_i32_0 : i32, i32
  }
  func.func @transform_5(%arg0: i32) -> (i32, i32) {
    %c0_i32 = arith.constant 0 : i32
    %c0_i32_0 = arith.constant 0 : i32
    return %arg0, %c0_i32 : i32, i32
  }
  func.func @transform_6(%arg0: i32) -> (i32, i32) {
    %c0_i32 = arith.constant 0 : i32
    %c0_i32_0 = arith.constant 0 : i32
    return %arg0, %c0_i32 : i32, i32
  }
  func.func @transform_7(%arg0: i32) -> (i32, i32) {
    %c0_i32 = arith.constant 0 : i32
    %c0_i32_0 = arith.constant 0 : i32
    %c0_i32_1 = arith.constant 0 : i32
    return %c0_i32, %c0_i32_0 : i32, i32
  }
  func.func @transform_8(%arg0: i32) -> (i32, i32) {
    %c0_i32 = arith.constant 0 : i32
    %c0_i32_0 = arith.constant 0 : i32
    return %arg0, %c0_i32 : i32, i32
  }
  func.func @transform_9(%arg0: i32) -> (i32, i32) {
    %c0_i32 = arith.constant 0 : i32
    %c0_i32_0 = arith.constant 0 : i32
    return %arg0, %c0_i32 : i32, i32
  }
  func.func @transform_10(%arg0: i32) -> (i32, i32) {
    %c0_i32 = arith.constant 0 : i32
    %c0_i32_0 = arith.constant 0 : i32
    return %arg0, %c0_i32 : i32, i32
  }
}

module attributes {stable_mosaic.version = 14 : i64} {
  func.func @_moe_body(%arg0: i32, %arg1: memref<192xi32, #tpu.memory_space<smem>>, %arg2: memref<1xi32, #tpu.memory_space<smem>>, %arg3: memref<1x1x128xi32, #tpu.memory_space<smem>>, %arg4: memref<128x1xf32, #tpu.memory_space<vmem>>, %arg5: memref<2048x1024xf32, #tpu.memory_space<vmem>>, %arg6: memref<1x1024x256xbf16, #tpu.memory_space<vmem>>, %arg7: memref<1x1024x256xbf16, #tpu.memory_space<vmem>>, %arg8: memref<1x1024x256xbf16, #tpu.memory_space<vmem>>, %arg9: memref<128x1024xf32, #tpu.memory_space<vmem>>, %arg10: memref<128x1024xf32, #tpu.memory_space<vmem>>) attributes {dimension_semantics = [#tpu.dimension_semantics<arbitrary>], iteration_bounds = array<i64: 192>, scalar_prefetch = 2 : i64, scratch_operands = 1 : i64, tpu.core_type = #tpu.core_type<tc>, window_params = [{transform_indices = @transform_0, window_bounds = array<i64: 1, 1, 128>}, {transform_indices = @transform_1, window_bounds = array<i64: 128, 1>}, {pipeline_mode = #tpu.pipeline_mode<synchronous>, transform_indices = @transform_2, window_bounds = array<i64: 2048, 1024>}, {transform_indices = @transform_3, window_bounds = array<i64: 1, 1024, 256>}, {transform_indices = @transform_4, window_bounds = array<i64: 1, 1024, 256>}, {transform_indices = @transform_5, window_bounds = array<i64: 1, 1024, 256>}, {transform_indices = @transform_6, window_bounds = array<i64: 128, 1024>}]} {
    %get3A = arith.constant 0 : index
    %get3A_0 = memref.load %arg2[%get3A] : memref<1xi32, #tpu.memory_space<smem>>
    %lt3A = arith.cmpi slt, %arg0, %get3A_0 : i32
    %convert_element_type3A = arith.extui %lt3A : i1 to i32
    %cond3A = arith.constant 0 : i32
    %cond3A_1 = arith.cmpi ne, %convert_element_type3A, %cond3A : i32
    scf.if %cond3A_1 {
      %scan3A = arith.constant 0 : i32
      %scan3A_2 = arith.constant 128 : i32
      %scan3A_3 = arith.addi %scan3A, %scan3A_2 : i32
      %scan3A_4 = arith.constant 8 : i32
      scf.for %scan3A_44 = %scan3A to %scan3A_3 step %scan3A_4  : i32 {
        %get3A_45 = arith.constant 0 : index
        %get3A_46 = arith.constant 0 : index
        %get3A_47 = arith.index_cast %scan3A_44 : i32 to index
        %get3A_48 = memref.load %arg3[%get3A_45, %get3A_46, %get3A_47] : memref<1x1x128xi32, #tpu.memory_space<smem>>
        %get3A_49 = arith.index_cast %get3A_48 : i32 to index
        %get3A_50 = arith.constant 0 : index
        %get3A_51 = vector.load %arg5[%get3A_49, %get3A_50] : memref<2048x1024xf32, #tpu.memory_space<vmem>>, vector<1x1024xf32>
        %swap3A_52 = arith.index_cast %scan3A_44 : i32 to index
        %swap3A_53 = arith.constant 0 : index
        %swap3A_54 = vector.load %arg10[%swap3A_52, %swap3A_53] : memref<128x1024xf32, #tpu.memory_space<vmem>>, vector<1x1024xf32>
        tpu.vector_store %arg10[%swap3A_52, %swap3A_53], %get3A_51 {strides = array<i32>} : memref<128x1024xf32, #tpu.memory_space<vmem>>, vector<1x1024xf32>,
        %scan3A_55 = arith.constant 1 : i32
        %scan3A_56 = arith.addi %scan3A_44, %scan3A_55 : i32
        %get3A_57 = arith.constant 0 : index
        %get3A_58 = arith.constant 0 : index
        %get3A_59 = arith.index_cast %scan3A_56 : i32 to index
        %get3A_60 = memref.load %arg3[%get3A_57, %get3A_58, %get3A_59] : memref<1x1x128xi32, #tpu.memory_space<smem>>
        %get3A_61 = arith.index_cast %get3A_60 : i32 to index
        %get3A_62 = arith.constant 0 : index
        %get3A_63 = vector.load %arg5[%get3A_61, %get3A_62] : memref<2048x1024xf32, #tpu.memory_space<vmem>>, vector<1x1024xf32>
        %swap3A_64 = arith.index_cast %scan3A_56 : i32 to index
        %swap3A_65 = arith.constant 0 : index
        %swap3A_66 = vector.load %arg10[%swap3A_64, %swap3A_65] : memref<128x1024xf32, #tpu.memory_space<vmem>>, vector<1x1024xf32>
        tpu.vector_store %arg10[%swap3A_64, %swap3A_65], %get3A_63 {strides = array<i32>} : memref<128x1024xf32, #tpu.memory_space<vmem>>, vector<1x1024xf32>,
        %scan3A_67 = arith.constant 2 : i32
        %scan3A_68 = arith.addi %scan3A_44, %scan3A_67 : i32
        %get3A_69 = arith.constant 0 : index
        %get3A_70 = arith.constant 0 : index
        %get3A_71 = arith.index_cast %scan3A_68 : i32 to index
        %get3A_72 = memref.load %arg3[%get3A_69, %get3A_70, %get3A_71] : memref<1x1x128xi32, #tpu.memory_space<smem>>
        %get3A_73 = arith.index_cast %get3A_72 : i32 to index
        %get3A_74 = arith.constant 0 : index
        %get3A_75 = vector.load %arg5[%get3A_73, %get3A_74] : memref<2048x1024xf32, #tpu.memory_space<vmem>>, vector<1x1024xf32>
        %swap3A_76 = arith.index_cast %scan3A_68 : i32 to index
        %swap3A_77 = arith.constant 0 : index
        %swap3A_78 = vector.load %arg10[%swap3A_76, %swap3A_77] : memref<128x1024xf32, #tpu.memory_space<vmem>>, vector<1x1024xf32>
        tpu.vector_store %arg10[%swap3A_76, %swap3A_77], %get3A_75 {strides = array<i32>} : memref<128x1024xf32, #tpu.memory_space<vmem>>, vector<1x1024xf32>,
        %scan3A_79 = arith.constant 3 : i32
        %scan3A_80 = arith.addi %scan3A_44, %scan3A_79 : i32
        %get3A_81 = arith.constant 0 : index
        %get3A_82 = arith.constant 0 : index
        %get3A_83 = arith.index_cast %scan3A_80 : i32 to index
        %get3A_84 = memref.load %arg3[%get3A_81, %get3A_82, %get3A_83] : memref<1x1x128xi32, #tpu.memory_space<smem>>
        %get3A_85 = arith.index_cast %get3A_84 : i32 to index
        %get3A_86 = arith.constant 0 : index
        %get3A_87 = vector.load %arg5[%get3A_85, %get3A_86] : memref<2048x1024xf32, #tpu.memory_space<vmem>>, vector<1x1024xf32>
        %swap3A_88 = arith.index_cast %scan3A_80 : i32 to index
        %swap3A_89 = arith.constant 0 : index
        %swap3A_90 = vector.load %arg10[%swap3A_88, %swap3A_89] : memref<128x1024xf32, #tpu.memory_space<vmem>>, vector<1x1024xf32>
        tpu.vector_store %arg10[%swap3A_88, %swap3A_89], %get3A_87 {strides = array<i32>} : memref<128x1024xf32, #tpu.memory_space<vmem>>, vector<1x1024xf32>,
        %scan3A_91 = arith.constant 4 : i32
        %scan3A_92 = arith.addi %scan3A_44, %scan3A_91 : i32
        %get3A_93 = arith.constant 0 : index
        %get3A_94 = arith.constant 0 : index
        %get3A_95 = arith.index_cast %scan3A_92 : i32 to index
        %get3A_96 = memref.load %arg3[%get3A_93, %get3A_94, %get3A_95] : memref<1x1x128xi32, #tpu.memory_space<smem>>
        %get3A_97 = arith.index_cast %get3A_96 : i32 to index
        %get3A_98 = arith.constant 0 : index
        %get3A_99 = vector.load %arg5[%get3A_97, %get3A_98] : memref<2048x1024xf32, #tpu.memory_space<vmem>>, vector<1x1024xf32>
        %swap3A_100 = arith.index_cast %scan3A_92 : i32 to index
        %swap3A_101 = arith.constant 0 : index
        %swap3A_102 = vector.load %arg10[%swap3A_100, %swap3A_101] : memref<128x1024xf32, #tpu.memory_space<vmem>>, vector<1x1024xf32>
        tpu.vector_store %arg10[%swap3A_100, %swap3A_101], %get3A_99 {strides = array<i32>} : memref<128x1024xf32, #tpu.memory_space<vmem>>, vector<1x1024xf32>,
        %scan3A_103 = arith.constant 5 : i32
        %scan3A_104 = arith.addi %scan3A_44, %scan3A_103 : i32
        %get3A_105 = arith.constant 0 : index
        %get3A_106 = arith.constant 0 : index
        %get3A_107 = arith.index_cast %scan3A_104 : i32 to index
        %get3A_108 = memref.load %arg3[%get3A_105, %get3A_106, %get3A_107] : memref<1x1x128xi32, #tpu.memory_space<smem>>
        %get3A_109 = arith.index_cast %get3A_108 : i32 to index
        %get3A_110 = arith.constant 0 : index
        %get3A_111 = vector.load %arg5[%get3A_109, %get3A_110] : memref<2048x1024xf32, #tpu.memory_space<vmem>>, vector<1x1024xf32>
        %swap3A_112 = arith.index_cast %scan3A_104 : i32 to index
        %swap3A_113 = arith.constant 0 : index
        %swap3A_114 = vector.load %arg10[%swap3A_112, %swap3A_113] : memref<128x1024xf32, #tpu.memory_space<vmem>>, vector<1x1024xf32>
        tpu.vector_store %arg10[%swap3A_112, %swap3A_113], %get3A_111 {strides = array<i32>} : memref<128x1024xf32, #tpu.memory_space<vmem>>, vector<1x1024xf32>,
        %scan3A_115 = arith.constant 6 : i32
        %scan3A_116 = arith.addi %scan3A_44, %scan3A_115 : i32
        %get3A_117 = arith.constant 0 : index
        %get3A_118 = arith.constant 0 : index
        %get3A_119 = arith.index_cast %scan3A_116 : i32 to index
        %get3A_120 = memref.load %arg3[%get3A_117, %get3A_118, %get3A_119] : memref<1x1x128xi32, #tpu.memory_space<smem>>
        %get3A_121 = arith.index_cast %get3A_120 : i32 to index
        %get3A_122 = arith.constant 0 : index
        %get3A_123 = vector.load %arg5[%get3A_121, %get3A_122] : memref<2048x1024xf32, #tpu.memory_space<vmem>>, vector<1x1024xf32>
        %swap3A_124 = arith.index_cast %scan3A_116 : i32 to index
        %swap3A_125 = arith.constant 0 : index
        %swap3A_126 = vector.load %arg10[%swap3A_124, %swap3A_125] : memref<128x1024xf32, #tpu.memory_space<vmem>>, vector<1x1024xf32>
        tpu.vector_store %arg10[%swap3A_124, %swap3A_125], %get3A_123 {strides = array<i32>} : memref<128x1024xf32, #tpu.memory_space<vmem>>, vector<1x1024xf32>,
        %scan3A_127 = arith.constant 7 : i32
        %scan3A_128 = arith.addi %scan3A_44, %scan3A_127 : i32
        %get3A_129 = arith.constant 0 : index
        %get3A_130 = arith.constant 0 : index
        %get3A_131 = arith.index_cast %scan3A_128 : i32 to index
        %get3A_132 = memref.load %arg3[%get3A_129, %get3A_130, %get3A_131] : memref<1x1x128xi32, #tpu.memory_space<smem>>
        %get3A_133 = arith.index_cast %get3A_132 : i32 to index
        %get3A_134 = arith.constant 0 : index
        %get3A_135 = vector.load %arg5[%get3A_133, %get3A_134] : memref<2048x1024xf32, #tpu.memory_space<vmem>>, vector<1x1024xf32>
        %swap3A_136 = arith.index_cast %scan3A_128 : i32 to index
        %swap3A_137 = arith.constant 0 : index
        %swap3A_138 = vector.load %arg10[%swap3A_136, %swap3A_137] : memref<128x1024xf32, #tpu.memory_space<vmem>>, vector<1x1024xf32>
        tpu.vector_store %arg10[%swap3A_136, %swap3A_137], %get3A_135 {strides = array<i32>} : memref<128x1024xf32, #tpu.memory_space<vmem>>, vector<1x1024xf32>,
      }
      %scan3A_5 = arith.constant 128 : i32
      %get3A_6 = arith.constant 0 : index
      %get3A_7 = arith.constant 0 : index
      %get3A_8 = vector.load %arg10[%get3A_6, %get3A_7] : memref<128x1024xf32, #tpu.memory_space<vmem>>, vector<128x1024xf32>
      %convert_element_type3A_9 = arith.truncf %get3A_8 : vector<128x1024xf32> to vector<128x1024xbf16>
      %get3A_10 = arith.constant 0 : index
      %get3A_11 = arith.constant 0 : index
      %get3A_12 = arith.constant 0 : index
      %get3A_13 = vector.load %arg6[%get3A_10, %get3A_11, %get3A_12] : memref<1x1024x256xbf16, #tpu.memory_space<vmem>>, vector<1x1024x256xbf16>
      %get3A_14 = vector.shape_cast %get3A_13 : vector<1x1024x256xbf16> to vector<1024x256xbf16>
      %dot_general3A = arith.constant dense<0.000000e+00> : vector<128x256xf32>
      %dot_general3A_15 = tpu.matmul %convert_element_type3A_9, %get3A_14, %dot_general3A {dimension_numbers = #tpu.dot_dimension_numbers<[1], [0], [0], [1], [0, 0, 1, 1], [], []>, transpose_lhs_hint = false} : vector<128x1024xbf16>, vector<1024x256xbf16>, vector<128x256xf32> -> vector<128x256xf32>
      %get3A_16 = arith.constant 0 : index
      %get3A_17 = arith.constant 0 : index
      %get3A_18 = arith.constant 0 : index
      %get3A_19 = vector.load %arg7[%get3A_16, %get3A_17, %get3A_18] : memref<1x1024x256xbf16, #tpu.memory_space<vmem>>, vector<1x1024x256xbf16>
      %get3A_20 = vector.shape_cast %get3A_19 : vector<1x1024x256xbf16> to vector<1024x256xbf16>
      %dot_general3A_21 = arith.constant dense<0.000000e+00> : vector<128x256xf32>
      %dot_general3A_22 = tpu.matmul %convert_element_type3A_9, %get3A_20, %dot_general3A_21 {dimension_numbers = #tpu.dot_dimension_numbers<[1], [0], [0], [1], [0, 0, 1, 1], [], []>, transpose_lhs_hint = false} : vector<128x1024xbf16>, vector<1024x256xbf16>, vector<128x256xf32> -> vector<128x256xf32>
      %logistic3A = arith.negf %dot_general3A_15 : vector<128x256xf32>
      %logistic3A_23 = math.exp %logistic3A : vector<128x256xf32>
      %logistic3A_24 = arith.constant 1.000000e+00 : f32
      %logistic3A_25 = vector.broadcast %logistic3A_24 : f32 to vector<128x256xf32>
      %logistic3A_26 = arith.addf %logistic3A_25, %logistic3A_23 : vector<128x256xf32>
      %logistic3A_27 = arith.divf %logistic3A_25, %logistic3A_26 : vector<128x256xf32>
      %mul3A = arith.mulf %dot_general3A_15, %logistic3A_27 : vector<128x256xf32>
      %mul3A_28 = arith.mulf %mul3A, %dot_general3A_22 : vector<128x256xf32>
      %convert_element_type3A_29 = arith.truncf %mul3A_28 : vector<128x256xf32> to vector<128x256xbf16>
      %get3A_30 = arith.constant 0 : index
      %get3A_31 = arith.constant 0 : index
      %get3A_32 = arith.constant 0 : index
      %get3A_33 = vector.load %arg8[%get3A_30, %get3A_31, %get3A_32] : memref<1x1024x256xbf16, #tpu.memory_space<vmem>>, vector<1x1024x256xbf16>
      %get3A_34 = vector.shape_cast %get3A_33 : vector<1x1024x256xbf16> to vector<1024x256xbf16>
      %dot_general3A_35 = arith.constant dense<0.000000e+00> : vector<128x1024xf32>
      %dot_general3A_36 = tpu.matmul %convert_element_type3A_29, %get3A_34, %dot_general3A_35 {dimension_numbers = #tpu.dot_dimension_numbers<[1], [1], [0], [0], [0, 0, 1, 0], [], []>, transpose_lhs_hint = false} : vector<128x256xbf16>, vector<1024x256xbf16>, vector<128x1024xf32> -> vector<128x1024xf32>
      %get3A_37 = arith.constant 0 : index
      %get3A_38 = arith.constant 0 : index
      %get3A_39 = vector.load %arg4[%get3A_37, %get3A_38] : memref<128x1xf32, #tpu.memory_space<vmem>>, vector<128x1xf32>
      %mul3A_40 = vector.broadcast %get3A_39 : vector<128x1xf32> to vector<128x1024xf32>
      %mul3A_41 = arith.mulf %dot_general3A_36, %mul3A_40 : vector<128x1024xf32>
      %swap3A = arith.constant 0 : index
      %swap3A_42 = arith.constant 0 : index
      %swap3A_43 = vector.load %arg9[%swap3A, %swap3A_42] : memref<128x1024xf32, #tpu.memory_space<vmem>>, vector<128x1024xf32>
      tpu.vector_store %arg9[%swap3A, %swap3A_42], %mul3A_41 {strides = array<i32>} : memref<128x1024xf32, #tpu.memory_space<vmem>>, vector<128x1024xf32>,
    } else {
    }
    return
  }
  func.func @transform_0(%arg0: i32, %arg1: memref<192xi32, #tpu.memory_space<smem>>, %arg2: memref<1xi32, #tpu.memory_space<smem>>) -> (i32, i32, i32) {
    %c0_i32 = arith.constant 0 : i32
    %c0_i32_0 = arith.constant 0 : i32
    %c0_i32_1 = arith.constant 0 : i32
    return %arg0, %c0_i32, %c0_i32_0 : i32, i32, i32
  }
  func.func @transform_1(%arg0: i32, %arg1: memref<192xi32, #tpu.memory_space<smem>>, %arg2: memref<1xi32, #tpu.memory_space<smem>>) -> (i32, i32) {
    %get3A = arith.constant 0 : index
    %get3A_0 = memref.load %arg2[%get3A] : memref<1xi32, #tpu.memory_space<smem>>
    %sub3A = arith.constant 1 : i32
    %sub3A_1 = arith.subi %get3A_0, %sub3A : i32
    %min3A = arith.minsi %arg0, %sub3A_1 : i32
    %c0_i32 = arith.constant 0 : i32
    %c0_i32_2 = arith.constant 0 : i32
    return %min3A, %c0_i32 : i32, i32
  }
  func.func @transform_2(%arg0: i32, %arg1: memref<192xi32, #tpu.memory_space<smem>>, %arg2: memref<1xi32, #tpu.memory_space<smem>>) -> (i32, i32) {
    %c0_i32 = arith.constant 0 : i32
    %c0_i32_0 = arith.constant 0 : i32
    %c0_i32_1 = arith.constant 0 : i32
    return %c0_i32, %c0_i32_0 : i32, i32
  }
  func.func @transform_3(%arg0: i32, %arg1: memref<192xi32, #tpu.memory_space<smem>>, %arg2: memref<1xi32, #tpu.memory_space<smem>>) -> (i32, i32, i32) {
    %get3A = arith.index_cast %arg0 : i32 to index
    %get3A_0 = memref.load %arg1[%get3A] : memref<192xi32, #tpu.memory_space<smem>>
    %c0_i32 = arith.constant 0 : i32
    %c0_i32_1 = arith.constant 0 : i32
    %c0_i32_2 = arith.constant 0 : i32
    return %get3A_0, %c0_i32, %c0_i32_1 : i32, i32, i32
  }
  func.func @transform_4(%arg0: i32, %arg1: memref<192xi32, #tpu.memory_space<smem>>, %arg2: memref<1xi32, #tpu.memory_space<smem>>) -> (i32, i32, i32) {
    %get3A = arith.index_cast %arg0 : i32 to index
    %get3A_0 = memref.load %arg1[%get3A] : memref<192xi32, #tpu.memory_space<smem>>
    %c0_i32 = arith.constant 0 : i32
    %c0_i32_1 = arith.constant 0 : i32
    %c0_i32_2 = arith.constant 0 : i32
    return %get3A_0, %c0_i32, %c0_i32_1 : i32, i32, i32
  }
  func.func @transform_5(%arg0: i32, %arg1: memref<192xi32, #tpu.memory_space<smem>>, %arg2: memref<1xi32, #tpu.memory_space<smem>>) -> (i32, i32, i32) {
    %get3A = arith.index_cast %arg0 : i32 to index
    %get3A_0 = memref.load %arg1[%get3A] : memref<192xi32, #tpu.memory_space<smem>>
    %c0_i32 = arith.constant 0 : i32
    %c0_i32_1 = arith.constant 0 : i32
    %c0_i32_2 = arith.constant 0 : i32
    return %get3A_0, %c0_i32, %c0_i32_1 : i32, i32, i32
  }
  func.func @transform_6(%arg0: i32, %arg1: memref<192xi32, #tpu.memory_space<smem>>, %arg2: memref<1xi32, #tpu.memory_space<smem>>) -> (i32, i32) {
    %get3A = arith.constant 0 : index
    %get3A_0 = memref.load %arg2[%get3A] : memref<1xi32, #tpu.memory_space<smem>>
    %sub3A = arith.constant 1 : i32
    %sub3A_1 = arith.subi %get3A_0, %sub3A : i32
    %min3A = arith.minsi %arg0, %sub3A_1 : i32
    %c0_i32 = arith.constant 0 : i32
    %c0_i32_2 = arith.constant 0 : i32
    return %min3A, %c0_i32 : i32, i32
  }
}

module attributes {stable_mosaic.version = 14 : i64} {
  func.func @_shared_body(%arg0: i32, %arg1: memref<256x1024xf32, #tpu.memory_space<vmem>>, %arg2: memref<256x1024xf32, #tpu.memory_space<vmem>>, %arg3: memref<1024x2048xbf16, #tpu.memory_space<vmem>>, %arg4: memref<1024x1024xbf16, #tpu.memory_space<vmem>>, %arg5: memref<1x1024xf32, #tpu.memory_space<vmem>>, %arg6: memref<256x1024xf32, #tpu.memory_space<vmem>>) attributes {dimension_semantics = [#tpu.dimension_semantics<arbitrary>], iteration_bounds = array<i64: 8>, scalar_prefetch = 0 : i64, scratch_operands = 0 : i64, tpu.core_type = #tpu.core_type<tc>, window_params = [{transform_indices = @transform_0, window_bounds = array<i64: 256, 1024>}, {transform_indices = @transform_1, window_bounds = array<i64: 256, 1024>}, {pipeline_mode = #tpu.pipeline_mode<synchronous>, transform_indices = @transform_2, window_bounds = array<i64: 1024, 2048>}, {pipeline_mode = #tpu.pipeline_mode<synchronous>, transform_indices = @transform_3, window_bounds = array<i64: 1024, 1024>}, {pipeline_mode = #tpu.pipeline_mode<synchronous>, transform_indices = @transform_4, window_bounds = array<i64: 1, 1024>}, {transform_indices = @transform_5, window_bounds = array<i64: 256, 1024>}]} {
    %get3A = arith.constant 0 : index
    %get3A_0 = arith.constant 0 : index
    %get3A_1 = vector.load %arg1[%get3A, %get3A_0] : memref<256x1024xf32, #tpu.memory_space<vmem>>, vector<256x1024xf32>
    %convert_element_type3A = arith.truncf %get3A_1 : vector<256x1024xf32> to vector<256x1024xbf16>
    %get3A_2 = arith.constant 0 : index
    %get3A_3 = arith.constant 0 : index
    %get3A_4 = vector.load %arg3[%get3A_2, %get3A_3] : memref<1024x2048xbf16, #tpu.memory_space<vmem>>, vector<1024x2048xbf16>
    %dot_general3A = arith.constant dense<0.000000e+00> : vector<256x2048xf32>
    %dot_general3A_5 = tpu.matmul %convert_element_type3A, %get3A_4, %dot_general3A {dimension_numbers = #tpu.dot_dimension_numbers<[1], [0], [0], [1], [0, 0, 1, 1], [], []>, transpose_lhs_hint = false} : vector<256x1024xbf16>, vector<1024x2048xbf16>, vector<256x2048xf32> -> vector<256x2048xf32>
    %slice3A = vector.extract_strided_slice %dot_general3A_5 {offsets = [0, 0], sizes = [256, 1024], strides = [1, 1]} : vector<256x2048xf32> to vector<256x1024xf32>
    %slice3A_6 = vector.extract_strided_slice %dot_general3A_5 {offsets = [0, 1024], sizes = [256, 1024], strides = [1, 1]} : vector<256x2048xf32> to vector<256x1024xf32>
    %logistic3A = arith.negf %slice3A : vector<256x1024xf32>
    %logistic3A_7 = math.exp %logistic3A : vector<256x1024xf32>
    %logistic3A_8 = arith.constant 1.000000e+00 : f32
    %logistic3A_9 = vector.broadcast %logistic3A_8 : f32 to vector<256x1024xf32>
    %logistic3A_10 = arith.addf %logistic3A_9, %logistic3A_7 : vector<256x1024xf32>
    %logistic3A_11 = arith.divf %logistic3A_9, %logistic3A_10 : vector<256x1024xf32>
    %mul3A = arith.mulf %slice3A, %logistic3A_11 : vector<256x1024xf32>
    %mul3A_12 = arith.mulf %mul3A, %slice3A_6 : vector<256x1024xf32>
    %convert_element_type3A_13 = arith.truncf %mul3A_12 : vector<256x1024xf32> to vector<256x1024xbf16>
    %get3A_14 = arith.constant 0 : index
    %get3A_15 = arith.constant 0 : index
    %get3A_16 = vector.load %arg4[%get3A_14, %get3A_15] : memref<1024x1024xbf16, #tpu.memory_space<vmem>>, vector<1024x1024xbf16>
    %dot_general3A_17 = arith.constant dense<0.000000e+00> : vector<256x1024xf32>
    %dot_general3A_18 = tpu.matmul %convert_element_type3A_13, %get3A_16, %dot_general3A_17 {dimension_numbers = #tpu.dot_dimension_numbers<[1], [0], [0], [1], [0, 0, 1, 1], [], []>, transpose_lhs_hint = false} : vector<256x1024xbf16>, vector<1024x1024xbf16>, vector<256x1024xf32> -> vector<256x1024xf32>
    %get3A_19 = arith.constant 0 : index
    %get3A_20 = arith.constant 0 : index
    %get3A_21 = vector.load %arg5[%get3A_19, %get3A_20] : memref<1x1024xf32, #tpu.memory_space<vmem>>, vector<1x1024xf32>
    %mul3A_22 = arith.mulf %dot_general3A_18, %dot_general3A_18 : vector<256x1024xf32>
    %reduce_sum3A = arith.constant dense<0.000000e+00> : vector<256xf32>
    %reduce_sum3A_23 = vector.multi_reduction <add>, %mul3A_22, %reduce_sum3A [1] : vector<256x1024xf32> to vector<256xf32>
    %broadcast_in_dim3A = vector.shape_cast %reduce_sum3A_23 : vector<256xf32> to vector<256x1xf32>
    %div3A = arith.constant 1.024000e+03 : f32
    %div3A_24 = vector.broadcast %div3A : f32 to vector<256x1xf32>
    %div3A_25 = arith.divf %broadcast_in_dim3A, %div3A_24 : vector<256x1xf32>
    %add3A = arith.constant 9.99999974E-6 : f32
    %add3A_26 = vector.broadcast %add3A : f32 to vector<256x1xf32>
    %add3A_27 = arith.addf %div3A_25, %add3A_26 : vector<256x1xf32>
    %rsqrt3A = math.rsqrt %add3A_27 : vector<256x1xf32>
    %mul3A_28 = vector.broadcast %rsqrt3A : vector<256x1xf32> to vector<256x1024xf32>
    %mul3A_29 = arith.mulf %dot_general3A_18, %mul3A_28 : vector<256x1024xf32>
    %mul3A_30 = vector.broadcast %get3A_21 : vector<1x1024xf32> to vector<256x1024xf32>
    %mul3A_31 = arith.mulf %mul3A_29, %mul3A_30 : vector<256x1024xf32>
    %get3A_32 = arith.constant 0 : index
    %get3A_33 = arith.constant 0 : index
    %get3A_34 = vector.load %arg2[%get3A_32, %get3A_33] : memref<256x1024xf32, #tpu.memory_space<vmem>>, vector<256x1024xf32>
    %add3A_35 = arith.addf %mul3A_31, %get3A_34 : vector<256x1024xf32>
    %swap3A = arith.constant 0 : index
    %swap3A_36 = arith.constant 0 : index
    %swap3A_37 = vector.load %arg6[%swap3A, %swap3A_36] : memref<256x1024xf32, #tpu.memory_space<vmem>>, vector<256x1024xf32>
    tpu.vector_store %arg6[%swap3A, %swap3A_36], %add3A_35 {strides = array<i32>} : memref<256x1024xf32, #tpu.memory_space<vmem>>, vector<256x1024xf32>,
    return
  }
  func.func @transform_0(%arg0: i32) -> (i32, i32) {
    %c0_i32 = arith.constant 0 : i32
    %c0_i32_0 = arith.constant 0 : i32
    return %arg0, %c0_i32 : i32, i32
  }
  func.func @transform_1(%arg0: i32) -> (i32, i32) {
    %c0_i32 = arith.constant 0 : i32
    %c0_i32_0 = arith.constant 0 : i32
    return %arg0, %c0_i32 : i32, i32
  }
  func.func @transform_2(%arg0: i32) -> (i32, i32) {
    %c0_i32 = arith.constant 0 : i32
    %c0_i32_0 = arith.constant 0 : i32
    %c0_i32_1 = arith.constant 0 : i32
    return %c0_i32, %c0_i32_0 : i32, i32
  }
  func.func @transform_3(%arg0: i32) -> (i32, i32) {
    %c0_i32 = arith.constant 0 : i32
    %c0_i32_0 = arith.constant 0 : i32
    %c0_i32_1 = arith.constant 0 : i32
    return %c0_i32, %c0_i32_0 : i32, i32
  }
  func.func @transform_4(%arg0: i32) -> (i32, i32) {
    %c0_i32 = arith.constant 0 : i32
    %c0_i32_0 = arith.constant 0 : i32
    %c0_i32_1 = arith.constant 0 : i32
    return %c0_i32, %c0_i32_0 : i32, i32
  }
  func.func @transform_5(%arg0: i32) -> (i32, i32) {
    %c0_i32 = arith.constant 0 : i32
    %c0_i32_0 = arith.constant 0 : i32
    return %arg0, %c0_i32 : i32, i32
  }
}

module attributes {stable_mosaic.version = 14 : i64} {
  func.func @_combine_body(%arg0: i32, %arg1: memref<2048x1024xf32, #tpu.memory_space<vmem>>, %arg2: memref<256x1024xf32, #tpu.memory_space<vmem>>, %arg3: memref<1x1024xf32, #tpu.memory_space<vmem>>, %arg4: memref<256x1024xf32, #tpu.memory_space<vmem>>) attributes {dimension_semantics = [#tpu.dimension_semantics<arbitrary>], iteration_bounds = array<i64: 8>, scalar_prefetch = 0 : i64, scratch_operands = 0 : i64, tpu.core_type = #tpu.core_type<tc>, window_params = [{transform_indices = @transform_0, window_bounds = array<i64: 2048, 1024>}, {transform_indices = @transform_1, window_bounds = array<i64: 256, 1024>}, {pipeline_mode = #tpu.pipeline_mode<synchronous>, transform_indices = @transform_2, window_bounds = array<i64: 1, 1024>}, {transform_indices = @transform_3, window_bounds = array<i64: 256, 1024>}]} {
    %get3A = arith.constant 0 : index
    %get3A_0 = arith.constant 0 : index
    %get3A_1 = vector.load %arg1[%get3A, %get3A_0] : memref<2048x1024xf32, #tpu.memory_space<vmem>>, vector<2048x1024xf32>
    %reshape3A = vector.shape_cast %get3A_1 : vector<2048x1024xf32> to vector<256x8x1024xf32>
    %reduce_sum3A = arith.constant dense<0.000000e+00> : vector<256x1024xf32>
    %reduce_sum3A_2 = vector.multi_reduction <add>, %reshape3A, %reduce_sum3A [1] : vector<256x8x1024xf32> to vector<256x1024xf32>
    %get3A_3 = arith.constant 0 : index
    %get3A_4 = arith.constant 0 : index
    %get3A_5 = vector.load %arg2[%get3A_3, %get3A_4] : memref<256x1024xf32, #tpu.memory_space<vmem>>, vector<256x1024xf32>
    %get3A_6 = arith.constant 0 : index
    %get3A_7 = arith.constant 0 : index
    %get3A_8 = vector.load %arg3[%get3A_6, %get3A_7] : memref<1x1024xf32, #tpu.memory_space<vmem>>, vector<1x1024xf32>
    %mul3A = vector.broadcast %get3A_8 : vector<1x1024xf32> to vector<256x1024xf32>
    %mul3A_9 = arith.mulf %reduce_sum3A_2, %mul3A : vector<256x1024xf32>
    %add3A = arith.addf %get3A_5, %mul3A_9 : vector<256x1024xf32>
    %swap3A = arith.constant 0 : index
    %swap3A_10 = arith.constant 0 : index
    %swap3A_11 = vector.load %arg4[%swap3A, %swap3A_10] : memref<256x1024xf32, #tpu.memory_space<vmem>>, vector<256x1024xf32>
    tpu.vector_store %arg4[%swap3A, %swap3A_10], %add3A {strides = array<i32>} : memref<256x1024xf32, #tpu.memory_space<vmem>>, vector<256x1024xf32>,
    return
  }
  func.func @transform_0(%arg0: i32) -> (i32, i32) {
    %c0_i32 = arith.constant 0 : i32
    %c0_i32_0 = arith.constant 0 : i32
    return %arg0, %c0_i32 : i32, i32
  }
  func.func @transform_1(%arg0: i32) -> (i32, i32) {
    %c0_i32 = arith.constant 0 : i32
    %c0_i32_0 = arith.constant 0 : i32
    return %arg0, %c0_i32 : i32, i32
  }
  func.func @transform_2(%arg0: i32) -> (i32, i32) {
    %c0_i32 = arith.constant 0 : i32
    %c0_i32_0 = arith.constant 0 : i32
    %c0_i32_1 = arith.constant 0 : i32
    return %c0_i32, %c0_i32_0 : i32, i32
  }
  func.func @transform_3(%arg0: i32) -> (i32, i32) {
    %c0_i32 = arith.constant 0 : i32
    %c0_i32_0 = arith.constant 0 : i32
    return %arg0, %c0_i32 : i32, i32
  }
}

</mosaic_0001>

<sc_bundles>
// kernel: gather_offload_async_start.1
scs
__scs_entry_jumppad:
0x0: {  	(pc) =	sbr.rel $0x88, $3  }
0x1: {  	(tag) =	ssettag $0x0;
	lr =	simm.s32 $0x1  }
0x2: {  	[smem:$0x3F93] =	sst lr;
	_ =	strace $0xD0000000  }
0x3: {  	_ = 	snop  }
0x4: {  	_ = 	snop  }
0x5: {  	_ = 	snop  }
0x6: {  	_ = 	snop  }
0x7: {  	_ = 	snop  }
__scs_overlays_trampoline_lowered:
0x8: {  	[smem:$0x3FA2] =	sst s0  }
0x9: {  	[smem:$0x3FA3] =	sst s1  }
0xa: {  	[smem:$0x3FA4] =	sst s2  }
0xb: {  	[smem:$0x3FA5] =	sst s3  }
0xc: {  	[smem:$0x3FA6] =	sst s4  }
0xd: {  	[smem:$0x3FA7] =	sst s5  }
0xe: {  	[smem:$0x3FA8] =	sst s6  }
0xf: {  	[smem:$0x3FA9] =	sst s7  }
0x10: {  	[smem:$0x3FAA] =	sst s8  }
0x11: {  	[smem:$0x3FAB] =	sst s9;
	s0 =	simm.s32 @!p0 $0x0  }
0x12: {  	s1 =	sld [smem:$0x3F91];
	s0 =	simm.s32 @p0 $0x1  }
0x13: {  	[smem:$0x3FAC] =	sst s0;
	s0 =	simm.s32 @!p1 $0x0  }
0x14: {  	s2 =	sld [smem:$0x3F90];
	s0 =	simm.s32 @p1 $0x1  }
0x15: {  	[smem:$0x3FAD] =	sst s0;
	s0 =	simm.s32 @!p2 $0x0  }
0x16: {  	s3 =	sld [smem:$0x3FDB];
	s0 =	simm.s32 @p2 $0x1  }
0x17: {  	s4 =	simm.s32 $0x1BF5;
	[smem:$0x3FAF] =	sst s0  }
0x18: {  	s0 =	sld [smem:$0x3F92];
	_ =	swait.ge [sflag:s4], $0x0  }
0x19: {  	s7 =	sld [smem:$0x3F93]  }
0x1a: {  	s8 =	sadd.s32 $0xFFFFE003, lr  }
0x1b: {  	s9 =	sadd.s32 $0xFFFFFEF7, lr;
	s5 =	simm.s32 $0xFFFFFFFF;
	p2 =	slt.u32 s8, $0xFFFFF086  }
0x1c: {  	p1 =	slt.u32 s9, $0xF7A;
	s5 =	simm.s32 @!p2 $0x0  }
0x1d: {  	s5 =	simm.s32 @p1 $0x1;
	p0 =	seq.s32 s7, s2  }
0x1e: {  	s7 =	smul.u32 @!p0 $0xF7A, s2;
	p2 =	seq.s32 @!p0 s5, $0x0  }
0x1f: {  	s9 =	smul.u32 $0xF7A, s1;
	s8 =	simm.s32 @!p0 $0x1BF5;
	p2 =	por !p2, p0  }
0x20: {  	[sflag:s8] =	ssyncset.s32 @!p0 $0xFFFFF086;
	s6 =	sadd.s32 @!p0 s3, s7;
	s7 =	simm.s32 @!p0 $0x108  }
0x21: {  	s3 =	sadd.s32 s3, s9;
	s6 =	sadd.s32 @!p0 $0x88, s6;
	s7 =	simm.s32 @p2 $0x1082  }
0x22: {  	[simem:s7], [sflag:s8] =	dma.local @!p0 [hbm:s6], $0xF7A  }
0x23: {  	s9 =	sor.u32 $0xD0000000, s2;
	s6 =	simm.s32 $0x108;
	_ =	swait.ge @!p0 [sflag:s8], $0x0  }
0x24: {  	s3 =	sadd.s32 $0x88, s3;
	s6 =	simm.s32 @!p1 $0x1082;
	[sflag:s4] =	ssyncset.s32 $0xFFFFF086  }
0x25: {  	[simem:s6], [sflag:s4] =	dma.local [hbm:s3], $0xF7A  }
0x26: {  	[smem:$0x3F93] =	sst s1;
	(tag) =	ssettag s2;
	_ =	strace s9  }
0x27: {  	s1 =	sld [smem:$0x3FA3]  }
0x28: {  	s2 =	sld [smem:$0x3FA4]  }
0x29: {  	s4 =	sld [smem:$0x3FA6]  }
0x2a: {  	p0 =	seq.s32 s5, $0x0;
	s5 =	sld [smem:$0x3FA7]  }
0x2b: {  	s6 =	sld [smem:$0x3FA8]  }
0x2c: {  	s7 =	sld [smem:$0x3FA9]  }
0x2d: {  	s3 =	simm.s32 $0x108;
	s8 =	sld [smem:$0x3FAA]  }
0x2e: {  	s3 =	simm.s32 @!p0 $0x1082;
	s9 =	sld [smem:$0x3FAB]  }
0x2f: {  	lr =	sadd.s32 s0, s3;
	s0 =	sld [smem:$0x3FA2]  }
0x30: {  	s3 =	sld [smem:$0x3FA5]  }
0x31: {  	[smem:$0x3FAE] =	sst s10  }
0x32: {  	s10 =	sld [smem:$0x3FAC];
	_ =	sdelay $0x3  }
0x33: {  	p0 =	seq.s32 s10, $0x1;
	s10 =	sld [smem:$0x3FAE];
	_ =	sdelay $0x3  }
0x34: {  	[smem:$0x3FAE] =	sst s10  }
0x35: {  	s10 =	sld [smem:$0x3FAD];
	_ =	sdelay $0x3  }
0x36: {  	p1 =	seq.s32 s10, $0x1;
	s10 =	sld [smem:$0x3FAE];
	_ =	sdelay $0x3  }
0x37: {  	[smem:$0x3FAE] =	sst s10  }
0x38: {  	s10 =	sld [smem:$0x3FAF]  }
0x39: {  	_ = 	snop;
	(pc) =	sbr.ind lr, $3  }
0x3a: {  	_ = 	snop  }
0x3b: {  	_ = 	snop  }
0x3c: {  	p2 =	seq.s32 s10, $0x1;
	s10 =	sld [smem:$0x3FAE]  }
0x3d: {  	_ =	shalt  }
0x3e: {  	_ =	shalt  }
0x3f: {  	_ =	shalt  }
0x40: {  	_ =	shalt  }
0x41: {  	_ =	shalt  }
0x42: {  	_ =	shalt  }
0x43: {  	_ =	shalt  }
0x44: {  	_ =	shalt  }
0x45: {  	_ =	shalt  }
0x46: {  	_ =	shalt  }
0x47: {  	_ =	shalt  }
0x48: {  	_ =	shalt  }
0x49: {  	_ =	shalt  }
0x4a: {  	_ =	shalt  }
0x4b: {  	_ =	shalt  }
0x4c: {  	_ =	shalt  }
0x4d: {  	_ =	shalt  }
0x4e: {  	_ =	shalt  }
0x4f: {  	_ =	shalt  }
0x50: {  	_ =	shalt  }
0x51: {  	_ =	shalt  }
0x52: {  	_ =	shalt  }
0x53: {  	_ =	shalt  }
0x54: {  	_ =	shalt  }
0x55: {  	_ =	shalt  }
0x56: {  	_ =	shalt  }
0x57: {  	_ =	shalt  }
0x58: {  	_ =	shalt  }
0x59: {  	_ =	shalt  }
0x5a: {  	_ =	shalt  }
0x5b: {  	_ =	shalt  }
0x5c: {  	_ =	shalt  }
0x5d: {  	_ =	shalt  }
0x5e: {  	_ =	shalt  }
0x5f: {  	_ =	shalt  }
0x60: {  	_ =	shalt  }
0x61: {  	_ =	shalt  }
0x62: {  	_ =	shalt  }
0x63: {  	_ =	shalt  }
0x64: {  	_ =	shalt  }
0x65: {  	_ =	shalt  }
0x66: {  	_ =	shalt  }
0x67: {  	_ =	shalt  }
0x68: {  	_ =	shalt  }
0x69: {  	_ =	shalt  }
0x6a: {  	_ =	shalt  }
0x6b: {  	_ =	shalt  }
0x6c: {  	_ =	shalt  }
0x6d: {  	_ =	shalt  }
0x6e: {  	_ =	shalt  }
0x6f: {  	_ =	shalt  }
0x70: {  	_ =	shalt  }
0x71: {  	_ =	shalt  }
0x72: {  	_ =	shalt  }
0x73: {  	_ =	shalt  }
0x74: {  	_ =	shalt  }
0x75: {  	_ =	shalt  }
0x76: {  	_ =	shalt  }
0x77: {  	_ =	shalt  }
0x78: {  	_ =	shalt  }
0x79: {  	_ =	shalt  }
0x7a: {  	_ =	shalt  }
0x7b: {  	_ =	shalt  }
0x7c: {  	_ =	shalt  }
0x7d: {  	_ =	shalt  }
0x7e: {  	_ =	shalt  }
0x7f: {  	_ =	shalt  }
0x80: {  	_ =	shalt  }
0x81: {  	_ =	shalt  }
0x82: {  	_ =	shalt  }
0x83: {  	_ =	shalt  }
0x84: {  	_ =	shalt  }
0x85: {  	_ =	shalt  }
0x86: {  	_ =	shalt  }
0x87: {  	_ =	shalt  }
.Lfunc_end0:
.L_simem_size_0:
called_computation.2_lowered:
.L_overlay_start_0:
0x88: {  	s2 =	sld [smem:$0x3FD9]  }
0x89: {  	s3 =	sld [smem:$0x3FFE];
	_ =	sdelay $0x1  }
0x8a: {  	s1 =	srdreg.scid  }
0x8b: {  	s0 =	sand.u32 $0x1, s1  }
0x8c: {  	s16 =	sshll.u32 s0, $0xA;
	s2 =	sadd.s32 s3, s2  }
0x8d: {  	s2 =	sadd.s32 s2, s16  }
0x8e: {  	[smem:$0x3FBA] =	sst s2  }
0x8f: {  	_ = 	snop  }
0x90: {  	(tm) =	ssettm $0x1  }
0x91: {  	s17 =	sld [smem:$0x3FFB];
	_ =	sdelay $0x3  }
0x92: {  	_ =	strace s17  }
0x93: {  	s2 =	sld [smem:$0x3FFC];
	_ =	sdelay $0x3  }
0x94: {  	_ =	strace s2  }
0x95: {  	s2 =	sld [smem:$0x3FFD];
	_ =	sdelay $0x3  }
0x96: {  	_ =	strace s2  }
0x97: {  	_ =	strace $0x8FFFFFFF  }
0x98: {  	s18 =	sld [smem:$0x3FDB];
	_ =	sdelay $0x1  }
0x99: {  	s19 =	simm.s32 $_scs_section_size  }
0x9a: {  	s4 =	simm.s32 $_size__tile_overlayer_lowered;
	s5 =	simm.s32 $_tile_overlayer_lowered  }
0x9b: {  	s22 =	simm.s32 $0x1BFF;
	s21 =	sshll.u32 s5, $0x1;
	s2 =	sadd.s32 s19, s18  }
0x9c: {  	s6 =	simm.s32 $0x0;
	s20 =	sshll.u32 s4, $0x1;
	s4 =	sadd.s32 s21, s2  }
0x9d: {  	[timem:s6], [sflag:s22] =	dma.local [hbm:s4], s20  }
0x9e: {  	_ =	swait.ge [sflag:s22], s20  }
0x9f: {  	s3 =	ssub.s32 $0x0, s20;
	[sflag:s22] =	ssyncset.done $0x0  }
0xa0: {  	[sflag:s22] =	ssyncadd.s32 s3;
	_ =	sdelay $0x1  }
0xa1: {  	s23 =	simm.s32 $0x1B8B  }
0xa2: {  	_ =	swait.ge [sflag:s23], $0x1  }
0xa3: {  	[sflag:s23] =	ssyncset.done $0x0  }
0xa4: {  	s25 =	simm.s32 $0x1B8E;
	s24 =	sld [smem:$0x3FFE];
	[sflag:s23] =	ssyncadd.s32 $0xFFFFFFFF  }
0xa5: {  	s26 =	simm.s32 $execute0_lowered;
	[smem:$0x3FD2] =	sst s25  }
0xa6: {  	s4 =	sshll.u32 s26, $0x1;
	_ =	strace $0x8000004C;
	[dreg:$0x1] =	wrdreg $0xFFFFFFFF  }
0xa7: {  	s28 =	simm.s32 $_size_execute0_lowered;
	s2 =	sadd.s32 s2, s4;
	[dreg:$0x0] =	wrdreg $0x0  }
0xa8: {  	s4 =	sshll.u32 s28, $0x1;
	[dreg:$0x2] =	wrdreg s2  }
0xa9: {  	[dreg:$0x3] =	wrdreg s4  }
0xaa: {  	[dreg:$0x4] =	wrdreg $0xC0  }
0xab: {  	_ =	task [dreg:s6], $0x5FFFF  }
0xac: {  	[dreg:$0x1] =	wrdreg $0xFFFFFFFF  }
0xad: {  	[dreg:$0x0] =	wrdreg $0x60  }
0xae: {  	[dreg:$0x2] =	wrdreg s24  }
0xaf: {  	[dreg:$0x3] =	wrdreg $0x9  }
0xb0: {  	_ =	task.clear_ibuf [dreg:s6], $0x4FFFF;
	_ =	strace $0x9000004C  }
0xb1: {  	s29 =	simm.s32 $0x9;
	_ =	strace $0x8000004E  }
0xb2: {  	_ =	swait.ge [sflag:s29], $0x1  }
0xb3: {  	[sflag:s29] =	ssyncadd.s32 $0xFFFFFFFF  }
0xb4: {  	_ =	strace $0x9000004E  }
0xb5: {  	_ =	sfence  }
0xb6: {  	s30 =	sld [smem:$0x0];
	_ =	sdelay $0x2  }
0xb7: {  	s31 =	sshll.u32 s1, $0xD;
	s1 =	sshrl.u32 s1, $0x2  }
0xb8: {  	s3 =	sand.u32 $0x4000, s31;
	s1 =	sadd.s32 s1, s30  }
0xb9: {  	s0 =	sor.u32 s3, s0;
	s1 =	sshll.u32 s1, $0x11  }
0xba: {  	s0 =	sor.u32 s1, s0  }
0xbb: {  	s0 =	sadd.s32 $0x8F2B, s0  }
0xbc: {  	[sflag:s0] =	ssyncadd.remote.s32 $0x1  }
0xbd: {  	_ =	sfence.sel $0xFFFF  }
0xbe: {  	[dreg:$0x0] =	wrdreg $0xFFFFFFFF;
	(pc) =	sbr.abs _section_cstart, $3  }
0xbf: {  	[dreg:$0x1] =	wrdreg $0xFFFFFFFF  }
0xc0: {  	_ =	task.clear_ibuf [dreg:s6], $0x2FFFF;
	_ =	strace $0x9FFFFFFF  }
0xc1: {  	(tm) =	ssettm $0x7FFFFFFF  }
tec
execute0_lowered:
.L_overlay_start_1:
0x0: {  	(tag) =	ssettag $0x1  }
0x1: {  	s0 =	srdreg.scid;
	s5 =	rddreg [dreg:$0x0]  }
0x2: {  	s1 =	stileid.u32;
	s6 =	simm.s32 $0x1;
	s9 =	simm.s32 $0x1  }
0x3: {  	s10 =	simm.s32 $0x3;
	s13 =	simm.s32 $0x0;
	s2 =	sshll.u32 s0, $0x8  }
0x4: {  	s12 =	simm.s32 $0x0;
	s3 =	sshll.u32 s1, $0x9;
	s2 =	sand.u32 $0x100, s2  }
0x5: {  	s0 =	rddreg [dreg:$0x1];
	_ =	strace $0x8000004D;
	s2 =	sor.u32 s3, s2  }
0x6: {  	s4 =	sadd.s32 $0x6200, s5;
	[sflag:s6] =	ssyncpa.u1 $0x0;
	s8 =	ssub.s32 $0x4000, s2  }
.Ltmp0:
0x7: {  	s3 =	sadd.s32 $0x1200, s5;
	s7 =	sand.u32 $0x1F00, s8;
	(pc) =	sbr.rel .LBB2_1-.Ltmp0, $4  }
0x8: {  	s5 =	sadd.s32 $0x1A00, s5;
	s11 =	smov.u32 s2;
	p0 =	sne.s32 s7, $0x0  }
0x9: {  	s8 =	sshrl.u32 s8, $0xD;
	s7 =	simm.s32 $0x2;
	s9 =	simm.s32 @!p0 $0x0  }
0xa: {  	[sflag:s7] =	ssyncpa.u1 $0x0;
	p0 =	por $0x0, $0x0;
	s8 =	sadd.s32 s9, s8  }
0xb: {  	vm0 =	vmmov $0xffff;
	[sflag:s10] =	ssyncpa.u1 $0x0;
	s10 =	simm.s32 $0x0;
	s9 =	sadd.s32 $0x1, s8  }
.LBB2_4:
0xc: {  	v2 =	vnsel vm1, $0x0, v2  }
0xd: {  	vm1 =	vgt.s32 v0, $0x0;
	v2 =	vmin.u32 v2, $0x3FFF  }
0xe: {  	v0 =	vnsel vm1, $0x0, v0  }
0xf: {  	v0 =	vmin.u32 v0, $0x3FFF  }
0x10: {  	[tilespmem:s15], [sflag:$0x1] =	stream.indirect_vreg.gather [hbm4b:s3+s10], $0x1, v1, vm0, $0x4038;
	[tilespmem:$0x400] =	vst v63  }
0x11: {  	(ifvalue) =	ssetifvalue $0x7FFFFFFF  }
0x12: {  	[tilespmem:s16], [sflag:$0x1] =	stream.indirect_vreg.gather [hbm4b:s3+s10], $0x1, v2, vm0, $0x4038;
	[tilespmem:$0x400] =	vst v63  }
0x13: {  	s29 =	sadd.s32 $0x10, s16;
	(ifvalue) =	ssetifvalue $0x7FFFFFFF  }
0x14: {  	[tilespmem:s29], [sflag:$0x1] =	stream.indirect_vreg.gather [hbm4b:s3+s10], $0x1, v0, vm0, $0x4038;
	[tilespmem:$0x400] =	vst v63  }
0x15: {  	_ =	swait.ge [sflag:s6], $0x100  }
0x16: {  	s30 =	sshrl.u32 s13, $0x3;
	[sflag:s6] =	ssyncset.done $0x0  }
0x17: {  	s31 =	sand.u32 $0x7, s13;
	s15 =	sadd.s32 s5, s30;
	[sflag:s6] =	ssyncadd.s32 $0xFFFFFF00  }
0x18: {  	[hbm4b:s15+s31] =	stream.linear.scatter [tilespmem:s14], [sflag:$0x3], $0x100, $0x38;
	[tilespmem:$0x400] =	vst v63  }
.LBB2_5:
0x19: {  	s15 =	sadd.s32 $0x2000, s11  }
0x1a: {  	p2 =	sgt.s32 s15, $0x3FFF  }
0x1b: {  	s15 =	smov.u32 @p2 s2;
	p2 =	sne.s32 s12, s9  }
.Ltmp1:
0x1c: {  	p1 =	slt.u32 s12, $0x2;
	(pc) =	sbr.rel @!p2 .LBB2_6-.Ltmp1, $4  }
0x1d: {  	s14 =	simm.s32 @!p1 $0x3  }
0x1e: {  	s16 =	sadd.s32 $0x1, s12;
	_ =	swait.ge @!p1 [sflag:s14], $0x100  }
0x1f: {  	s13 =	smov.u32 s11;
	p0 =	por !p0, !p0;
	[sflag:s14] =	ssyncset.done @!p1 $0x0  }
0x20: {  	s12 =	smov.u32 s16;
	s11 =	smov.u32 s15;
	[sflag:s14] =	ssyncadd.s32 @!p1 $0xFFFFFF00  }
.LBB2_1:
0x21: {  	p1 =	sge.u32 s12, s8  }
0x22: {  	s14 =	sxor.u32 @!p1 $0xFFFFFFFF, s12  }
0x23: {  	s31 =	sadd.s32 $0xFFFFFFFF, s12;
	s15 =	sshrl.u32 @!p1 s11, $0x3;
	s14 =	sshll.u32 @!p1 s14, $0x8  }
0x24: {  	s16 =	sand.u32 @!p1 $0x7, s11;
	s15 =	sadd.s32 @!p1 s4, s15;
	s14 =	sand.u32 @!p1 $0x100, s14  }
0x25: {  	[tilespmem:s14], [sflag:$0x2] =	stream.linear.gather @!p1 [hbm4b:s15+s16], $0x100, $0x38;
	[tilespmem:$0x400] =	vst v63  }
0x26: {  	p1 =	sge.u32 s31, s8  }
.Ltmp2:
0x27: {  	_ = 	snop;
	(pc) =	sbr.rel @p1 .LBB2_5-.Ltmp2, $1  }
0x28: {  	_ =	sdelay $0x3  }
0x29: {  	s14 =	simm.s32 $0x1  }
0x2a: {  	_ =	swait.ge [sflag:s7], $0x100;
	s14 =	simm.s32 @!p0 $0x0  }
0x2b: {  	[sflag:s7] =	ssyncset.done $0x0;
	s14 =	sshll.u32 s14, $0x8  }
0x2c: {  	[sflag:s7] =	ssyncadd.s32 $0xFFFFFF00;
	(ifvalue) =	ssetifvalue $0x7FFFFFFF;
	v0 =	vld.msk [tilespmem:s14+$0x0 ss:$0x1], $0xffff;
	_ =	sdelay $0x4  }
0x2d: {  	s15 =	sadd.s32 $0x10, s14;
	vm1 =	vgt.s32 v0, $0x0  }
0x2e: {  	v2 =	vld.msk [tilespmem:s15+$0x0 ss:$0x1], $0xffff;
	v1 =	vnsel vm1, $0x0, v0  }
0x2f: {  	v1 =	vmin.u32 v1, $0x3FFF;
	_ =	sdelay $0x1  }
0x30: {  	s16 =	sshll.u32 s12, $0x8;
	s18 =	simm.s32 $0x20  }
0x31: {  	s16 =	sand.u32 $0x100, s16;
	s17 =	sadd.s32 $0x10, s15;
	s15 =	sor.u32 $0x200, s14  }
0x32: {  	s14 =	sor.u32 $0x200, s16;
	s16 =	sadd.s32 $0x10, s15;
	v0 =	vld.msk [tilespmem:s17+$0x0 ss:$0x1], $0xffff;
	vm1 =	vgt.s32 v2, $0x0;
	(ifvalue) =	ssetifvalue $0x7FFFFFFF  }
.LBB2_3:
0x33: {  	[tilespmem:s15], [sflag:$0x1] =	stream.indirect_vreg.gather [hbm4b:s3+s10], $0x1, v1, vm0, $0x4038;
	[tilespmem:$0x400] =	vst v63  }
0x34: {  	s18 =	sadd.s32 $0x10, s18  }
0x35: {  	v2 =	vnsel vm1, $0x0, v2;
	p1 =	slt.u32 s18, $0xF0  }
.Ltmp3:
0x36: {  	s15 =	smov.u32 s16;
	v1 =	vmin.u32 v2, $0x3FFF;
	(pc) =	sbr.rel @p1 .LBB2_3-.Ltmp3, $3  }
0x37: {  	_ =	sdelay $0x1  }
0x38: {  	s17 =	sadd.s32 $0x10, s17  }
0x39: {  	vm1 =	vgt.s32 v0, $0x0;
	s16 =	sadd.s32 $0x10, s16;
	v2 =	vmov v0;
	(ifvalue) =	ssetifvalue $0x7FFFFFFF;
	v0 =	vld.msk [tilespmem:s17+$0x0 ss:$0x1], $0xffff  }
.Ltmp4:
0x3a: {  	_ = 	snop;
	(pc) =	sbr.rel .LBB2_4-.Ltmp4, $1  }
0x3b: {  	_ =	sdelay $0x3  }
.LBB2_6:
0x3c: {  	_ =	sfence.sel $0x180000  }
0x3d: {  	s2 =	simm.s32 $0x2;
	[bflag:$0x0] =	sbarrier.arrive $0xFFFF  }
0x3e: {  	s30 =	simm.s32 $0x3;
	[sflag:s2] =	ssyncpa.u1 $0x1  }
0x3f: {  	s31 =	simm.s32 $0x1;
	[sflag:s30] =	ssyncpa.u1 $0x1  }
0x40: {  	[sflag:s31] =	ssyncpa.u1 $0x1  }
0x41: {  	p0 =	sne.s32 s1, $0x0;
	_ =	strace $0x9000004D  }
0x42: {  	s0 =	sadd.s32 @!p0 $0x100000, s0;
	[bflag:$0x2] =	sbarrier.arrive $0xFFFF  }
0x43: {  	[sflag:s0] =	ssyncadd.tile.s32 @!p0 $0x1;
	_ =	shalt  }
.Lfunc_end2:
_tile_overlayer_lowered:
.L_overlay_start_2:
0x44: {  	(tag) =	ssettag $0x2  }
0x45: {  	s0 =	rddreg [dreg:$0x0];
	s2 =	stileid.u32  }
0x46: {  	s1 =	rddreg [dreg:$0x1];
	p0 =	sne.s32 s2, $0x0  }
0x47: {  	s3 =	rddreg [dreg:$0x2];
	[bflag:$0x3] =	sbarrier.arrive $0xFFFF;
	s2 =	simm.s32 @!p0 $0x1C01  }
0x48: {  	[timem:s3], [sflag:s2] =	dma.local @!p0 [hbm:s0], s1  }
0x49: {  	s0 =	simm.s32 @!p0 $0x1  }
0x4a: {  	_ =	swait.ge @!p0 [sflag:s0], s1  }
0x4b: {  	s1 =	ssub.s32 @!p0 $0x0, s1;
	[sflag:s0] =	ssyncset.done @!p0 $0x0  }
0x4c: {  	[sflag:s0] =	ssyncadd.s32 @!p0 s1  }
0x4d: {  	[bflag:$0x3] =	sbarrier.arrive $0xFFFF  }
0x4e: {  	_ =	shalt  }

// kernel: gather_offload_async_start
scs
__scs_entry_jumppad:
0x0: {  	(pc) =	sbr.rel $0x88, $3  }
0x1: {  	(tag) =	ssettag $0x0;
	lr =	simm.s32 $0x1  }
0x2: {  	[smem:$0x3F93] =	sst lr;
	_ =	strace $0xD0000000  }
0x3: {  	_ = 	snop  }
0x4: {  	_ = 	snop  }
0x5: {  	_ = 	snop  }
0x6: {  	_ = 	snop  }
0x7: {  	_ = 	snop  }
__scs_overlays_trampoline_lowered:
0x8: {  	[smem:$0x3FA2] =	sst s0  }
0x9: {  	[smem:$0x3FA3] =	sst s1  }
0xa: {  	[smem:$0x3FA4] =	sst s2  }
0xb: {  	[smem:$0x3FA5] =	sst s3  }
0xc: {  	[smem:$0x3FA6] =	sst s4  }
0xd: {  	[smem:$0x3FA7] =	sst s5  }
0xe: {  	[smem:$0x3FA8] =	sst s6  }
0xf: {  	[smem:$0x3FA9] =	sst s7  }
0x10: {  	[smem:$0x3FAA] =	sst s8  }
0x11: {  	[smem:$0x3FAB] =	sst s9;
	s0 =	simm.s32 @!p0 $0x0  }
0x12: {  	s1 =	sld [smem:$0x3F91];
	s0 =	simm.s32 @p0 $0x1  }
0x13: {  	[smem:$0x3FAC] =	sst s0;
	s0 =	simm.s32 @!p1 $0x0  }
0x14: {  	s2 =	sld [smem:$0x3F90];
	s0 =	simm.s32 @p1 $0x1  }
0x15: {  	[smem:$0x3FAD] =	sst s0;
	s0 =	simm.s32 @!p2 $0x0  }
0x16: {  	s3 =	sld [smem:$0x3FDB];
	s0 =	simm.s32 @p2 $0x1  }
0x17: {  	s4 =	simm.s32 $0x1BF5;
	[smem:$0x3FAF] =	sst s0  }
0x18: {  	s0 =	sld [smem:$0x3F92];
	_ =	swait.ge [sflag:s4], $0x0  }
0x19: {  	s7 =	sld [smem:$0x3F93]  }
0x1a: {  	s8 =	sadd.s32 $0xFFFFE003, lr  }
0x1b: {  	s9 =	sadd.s32 $0xFFFFFEF7, lr;
	s5 =	simm.s32 $0xFFFFFFFF;
	p2 =	slt.u32 s8, $0xFFFFF086  }
0x1c: {  	p1 =	slt.u32 s9, $0xF7A;
	s5 =	simm.s32 @!p2 $0x0  }
0x1d: {  	s5 =	simm.s32 @p1 $0x1;
	p0 =	seq.s32 s7, s2  }
0x1e: {  	s7 =	smul.u32 @!p0 $0xF7A, s2;
	p2 =	seq.s32 @!p0 s5, $0x0  }
0x1f: {  	s9 =	smul.u32 $0xF7A, s1;
	s8 =	simm.s32 @!p0 $0x1BF5;
	p2 =	por !p2, p0  }
0x20: {  	[sflag:s8] =	ssyncset.s32 @!p0 $0xFFFFF086;
	s6 =	sadd.s32 @!p0 s3, s7;
	s7 =	simm.s32 @!p0 $0x108  }
0x21: {  	s3 =	sadd.s32 s3, s9;
	s6 =	sadd.s32 @!p0 $0x88, s6;
	s7 =	simm.s32 @p2 $0x1082  }
0x22: {  	[simem:s7], [sflag:s8] =	dma.local @!p0 [hbm:s6], $0xF7A  }
0x23: {  	s9 =	sor.u32 $0xD0000000, s2;
	s6 =	simm.s32 $0x108;
	_ =	swait.ge @!p0 [sflag:s8], $0x0  }
0x24: {  	s3 =	sadd.s32 $0x88, s3;
	s6 =	simm.s32 @!p1 $0x1082;
	[sflag:s4] =	ssyncset.s32 $0xFFFFF086  }
0x25: {  	[simem:s6], [sflag:s4] =	dma.local [hbm:s3], $0xF7A  }
0x26: {  	[smem:$0x3F93] =	sst s1;
	(tag) =	ssettag s2;
	_ =	strace s9  }
0x27: {  	s1 =	sld [smem:$0x3FA3]  }
0x28: {  	s2 =	sld [smem:$0x3FA4]  }
0x29: {  	s4 =	sld [smem:$0x3FA6]  }
0x2a: {  	p0 =	seq.s32 s5, $0x0;
	s5 =	sld [smem:$0x3FA7]  }
0x2b: {  	s6 =	sld [smem:$0x3FA8]  }
0x2c: {  	s7 =	sld [smem:$0x3FA9]  }
0x2d: {  	s3 =	simm.s32 $0x108;
	s8 =	sld [smem:$0x3FAA]  }
0x2e: {  	s3 =	simm.s32 @!p0 $0x1082;
	s9 =	sld [smem:$0x3FAB]  }
0x2f: {  	lr =	sadd.s32 s0, s3;
	s0 =	sld [smem:$0x3FA2]  }
0x30: {  	s3 =	sld [smem:$0x3FA5]  }
0x31: {  	[smem:$0x3FAE] =	sst s10  }
0x32: {  	s10 =	sld [smem:$0x3FAC];
	_ =	sdelay $0x3  }
0x33: {  	p0 =	seq.s32 s10, $0x1;
	s10 =	sld [smem:$0x3FAE];
	_ =	sdelay $0x3  }
0x34: {  	[smem:$0x3FAE] =	sst s10  }
0x35: {  	s10 =	sld [smem:$0x3FAD];
	_ =	sdelay $0x3  }
0x36: {  	p1 =	seq.s32 s10, $0x1;
	s10 =	sld [smem:$0x3FAE];
	_ =	sdelay $0x3  }
0x37: {  	[smem:$0x3FAE] =	sst s10  }
0x38: {  	s10 =	sld [smem:$0x3FAF]  }
0x39: {  	_ = 	snop;
	(pc) =	sbr.ind lr, $3  }
0x3a: {  	_ = 	snop  }
0x3b: {  	_ = 	snop  }
0x3c: {  	p2 =	seq.s32 s10, $0x1;
	s10 =	sld [smem:$0x3FAE]  }
0x3d: {  	_ =	shalt  }
0x3e: {  	_ =	shalt  }
0x3f: {  	_ =	shalt  }
0x40: {  	_ =	shalt  }
0x41: {  	_ =	shalt  }
0x42: {  	_ =	shalt  }
0x43: {  	_ =	shalt  }
0x44: {  	_ =	shalt  }
0x45: {  	_ =	shalt  }
0x46: {  	_ =	shalt  }
0x47: {  	_ =	shalt  }
0x48: {  	_ =	shalt  }
0x49: {  	_ =	shalt  }
0x4a: {  	_ =	shalt  }
0x4b: {  	_ =	shalt  }
0x4c: {  	_ =	shalt  }
0x4d: {  	_ =	shalt  }
0x4e: {  	_ =	shalt  }
0x4f: {  	_ =	shalt  }
0x50: {  	_ =	shalt  }
0x51: {  	_ =	shalt  }
0x52: {  	_ =	shalt  }
0x53: {  	_ =	shalt  }
0x54: {  	_ =	shalt  }
0x55: {  	_ =	shalt  }
0x56: {  	_ =	shalt  }
0x57: {  	_ =	shalt  }
0x58: {  	_ =	shalt  }
0x59: {  	_ =	shalt  }
0x5a: {  	_ =	shalt  }
0x5b: {  	_ =	shalt  }
0x5c: {  	_ =	shalt  }
0x5d: {  	_ =	shalt  }
0x5e: {  	_ =	shalt  }
0x5f: {  	_ =	shalt  }
0x60: {  	_ =	shalt  }
0x61: {  	_ =	shalt  }
0x62: {  	_ =	shalt  }
0x63: {  	_ =	shalt  }
0x64: {  	_ =	shalt  }
0x65: {  	_ =	shalt  }
0x66: {  	_ =	shalt  }
0x67: {  	_ =	shalt  }
0x68: {  	_ =	shalt  }
0x69: {  	_ =	shalt  }
0x6a: {  	_ =	shalt  }
0x6b: {  	_ =	shalt  }
0x6c: {  	_ =	shalt  }
0x6d: {  	_ =	shalt  }
0x6e: {  	_ =	shalt  }
0x6f: {  	_ =	shalt  }
0x70: {  	_ =	shalt  }
0x71: {  	_ =	shalt  }
0x72: {  	_ =	shalt  }
0x73: {  	_ =	shalt  }
0x74: {  	_ =	shalt  }
0x75: {  	_ =	shalt  }
0x76: {  	_ =	shalt  }
0x77: {  	_ =	shalt  }
0x78: {  	_ =	shalt  }
0x79: {  	_ =	shalt  }
0x7a: {  	_ =	shalt  }
0x7b: {  	_ =	shalt  }
0x7c: {  	_ =	shalt  }
0x7d: {  	_ =	shalt  }
0x7e: {  	_ =	shalt  }
0x7f: {  	_ =	shalt  }
0x80: {  	_ =	shalt  }
0x81: {  	_ =	shalt  }
0x82: {  	_ =	shalt  }
0x83: {  	_ =	shalt  }
0x84: {  	_ =	shalt  }
0x85: {  	_ =	shalt  }
0x86: {  	_ =	shalt  }
0x87: {  	_ =	shalt  }
.Lfunc_end0:
.L_simem_size_0:
called_computation.1_lowered:
.L_overlay_start_0:
0x88: {  	s2 =	sld [smem:$0x3FD9]  }
0x89: {  	s3 =	sld [smem:$0x3FFE];
	_ =	sdelay $0x1  }
0x8a: {  	s1 =	srdreg.scid  }
0x8b: {  	s0 =	sand.u32 $0x1, s1  }
0x8c: {  	s16 =	sshll.u32 s0, $0xA;
	s2 =	sadd.s32 s3, s2  }
0x8d: {  	s2 =	sadd.s32 s2, s16  }
0x8e: {  	[smem:$0x3FBA] =	sst s2  }
0x8f: {  	_ = 	snop  }
0x90: {  	(tm) =	ssettm $0x1  }
0x91: {  	s17 =	sld [smem:$0x3FFB];
	_ =	sdelay $0x3  }
0x92: {  	_ =	strace s17  }
0x93: {  	s2 =	sld [smem:$0x3FFC];
	_ =	sdelay $0x3  }
0x94: {  	_ =	strace s2  }
0x95: {  	s2 =	sld [smem:$0x3FFD];
	_ =	sdelay $0x3  }
0x96: {  	_ =	strace s2  }
0x97: {  	_ =	strace $0x8FFFFFFF  }
0x98: {  	s18 =	sld [smem:$0x3FDB];
	_ =	sdelay $0x1  }
0x99: {  	s19 =	simm.s32 $_scs_section_size  }
0x9a: {  	s4 =	simm.s32 $_size__tile_overlayer_lowered;
	s5 =	simm.s32 $_tile_overlayer_lowered  }
0x9b: {  	s22 =	simm.s32 $0x1BFF;
	s21 =	sshll.u32 s5, $0x1;
	s2 =	sadd.s32 s19, s18  }
0x9c: {  	s6 =	simm.s32 $0x0;
	s20 =	sshll.u32 s4, $0x1;
	s4 =	sadd.s32 s21, s2  }
0x9d: {  	[timem:s6], [sflag:s22] =	dma.local [hbm:s4], s20  }
0x9e: {  	_ =	swait.ge [sflag:s22], s20  }
0x9f: {  	s3 =	ssub.s32 $0x0, s20;
	[sflag:s22] =	ssyncset.done $0x0  }
0xa0: {  	[sflag:s22] =	ssyncadd.s32 s3;
	_ =	sdelay $0x1  }
0xa1: {  	s23 =	simm.s32 $0x1B8B  }
0xa2: {  	_ =	swait.ge [sflag:s23], $0x1  }
0xa3: {  	[sflag:s23] =	ssyncset.done $0x0  }
0xa4: {  	s25 =	simm.s32 $0x1B8E;
	s24 =	sld [smem:$0x3FFE];
	[sflag:s23] =	ssyncadd.s32 $0xFFFFFFFF  }
0xa5: {  	s26 =	simm.s32 $execute0_lowered;
	[smem:$0x3FD2] =	sst s25  }
0xa6: {  	s4 =	sshll.u32 s26, $0x1;
	_ =	strace $0x80000049;
	[dreg:$0x1] =	wrdreg $0xFFFFFFFF  }
0xa7: {  	s28 =	simm.s32 $_size_execute0_lowered;
	s2 =	sadd.s32 s2, s4;
	[dreg:$0x0] =	wrdreg $0x0  }
0xa8: {  	s4 =	sshll.u32 s28, $0x1;
	[dreg:$0x2] =	wrdreg s2  }
0xa9: {  	[dreg:$0x3] =	wrdreg s4  }
0xaa: {  	[dreg:$0x4] =	wrdreg $0xC0  }
0xab: {  	_ =	task [dreg:s6], $0x5FFFF  }
0xac: {  	[dreg:$0x1] =	wrdreg $0xFFFFFFFF  }
0xad: {  	[dreg:$0x0] =	wrdreg $0x60  }
0xae: {  	[dreg:$0x2] =	wrdreg s24  }
0xaf: {  	[dreg:$0x3] =	wrdreg $0x9  }
0xb0: {  	_ =	task.clear_ibuf [dreg:s6], $0x4FFFF;
	_ =	strace $0x90000049  }
0xb1: {  	s29 =	simm.s32 $0x9;
	_ =	strace $0x8000004B  }
0xb2: {  	_ =	swait.ge [sflag:s29], $0x1  }
0xb3: {  	[sflag:s29] =	ssyncadd.s32 $0xFFFFFFFF  }
0xb4: {  	_ =	strace $0x9000004B  }
0xb5: {  	_ =	sfence  }
0xb6: {  	s30 =	sld [smem:$0x0];
	_ =	sdelay $0x2  }
0xb7: {  	s31 =	sshll.u32 s1, $0xD;
	s1 =	sshrl.u32 s1, $0x2  }
0xb8: {  	s3 =	sand.u32 $0x4000, s31;
	s1 =	sadd.s32 s1, s30  }
0xb9: {  	s0 =	sor.u32 s3, s0;
	s1 =	sshll.u32 s1, $0x11  }
0xba: {  	s0 =	sor.u32 s1, s0  }
0xbb: {  	s0 =	sadd.s32 $0x8F2B, s0  }
0xbc: {  	[sflag:s0] =	ssyncadd.remote.s32 $0x1  }
0xbd: {  	_ =	sfence.sel $0xFFFF  }
0xbe: {  	[dreg:$0x0] =	wrdreg $0xFFFFFFFF;
	(pc) =	sbr.abs _section_cstart, $3  }
0xbf: {  	[dreg:$0x1] =	wrdreg $0xFFFFFFFF  }
0xc0: {  	_ =	task.clear_ibuf [dreg:s6], $0x2FFFF;
	_ =	strace $0x9FFFFFFF  }
0xc1: {  	(tm) =	ssettm $0x7FFFFFFF  }
tec
execute0_lowered:
.L_overlay_start_1:
0x0: {  	(tag) =	ssettag $0x1  }
0x1: {  	s0 =	srdreg.scid;
	s5 =	rddreg [dreg:$0x0]  }
0x2: {  	s1 =	stileid.u32;
	s6 =	simm.s32 $0x1;
	s9 =	simm.s32 $0x1  }
0x3: {  	s10 =	simm.s32 $0x3;
	s13 =	simm.s32 $0x0;
	s2 =	sshll.u32 s0, $0x8  }
0x4: {  	s12 =	simm.s32 $0x0;
	s3 =	sshll.u32 s1, $0x9;
	s2 =	sand.u32 $0x100, s2  }
0x5: {  	s0 =	rddreg [dreg:$0x1];
	_ =	strace $0x8000004A;
	s2 =	sor.u32 s3, s2  }
0x6: {  	s4 =	sadd.s32 $0x6200, s5;
	[sflag:s6] =	ssyncpa.u1 $0x0;
	s8 =	ssub.s32 $0x4000, s2  }
.Ltmp0:
0x7: {  	s3 =	sadd.s32 $0x5A00, s5;
	s7 =	sand.u32 $0x1F00, s8;
	(pc) =	sbr.rel .LBB2_1-.Ltmp0, $4  }
0x8: {  	s5 =	sadd.s32 $0x53C00, s5;
	s11 =	smov.u32 s2;
	p0 =	sne.s32 s7, $0x0  }
0x9: {  	s8 =	sshrl.u32 s8, $0xD;
	s7 =	simm.s32 $0x2;
	s9 =	simm.s32 @!p0 $0x0  }
0xa: {  	[sflag:s7] =	ssyncpa.u1 $0x0;
	p0 =	por $0x0, $0x0;
	s8 =	sadd.s32 s9, s8  }
0xb: {  	vm0 =	vmmov $0xffff;
	[sflag:s10] =	ssyncpa.u1 $0x0;
	s10 =	simm.s32 $0x0;
	s9 =	sadd.s32 $0x1, s8  }
.LBB2_4:
0xc: {  	v2 =	vnsel vm1, $0x0, v2  }
0xd: {  	vm1 =	vgt.s32 v0, $0x0;
	v2 =	vmin.u32 v2, $0x3FFF  }
0xe: {  	v0 =	vnsel vm1, $0x0, v0  }
0xf: {  	v0 =	vmin.u32 v0, $0x3FFF  }
0x10: {  	[tilespmem:s15], [sflag:$0x1] =	stream.indirect_vreg.gather [hbm4b:s3+s10], $0x1, v1, vm0, $0x4038;
	[tilespmem:$0x400] =	vst v63  }
0x11: {  	(ifvalue) =	ssetifvalue $0x7FFFFFFF  }
0x12: {  	[tilespmem:s16], [sflag:$0x1] =	stream.indirect_vreg.gather [hbm4b:s3+s10], $0x1, v2, vm0, $0x4038;
	[tilespmem:$0x400] =	vst v63  }
0x13: {  	s29 =	sadd.s32 $0x10, s16;
	(ifvalue) =	ssetifvalue $0x7FFFFFFF  }
0x14: {  	[tilespmem:s29], [sflag:$0x1] =	stream.indirect_vreg.gather [hbm4b:s3+s10], $0x1, v0, vm0, $0x4038;
	[tilespmem:$0x400] =	vst v63  }
0x15: {  	_ =	swait.ge [sflag:s6], $0x100  }
0x16: {  	s30 =	sshrl.u32 s13, $0x3;
	[sflag:s6] =	ssyncset.done $0x0  }
0x17: {  	s31 =	sand.u32 $0x7, s13;
	s15 =	sadd.s32 s5, s30;
	[sflag:s6] =	ssyncadd.s32 $0xFFFFFF00  }
0x18: {  	[hbm4b:s15+s31] =	stream.linear.scatter [tilespmem:s14], [sflag:$0x3], $0x100, $0x38;
	[tilespmem:$0x400] =	vst v63  }
.LBB2_5:
0x19: {  	s15 =	sadd.s32 $0x2000, s11  }
0x1a: {  	p2 =	sgt.s32 s15, $0x3FFF  }
0x1b: {  	s15 =	smov.u32 @p2 s2;
	p2 =	sne.s32 s12, s9  }
.Ltmp1:
0x1c: {  	p1 =	slt.u32 s12, $0x2;
	(pc) =	sbr.rel @!p2 .LBB2_6-.Ltmp1, $4  }
0x1d: {  	s14 =	simm.s32 @!p1 $0x3  }
0x1e: {  	s16 =	sadd.s32 $0x1, s12;
	_ =	swait.ge @!p1 [sflag:s14], $0x100  }
0x1f: {  	s13 =	smov.u32 s11;
	p0 =	por !p0, !p0;
	[sflag:s14] =	ssyncset.done @!p1 $0x0  }
0x20: {  	s12 =	smov.u32 s16;
	s11 =	smov.u32 s15;
	[sflag:s14] =	ssyncadd.s32 @!p1 $0xFFFFFF00  }
.LBB2_1:
0x21: {  	p1 =	sge.u32 s12, s8  }
0x22: {  	s14 =	sxor.u32 @!p1 $0xFFFFFFFF, s12  }
0x23: {  	s31 =	sadd.s32 $0xFFFFFFFF, s12;
	s15 =	sshrl.u32 @!p1 s11, $0x3;
	s14 =	sshll.u32 @!p1 s14, $0x8  }
0x24: {  	s16 =	sand.u32 @!p1 $0x7, s11;
	s15 =	sadd.s32 @!p1 s4, s15;
	s14 =	sand.u32 @!p1 $0x100, s14  }
0x25: {  	[tilespmem:s14], [sflag:$0x2] =	stream.linear.gather @!p1 [hbm4b:s15+s16], $0x100, $0x38;
	[tilespmem:$0x400] =	vst v63  }
0x26: {  	p1 =	sge.u32 s31, s8  }
.Ltmp2:
0x27: {  	_ = 	snop;
	(pc) =	sbr.rel @p1 .LBB2_5-.Ltmp2, $1  }
0x28: {  	_ =	sdelay $0x3  }
0x29: {  	s14 =	simm.s32 $0x1  }
0x2a: {  	_ =	swait.ge [sflag:s7], $0x100;
	s14 =	simm.s32 @!p0 $0x0  }
0x2b: {  	[sflag:s7] =	ssyncset.done $0x0;
	s14 =	sshll.u32 s14, $0x8  }
0x2c: {  	[sflag:s7] =	ssyncadd.s32 $0xFFFFFF00;
	(ifvalue) =	ssetifvalue $0x7FFFFFFF;
	v0 =	vld.msk [tilespmem:s14+$0x0 ss:$0x1], $0xffff;
	_ =	sdelay $0x4  }
0x2d: {  	s15 =	sadd.s32 $0x10, s14;
	vm1 =	vgt.s32 v0, $0x0  }
0x2e: {  	v2 =	vld.msk [tilespmem:s15+$0x0 ss:$0x1], $0xffff;
	v1 =	vnsel vm1, $0x0, v0  }
0x2f: {  	v1 =	vmin.u32 v1, $0x3FFF;
	_ =	sdelay $0x1  }
0x30: {  	s16 =	sshll.u32 s12, $0x8;
	s18 =	simm.s32 $0x20  }
0x31: {  	s16 =	sand.u32 $0x100, s16;
	s17 =	sadd.s32 $0x10, s15;
	s15 =	sor.u32 $0x200, s14  }
0x32: {  	s14 =	sor.u32 $0x200, s16;
	s16 =	sadd.s32 $0x10, s15;
	v0 =	vld.msk [tilespmem:s17+$0x0 ss:$0x1], $0xffff;
	vm1 =	vgt.s32 v2, $0x0;
	(ifvalue) =	ssetifvalue $0x7FFFFFFF  }
.LBB2_3:
0x33: {  	[tilespmem:s15], [sflag:$0x1] =	stream.indirect_vreg.gather [hbm4b:s3+s10], $0x1, v1, vm0, $0x4038;
	[tilespmem:$0x400] =	vst v63  }
0x34: {  	s18 =	sadd.s32 $0x10, s18  }
0x35: {  	v2 =	vnsel vm1, $0x0, v2;
	p1 =	slt.u32 s18, $0xF0  }
.Ltmp3:
0x36: {  	s15 =	smov.u32 s16;
	v1 =	vmin.u32 v2, $0x3FFF;
	(pc) =	sbr.rel @p1 .LBB2_3-.Ltmp3, $3  }
0x37: {  	_ =	sdelay $0x1  }
0x38: {  	s17 =	sadd.s32 $0x10, s17  }
0x39: {  	vm1 =	vgt.s32 v0, $0x0;
	s16 =	sadd.s32 $0x10, s16;
	v2 =	vmov v0;
	(ifvalue) =	ssetifvalue $0x7FFFFFFF;
	v0 =	vld.msk [tilespmem:s17+$0x0 ss:$0x1], $0xffff  }
.Ltmp4:
0x3a: {  	_ = 	snop;
	(pc) =	sbr.rel .LBB2_4-.Ltmp4, $1  }
0x3b: {  	_ =	sdelay $0x3  }
.LBB2_6:
0x3c: {  	_ =	sfence.sel $0x180000  }
0x3d: {  	s2 =	simm.s32 $0x2;
	[bflag:$0x0] =	sbarrier.arrive $0xFFFF  }
0x3e: {  	s30 =	simm.s32 $0x3;
	[sflag:s2] =	ssyncpa.u1 $0x1  }
0x3f: {  	s31 =	simm.s32 $0x1;
	[sflag:s30] =	ssyncpa.u1 $0x1  }
0x40: {  	[sflag:s31] =	ssyncpa.u1 $0x1  }
0x41: {  	p0 =	sne.s32 s1, $0x0;
	_ =	strace $0x9000004A  }
0x42: {  	s0 =	sadd.s32 @!p0 $0x100000, s0;
	[bflag:$0x2] =	sbarrier.arrive $0xFFFF  }
0x43: {  	[sflag:s0] =	ssyncadd.tile.s32 @!p0 $0x1;
	_ =	shalt  }
.Lfunc_end2:
_tile_overlayer_lowered:
.L_overlay_start_2:
0x44: {  	(tag) =	ssettag $0x2  }
0x45: {  	s0 =	rddreg [dreg:$0x0];
	s2 =	stileid.u32  }
0x46: {  	s1 =	rddreg [dreg:$0x1];
	p0 =	sne.s32 s2, $0x0  }
0x47: {  	s3 =	rddreg [dreg:$0x2];
	[bflag:$0x3] =	sbarrier.arrive $0xFFFF;
	s2 =	simm.s32 @!p0 $0x1C01  }
0x48: {  	[timem:s3], [sflag:s2] =	dma.local @!p0 [hbm:s0], s1  }
0x49: {  	s0 =	simm.s32 @!p0 $0x1  }
0x4a: {  	_ =	swait.ge @!p0 [sflag:s0], s1  }
0x4b: {  	s1 =	ssub.s32 @!p0 $0x0, s1;
	[sflag:s0] =	ssyncset.done @!p0 $0x0  }
0x4c: {  	[sflag:s0] =	ssyncadd.s32 @!p0 s1  }
0x4d: {  	[bflag:$0x3] =	sbarrier.arrive $0xFFFF  }
0x4e: {  	_ =	shalt  }

// kernel: kernel.9.cloned.1.call-start
scs
__scs_entry_jumppad:
0x0: {  	(pc) =	sbr.rel $0x88, $3  }
0x1: {  	(tag) =	ssettag $0x0;
	lr =	simm.s32 $0x1  }
0x2: {  	[smem:$0x3F93] =	sst lr;
	_ =	strace $0xD0000000  }
0x3: {  	_ = 	snop  }
0x4: {  	_ = 	snop  }
0x5: {  	_ = 	snop  }
0x6: {  	_ = 	snop  }
0x7: {  	_ = 	snop  }
__scs_overlays_trampoline_lowered:
0x8: {  	[smem:$0x3FA2] =	sst s0  }
0x9: {  	[smem:$0x3FA3] =	sst s1  }
0xa: {  	[smem:$0x3FA4] =	sst s2  }
0xb: {  	[smem:$0x3FA5] =	sst s3  }
0xc: {  	[smem:$0x3FA6] =	sst s4  }
0xd: {  	[smem:$0x3FA7] =	sst s5  }
0xe: {  	[smem:$0x3FA8] =	sst s6  }
0xf: {  	[smem:$0x3FA9] =	sst s7  }
0x10: {  	[smem:$0x3FAA] =	sst s8  }
0x11: {  	[smem:$0x3FAB] =	sst s9;
	s0 =	simm.s32 @!p0 $0x0  }
0x12: {  	s1 =	sld [smem:$0x3F91];
	s0 =	simm.s32 @p0 $0x1  }
0x13: {  	[smem:$0x3FAC] =	sst s0;
	s0 =	simm.s32 @!p1 $0x0  }
0x14: {  	s2 =	sld [smem:$0x3F90];
	s0 =	simm.s32 @p1 $0x1  }
0x15: {  	[smem:$0x3FAD] =	sst s0;
	s0 =	simm.s32 @!p2 $0x0  }
0x16: {  	s3 =	sld [smem:$0x3FDB];
	s0 =	simm.s32 @p2 $0x1  }
0x17: {  	s4 =	simm.s32 $0x1BF5;
	[smem:$0x3FAF] =	sst s0  }
0x18: {  	s0 =	sld [smem:$0x3F92];
	_ =	swait.ge [sflag:s4], $0x0  }
0x19: {  	s7 =	sld [smem:$0x3F93]  }
0x1a: {  	s8 =	sadd.s32 $0xFFFFE003, lr  }
0x1b: {  	s9 =	sadd.s32 $0xFFFFFEF7, lr;
	s5 =	simm.s32 $0xFFFFFFFF;
	p2 =	slt.u32 s8, $0xFFFFF086  }
0x1c: {  	p1 =	slt.u32 s9, $0xF7A;
	s5 =	simm.s32 @!p2 $0x0  }
0x1d: {  	s5 =	simm.s32 @p1 $0x1;
	p0 =	seq.s32 s7, s2  }
0x1e: {  	s7 =	smul.u32 @!p0 $0xF7A, s2;
	p2 =	seq.s32 @!p0 s5, $0x0  }
0x1f: {  	s9 =	smul.u32 $0xF7A, s1;
	s8 =	simm.s32 @!p0 $0x1BF5;
	p2 =	por !p2, p0  }
0x20: {  	[sflag:s8] =	ssyncset.s32 @!p0 $0xFFFFF086;
	s6 =	sadd.s32 @!p0 s3, s7;
	s7 =	simm.s32 @!p0 $0x108  }
0x21: {  	s3 =	sadd.s32 s3, s9;
	s6 =	sadd.s32 @!p0 $0x88, s6;
	s7 =	simm.s32 @p2 $0x1082  }
0x22: {  	[simem:s7], [sflag:s8] =	dma.local @!p0 [hbm:s6], $0xF7A  }
0x23: {  	s9 =	sor.u32 $0xD0000000, s2;
	s6 =	simm.s32 $0x108;
	_ =	swait.ge @!p0 [sflag:s8], $0x0  }
0x24: {  	s3 =	sadd.s32 $0x88, s3;
	s6 =	simm.s32 @!p1 $0x1082;
	[sflag:s4] =	ssyncset.s32 $0xFFFFF086  }
0x25: {  	[simem:s6], [sflag:s4] =	dma.local [hbm:s3], $0xF7A  }
0x26: {  	[smem:$0x3F93] =	sst s1;
	(tag) =	ssettag s2;
	_ =	strace s9  }
0x27: {  	s1 =	sld [smem:$0x3FA3]  }
0x28: {  	s2 =	sld [smem:$0x3FA4]  }
0x29: {  	s4 =	sld [smem:$0x3FA6]  }
0x2a: {  	p0 =	seq.s32 s5, $0x0;
	s5 =	sld [smem:$0x3FA7]  }
0x2b: {  	s6 =	sld [smem:$0x3FA8]  }
0x2c: {  	s7 =	sld [smem:$0x3FA9]  }
0x2d: {  	s3 =	simm.s32 $0x108;
	s8 =	sld [smem:$0x3FAA]  }
0x2e: {  	s3 =	simm.s32 @!p0 $0x1082;
	s9 =	sld [smem:$0x3FAB]  }
0x2f: {  	lr =	sadd.s32 s0, s3;
	s0 =	sld [smem:$0x3FA2]  }
0x30: {  	s3 =	sld [smem:$0x3FA5]  }
0x31: {  	[smem:$0x3FAE] =	sst s10  }
0x32: {  	s10 =	sld [smem:$0x3FAC];
	_ =	sdelay $0x3  }
0x33: {  	p0 =	seq.s32 s10, $0x1;
	s10 =	sld [smem:$0x3FAE];
	_ =	sdelay $0x3  }
0x34: {  	[smem:$0x3FAE] =	sst s10  }
0x35: {  	s10 =	sld [smem:$0x3FAD];
	_ =	sdelay $0x3  }
0x36: {  	p1 =	seq.s32 s10, $0x1;
	s10 =	sld [smem:$0x3FAE];
	_ =	sdelay $0x3  }
0x37: {  	[smem:$0x3FAE] =	sst s10  }
0x38: {  	s10 =	sld [smem:$0x3FAF]  }
0x39: {  	_ = 	snop;
	(pc) =	sbr.ind lr, $3  }
0x3a: {  	_ = 	snop  }
0x3b: {  	_ = 	snop  }
0x3c: {  	p2 =	seq.s32 s10, $0x1;
	s10 =	sld [smem:$0x3FAE]  }
0x3d: {  	_ =	shalt  }
0x3e: {  	_ =	shalt  }
0x3f: {  	_ =	shalt  }
0x40: {  	_ =	shalt  }
0x41: {  	_ =	shalt  }
0x42: {  	_ =	shalt  }
0x43: {  	_ =	shalt  }
0x44: {  	_ =	shalt  }
0x45: {  	_ =	shalt  }
0x46: {  	_ =	shalt  }
0x47: {  	_ =	shalt  }
0x48: {  	_ =	shalt  }
0x49: {  	_ =	shalt  }
0x4a: {  	_ =	shalt  }
0x4b: {  	_ =	shalt  }
0x4c: {  	_ =	shalt  }
0x4d: {  	_ =	shalt  }
0x4e: {  	_ =	shalt  }
0x4f: {  	_ =	shalt  }
0x50: {  	_ =	shalt  }
0x51: {  	_ =	shalt  }
0x52: {  	_ =	shalt  }
0x53: {  	_ =	shalt  }
0x54: {  	_ =	shalt  }
0x55: {  	_ =	shalt  }
0x56: {  	_ =	shalt  }
0x57: {  	_ =	shalt  }
0x58: {  	_ =	shalt  }
0x59: {  	_ =	shalt  }
0x5a: {  	_ =	shalt  }
0x5b: {  	_ =	shalt  }
0x5c: {  	_ =	shalt  }
0x5d: {  	_ =	shalt  }
0x5e: {  	_ =	shalt  }
0x5f: {  	_ =	shalt  }
0x60: {  	_ =	shalt  }
0x61: {  	_ =	shalt  }
0x62: {  	_ =	shalt  }
0x63: {  	_ =	shalt  }
0x64: {  	_ =	shalt  }
0x65: {  	_ =	shalt  }
0x66: {  	_ =	shalt  }
0x67: {  	_ =	shalt  }
0x68: {  	_ =	shalt  }
0x69: {  	_ =	shalt  }
0x6a: {  	_ =	shalt  }
0x6b: {  	_ =	shalt  }
0x6c: {  	_ =	shalt  }
0x6d: {  	_ =	shalt  }
0x6e: {  	_ =	shalt  }
0x6f: {  	_ =	shalt  }
0x70: {  	_ =	shalt  }
0x71: {  	_ =	shalt  }
0x72: {  	_ =	shalt  }
0x73: {  	_ =	shalt  }
0x74: {  	_ =	shalt  }
0x75: {  	_ =	shalt  }
0x76: {  	_ =	shalt  }
0x77: {  	_ =	shalt  }
0x78: {  	_ =	shalt  }
0x79: {  	_ =	shalt  }
0x7a: {  	_ =	shalt  }
0x7b: {  	_ =	shalt  }
0x7c: {  	_ =	shalt  }
0x7d: {  	_ =	shalt  }
0x7e: {  	_ =	shalt  }
0x7f: {  	_ =	shalt  }
0x80: {  	_ =	shalt  }
0x81: {  	_ =	shalt  }
0x82: {  	_ =	shalt  }
0x83: {  	_ =	shalt  }
0x84: {  	_ =	shalt  }
0x85: {  	_ =	shalt  }
0x86: {  	_ =	shalt  }
0x87: {  	_ =	shalt  }
.Lfunc_end0:
.L_simem_size_0:
called_computation.3_lowered:
.L_overlay_start_0:
0x88: {  	s2 =	sld [smem:$0x3FD9]  }
0x89: {  	s3 =	sld [smem:$0x3FFE];
	_ =	sdelay $0x1  }
0x8a: {  	s1 =	srdreg.scid  }
0x8b: {  	s0 =	sand.u32 $0x1, s1  }
0x8c: {  	s16 =	sshll.u32 s0, $0xA;
	s2 =	sadd.s32 s3, s2  }
0x8d: {  	s2 =	sadd.s32 s2, s16  }
0x8e: {  	[smem:$0x3FBA] =	sst s2  }
0x8f: {  	_ = 	snop  }
0x90: {  	(tm) =	ssettm $0x1  }
0x91: {  	s17 =	sld [smem:$0x3FFB];
	_ =	sdelay $0x3  }
0x92: {  	_ =	strace s17  }
0x93: {  	s2 =	sld [smem:$0x3FFC];
	_ =	sdelay $0x3  }
0x94: {  	_ =	strace s2  }
0x95: {  	s2 =	sld [smem:$0x3FFD];
	_ =	sdelay $0x3  }
0x96: {  	_ =	strace s2  }
0x97: {  	_ =	strace $0x8FFFFFFF  }
0x98: {  	s18 =	sld [smem:$0x3FDB];
	_ =	sdelay $0x1  }
0x99: {  	s19 =	simm.s32 $_scs_section_size  }
0x9a: {  	s4 =	simm.s32 $_size__tile_overlayer_lowered;
	s5 =	simm.s32 $_tile_overlayer_lowered  }
0x9b: {  	s22 =	simm.s32 $0x1BFF;
	s21 =	sshll.u32 s5, $0x1;
	s2 =	sadd.s32 s19, s18  }
0x9c: {  	s6 =	simm.s32 $0x0;
	s20 =	sshll.u32 s4, $0x1;
	s4 =	sadd.s32 s21, s2  }
0x9d: {  	[timem:s6], [sflag:s22] =	dma.local [hbm:s4], s20  }
0x9e: {  	_ =	swait.ge [sflag:s22], s20  }
0x9f: {  	s3 =	ssub.s32 $0x0, s20;
	[sflag:s22] =	ssyncset.done $0x0  }
0xa0: {  	[sflag:s22] =	ssyncadd.s32 s3;
	_ =	sdelay $0x1  }
0xa1: {  	s23 =	simm.s32 $0x1B8B  }
0xa2: {  	_ =	swait.ge [sflag:s23], $0x1  }
0xa3: {  	[sflag:s23] =	ssyncset.done $0x0  }
0xa4: {  	s25 =	simm.s32 $0x1B8E;
	s24 =	sld [smem:$0x3FFE];
	[sflag:s23] =	ssyncadd.s32 $0xFFFFFFFF  }
0xa5: {  	s26 =	simm.s32 $execute0_lowered;
	[smem:$0x3FD2] =	sst s25  }
0xa6: {  	s4 =	sshll.u32 s26, $0x1;
	_ =	strace $0x8000004F;
	[dreg:$0x1] =	wrdreg $0xFFFFFFFF  }
0xa7: {  	s28 =	simm.s32 $_size_execute0_lowered;
	s2 =	sadd.s32 s2, s4;
	[dreg:$0x0] =	wrdreg $0x0  }
0xa8: {  	s4 =	sshll.u32 s28, $0x1;
	[dreg:$0x2] =	wrdreg s2  }
0xa9: {  	[dreg:$0x3] =	wrdreg s4  }
0xaa: {  	[dreg:$0x4] =	wrdreg $0xC0  }
0xab: {  	_ =	task [dreg:s6], $0x5FFFF  }
0xac: {  	[dreg:$0x1] =	wrdreg $0xFFFFFFFF  }
0xad: {  	[dreg:$0x0] =	wrdreg $0x60  }
0xae: {  	[dreg:$0x2] =	wrdreg s24  }
0xaf: {  	[dreg:$0x3] =	wrdreg $0x9  }
0xb0: {  	_ =	task.clear_ibuf [dreg:s6], $0x4FFFF;
	_ =	strace $0x9000004F  }
0xb1: {  	s29 =	simm.s32 $0x9;
	_ =	strace $0x80000051  }
0xb2: {  	_ =	swait.ge [sflag:s29], $0x1  }
0xb3: {  	[sflag:s29] =	ssyncadd.s32 $0xFFFFFFFF  }
0xb4: {  	_ =	strace $0x90000051  }
0xb5: {  	_ =	sfence  }
0xb6: {  	s30 =	sld [smem:$0x0];
	_ =	sdelay $0x2  }
0xb7: {  	s31 =	sshll.u32 s1, $0xD;
	s1 =	sshrl.u32 s1, $0x2  }
0xb8: {  	s3 =	sand.u32 $0x4000, s31;
	s1 =	sadd.s32 s1, s30  }
0xb9: {  	s0 =	sor.u32 s3, s0;
	s1 =	sshll.u32 s1, $0x11  }
0xba: {  	s0 =	sor.u32 s1, s0  }
0xbb: {  	s0 =	sadd.s32 $0x8F2B, s0  }
0xbc: {  	[sflag:s0] =	ssyncadd.remote.s32 $0x1  }
0xbd: {  	_ =	sfence.sel $0xFFFF  }
0xbe: {  	[dreg:$0x0] =	wrdreg $0xFFFFFFFF;
	(pc) =	sbr.abs _section_cstart, $3  }
0xbf: {  	[dreg:$0x1] =	wrdreg $0xFFFFFFFF  }
0xc0: {  	_ =	task.clear_ibuf [dreg:s6], $0x2FFFF;
	_ =	strace $0x9FFFFFFF  }
0xc1: {  	(tm) =	ssettm $0x7FFFFFFF  }
tec
execute0_lowered:
.L_overlay_start_1:
0x0: {  	(tag) =	ssettag $0x1  }
0x1: {  	s0 =	rddreg [dreg:$0x0]  }
0x2: {  	s1 =	srdreg.scid;
	s2 =	simm.s32 $0x0;
	s3 =	stileid.u32  }
0x3: {  	s4 =	sand.u32 $0x1, s1;
	[smem:$0x7FF] =	sst s2;
	s22 =	sshll.u32 s3, $0xA  }
0x4: {  	s5 =	sadd.s32 $0x1000, s0;
	s1 =	sadd.s32 $0x347A00, s0;
	s23 =	sshll.u32 s4, $0x9  }
0x5: {  	_ =	strace $0x80000050;
	s4 =	ssub.s32 $0x2, s4;
	s6 =	sor.u32 s23, s22  }
0x6: {  	s3 =	sshrl.u32 s6, $0x3;
	s7 =	sor.u32 $0x20, s6;
	s25 =	sshll.u32 s6, $0x7  }
0x7: {  	s28 =	sor.u32 $0x40, s6;
	s9 =	sor.u32 $0x60, s6;
	s11 =	sor.u32 $0x80, s6  }
0x8: {  	s14 =	sor.u32 $0xA0, s6;
	s18 =	sor.u32 $0xC0, s6;
	s3 =	sadd.s32 s5, s3  }
0x9: {  	s8 =	sshrl.u32 s7, $0x3;
	s26 =	sadd.s32 s1, s25;
	s29 =	sshrl.u32 s28, $0x3  }
0xa: {  	s7 =	sshll.u32 s7, $0x7;
	s31 =	sshrl.u32 s9, $0x3;
	s12 =	sshrl.u32 s11, $0x3  }
0xb: {  	s13 =	sshll.u32 s9, $0x7;
	s16 =	sshrl.u32 s14, $0x3;
	[dreg:$0x2] =	wrdreg s3  }
0xc: {  	s19 =	sshrl.u32 s18, $0x3;
	s24 =	sadd.s32 s5, s8;
	[dreg:$0x4] =	wrdreg s26  }
0xd: {  	s9 =	sshll.u32 s14, $0x7;
	s3 =	sadd.s32 s5, s29;
	[dreg:$0x3] =	wrdreg s24  }
0xe: {  	s30 =	sadd.s32 s1, s7;
	s7 =	sadd.s32 s5, s31;
	[dreg:$0x5] =	wrdreg s3  }
0xf: {  	s8 =	sshll.u32 s28, $0x7;
	s15 =	sadd.s32 s1, s13;
	[dreg:$0x6] =	wrdreg s30  }
0x10: {  	s17 =	sadd.s32 s5, s16;
	s20 =	sadd.s32 s1, s9;
	[dreg:$0x7] =	wrdreg s7  }
0x11: {  	s28 =	sor.u32 $0x120, s6;
	s9 =	sor.u32 $0x140, s6;
	[dreg:$0xa] =	wrdreg s15  }
0x12: {  	s10 =	sadd.s32 s1, s8;
	s3 =	sadd.s32 s5, s12;
	[dreg:$0xb] =	wrdreg s17  }
0x13: {  	s7 =	sshll.u32 s11, $0x7;
	[dreg:$0xe] =	wrdreg s20;
	s8 =	sshll.u32 s18, $0x7  }
0x14: {  	s24 =	sor.u32 $0x100, s6;
	s30 =	sshrl.u32 s28, $0x3;
	s12 =	sshrl.u32 s4, $0x1  }
0x15: {  	s13 =	sshrl.u32 s9, $0x3;
	s11 =	sor.u32 $0x160, s6;
	[dreg:$0x8] =	wrdreg s10  }
0x16: {  	s18 =	sor.u32 $0x180, s6;
	[dreg:$0x9] =	wrdreg s3;
	s7 =	sadd.s32 s1, s7  }
0x17: {  	s3 =	sadd.s32 $0x47A00, s0;
	s10 =	sor.u32 $0xE0, s6;
	s23 =	sadd.s32 s1, s8  }
0x18: {  	s25 =	sshrl.u32 s24, $0x3;
	s31 =	sadd.s32 s5, s30;
	s8 =	sshll.u32 s24, $0x7  }
0x19: {  	s15 =	sshrl.u32 s11, $0x3;
	s20 =	sshll.u32 s11, $0x7;
	[dreg:$0xc] =	wrdreg s7  }
0x1a: {  	s7 =	sadd.s32 s5, s19;
	s21 =	sshrl.u32 s10, $0x3;
	[dreg:$0x10] =	wrdreg s23  }
0x1b: {  	s26 =	sshll.u32 s10, $0x7;
	[dreg:$0x13] =	wrdreg s31;
	s8 =	sadd.s32 s1, s8  }
0x1c: {  	s10 =	sshll.u32 s28, $0x7;
	s16 =	sadd.s32 s5, s15;
	s19 =	sshrl.u32 s18, $0x3  }
0x1d: {  	[dreg:$0xd] =	wrdreg s7;
	s22 =	sadd.s32 s5, s21;
	s7 =	sadd.s32 s5, s25  }
0x1e: {  	s29 =	sadd.s32 s1, s26;
	[dreg:$0x14] =	wrdreg s8;
	s14 =	sadd.s32 s1, s10  }
0x1f: {  	s8 =	sshll.u32 s9, $0x7;
	[dreg:$0x17] =	wrdreg s16;
	s9 =	ssub.s32 s4, s12  }
0x20: {  	s4 =	sadd.s32 s5, s19;
	s21 =	sor.u32 $0x1A0, s6;
	[dreg:$0xf] =	wrdreg s22  }
0x21: {  	s25 =	sshll.u32 s18, $0x7;
	s26 =	sor.u32 $0x1C0, s6;
	[dreg:$0x11] =	wrdreg s7  }
0x22: {  	s6 =	sor.u32 $0x1E0, s6;
	s19 =	simm.s32 $0x1;
	[dreg:$0x12] =	wrdreg s29  }
0x23: {  	s7 =	sadd.s32 s5, s13;
	[dreg:$0x16] =	wrdreg s14;
	s17 =	sadd.s32 s1, s8  }
0x24: {  	[dreg:$0x19] =	wrdreg s4;
	s22 =	sadd.s32 s1, s20;
	s23 =	sshrl.u32 s21, $0x3  }
0x25: {  	s4 =	sadd.s32 $0x47B00, s0;
	s28 =	sshrl.u32 s26, $0x3;
	[dreg:$0x15] =	wrdreg s7  }
0x26: {  	s10 =	sshll.u32 s21, $0x7;
	s30 =	sshrl.u32 s6, $0x3;
	[dreg:$0x18] =	wrdreg s17  }
0x27: {  	s31 =	sshll.u32 s26, $0x7;
	[dreg:$0x1a] =	wrdreg s22;
	s24 =	sadd.s32 s5, s23  }
0x28: {  	s6 =	sshll.u32 s6, $0x7;
	s7 =	sadd.s32 s1, s25;
	[dreg:$0x1b] =	wrdreg s24  }
0x29: {  	s8 =	simm.s32 $0x3;
	s29 =	sadd.s32 s1, s10;
	[dreg:$0x1c] =	wrdreg s7  }
0x2a: {  	s26 =	simm.s32 $0x8100;
	s7 =	sadd.s32 s5, s28;
	[dreg:$0x1e] =	wrdreg s29  }
0x2b: {  	s20 =	simm.s32 $0x2;
	s5 =	sadd.s32 s5, s30;
	[dreg:$0x1d] =	wrdreg s7  }
0x2c: {  	v2 =	vlaneseq.u32;
	s24 =	smax.u32 s9, $0x1;
	[dreg:$0x1f] =	wrdreg s5;
	s7 =	sadd.s32 s1, s31  }
0x2d: {  	vm0 =	vmmov $0xffff;
	v1 =	vshrl.u32 v2, $0x3;
	s9 =	simm.s32 $0x100;
	s1 =	sadd.s32 s1, s6;
	[smem:$0x7FC] =	sst s7  }
0x2e: {  	v0 =	vand.u32 $0x7, v2;
	v2 =	vor.u32 $0x8, v2;
	v1 =	vmul.u32 $0x8, v1;
	s5 =	sadd.s32 $0x47C00, s0;
	s6 =	sadd.s32 $0x47D00, s0;
	[smem:$0x7FD] =	sst s1  }
.LBB2_1:
0x2f: {  	s21 =	rddreg [dreg:$0x2]  }
0x30: {  	[tilespmem:s2], [sflag:$0x3] =	stream.linear.gather [hbm4b:s21+s2], $0x20, $0x38;
	[tilespmem:$0x10100] =	vst v63  }
0x31: {  	_ =	swait.ge [sflag:s8], $0x20  }
0x32: {  	[sflag:s8] =	ssyncset.done $0x0  }
0x33: {  	[sflag:s8] =	ssyncadd.s32 $0xFFFFFFE0  }
0x34: {  	v3 =	vld [tilespmem:$0x0];
	_ =	sdelay $0x4  }
0x35: {  	v4 =	vshll.u32 v3, $0x3  }
0x36: {  	v3 =	vand.u32 $0x7, v3;
	v4 =	vand.u32 $0xFFFFFFC0, v4  }
0x37: {  	v3 =	vor.u32 v3, v4  }
0x38: {  	v4 =	vperm.xlane v3, v0;
	_ =	sdelay $0x1  }
0x39: {  	v4 =	vadd.s32 v1, v4;
	_ =	sdelay $0x4  }
0x3a: {  	[tilespmem:s9], [sflag:$0x1] =	stream.indirect_vreg.gather [hbm4b:s3+s2], $0x80, v4, vm0, $0xb8;
	[tilespmem:$0x10100] =	vst v63  }
0x3b: {  	s0 =	simm.s32 $0x900;
	v3 =	vperm.xlane v3, v2  }
0x3c: {  	[tilespmem:s0], [sflag:$0x1] =	stream.indirect_vreg.gather [hbm4b:s4+s2], $0x80, v4, vm0, $0xb8;
	[tilespmem:$0x10100] =	vst v63  }
0x3d: {  	s13 =	simm.s32 $0x1100;
	v3 =	vadd.s32 v1, v3  }
0x3e: {  	[tilespmem:s13], [sflag:$0x1] =	stream.indirect_vreg.gather [hbm4b:s5+s2], $0x80, v4, vm0, $0xb8;
	[tilespmem:$0x10100] =	vst v63  }
0x3f: {  	s14 =	simm.s32 $0x1900  }
0x40: {  	[tilespmem:s14], [sflag:$0x1] =	stream.indirect_vreg.gather [hbm4b:s6+s2], $0x80, v4, vm0, $0xb8;
	[tilespmem:$0x10100] =	vst v63  }
0x41: {  	s15 =	simm.s32 $0x2100  }
0x42: {  	[tilespmem:s15], [sflag:$0x1] =	stream.indirect_vreg.gather [hbm4b:s3+s2], $0x80, v3, vm0, $0xb8;
	[tilespmem:$0x10100] =	vst v63  }
0x43: {  	s16 =	simm.s32 $0x2900  }
0x44: {  	[tilespmem:s16], [sflag:$0x1] =	stream.indirect_vreg.gather [hbm4b:s4+s2], $0x80, v3, vm0, $0xb8;
	[tilespmem:$0x10100] =	vst v63  }
0x45: {  	s18 =	simm.s32 $0x3100  }
0x46: {  	[tilespmem:s18], [sflag:$0x1] =	stream.indirect_vreg.gather [hbm4b:s5+s2], $0x80, v3, vm0, $0xb8;
	[tilespmem:$0x10100] =	vst v63  }
0x47: {  	s21 =	simm.s32 $0x3900  }
0x48: {  	[tilespmem:s21], [sflag:$0x1] =	stream.indirect_vreg.gather [hbm4b:s6+s2], $0x80, v3, vm0, $0xb8;
	[tilespmem:$0x10100] =	vst v63  }
0x49: {  	v3 =	vld [tilespmem:$0x10];
	_ =	sdelay $0x4  }
0x4a: {  	v33 =	vshll.u32 v3, $0x3  }
0x4b: {  	v3 =	vand.u32 $0x7, v3;
	v4 =	vand.u32 $0xFFFFFFC0, v33  }
0x4c: {  	v3 =	vor.u32 v3, v4  }
0x4d: {  	v4 =	vperm.xlane v3, v0;
	_ =	sdelay $0x1  }
0x4e: {  	v4 =	vadd.s32 v1, v4;
	_ =	sdelay $0x3  }
0x4f: {  	s22 =	simm.s32 $0x4100  }
0x50: {  	[tilespmem:s22], [sflag:$0x1] =	stream.indirect_vreg.gather [hbm4b:s3+s2], $0x80, v4, vm0, $0xb8;
	[tilespmem:$0x10100] =	vst v63  }
0x51: {  	s23 =	simm.s32 $0x4900;
	v3 =	vperm.xlane v3, v2  }
0x52: {  	[tilespmem:s23], [sflag:$0x1] =	stream.indirect_vreg.gather [hbm4b:s4+s2], $0x80, v4, vm0, $0xb8;
	[tilespmem:$0x10100] =	vst v63  }
0x53: {  	s25 =	simm.s32 $0x5100;
	v3 =	vadd.s32 v1, v3  }
0x54: {  	[tilespmem:s25], [sflag:$0x1] =	stream.indirect_vreg.gather [hbm4b:s5+s2], $0x80, v4, vm0, $0xb8;
	[tilespmem:$0x10100] =	vst v63  }
0x55: {  	s28 =	simm.s32 $0x5900  }
0x56: {  	[tilespmem:s28], [sflag:$0x1] =	stream.indirect_vreg.gather [hbm4b:s6+s2], $0x80, v4, vm0, $0xb8;
	[tilespmem:$0x10100] =	vst v63  }
0x57: {  	s30 =	simm.s32 $0x6100  }
0x58: {  	[tilespmem:s30], [sflag:$0x1] =	stream.indirect_vreg.gather [hbm4b:s3+s2], $0x80, v3, vm0, $0xb8;
	[tilespmem:$0x10100] =	vst v63  }
0x59: {  	s31 =	simm.s32 $0x6900  }
0x5a: {  	[tilespmem:s31], [sflag:$0x1] =	stream.indirect_vreg.gather [hbm4b:s4+s2], $0x80, v3, vm0, $0xb8;
	[tilespmem:$0x10100] =	vst v63  }
0x5b: {  	s13 =	simm.s32 $0x7100  }
0x5c: {  	[tilespmem:s13], [sflag:$0x1] =	stream.indirect_vreg.gather [hbm4b:s5+s2], $0x80, v3, vm0, $0xb8;
	[tilespmem:$0x10100] =	vst v63  }
0x5d: {  	s15 =	simm.s32 $0x7900  }
0x5e: {  	[tilespmem:s15], [sflag:$0x1] =	stream.indirect_vreg.gather [hbm4b:s6+s2], $0x80, v3, vm0, $0xb8;
	[tilespmem:$0x10100] =	vst v63  }
0x5f: {  	s14 =	rddreg [dreg:$0x3];
	s16 =	simm.s32 $0x80  }
0x60: {  	[tilespmem:s16], [sflag:$0x3] =	stream.linear.gather [hbm4b:s14+s2], $0x20, $0x38;
	[tilespmem:$0x10100] =	vst v63  }
0x61: {  	_ =	swait.ge [sflag:s8], $0x20  }
0x62: {  	[sflag:s8] =	ssyncset.done $0x0  }
0x63: {  	[sflag:s8] =	ssyncadd.s32 $0xFFFFFFE0  }
0x64: {  	v3 =	vld [tilespmem:$0x80];
	_ =	sdelay $0x4  }
0x65: {  	v34 =	vshll.u32 v3, $0x3  }
0x66: {  	v3 =	vand.u32 $0x7, v3;
	v4 =	vand.u32 $0xFFFFFFC0, v34  }
0x67: {  	v3 =	vor.u32 v3, v4  }
0x68: {  	v4 =	vperm.xlane v3, v0;
	_ =	sdelay $0x1  }
0x69: {  	v4 =	vadd.s32 v1, v4;
	_ =	sdelay $0x4  }
0x6a: {  	[tilespmem:s26], [sflag:$0x2] =	stream.indirect_vreg.gather [hbm4b:s3+s2], $0x80, v4, vm0, $0xb8;
	[tilespmem:$0x10100] =	vst v63  }
0x6b: {  	s22 =	simm.s32 $0x8900;
	v3 =	vperm.xlane v3, v2  }
0x6c: {  	[tilespmem:s22], [sflag:$0x2] =	stream.indirect_vreg.gather [hbm4b:s4+s2], $0x80, v4, vm0, $0xb8;
	[tilespmem:$0x10100] =	vst v63  }
0x6d: {  	s23 =	simm.s32 $0x9100;
	v3 =	vadd.s32 v1, v3  }
0x6e: {  	[tilespmem:s23], [sflag:$0x2] =	stream.indirect_vreg.gather [hbm4b:s5+s2], $0x80, v4, vm0, $0xb8;
	[tilespmem:$0x10100] =	vst v63  }
0x6f: {  	s25 =	simm.s32 $0x9900  }
0x70: {  	[tilespmem:s25], [sflag:$0x2] =	stream.indirect_vreg.gather [hbm4b:s6+s2], $0x80, v4, vm0, $0xb8;
	[tilespmem:$0x10100] =	vst v63  }
0x71: {  	s28 =	simm.s32 $0xA100  }
0x72: {  	[tilespmem:s28], [sflag:$0x2] =	stream.indirect_vreg.gather [hbm4b:s3+s2], $0x80, v3, vm0, $0xb8;
	[tilespmem:$0x10100] =	vst v63  }
0x73: {  	s30 =	simm.s32 $0xA900  }
0x74: {  	[tilespmem:s30], [sflag:$0x2] =	stream.indirect_vreg.gather [hbm4b:s4+s2], $0x80, v3, vm0, $0xb8;
	[tilespmem:$0x10100] =	vst v63  }
0x75: {  	s0 =	simm.s32 $0xB100  }
0x76: {  	[tilespmem:s0], [sflag:$0x2] =	stream.indirect_vreg.gather [hbm4b:s5+s2], $0x80, v3, vm0, $0xb8;
	[tilespmem:$0x10100] =	vst v63  }
0x77: {  	s13 =	simm.s32 $0xB900  }
0x78: {  	[tilespmem:s13], [sflag:$0x2] =	stream.indirect_vreg.gather [hbm4b:s6+s2], $0x80, v3, vm0, $0xb8;
	[tilespmem:$0x10100] =	vst v63  }
0x79: {  	v3 =	vld [tilespmem:$0x90];
	_ =	sdelay $0x4  }
0x7a: {  	v35 =	vshll.u32 v3, $0x3  }
0x7b: {  	v3 =	vand.u32 $0x7, v3;
	v4 =	vand.u32 $0xFFFFFFC0, v35  }
0x7c: {  	v3 =	vor.u32 v3, v4  }
0x7d: {  	v4 =	vperm.xlane v3, v0;
	_ =	sdelay $0x1  }
0x7e: {  	v4 =	vadd.s32 v1, v4;
	_ =	sdelay $0x3  }
0x7f: {  	s14 =	simm.s32 $0xC100  }
0x80: {  	[tilespmem:s14], [sflag:$0x2] =	stream.indirect_vreg.gather [hbm4b:s3+s2], $0x80, v4, vm0, $0xb8;
	[tilespmem:$0x10100] =	vst v63  }
0x81: {  	s15 =	simm.s32 $0xC900;
	v3 =	vperm.xlane v3, v2  }
0x82: {  	[tilespmem:s15], [sflag:$0x2] =	stream.indirect_vreg.gather [hbm4b:s4+s2], $0x80, v4, vm0, $0xb8;
	[tilespmem:$0x10100] =	vst v63  }
0x83: {  	s16 =	simm.s32 $0xD100;
	v3 =	vadd.s32 v1, v3  }
0x84: {  	[tilespmem:s16], [sflag:$0x2] =	stream.indirect_vreg.gather [hbm4b:s5+s2], $0x80, v4, vm0, $0xb8;
	[tilespmem:$0x10100] =	vst v63  }
0x85: {  	s22 =	simm.s32 $0xD900  }
0x86: {  	[tilespmem:s22], [sflag:$0x2] =	stream.indirect_vreg.gather [hbm4b:s6+s2], $0x80, v4, vm0, $0xb8;
	[tilespmem:$0x10100] =	vst v63  }
0x87: {  	s23 =	simm.s32 $0xE100  }
0x88: {  	[tilespmem:s23], [sflag:$0x2] =	stream.indirect_vreg.gather [hbm4b:s3+s2], $0x80, v3, vm0, $0xb8;
	[tilespmem:$0x10100] =	vst v63  }
0x89: {  	s0 =	simm.s32 $0xE900  }
0x8a: {  	[tilespmem:s0], [sflag:$0x2] =	stream.indirect_vreg.gather [hbm4b:s4+s2], $0x80, v3, vm0, $0xb8;
	[tilespmem:$0x10100] =	vst v63  }
0x8b: {  	s16 =	simm.s32 $0xF100  }
0x8c: {  	[tilespmem:s16], [sflag:$0x2] =	stream.indirect_vreg.gather [hbm4b:s5+s2], $0x80, v3, vm0, $0xb8;
	[tilespmem:$0x10100] =	vst v63  }
0x8d: {  	s22 =	simm.s32 $0xF900  }
0x8e: {  	[tilespmem:s22], [sflag:$0x2] =	stream.indirect_vreg.gather [hbm4b:s6+s2], $0x80, v3, vm0, $0xb8;
	[tilespmem:$0x10100] =	vst v63  }
0x8f: {  	_ =	swait.ge [sflag:s19], $0x8000  }
0x90: {  	[sflag:s19] =	ssyncset.done $0x0  }
0x91: {  	s23 =	rddreg [dreg:$0x4];
	[sflag:s19] =	ssyncadd.s32 $0xFFFF8000  }
0x92: {  	[hbm4b:s23+s2] =	stream.linear.scatter [tilespmem:s9], [sflag:$0x3], $0x8000, $0x38;
	[tilespmem:$0x10100] =	vst v63  }
0x93: {  	_ =	swait.ge [sflag:s8], $0x8000  }
0x94: {  	[sflag:s8] =	ssyncset.done $0x0  }
0x95: {  	s0 =	rddreg [dreg:$0x5];
	[sflag:s8] =	ssyncadd.s32 $0xFFFF8000  }
0x96: {  	[tilespmem:s2], [sflag:$0x3] =	stream.linear.gather [hbm4b:s0+s2], $0x20, $0x38;
	[tilespmem:$0x10100] =	vst v63  }
0x97: {  	_ =	swait.ge [sflag:s8], $0x20  }
0x98: {  	[sflag:s8] =	ssyncset.done $0x0  }
0x99: {  	[sflag:s8] =	ssyncadd.s32 $0xFFFFFFE0  }
0x9a: {  	v3 =	vld [tilespmem:$0x0];
	_ =	sdelay $0x4  }
0x9b: {  	v36 =	vshll.u32 v3, $0x3  }
0x9c: {  	v3 =	vand.u32 $0x7, v3;
	v4 =	vand.u32 $0xFFFFFFC0, v36  }
0x9d: {  	v3 =	vor.u32 v3, v4  }
0x9e: {  	v4 =	vperm.xlane v3, v0;
	_ =	sdelay $0x1  }
0x9f: {  	v4 =	vadd.s32 v1, v4;
	_ =	sdelay $0x4  }
0xa0: {  	[tilespmem:s9], [sflag:$0x1] =	stream.indirect_vreg.gather [hbm4b:s3+s2], $0x80, v4, vm0, $0xb8;
	[tilespmem:$0x10100] =	vst v63  }
0xa1: {  	s17 =	simm.s32 $0x900;
	v3 =	vperm.xlane v3, v2  }
0xa2: {  	[tilespmem:s17], [sflag:$0x1] =	stream.indirect_vreg.gather [hbm4b:s4+s2], $0x80, v4, vm0, $0xb8;
	[tilespmem:$0x10100] =	vst v63  }
0xa3: {  	s1 =	simm.s32 $0x1100;
	v3 =	vadd.s32 v1, v3  }
0xa4: {  	[tilespmem:s1], [sflag:$0x1] =	stream.indirect_vreg.gather [hbm4b:s5+s2], $0x80, v4, vm0, $0xb8;
	[tilespmem:$0x10100] =	vst v63  }
0xa5: {  	s7 =	simm.s32 $0x1900  }
0xa6: {  	[tilespmem:s7], [sflag:$0x1] =	stream.indirect_vreg.gather [hbm4b:s6+s2], $0x80, v4, vm0, $0xb8;
	[tilespmem:$0x10100] =	vst v63  }
0xa7: {  	s10 =	simm.s32 $0x2100  }
0xa8: {  	[tilespmem:s10], [sflag:$0x1] =	stream.indirect_vreg.gather [hbm4b:s3+s2], $0x80, v3, vm0, $0xb8;
	[tilespmem:$0x10100] =	vst v63  }
0xa9: {  	s11 =	simm.s32 $0x2900  }
0xaa: {  	[tilespmem:s11], [sflag:$0x1] =	stream.indirect_vreg.gather [hbm4b:s4+s2], $0x80, v3, vm0, $0xb8;
	[tilespmem:$0x10100] =	vst v63  }
0xab: {  	s12 =	simm.s32 $0x3100  }
0xac: {  	[tilespmem:s12], [sflag:$0x1] =	stream.indirect_vreg.gather [hbm4b:s5+s2], $0x80, v3, vm0, $0xb8;
	[tilespmem:$0x10100] =	vst v63  }
0xad: {  	s18 =	simm.s32 $0x3900  }
0xae: {  	[tilespmem:s18], [sflag:$0x1] =	stream.indirect_vreg.gather [hbm4b:s6+s2], $0x80, v3, vm0, $0xb8;
	[tilespmem:$0x10100] =	vst v63  }
0xaf: {  	v3 =	vld [tilespmem:$0x10];
	_ =	sdelay $0x4  }
0xb0: {  	v37 =	vshll.u32 v3, $0x3  }
0xb1: {  	v3 =	vand.u32 $0x7, v3;
	v4 =	vand.u32 $0xFFFFFFC0, v37  }
0xb2: {  	v3 =	vor.u32 v3, v4  }
0xb3: {  	v4 =	vperm.xlane v3, v0;
	_ =	sdelay $0x1  }
0xb4: {  	v4 =	vadd.s32 v1, v4;
	_ =	sdelay $0x3  }
0xb5: {  	s22 =	simm.s32 $0x4100  }
0xb6: {  	[tilespmem:s22], [sflag:$0x1] =	stream.indirect_vreg.gather [hbm4b:s3+s2], $0x80, v4, vm0, $0xb8;
	[tilespmem:$0x10100] =	vst v63  }
0xb7: {  	s29 =	simm.s32 $0x4900;
	v3 =	vperm.xlane v3, v2  }
0xb8: {  	[tilespmem:s29], [sflag:$0x1] =	stream.indirect_vreg.gather [hbm4b:s4+s2], $0x80, v4, vm0, $0xb8;
	[tilespmem:$0x10100] =	vst v63  }
0xb9: {  	s12 =	simm.s32 $0x5100;
	v3 =	vadd.s32 v1, v3  }
0xba: {  	[tilespmem:s12], [sflag:$0x1] =	stream.indirect_vreg.gather [hbm4b:s5+s2], $0x80, v4, vm0, $0xb8;
	[tilespmem:$0x10100] =	vst v63  }
0xbb: {  	s10 =	simm.s32 $0x5900  }
0xbc: {  	[tilespmem:s10], [sflag:$0x1] =	stream.indirect_vreg.gather [hbm4b:s6+s2], $0x80, v4, vm0, $0xb8;
	[tilespmem:$0x10100] =	vst v63  }
0xbd: {  	s29 =	simm.s32 $0x6100  }
0xbe: {  	[tilespmem:s29], [sflag:$0x1] =	stream.indirect_vreg.gather [hbm4b:s3+s2], $0x80, v3, vm0, $0xb8;
	[tilespmem:$0x10100] =	vst v63  }
0xbf: {  	s17 =	simm.s32 $0x6900  }
0xc0: {  	[tilespmem:s17], [sflag:$0x1] =	stream.indirect_vreg.gather [hbm4b:s4+s2], $0x80, v3, vm0, $0xb8;
	[tilespmem:$0x10100] =	vst v63  }
0xc1: {  	s18 =	simm.s32 $0x7100  }
0xc2: {  	[tilespmem:s18], [sflag:$0x1] =	stream.indirect_vreg.gather [hbm4b:s5+s2], $0x80, v3, vm0, $0xb8;
	[tilespmem:$0x10100] =	vst v63  }
0xc3: {  	s23 =	simm.s32 $0x7900  }
0xc4: {  	[tilespmem:s23], [sflag:$0x1] =	stream.indirect_vreg.gather [hbm4b:s6+s2], $0x80, v3, vm0, $0xb8;
	[tilespmem:$0x10100] =	vst v63  }
0xc5: {  	_ =	swait.ge [sflag:s20], $0x8000  }
0xc6: {  	[sflag:s20] =	ssyncset.done $0x0  }
0xc7: {  	s7 =	rddreg [dreg:$0x6];
	[sflag:s20] =	ssyncadd.s32 $0xFFFF8000  }
0xc8: {  	[hbm4b:s7+s2] =	stream.linear.scatter [tilespmem:s26], [sflag:$0x3], $0x8000, $0x38;
	[tilespmem:$0x10100] =	vst v63  }
0xc9: {  	_ =	swait.ge [sflag:s8], $0x8000  }
0xca: {  	[sflag:s8] =	ssyncset.done $0x0  }
0xcb: {  	s1 =	simm.s32 $0x80;
	s11 =	rddreg [dreg:$0x7];
	[sflag:s8] =	ssyncadd.s32 $0xFFFF8000  }
0xcc: {  	[tilespmem:s1], [sflag:$0x3] =	stream.linear.gather [hbm4b:s11+s2], $0x20, $0x38;
	[tilespmem:$0x10100] =	vst v63  }
0xcd: {  	_ =	swait.ge [sflag:s8], $0x20  }
0xce: {  	[sflag:s8] =	ssyncset.done $0x0  }
0xcf: {  	[sflag:s8] =	ssyncadd.s32 $0xFFFFFFE0  }
0xd0: {  	v3 =	vld [tilespmem:$0x80];
	_ =	sdelay $0x4  }
0xd1: {  	v38 =	vshll.u32 v3, $0x3  }
0xd2: {  	v3 =	vand.u32 $0x7, v3;
	v4 =	vand.u32 $0xFFFFFFC0, v38  }
0xd3: {  	v3 =	vor.u32 v3, v4  }
0xd4: {  	v4 =	vperm.xlane v3, v0;
	_ =	sdelay $0x1  }
0xd5: {  	v4 =	vadd.s32 v1, v4;
	_ =	sdelay $0x4  }
0xd6: {  	[tilespmem:s26], [sflag:$0x2] =	stream.indirect_vreg.gather [hbm4b:s3+s2], $0x80, v4, vm0, $0xb8;
	[tilespmem:$0x10100] =	vst v63  }
0xd7: {  	s7 =	simm.s32 $0x8900;
	v3 =	vperm.xlane v3, v2  }
0xd8: {  	[tilespmem:s7], [sflag:$0x2] =	stream.indirect_vreg.gather [hbm4b:s4+s2], $0x80, v4, vm0, $0xb8;
	[tilespmem:$0x10100] =	vst v63  }
0xd9: {  	s0 =	simm.s32 $0x9100;
	v3 =	vadd.s32 v1, v3  }
0xda: {  	[tilespmem:s0], [sflag:$0x2] =	stream.indirect_vreg.gather [hbm4b:s5+s2], $0x80, v4, vm0, $0xb8;
	[tilespmem:$0x10100] =	vst v63  }
0xdb: {  	s21 =	simm.s32 $0x9900  }
0xdc: {  	[tilespmem:s21], [sflag:$0x2] =	stream.indirect_vreg.gather [hbm4b:s6+s2], $0x80, v4, vm0, $0xb8;
	[tilespmem:$0x10100] =	vst v63  }
0xdd: {  	s31 =	simm.s32 $0xA100  }
0xde: {  	[tilespmem:s31], [sflag:$0x2] =	stream.indirect_vreg.gather [hbm4b:s3+s2], $0x80, v3, vm0, $0xb8;
	[tilespmem:$0x10100] =	vst v63  }
0xdf: {  	s25 =	simm.s32 $0xA900  }
0xe0: {  	[tilespmem:s25], [sflag:$0x2] =	stream.indirect_vreg.gather [hbm4b:s4+s2], $0x80, v3, vm0, $0xb8;
	[tilespmem:$0x10100] =	vst v63  }
0xe1: {  	s28 =	simm.s32 $0xB100  }
0xe2: {  	[tilespmem:s28], [sflag:$0x2] =	stream.indirect_vreg.gather [hbm4b:s5+s2], $0x80, v3, vm0, $0xb8;
	[tilespmem:$0x10100] =	vst v63  }
0xe3: {  	s13 =	simm.s32 $0xB900  }
0xe4: {  	[tilespmem:s13], [sflag:$0x2] =	stream.indirect_vreg.gather [hbm4b:s6+s2], $0x80, v3, vm0, $0xb8;
	[tilespmem:$0x10100] =	vst v63  }
0xe5: {  	v3 =	vld [tilespmem:$0x90];
	_ =	sdelay $0x4  }
0xe6: {  	v39 =	vshll.u32 v3, $0x3  }
0xe7: {  	v3 =	vand.u32 $0x7, v3;
	v4 =	vand.u32 $0xFFFFFFC0, v39  }
0xe8: {  	v3 =	vor.u32 v3, v4  }
0xe9: {  	v4 =	vperm.xlane v3, v0;
	_ =	sdelay $0x1  }
0xea: {  	v4 =	vadd.s32 v1, v4;
	_ =	sdelay $0x3  }
0xeb: {  	s14 =	simm.s32 $0xC100  }
0xec: {  	[tilespmem:s14], [sflag:$0x2] =	stream.indirect_vreg.gather [hbm4b:s3+s2], $0x80, v4, vm0, $0xb8;
	[tilespmem:$0x10100] =	vst v63  }
0xed: {  	s15 =	simm.s32 $0xC900;
	v3 =	vperm.xlane v3, v2  }
0xee: {  	[tilespmem:s15], [sflag:$0x2] =	stream.indirect_vreg.gather [hbm4b:s4+s2], $0x80, v4, vm0, $0xb8;
	[tilespmem:$0x10100] =	vst v63  }
0xef: {  	s30 =	simm.s32 $0xD100;
	v3 =	vadd.s32 v1, v3  }
0xf0: {  	[tilespmem:s30], [sflag:$0x2] =	stream.indirect_vreg.gather [hbm4b:s5+s2], $0x80, v4, vm0, $0xb8;
	[tilespmem:$0x10100] =	vst v63  }
0xf1: {  	s14 =	simm.s32 $0xD900  }
0xf2: {  	[tilespmem:s14], [sflag:$0x2] =	stream.indirect_vreg.gather [hbm4b:s6+s2], $0x80, v4, vm0, $0xb8;
	[tilespmem:$0x10100] =	vst v63  }
0xf3: {  	s15 =	simm.s32 $0xE100  }
0xf4: {  	[tilespmem:s15], [sflag:$0x2] =	stream.indirect_vreg.gather [hbm4b:s3+s2], $0x80, v3, vm0, $0xb8;
	[tilespmem:$0x10100] =	vst v63  }
0xf5: {  	s21 =	simm.s32 $0xE900  }
0xf6: {  	[tilespmem:s21], [sflag:$0x2] =	stream.indirect_vreg.gather [hbm4b:s4+s2], $0x80, v3, vm0, $0xb8;
	[tilespmem:$0x10100] =	vst v63  }
0xf7: {  	s31 =	simm.s32 $0xF100  }
0xf8: {  	[tilespmem:s31], [sflag:$0x2] =	stream.indirect_vreg.gather [hbm4b:s5+s2], $0x80, v3, vm0, $0xb8;
	[tilespmem:$0x10100] =	vst v63  }
0xf9: {  	s16 =	simm.s32 $0xF900  }
0xfa: {  	[tilespmem:s16], [sflag:$0x2] =	stream.indirect_vreg.gather [hbm4b:s6+s2], $0x80, v3, vm0, $0xb8;
	[tilespmem:$0x10100] =	vst v63  }
0xfb: {  	_ =	swait.ge [sflag:s19], $0x8000  }
0xfc: {  	[sflag:s19] =	ssyncset.done $0x0  }
0xfd: {  	s21 =	rddreg [dreg:$0x8];
	[sflag:s19] =	ssyncadd.s32 $0xFFFF8000  }
0xfe: {  	[hbm4b:s21+s2] =	stream.linear.scatter [tilespmem:s9], [sflag:$0x3], $0x8000, $0x38;
	[tilespmem:$0x10100] =	vst v63  }
0xff: {  	_ =	swait.ge [sflag:s8], $0x8000  }
0x100: {  	[sflag:s8] =	ssyncset.done $0x0  }
0x101: {  	s21 =	rddreg [dreg:$0x9];
	[sflag:s8] =	ssyncadd.s32 $0xFFFF8000  }
0x102: {  	[tilespmem:s2], [sflag:$0x3] =	stream.linear.gather [hbm4b:s21+s2], $0x20, $0x38;
	[tilespmem:$0x10100] =	vst v63  }
0x103: {  	_ =	swait.ge [sflag:s8], $0x20  }
0x104: {  	[sflag:s8] =	ssyncset.done $0x0  }
0x105: {  	[sflag:s8] =	ssyncadd.s32 $0xFFFFFFE0  }
0x106: {  	v3 =	vld [tilespmem:$0x0];
	_ =	sdelay $0x4  }
0x107: {  	v40 =	vshll.u32 v3, $0x3  }
0x108: {  	v3 =	vand.u32 $0x7, v3;
	v4 =	vand.u32 $0xFFFFFFC0, v40  }
0x109: {  	v3 =	vor.u32 v3, v4  }
0x10a: {  	v4 =	vperm.xlane v3, v0;
	_ =	sdelay $0x1  }
0x10b: {  	v4 =	vadd.s32 v1, v4;
	_ =	sdelay $0x4  }
0x10c: {  	[tilespmem:s9], [sflag:$0x1] =	stream.indirect_vreg.gather [hbm4b:s3+s2], $0x80, v4, vm0, $0xb8;
	[tilespmem:$0x10100] =	vst v63  }
0x10d: {  	s21 =	simm.s32 $0x900;
	v3 =	vperm.xlane v3, v2  }
0x10e: {  	[tilespmem:s21], [sflag:$0x1] =	stream.indirect_vreg.gather [hbm4b:s4+s2], $0x80, v4, vm0, $0xb8;
	[tilespmem:$0x10100] =	vst v63  }
0x10f: {  	v3 =	vadd.s32 v1, v3;
	s21 =	simm.s32 $0x1100  }
0x110: {  	[tilespmem:s21], [sflag:$0x1] =	stream.indirect_vreg.gather [hbm4b:s5+s2], $0x80, v4, vm0, $0xb8;
	[tilespmem:$0x10100] =	vst v63  }
0x111: {  	s21 =	simm.s32 $0x1900  }
0x112: {  	[tilespmem:s21], [sflag:$0x1] =	stream.indirect_vreg.gather [hbm4b:s6+s2], $0x80, v4, vm0, $0xb8;
	[tilespmem:$0x10100] =	vst v63  }
0x113: {  	s21 =	simm.s32 $0x2100  }
0x114: {  	[tilespmem:s21], [sflag:$0x1] =	stream.indirect_vreg.gather [hbm4b:s3+s2], $0x80, v3, vm0, $0xb8;
	[tilespmem:$0x10100] =	vst v63  }
0x115: {  	s21 =	simm.s32 $0x2900  }
0x116: {  	[tilespmem:s21], [sflag:$0x1] =	stream.indirect_vreg.gather [hbm4b:s4+s2], $0x80, v3, vm0, $0xb8;
	[tilespmem:$0x10100] =	vst v63  }
0x117: {  	s21 =	simm.s32 $0x3100  }
0x118: {  	[tilespmem:s21], [sflag:$0x1] =	stream.indirect_vreg.gather [hbm4b:s5+s2], $0x80, v3, vm0, $0xb8;
	[tilespmem:$0x10100] =	vst v63  }
0x119: {  	s21 =	simm.s32 $0x3900  }
0x11a: {  	[tilespmem:s21], [sflag:$0x1] =	stream.indirect_vreg.gather [hbm4b:s6+s2], $0x80, v3, vm0, $0xb8;
	[tilespmem:$0x10100] =	vst v63  }
0x11b: {  	v3 =	vld [tilespmem:$0x10];
	_ =	sdelay $0x4  }
0x11c: {  	v41 =	vshll.u32 v3, $0x3  }
0x11d: {  	v3 =	vand.u32 $0x7, v3;
	v4 =	vand.u32 $0xFFFFFFC0, v41  }
0x11e: {  	v3 =	vor.u32 v3, v4  }
0x11f: {  	v4 =	vperm.xlane v3, v0;
	_ =	sdelay $0x1  }
0x120: {  	v4 =	vadd.s32 v1, v4;
	_ =	sdelay $0x4  }
0x121: {  	[tilespmem:s22], [sflag:$0x1] =	stream.indirect_vreg.gather [hbm4b:s3+s2], $0x80, v4, vm0, $0xb8;
	[tilespmem:$0x10100] =	vst v63  }
0x122: {  	s21 =	simm.s32 $0x4900;
	v3 =	vperm.xlane v3, v2  }
0x123: {  	[tilespmem:s21], [sflag:$0x1] =	stream.indirect_vreg.gather [hbm4b:s4+s2], $0x80, v4, vm0, $0xb8;
	[tilespmem:$0x10100] =	vst v63  }
0x124: {  	v3 =	vadd.s32 v1, v3  }
0x125: {  	[tilespmem:s12], [sflag:$0x1] =	stream.indirect_vreg.gather [hbm4b:s5+s2], $0x80, v4, vm0, $0xb8;
	[tilespmem:$0x10100] =	vst v63  }
0x126: {  	_ = 	snop  }
0x127: {  	[tilespmem:s10], [sflag:$0x1] =	stream.indirect_vreg.gather [hbm4b:s6+s2], $0x80, v4, vm0, $0xb8;
	[tilespmem:$0x10100] =	vst v63  }
0x128: {  	_ = 	snop  }
0x129: {  	[tilespmem:s29], [sflag:$0x1] =	stream.indirect_vreg.gather [hbm4b:s3+s2], $0x80, v3, vm0, $0xb8;
	[tilespmem:$0x10100] =	vst v63  }
0x12a: {  	_ = 	snop  }
0x12b: {  	[tilespmem:s17], [sflag:$0x1] =	stream.indirect_vreg.gather [hbm4b:s4+s2], $0x80, v3, vm0, $0xb8;
	[tilespmem:$0x10100] =	vst v63  }
0x12c: {  	_ = 	snop  }
0x12d: {  	[tilespmem:s18], [sflag:$0x1] =	stream.indirect_vreg.gather [hbm4b:s5+s2], $0x80, v3, vm0, $0xb8;
	[tilespmem:$0x10100] =	vst v63  }
0x12e: {  	_ = 	snop  }
0x12f: {  	[tilespmem:s23], [sflag:$0x1] =	stream.indirect_vreg.gather [hbm4b:s6+s2], $0x80, v3, vm0, $0xb8;
	[tilespmem:$0x10100] =	vst v63  }
0x130: {  	_ =	swait.ge [sflag:s20], $0x8000  }
0x131: {  	[sflag:s20] =	ssyncset.done $0x0  }
0x132: {  	s21 =	rddreg [dreg:$0xa];
	[sflag:s20] =	ssyncadd.s32 $0xFFFF8000  }
0x133: {  	[hbm4b:s21+s2] =	stream.linear.scatter [tilespmem:s26], [sflag:$0x3], $0x8000, $0x38;
	[tilespmem:$0x10100] =	vst v63  }
0x134: {  	_ =	swait.ge [sflag:s8], $0x8000  }
0x135: {  	[sflag:s8] =	ssyncset.done $0x0  }
0x136: {  	s21 =	rddreg [dreg:$0xb];
	[sflag:s8] =	ssyncadd.s32 $0xFFFF8000  }
0x137: {  	[tilespmem:s1], [sflag:$0x3] =	stream.linear.gather [hbm4b:s21+s2], $0x20, $0x38;
	[tilespmem:$0x10100] =	vst v63  }
0x138: {  	_ =	swait.ge [sflag:s8], $0x20  }
0x139: {  	[sflag:s8] =	ssyncset.done $0x0  }
0x13a: {  	[sflag:s8] =	ssyncadd.s32 $0xFFFFFFE0  }
0x13b: {  	v3 =	vld [tilespmem:$0x80];
	_ =	sdelay $0x4  }
0x13c: {  	v42 =	vshll.u32 v3, $0x3  }
0x13d: {  	v3 =	vand.u32 $0x7, v3;
	v4 =	vand.u32 $0xFFFFFFC0, v42  }
0x13e: {  	v3 =	vor.u32 v3, v4  }
0x13f: {  	v4 =	vperm.xlane v3, v0;
	_ =	sdelay $0x1  }
0x140: {  	v4 =	vadd.s32 v1, v4;
	_ =	sdelay $0x4  }
0x141: {  	[tilespmem:s26], [sflag:$0x2] =	stream.indirect_vreg.gather [hbm4b:s3+s2], $0x80, v4, vm0, $0xb8;
	[tilespmem:$0x10100] =	vst v63  }
0x142: {  	v3 =	vperm.xlane v3, v2  }
0x143: {  	[tilespmem:s7], [sflag:$0x2] =	stream.indirect_vreg.gather [hbm4b:s4+s2], $0x80, v4, vm0, $0xb8;
	[tilespmem:$0x10100] =	vst v63  }
0x144: {  	v3 =	vadd.s32 v1, v3  }
0x145: {  	[tilespmem:s0], [sflag:$0x2] =	stream.indirect_vreg.gather [hbm4b:s5+s2], $0x80, v4, vm0, $0xb8;
	[tilespmem:$0x10100] =	vst v63  }
0x146: {  	s21 =	simm.s32 $0x9900  }
0x147: {  	[tilespmem:s21], [sflag:$0x2] =	stream.indirect_vreg.gather [hbm4b:s6+s2], $0x80, v4, vm0, $0xb8;
	[tilespmem:$0x10100] =	vst v63  }
0x148: {  	s11 =	simm.s32 $0xA100  }
0x149: {  	[tilespmem:s11], [sflag:$0x2] =	stream.indirect_vreg.gather [hbm4b:s3+s2], $0x80, v3, vm0, $0xb8;
	[tilespmem:$0x10100] =	vst v63  }
0x14a: {  	s25 =	simm.s32 $0xA900  }
0x14b: {  	[tilespmem:s25], [sflag:$0x2] =	stream.indirect_vreg.gather [hbm4b:s4+s2], $0x80, v3, vm0, $0xb8;
	[tilespmem:$0x10100] =	vst v63  }
0x14c: {  	s28 =	simm.s32 $0xB100  }
0x14d: {  	[tilespmem:s28], [sflag:$0x2] =	stream.indirect_vreg.gather [hbm4b:s5+s2], $0x80, v3, vm0, $0xb8;
	[tilespmem:$0x10100] =	vst v63  }
0x14e: {  	s21 =	simm.s32 $0xB900  }
0x14f: {  	[tilespmem:s21], [sflag:$0x2] =	stream.indirect_vreg.gather [hbm4b:s6+s2], $0x80, v3, vm0, $0xb8;
	[tilespmem:$0x10100] =	vst v63  }
0x150: {  	v3 =	vld [tilespmem:$0x90];
	_ =	sdelay $0x4  }
0x151: {  	v43 =	vshll.u32 v3, $0x3  }
0x152: {  	v3 =	vand.u32 $0x7, v3;
	v4 =	vand.u32 $0xFFFFFFC0, v43  }
0x153: {  	v3 =	vor.u32 v3, v4  }
0x154: {  	v4 =	vperm.xlane v3, v0;
	_ =	sdelay $0x1  }
0x155: {  	v4 =	vadd.s32 v1, v4;
	_ =	sdelay $0x3  }
0x156: {  	s21 =	simm.s32 $0xC100  }
0x157: {  	[tilespmem:s21], [sflag:$0x2] =	stream.indirect_vreg.gather [hbm4b:s3+s2], $0x80, v4, vm0, $0xb8;
	[tilespmem:$0x10100] =	vst v63  }
0x158: {  	v3 =	vperm.xlane v3, v2;
	s21 =	simm.s32 $0xC900  }
0x159: {  	[tilespmem:s21], [sflag:$0x2] =	stream.indirect_vreg.gather [hbm4b:s4+s2], $0x80, v4, vm0, $0xb8;
	[tilespmem:$0x10100] =	vst v63  }
0x15a: {  	s30 =	simm.s32 $0xD100;
	v3 =	vadd.s32 v1, v3  }
0x15b: {  	[tilespmem:s30], [sflag:$0x2] =	stream.indirect_vreg.gather [hbm4b:s5+s2], $0x80, v4, vm0, $0xb8;
	[tilespmem:$0x10100] =	vst v63  }
0x15c: {  	s13 =	simm.s32 $0xD900  }
0x15d: {  	[tilespmem:s13], [sflag:$0x2] =	stream.indirect_vreg.gather [hbm4b:s6+s2], $0x80, v4, vm0, $0xb8;
	[tilespmem:$0x10100] =	vst v63  }
0x15e: {  	s14 =	simm.s32 $0xE100  }
0x15f: {  	[tilespmem:s14], [sflag:$0x2] =	stream.indirect_vreg.gather [hbm4b:s3+s2], $0x80, v3, vm0, $0xb8;
	[tilespmem:$0x10100] =	vst v63  }
0x160: {  	s15 =	simm.s32 $0xE900  }
0x161: {  	[tilespmem:s15], [sflag:$0x2] =	stream.indirect_vreg.gather [hbm4b:s4+s2], $0x80, v3, vm0, $0xb8;
	[tilespmem:$0x10100] =	vst v63  }
0x162: {  	s31 =	simm.s32 $0xF100  }
0x163: {  	[tilespmem:s31], [sflag:$0x2] =	stream.indirect_vreg.gather [hbm4b:s5+s2], $0x80, v3, vm0, $0xb8;
	[tilespmem:$0x10100] =	vst v63  }
0x164: {  	s16 =	simm.s32 $0xF900  }
0x165: {  	[tilespmem:s16], [sflag:$0x2] =	stream.indirect_vreg.gather [hbm4b:s6+s2], $0x80, v3, vm0, $0xb8;
	[tilespmem:$0x10100] =	vst v63  }
0x166: {  	_ =	swait.ge [sflag:s19], $0x8000  }
0x167: {  	[sflag:s19] =	ssyncset.done $0x0  }
0x168: {  	s21 =	rddreg [dreg:$0xc];
	[sflag:s19] =	ssyncadd.s32 $0xFFFF8000  }
0x169: {  	[hbm4b:s21+s2] =	stream.linear.scatter [tilespmem:s9], [sflag:$0x3], $0x8000, $0x38;
	[tilespmem:$0x10100] =	vst v63  }
0x16a: {  	_ =	swait.ge [sflag:s8], $0x8000  }
0x16b: {  	[sflag:s8] =	ssyncset.done $0x0  }
0x16c: {  	s21 =	rddreg [dreg:$0xd];
	[sflag:s8] =	ssyncadd.s32 $0xFFFF8000  }
0x16d: {  	[tilespmem:s2], [sflag:$0x3] =	stream.linear.gather [hbm4b:s21+s2], $0x20, $0x38;
	[tilespmem:$0x10100] =	vst v63  }
0x16e: {  	_ =	swait.ge [sflag:s8], $0x20  }
0x16f: {  	[sflag:s8] =	ssyncset.done $0x0  }
0x170: {  	[sflag:s8] =	ssyncadd.s32 $0xFFFFFFE0  }
0x171: {  	v3 =	vld [tilespmem:$0x0];
	_ =	sdelay $0x4  }
0x172: {  	v44 =	vshll.u32 v3, $0x3  }
0x173: {  	v3 =	vand.u32 $0x7, v3;
	v4 =	vand.u32 $0xFFFFFFC0, v44  }
0x174: {  	v3 =	vor.u32 v3, v4  }
0x175: {  	v4 =	vperm.xlane v3, v0;
	_ =	sdelay $0x1  }
0x176: {  	v4 =	vadd.s32 v1, v4;
	_ =	sdelay $0x4  }
0x177: {  	[tilespmem:s9], [sflag:$0x1] =	stream.indirect_vreg.gather [hbm4b:s3+s2], $0x80, v4, vm0, $0xb8;
	[tilespmem:$0x10100] =	vst v63  }
0x178: {  	s21 =	simm.s32 $0x900;
	v3 =	vperm.xlane v3, v2  }
0x179: {  	[tilespmem:s21], [sflag:$0x1] =	stream.indirect_vreg.gather [hbm4b:s4+s2], $0x80, v4, vm0, $0xb8;
	[tilespmem:$0x10100] =	vst v63  }
0x17a: {  	v3 =	vadd.s32 v1, v3;
	s21 =	simm.s32 $0x1100  }
0x17b: {  	[tilespmem:s21], [sflag:$0x1] =	stream.indirect_vreg.gather [hbm4b:s5+s2], $0x80, v4, vm0, $0xb8;
	[tilespmem:$0x10100] =	vst v63  }
0x17c: {  	s21 =	simm.s32 $0x1900  }
0x17d: {  	[tilespmem:s21], [sflag:$0x1] =	stream.indirect_vreg.gather [hbm4b:s6+s2], $0x80, v4, vm0, $0xb8;
	[tilespmem:$0x10100] =	vst v63  }
0x17e: {  	s21 =	simm.s32 $0x2100  }
0x17f: {  	[tilespmem:s21], [sflag:$0x1] =	stream.indirect_vreg.gather [hbm4b:s3+s2], $0x80, v3, vm0, $0xb8;
	[tilespmem:$0x10100] =	vst v63  }
0x180: {  	s21 =	simm.s32 $0x2900  }
0x181: {  	[tilespmem:s21], [sflag:$0x1] =	stream.indirect_vreg.gather [hbm4b:s4+s2], $0x80, v3, vm0, $0xb8;
	[tilespmem:$0x10100] =	vst v63  }
0x182: {  	s21 =	simm.s32 $0x3100  }
0x183: {  	[tilespmem:s21], [sflag:$0x1] =	stream.indirect_vreg.gather [hbm4b:s5+s2], $0x80, v3, vm0, $0xb8;
	[tilespmem:$0x10100] =	vst v63  }
0x184: {  	s21 =	simm.s32 $0x3900  }
0x185: {  	[tilespmem:s21], [sflag:$0x1] =	stream.indirect_vreg.gather [hbm4b:s6+s2], $0x80, v3, vm0, $0xb8;
	[tilespmem:$0x10100] =	vst v63  }
0x186: {  	v3 =	vld [tilespmem:$0x10];
	_ =	sdelay $0x4  }
0x187: {  	v45 =	vshll.u32 v3, $0x3  }
0x188: {  	v3 =	vand.u32 $0x7, v3;
	v4 =	vand.u32 $0xFFFFFFC0, v45  }
0x189: {  	v3 =	vor.u32 v3, v4  }
0x18a: {  	v4 =	vperm.xlane v3, v0;
	_ =	sdelay $0x1  }
0x18b: {  	v4 =	vadd.s32 v1, v4;
	_ =	sdelay $0x3  }
0x18c: {  	s22 =	simm.s32 $0x4100  }
0x18d: {  	[tilespmem:s22], [sflag:$0x1] =	stream.indirect_vreg.gather [hbm4b:s3+s2], $0x80, v4, vm0, $0xb8;
	[tilespmem:$0x10100] =	vst v63  }
0x18e: {  	s21 =	simm.s32 $0x4900;
	v3 =	vperm.xlane v3, v2  }
0x18f: {  	[tilespmem:s21], [sflag:$0x1] =	stream.indirect_vreg.gather [hbm4b:s4+s2], $0x80, v4, vm0, $0xb8;
	[tilespmem:$0x10100] =	vst v63  }
0x190: {  	s12 =	simm.s32 $0x5100;
	v3 =	vadd.s32 v1, v3  }
0x191: {  	[tilespmem:s12], [sflag:$0x1] =	stream.indirect_vreg.gather [hbm4b:s5+s2], $0x80, v4, vm0, $0xb8;
	[tilespmem:$0x10100] =	vst v63  }
0x192: {  	s10 =	simm.s32 $0x5900  }
0x193: {  	[tilespmem:s10], [sflag:$0x1] =	stream.indirect_vreg.gather [hbm4b:s6+s2], $0x80, v4, vm0, $0xb8;
	[tilespmem:$0x10100] =	vst v63  }
0x194: {  	s29 =	simm.s32 $0x6100  }
0x195: {  	[tilespmem:s29], [sflag:$0x1] =	stream.indirect_vreg.gather [hbm4b:s3+s2], $0x80, v3, vm0, $0xb8;
	[tilespmem:$0x10100] =	vst v63  }
0x196: {  	s17 =	simm.s32 $0x6900  }
0x197: {  	[tilespmem:s17], [sflag:$0x1] =	stream.indirect_vreg.gather [hbm4b:s4+s2], $0x80, v3, vm0, $0xb8;
	[tilespmem:$0x10100] =	vst v63  }
0x198: {  	s18 =	simm.s32 $0x7100  }
0x199: {  	[tilespmem:s18], [sflag:$0x1] =	stream.indirect_vreg.gather [hbm4b:s5+s2], $0x80, v3, vm0, $0xb8;
	[tilespmem:$0x10100] =	vst v63  }
0x19a: {  	s23 =	simm.s32 $0x7900  }
0x19b: {  	[tilespmem:s23], [sflag:$0x1] =	stream.indirect_vreg.gather [hbm4b:s6+s2], $0x80, v3, vm0, $0xb8;
	[tilespmem:$0x10100] =	vst v63  }
0x19c: {  	_ =	swait.ge [sflag:s20], $0x8000  }
0x19d: {  	[sflag:s20] =	ssyncset.done $0x0  }
0x19e: {  	s21 =	rddreg [dreg:$0xe];
	[sflag:s20] =	ssyncadd.s32 $0xFFFF8000  }
0x19f: {  	[hbm4b:s21+s2] =	stream.linear.scatter [tilespmem:s26], [sflag:$0x3], $0x8000, $0x38;
	[tilespmem:$0x10100] =	vst v63  }
0x1a0: {  	_ =	swait.ge [sflag:s8], $0x8000  }
0x1a1: {  	[sflag:s8] =	ssyncset.done $0x0  }
0x1a2: {  	s1 =	simm.s32 $0x80;
	s21 =	rddreg [dreg:$0xf];
	[sflag:s8] =	ssyncadd.s32 $0xFFFF8000  }
0x1a3: {  	[tilespmem:s1], [sflag:$0x3] =	stream.linear.gather [hbm4b:s21+s2], $0x20, $0x38;
	[tilespmem:$0x10100] =	vst v63  }
0x1a4: {  	_ =	swait.ge [sflag:s8], $0x20  }
0x1a5: {  	[sflag:s8] =	ssyncset.done $0x0  }
0x1a6: {  	[sflag:s8] =	ssyncadd.s32 $0xFFFFFFE0  }
0x1a7: {  	v3 =	vld [tilespmem:$0x80];
	_ =	sdelay $0x4  }
0x1a8: {  	v46 =	vshll.u32 v3, $0x3  }
0x1a9: {  	v3 =	vand.u32 $0x7, v3;
	v4 =	vand.u32 $0xFFFFFFC0, v46  }
0x1aa: {  	v3 =	vor.u32 v3, v4  }
0x1ab: {  	v4 =	vperm.xlane v3, v0;
	_ =	sdelay $0x1  }
0x1ac: {  	v4 =	vadd.s32 v1, v4;
	_ =	sdelay $0x4  }
0x1ad: {  	[tilespmem:s26], [sflag:$0x2] =	stream.indirect_vreg.gather [hbm4b:s3+s2], $0x80, v4, vm0, $0xb8;
	[tilespmem:$0x10100] =	vst v63  }
0x1ae: {  	s7 =	simm.s32 $0x8900;
	v3 =	vperm.xlane v3, v2  }
0x1af: {  	[tilespmem:s7], [sflag:$0x2] =	stream.indirect_vreg.gather [hbm4b:s4+s2], $0x80, v4, vm0, $0xb8;
	[tilespmem:$0x10100] =	vst v63  }
0x1b0: {  	s0 =	simm.s32 $0x9100;
	v3 =	vadd.s32 v1, v3  }
0x1b1: {  	[tilespmem:s0], [sflag:$0x2] =	stream.indirect_vreg.gather [hbm4b:s5+s2], $0x80, v4, vm0, $0xb8;
	[tilespmem:$0x10100] =	vst v63  }
0x1b2: {  	s21 =	simm.s32 $0x9900  }
0x1b3: {  	[tilespmem:s21], [sflag:$0x2] =	stream.indirect_vreg.gather [hbm4b:s6+s2], $0x80, v4, vm0, $0xb8;
	[tilespmem:$0x10100] =	vst v63  }
0x1b4: {  	s11 =	simm.s32 $0xA100  }
0x1b5: {  	[tilespmem:s11], [sflag:$0x2] =	stream.indirect_vreg.gather [hbm4b:s3+s2], $0x80, v3, vm0, $0xb8;
	[tilespmem:$0x10100] =	vst v63  }
0x1b6: {  	s25 =	simm.s32 $0xA900  }
0x1b7: {  	[tilespmem:s25], [sflag:$0x2] =	stream.indirect_vreg.gather [hbm4b:s4+s2], $0x80, v3, vm0, $0xb8;
	[tilespmem:$0x10100] =	vst v63  }
0x1b8: {  	s28 =	simm.s32 $0xB100  }
0x1b9: {  	[tilespmem:s28], [sflag:$0x2] =	stream.indirect_vreg.gather [hbm4b:s5+s2], $0x80, v3, vm0, $0xb8;
	[tilespmem:$0x10100] =	vst v63  }
0x1ba: {  	s21 =	simm.s32 $0xB900  }
0x1bb: {  	[tilespmem:s21], [sflag:$0x2] =	stream.indirect_vreg.gather [hbm4b:s6+s2], $0x80, v3, vm0, $0xb8;
	[tilespmem:$0x10100] =	vst v63  }
0x1bc: {  	v3 =	vld [tilespmem:$0x90];
	_ =	sdelay $0x4  }
0x1bd: {  	v47 =	vshll.u32 v3, $0x3  }
0x1be: {  	v3 =	vand.u32 $0x7, v3;
	v4 =	vand.u32 $0xFFFFFFC0, v47  }
0x1bf: {  	v3 =	vor.u32 v3, v4  }
0x1c0: {  	v4 =	vperm.xlane v3, v0;
	_ =	sdelay $0x1  }
0x1c1: {  	v4 =	vadd.s32 v1, v4;
	_ =	sdelay $0x3  }
0x1c2: {  	s21 =	simm.s32 $0xC100  }
0x1c3: {  	[tilespmem:s21], [sflag:$0x2] =	stream.indirect_vreg.gather [hbm4b:s3+s2], $0x80, v4, vm0, $0xb8;
	[tilespmem:$0x10100] =	vst v63  }
0x1c4: {  	v3 =	vperm.xlane v3, v2;
	s21 =	simm.s32 $0xC900  }
0x1c5: {  	[tilespmem:s21], [sflag:$0x2] =	stream.indirect_vreg.gather [hbm4b:s4+s2], $0x80, v4, vm0, $0xb8;
	[tilespmem:$0x10100] =	vst v63  }
0x1c6: {  	s30 =	simm.s32 $0xD100;
	v3 =	vadd.s32 v1, v3  }
0x1c7: {  	[tilespmem:s30], [sflag:$0x2] =	stream.indirect_vreg.gather [hbm4b:s5+s2], $0x80, v4, vm0, $0xb8;
	[tilespmem:$0x10100] =	vst v63  }
0x1c8: {  	s13 =	simm.s32 $0xD900  }
0x1c9: {  	[tilespmem:s13], [sflag:$0x2] =	stream.indirect_vreg.gather [hbm4b:s6+s2], $0x80, v4, vm0, $0xb8;
	[tilespmem:$0x10100] =	vst v63  }
0x1ca: {  	s14 =	simm.s32 $0xE100  }
0x1cb: {  	[tilespmem:s14], [sflag:$0x2] =	stream.indirect_vreg.gather [hbm4b:s3+s2], $0x80, v3, vm0, $0xb8;
	[tilespmem:$0x10100] =	vst v63  }
0x1cc: {  	s15 =	simm.s32 $0xE900  }
0x1cd: {  	[tilespmem:s15], [sflag:$0x2] =	stream.indirect_vreg.gather [hbm4b:s4+s2], $0x80, v3, vm0, $0xb8;
	[tilespmem:$0x10100] =	vst v63  }
0x1ce: {  	s31 =	simm.s32 $0xF100  }
0x1cf: {  	[tilespmem:s31], [sflag:$0x2] =	stream.indirect_vreg.gather [hbm4b:s5+s2], $0x80, v3, vm0, $0xb8;
	[tilespmem:$0x10100] =	vst v63  }
0x1d0: {  	s16 =	simm.s32 $0xF900  }
0x1d1: {  	[tilespmem:s16], [sflag:$0x2] =	stream.indirect_vreg.gather [hbm4b:s6+s2], $0x80, v3, vm0, $0xb8;
	[tilespmem:$0x10100] =	vst v63  }
0x1d2: {  	_ =	swait.ge [sflag:s19], $0x8000  }
0x1d3: {  	[sflag:s19] =	ssyncset.done $0x0  }
0x1d4: {  	s21 =	rddreg [dreg:$0x10];
	[sflag:s19] =	ssyncadd.s32 $0xFFFF8000  }
0x1d5: {  	[hbm4b:s21+s2] =	stream.linear.scatter [tilespmem:s9], [sflag:$0x3], $0x8000, $0x38;
	[tilespmem:$0x10100] =	vst v63  }
0x1d6: {  	_ =	swait.ge [sflag:s8], $0x8000  }
0x1d7: {  	[sflag:s8] =	ssyncset.done $0x0  }
0x1d8: {  	s21 =	rddreg [dreg:$0x11];
	[sflag:s8] =	ssyncadd.s32 $0xFFFF8000  }
0x1d9: {  	[tilespmem:s2], [sflag:$0x3] =	stream.linear.gather [hbm4b:s21+s2], $0x20, $0x38;
	[tilespmem:$0x10100] =	vst v63  }
0x1da: {  	_ =	swait.ge [sflag:s8], $0x20  }
0x1db: {  	[sflag:s8] =	ssyncset.done $0x0  }
0x1dc: {  	[sflag:s8] =	ssyncadd.s32 $0xFFFFFFE0  }
0x1dd: {  	v3 =	vld [tilespmem:$0x0];
	_ =	sdelay $0x4  }
0x1de: {  	v48 =	vshll.u32 v3, $0x3  }
0x1df: {  	v3 =	vand.u32 $0x7, v3;
	v4 =	vand.u32 $0xFFFFFFC0, v48  }
0x1e0: {  	v3 =	vor.u32 v3, v4  }
0x1e1: {  	v4 =	vperm.xlane v3, v0;
	_ =	sdelay $0x1  }
0x1e2: {  	v4 =	vadd.s32 v1, v4;
	_ =	sdelay $0x4  }
0x1e3: {  	[tilespmem:s9], [sflag:$0x1] =	stream.indirect_vreg.gather [hbm4b:s3+s2], $0x80, v4, vm0, $0xb8;
	[tilespmem:$0x10100] =	vst v63  }
0x1e4: {  	s21 =	simm.s32 $0x900;
	v3 =	vperm.xlane v3, v2  }
0x1e5: {  	[tilespmem:s21], [sflag:$0x1] =	stream.indirect_vreg.gather [hbm4b:s4+s2], $0x80, v4, vm0, $0xb8;
	[tilespmem:$0x10100] =	vst v63  }
0x1e6: {  	v3 =	vadd.s32 v1, v3;
	s21 =	simm.s32 $0x1100  }
0x1e7: {  	[tilespmem:s21], [sflag:$0x1] =	stream.indirect_vreg.gather [hbm4b:s5+s2], $0x80, v4, vm0, $0xb8;
	[tilespmem:$0x10100] =	vst v63  }
0x1e8: {  	s21 =	simm.s32 $0x1900  }
0x1e9: {  	[tilespmem:s21], [sflag:$0x1] =	stream.indirect_vreg.gather [hbm4b:s6+s2], $0x80, v4, vm0, $0xb8;
	[tilespmem:$0x10100] =	vst v63  }
0x1ea: {  	s21 =	simm.s32 $0x2100  }
0x1eb: {  	[tilespmem:s21], [sflag:$0x1] =	stream.indirect_vreg.gather [hbm4b:s3+s2], $0x80, v3, vm0, $0xb8;
	[tilespmem:$0x10100] =	vst v63  }
0x1ec: {  	s21 =	simm.s32 $0x2900  }
0x1ed: {  	[tilespmem:s21], [sflag:$0x1] =	stream.indirect_vreg.gather [hbm4b:s4+s2], $0x80, v3, vm0, $0xb8;
	[tilespmem:$0x10100] =	vst v63  }
0x1ee: {  	s21 =	simm.s32 $0x3100  }
0x1ef: {  	[tilespmem:s21], [sflag:$0x1] =	stream.indirect_vreg.gather [hbm4b:s5+s2], $0x80, v3, vm0, $0xb8;
	[tilespmem:$0x10100] =	vst v63  }
0x1f0: {  	s21 =	simm.s32 $0x3900  }
0x1f1: {  	[tilespmem:s21], [sflag:$0x1] =	stream.indirect_vreg.gather [hbm4b:s6+s2], $0x80, v3, vm0, $0xb8;
	[tilespmem:$0x10100] =	vst v63  }
0x1f2: {  	v3 =	vld [tilespmem:$0x10];
	_ =	sdelay $0x4  }
0x1f3: {  	v49 =	vshll.u32 v3, $0x3  }
0x1f4: {  	v3 =	vand.u32 $0x7, v3;
	v4 =	vand.u32 $0xFFFFFFC0, v49  }
0x1f5: {  	v3 =	vor.u32 v3, v4  }
0x1f6: {  	v4 =	vperm.xlane v3, v0;
	_ =	sdelay $0x1  }
0x1f7: {  	v4 =	vadd.s32 v1, v4;
	_ =	sdelay $0x3  }
0x1f8: {  	s22 =	simm.s32 $0x4100  }
0x1f9: {  	[tilespmem:s22], [sflag:$0x1] =	stream.indirect_vreg.gather [hbm4b:s3+s2], $0x80, v4, vm0, $0xb8;
	[tilespmem:$0x10100] =	vst v63  }
0x1fa: {  	s21 =	simm.s32 $0x4900;
	v3 =	vperm.xlane v3, v2  }
0x1fb: {  	[tilespmem:s21], [sflag:$0x1] =	stream.indirect_vreg.gather [hbm4b:s4+s2], $0x80, v4, vm0, $0xb8;
	[tilespmem:$0x10100] =	vst v63  }
0x1fc: {  	s12 =	simm.s32 $0x5100;
	v3 =	vadd.s32 v1, v3  }
0x1fd: {  	[tilespmem:s12], [sflag:$0x1] =	stream.indirect_vreg.gather [hbm4b:s5+s2], $0x80, v4, vm0, $0xb8;
	[tilespmem:$0x10100] =	vst v63  }
0x1fe: {  	s10 =	simm.s32 $0x5900  }
0x1ff: {  	[tilespmem:s10], [sflag:$0x1] =	stream.indirect_vreg.gather [hbm4b:s6+s2], $0x80, v4, vm0, $0xb8;
	[tilespmem:$0x10100] =	vst v63  }
0x200: {  	s29 =	simm.s32 $0x6100  }
0x201: {  	[tilespmem:s29], [sflag:$0x1] =	stream.indirect_vreg.gather [hbm4b:s3+s2], $0x80, v3, vm0, $0xb8;
	[tilespmem:$0x10100] =	vst v63  }
0x202: {  	s17 =	simm.s32 $0x6900  }
0x203: {  	[tilespmem:s17], [sflag:$0x1] =	stream.indirect_vreg.gather [hbm4b:s4+s2], $0x80, v3, vm0, $0xb8;
	[tilespmem:$0x10100] =	vst v63  }
0x204: {  	s18 =	simm.s32 $0x7100  }
0x205: {  	[tilespmem:s18], [sflag:$0x1] =	stream.indirect_vreg.gather [hbm4b:s5+s2], $0x80, v3, vm0, $0xb8;
	[tilespmem:$0x10100] =	vst v63  }
0x206: {  	s23 =	simm.s32 $0x7900  }
0x207: {  	[tilespmem:s23], [sflag:$0x1] =	stream.indirect_vreg.gather [hbm4b:s6+s2], $0x80, v3, vm0, $0xb8;
	[tilespmem:$0x10100] =	vst v63  }
0x208: {  	_ =	swait.ge [sflag:s20], $0x8000  }
0x209: {  	[sflag:s20] =	ssyncset.done $0x0  }
0x20a: {  	s21 =	rddreg [dreg:$0x12];
	[sflag:s20] =	ssyncadd.s32 $0xFFFF8000  }
0x20b: {  	[hbm4b:s21+s2] =	stream.linear.scatter [tilespmem:s26], [sflag:$0x3], $0x8000, $0x38;
	[tilespmem:$0x10100] =	vst v63  }
0x20c: {  	_ =	swait.ge [sflag:s8], $0x8000  }
0x20d: {  	[sflag:s8] =	ssyncset.done $0x0  }
0x20e: {  	s1 =	simm.s32 $0x80;
	s21 =	rddreg [dreg:$0x13];
	[sflag:s8] =	ssyncadd.s32 $0xFFFF8000  }
0x20f: {  	[tilespmem:s1], [sflag:$0x3] =	stream.linear.gather [hbm4b:s21+s2], $0x20, $0x38;
	[tilespmem:$0x10100] =	vst v63  }
0x210: {  	_ =	swait.ge [sflag:s8], $0x20  }
0x211: {  	[sflag:s8] =	ssyncset.done $0x0  }
0x212: {  	[sflag:s8] =	ssyncadd.s32 $0xFFFFFFE0  }
0x213: {  	v3 =	vld [tilespmem:$0x80];
	_ =	sdelay $0x4  }
0x214: {  	v50 =	vshll.u32 v3, $0x3  }
0x215: {  	v3 =	vand.u32 $0x7, v3;
	v4 =	vand.u32 $0xFFFFFFC0, v50  }
0x216: {  	v3 =	vor.u32 v3, v4  }
0x217: {  	v4 =	vperm.xlane v3, v0;
	_ =	sdelay $0x1  }
0x218: {  	v4 =	vadd.s32 v1, v4;
	_ =	sdelay $0x4  }
0x219: {  	[tilespmem:s26], [sflag:$0x2] =	stream.indirect_vreg.gather [hbm4b:s3+s2], $0x80, v4, vm0, $0xb8;
	[tilespmem:$0x10100] =	vst v63  }
0x21a: {  	s7 =	simm.s32 $0x8900;
	v3 =	vperm.xlane v3, v2  }
0x21b: {  	[tilespmem:s7], [sflag:$0x2] =	stream.indirect_vreg.gather [hbm4b:s4+s2], $0x80, v4, vm0, $0xb8;
	[tilespmem:$0x10100] =	vst v63  }
0x21c: {  	s0 =	simm.s32 $0x9100;
	v3 =	vadd.s32 v1, v3  }
0x21d: {  	[tilespmem:s0], [sflag:$0x2] =	stream.indirect_vreg.gather [hbm4b:s5+s2], $0x80, v4, vm0, $0xb8;
	[tilespmem:$0x10100] =	vst v63  }
0x21e: {  	s21 =	simm.s32 $0x9900  }
0x21f: {  	[tilespmem:s21], [sflag:$0x2] =	stream.indirect_vreg.gather [hbm4b:s6+s2], $0x80, v4, vm0, $0xb8;
	[tilespmem:$0x10100] =	vst v63  }
0x220: {  	s11 =	simm.s32 $0xA100  }
0x221: {  	[tilespmem:s11], [sflag:$0x2] =	stream.indirect_vreg.gather [hbm4b:s3+s2], $0x80, v3, vm0, $0xb8;
	[tilespmem:$0x10100] =	vst v63  }
0x222: {  	s25 =	simm.s32 $0xA900  }
0x223: {  	[tilespmem:s25], [sflag:$0x2] =	stream.indirect_vreg.gather [hbm4b:s4+s2], $0x80, v3, vm0, $0xb8;
	[tilespmem:$0x10100] =	vst v63  }
0x224: {  	s28 =	simm.s32 $0xB100  }
0x225: {  	[tilespmem:s28], [sflag:$0x2] =	stream.indirect_vreg.gather [hbm4b:s5+s2], $0x80, v3, vm0, $0xb8;
	[tilespmem:$0x10100] =	vst v63  }
0x226: {  	s21 =	simm.s32 $0xB900  }
0x227: {  	[tilespmem:s21], [sflag:$0x2] =	stream.indirect_vreg.gather [hbm4b:s6+s2], $0x80, v3, vm0, $0xb8;
	[tilespmem:$0x10100] =	vst v63  }
0x228: {  	v3 =	vld [tilespmem:$0x90];
	_ =	sdelay $0x4  }
0x229: {  	v51 =	vshll.u32 v3, $0x3  }
0x22a: {  	v3 =	vand.u32 $0x7, v3;
	v4 =	vand.u32 $0xFFFFFFC0, v51  }
0x22b: {  	v3 =	vor.u32 v3, v4  }
0x22c: {  	v4 =	vperm.xlane v3, v0;
	_ =	sdelay $0x1  }
0x22d: {  	v4 =	vadd.s32 v1, v4;
	_ =	sdelay $0x3  }
0x22e: {  	s21 =	simm.s32 $0xC100  }
0x22f: {  	[tilespmem:s21], [sflag:$0x2] =	stream.indirect_vreg.gather [hbm4b:s3+s2], $0x80, v4, vm0, $0xb8;
	[tilespmem:$0x10100] =	vst v63  }
0x230: {  	v3 =	vperm.xlane v3, v2;
	s21 =	simm.s32 $0xC900  }
0x231: {  	[tilespmem:s21], [sflag:$0x2] =	stream.indirect_vreg.gather [hbm4b:s4+s2], $0x80, v4, vm0, $0xb8;
	[tilespmem:$0x10100] =	vst v63  }
0x232: {  	s30 =	simm.s32 $0xD100;
	v3 =	vadd.s32 v1, v3  }
0x233: {  	[tilespmem:s30], [sflag:$0x2] =	stream.indirect_vreg.gather [hbm4b:s5+s2], $0x80, v4, vm0, $0xb8;
	[tilespmem:$0x10100] =	vst v63  }
0x234: {  	s13 =	simm.s32 $0xD900  }
0x235: {  	[tilespmem:s13], [sflag:$0x2] =	stream.indirect_vreg.gather [hbm4b:s6+s2], $0x80, v4, vm0, $0xb8;
	[tilespmem:$0x10100] =	vst v63  }
0x236: {  	s14 =	simm.s32 $0xE100  }
0x237: {  	[tilespmem:s14], [sflag:$0x2] =	stream.indirect_vreg.gather [hbm4b:s3+s2], $0x80, v3, vm0, $0xb8;
	[tilespmem:$0x10100] =	vst v63  }
0x238: {  	s15 =	simm.s32 $0xE900  }
0x239: {  	[tilespmem:s15], [sflag:$0x2] =	stream.indirect_vreg.gather [hbm4b:s4+s2], $0x80, v3, vm0, $0xb8;
	[tilespmem:$0x10100] =	vst v63  }
0x23a: {  	s31 =	simm.s32 $0xF100  }
0x23b: {  	[tilespmem:s31], [sflag:$0x2] =	stream.indirect_vreg.gather [hbm4b:s5+s2], $0x80, v3, vm0, $0xb8;
	[tilespmem:$0x10100] =	vst v63  }
0x23c: {  	s16 =	simm.s32 $0xF900  }
0x23d: {  	[tilespmem:s16], [sflag:$0x2] =	stream.indirect_vreg.gather [hbm4b:s6+s2], $0x80, v3, vm0, $0xb8;
	[tilespmem:$0x10100] =	vst v63  }
0x23e: {  	_ =	swait.ge [sflag:s19], $0x8000  }
0x23f: {  	[sflag:s19] =	ssyncset.done $0x0  }
0x240: {  	s21 =	rddreg [dreg:$0x14];
	[sflag:s19] =	ssyncadd.s32 $0xFFFF8000  }
0x241: {  	[hbm4b:s21+s2] =	stream.linear.scatter [tilespmem:s9], [sflag:$0x3], $0x8000, $0x38;
	[tilespmem:$0x10100] =	vst v63  }
0x242: {  	_ =	swait.ge [sflag:s8], $0x8000  }
0x243: {  	[sflag:s8] =	ssyncset.done $0x0  }
0x244: {  	s21 =	rddreg [dreg:$0x15];
	[sflag:s8] =	ssyncadd.s32 $0xFFFF8000  }
0x245: {  	[tilespmem:s2], [sflag:$0x3] =	stream.linear.gather [hbm4b:s21+s2], $0x20, $0x38;
	[tilespmem:$0x10100] =	vst v63  }
0x246: {  	_ =	swait.ge [sflag:s8], $0x20  }
0x247: {  	[sflag:s8] =	ssyncset.done $0x0  }
0x248: {  	[sflag:s8] =	ssyncadd.s32 $0xFFFFFFE0  }
0x249: {  	v3 =	vld [tilespmem:$0x0];
	_ =	sdelay $0x4  }
0x24a: {  	v52 =	vshll.u32 v3, $0x3  }
0x24b: {  	v3 =	vand.u32 $0x7, v3;
	v4 =	vand.u32 $0xFFFFFFC0, v52  }
0x24c: {  	v3 =	vor.u32 v3, v4  }
0x24d: {  	v4 =	vperm.xlane v3, v0;
	_ =	sdelay $0x1  }
0x24e: {  	v4 =	vadd.s32 v1, v4;
	_ =	sdelay $0x4  }
0x24f: {  	[tilespmem:s9], [sflag:$0x1] =	stream.indirect_vreg.gather [hbm4b:s3+s2], $0x80, v4, vm0, $0xb8;
	[tilespmem:$0x10100] =	vst v63  }
0x250: {  	s21 =	simm.s32 $0x900;
	v3 =	vperm.xlane v3, v2  }
0x251: {  	[tilespmem:s21], [sflag:$0x1] =	stream.indirect_vreg.gather [hbm4b:s4+s2], $0x80, v4, vm0, $0xb8;
	[tilespmem:$0x10100] =	vst v63  }
0x252: {  	v3 =	vadd.s32 v1, v3;
	s21 =	simm.s32 $0x1100  }
0x253: {  	[tilespmem:s21], [sflag:$0x1] =	stream.indirect_vreg.gather [hbm4b:s5+s2], $0x80, v4, vm0, $0xb8;
	[tilespmem:$0x10100] =	vst v63  }
0x254: {  	s21 =	simm.s32 $0x1900  }
0x255: {  	[tilespmem:s21], [sflag:$0x1] =	stream.indirect_vreg.gather [hbm4b:s6+s2], $0x80, v4, vm0, $0xb8;
	[tilespmem:$0x10100] =	vst v63  }
0x256: {  	s21 =	simm.s32 $0x2100  }
0x257: {  	[tilespmem:s21], [sflag:$0x1] =	stream.indirect_vreg.gather [hbm4b:s3+s2], $0x80, v3, vm0, $0xb8;
	[tilespmem:$0x10100] =	vst v63  }
0x258: {  	s21 =	simm.s32 $0x2900  }
0x259: {  	[tilespmem:s21], [sflag:$0x1] =	stream.indirect_vreg.gather [hbm4b:s4+s2], $0x80, v3, vm0, $0xb8;
	[tilespmem:$0x10100] =	vst v63  }
0x25a: {  	s21 =	simm.s32 $0x3100  }
0x25b: {  	[tilespmem:s21], [sflag:$0x1] =	stream.indirect_vreg.gather [hbm4b:s5+s2], $0x80, v3, vm0, $0xb8;
	[tilespmem:$0x10100] =	vst v63  }
0x25c: {  	s21 =	simm.s32 $0x3900  }
0x25d: {  	[tilespmem:s21], [sflag:$0x1] =	stream.indirect_vreg.gather [hbm4b:s6+s2], $0x80, v3, vm0, $0xb8;
	[tilespmem:$0x10100] =	vst v63  }
0x25e: {  	v3 =	vld [tilespmem:$0x10];
	_ =	sdelay $0x4  }
0x25f: {  	v53 =	vshll.u32 v3, $0x3  }
0x260: {  	v3 =	vand.u32 $0x7, v3;
	v4 =	vand.u32 $0xFFFFFFC0, v53  }
0x261: {  	v3 =	vor.u32 v3, v4  }
0x262: {  	v4 =	vperm.xlane v3, v0;
	_ =	sdelay $0x1  }
0x263: {  	v4 =	vadd.s32 v1, v4;
	_ =	sdelay $0x3  }
0x264: {  	s22 =	simm.s32 $0x4100  }
0x265: {  	[tilespmem:s22], [sflag:$0x1] =	stream.indirect_vreg.gather [hbm4b:s3+s2], $0x80, v4, vm0, $0xb8;
	[tilespmem:$0x10100] =	vst v63  }
0x266: {  	s21 =	simm.s32 $0x4900;
	v3 =	vperm.xlane v3, v2  }
0x267: {  	[tilespmem:s21], [sflag:$0x1] =	stream.indirect_vreg.gather [hbm4b:s4+s2], $0x80, v4, vm0, $0xb8;
	[tilespmem:$0x10100] =	vst v63  }
0x268: {  	s12 =	simm.s32 $0x5100;
	v3 =	vadd.s32 v1, v3  }
0x269: {  	[tilespmem:s12], [sflag:$0x1] =	stream.indirect_vreg.gather [hbm4b:s5+s2], $0x80, v4, vm0, $0xb8;
	[tilespmem:$0x10100] =	vst v63  }
0x26a: {  	s10 =	simm.s32 $0x5900  }
0x26b: {  	[tilespmem:s10], [sflag:$0x1] =	stream.indirect_vreg.gather [hbm4b:s6+s2], $0x80, v4, vm0, $0xb8;
	[tilespmem:$0x10100] =	vst v63  }
0x26c: {  	s29 =	simm.s32 $0x6100  }
0x26d: {  	[tilespmem:s29], [sflag:$0x1] =	stream.indirect_vreg.gather [hbm4b:s3+s2], $0x80, v3, vm0, $0xb8;
	[tilespmem:$0x10100] =	vst v63  }
0x26e: {  	s17 =	simm.s32 $0x6900  }
0x26f: {  	[tilespmem:s17], [sflag:$0x1] =	stream.indirect_vreg.gather [hbm4b:s4+s2], $0x80, v3, vm0, $0xb8;
	[tilespmem:$0x10100] =	vst v63  }
0x270: {  	s18 =	simm.s32 $0x7100  }
0x271: {  	[tilespmem:s18], [sflag:$0x1] =	stream.indirect_vreg.gather [hbm4b:s5+s2], $0x80, v3, vm0, $0xb8;
	[tilespmem:$0x10100] =	vst v63  }
0x272: {  	s23 =	simm.s32 $0x7900  }
0x273: {  	[tilespmem:s23], [sflag:$0x1] =	stream.indirect_vreg.gather [hbm4b:s6+s2], $0x80, v3, vm0, $0xb8;
	[tilespmem:$0x10100] =	vst v63  }
0x274: {  	_ =	swait.ge [sflag:s20], $0x8000  }
0x275: {  	[sflag:s20] =	ssyncset.done $0x0  }
0x276: {  	s10 =	rddreg [dreg:$0x16];
	[sflag:s20] =	ssyncadd.s32 $0xFFFF8000  }
0x277: {  	[hbm4b:s10+s2] =	stream.linear.scatter [tilespmem:s26], [sflag:$0x3], $0x8000, $0x38;
	[tilespmem:$0x10100] =	vst v63  }
0x278: {  	_ =	swait.ge [sflag:s8], $0x8000  }
0x279: {  	[sflag:s8] =	ssyncset.done $0x0  }
0x27a: {  	s1 =	simm.s32 $0x80;
	s10 =	rddreg [dreg:$0x17];
	[sflag:s8] =	ssyncadd.s32 $0xFFFF8000  }
0x27b: {  	[tilespmem:s1], [sflag:$0x3] =	stream.linear.gather [hbm4b:s10+s2], $0x20, $0x38;
	[tilespmem:$0x10100] =	vst v63  }
0x27c: {  	_ =	swait.ge [sflag:s8], $0x20  }
0x27d: {  	[sflag:s8] =	ssyncset.done $0x0  }
0x27e: {  	[sflag:s8] =	ssyncadd.s32 $0xFFFFFFE0  }
0x27f: {  	v3 =	vld [tilespmem:$0x80];
	_ =	sdelay $0x4  }
0x280: {  	v54 =	vshll.u32 v3, $0x3  }
0x281: {  	v3 =	vand.u32 $0x7, v3;
	v4 =	vand.u32 $0xFFFFFFC0, v54  }
0x282: {  	v3 =	vor.u32 v3, v4  }
0x283: {  	v4 =	vperm.xlane v3, v0;
	_ =	sdelay $0x1  }
0x284: {  	v4 =	vadd.s32 v1, v4;
	_ =	sdelay $0x4  }
0x285: {  	[tilespmem:s26], [sflag:$0x2] =	stream.indirect_vreg.gather [hbm4b:s3+s2], $0x80, v4, vm0, $0xb8;
	[tilespmem:$0x10100] =	vst v63  }
0x286: {  	s7 =	simm.s32 $0x8900;
	v3 =	vperm.xlane v3, v2  }
0x287: {  	[tilespmem:s7], [sflag:$0x2] =	stream.indirect_vreg.gather [hbm4b:s4+s2], $0x80, v4, vm0, $0xb8;
	[tilespmem:$0x10100] =	vst v63  }
0x288: {  	s0 =	simm.s32 $0x9100;
	v3 =	vadd.s32 v1, v3  }
0x289: {  	[tilespmem:s0], [sflag:$0x2] =	stream.indirect_vreg.gather [hbm4b:s5+s2], $0x80, v4, vm0, $0xb8;
	[tilespmem:$0x10100] =	vst v63  }
0x28a: {  	s21 =	simm.s32 $0x9900  }
0x28b: {  	[tilespmem:s21], [sflag:$0x2] =	stream.indirect_vreg.gather [hbm4b:s6+s2], $0x80, v4, vm0, $0xb8;
	[tilespmem:$0x10100] =	vst v63  }
0x28c: {  	s11 =	simm.s32 $0xA100  }
0x28d: {  	[tilespmem:s11], [sflag:$0x2] =	stream.indirect_vreg.gather [hbm4b:s3+s2], $0x80, v3, vm0, $0xb8;
	[tilespmem:$0x10100] =	vst v63  }
0x28e: {  	s25 =	simm.s32 $0xA900  }
0x28f: {  	[tilespmem:s25], [sflag:$0x2] =	stream.indirect_vreg.gather [hbm4b:s4+s2], $0x80, v3, vm0, $0xb8;
	[tilespmem:$0x10100] =	vst v63  }
0x290: {  	s28 =	simm.s32 $0xB100  }
0x291: {  	[tilespmem:s28], [sflag:$0x2] =	stream.indirect_vreg.gather [hbm4b:s5+s2], $0x80, v3, vm0, $0xb8;
	[tilespmem:$0x10100] =	vst v63  }
0x292: {  	s21 =	simm.s32 $0xB900  }
0x293: {  	[tilespmem:s21], [sflag:$0x2] =	stream.indirect_vreg.gather [hbm4b:s6+s2], $0x80, v3, vm0, $0xb8;
	[tilespmem:$0x10100] =	vst v63  }
0x294: {  	v3 =	vld [tilespmem:$0x90];
	_ =	sdelay $0x4  }
0x295: {  	v55 =	vshll.u32 v3, $0x3  }
0x296: {  	v3 =	vand.u32 $0x7, v3;
	v4 =	vand.u32 $0xFFFFFFC0, v55  }
0x297: {  	v3 =	vor.u32 v3, v4  }
0x298: {  	v4 =	vperm.xlane v3, v0;
	_ =	sdelay $0x1  }
0x299: {  	v4 =	vadd.s32 v1, v4;
	_ =	sdelay $0x3  }
0x29a: {  	s11 =	simm.s32 $0xC100  }
0x29b: {  	[tilespmem:s11], [sflag:$0x2] =	stream.indirect_vreg.gather [hbm4b:s3+s2], $0x80, v4, vm0, $0xb8;
	[tilespmem:$0x10100] =	vst v63  }
0x29c: {  	s21 =	simm.s32 $0xC900;
	v3 =	vperm.xlane v3, v2  }
0x29d: {  	[tilespmem:s21], [sflag:$0x2] =	stream.indirect_vreg.gather [hbm4b:s4+s2], $0x80, v4, vm0, $0xb8;
	[tilespmem:$0x10100] =	vst v63  }
0x29e: {  	s30 =	simm.s32 $0xD100;
	v3 =	vadd.s32 v1, v3  }
0x29f: {  	[tilespmem:s30], [sflag:$0x2] =	stream.indirect_vreg.gather [hbm4b:s5+s2], $0x80, v4, vm0, $0xb8;
	[tilespmem:$0x10100] =	vst v63  }
0x2a0: {  	s13 =	simm.s32 $0xD900  }
0x2a1: {  	[tilespmem:s13], [sflag:$0x2] =	stream.indirect_vreg.gather [hbm4b:s6+s2], $0x80, v4, vm0, $0xb8;
	[tilespmem:$0x10100] =	vst v63  }
0x2a2: {  	s14 =	simm.s32 $0xE100  }
0x2a3: {  	[tilespmem:s14], [sflag:$0x2] =	stream.indirect_vreg.gather [hbm4b:s3+s2], $0x80, v3, vm0, $0xb8;
	[tilespmem:$0x10100] =	vst v63  }
0x2a4: {  	s15 =	simm.s32 $0xE900  }
0x2a5: {  	[tilespmem:s15], [sflag:$0x2] =	stream.indirect_vreg.gather [hbm4b:s4+s2], $0x80, v3, vm0, $0xb8;
	[tilespmem:$0x10100] =	vst v63  }
0x2a6: {  	s31 =	simm.s32 $0xF100  }
0x2a7: {  	[tilespmem:s31], [sflag:$0x2] =	stream.indirect_vreg.gather [hbm4b:s5+s2], $0x80, v3, vm0, $0xb8;
	[tilespmem:$0x10100] =	vst v63  }
0x2a8: {  	s16 =	simm.s32 $0xF900  }
0x2a9: {  	[tilespmem:s16], [sflag:$0x2] =	stream.indirect_vreg.gather [hbm4b:s6+s2], $0x80, v3, vm0, $0xb8;
	[tilespmem:$0x10100] =	vst v63  }
0x2aa: {  	_ =	swait.ge [sflag:s19], $0x8000  }
0x2ab: {  	[sflag:s19] =	ssyncset.done $0x0  }
0x2ac: {  	s31 =	rddreg [dreg:$0x18];
	[sflag:s19] =	ssyncadd.s32 $0xFFFF8000  }
0x2ad: {  	[hbm4b:s31+s2] =	stream.linear.scatter [tilespmem:s9], [sflag:$0x3], $0x8000, $0x38;
	[tilespmem:$0x10100] =	vst v63  }
0x2ae: {  	_ =	swait.ge [sflag:s8], $0x8000  }
0x2af: {  	[sflag:s8] =	ssyncset.done $0x0  }
0x2b0: {  	s10 =	rddreg [dreg:$0x19];
	[sflag:s8] =	ssyncadd.s32 $0xFFFF8000  }
0x2b1: {  	[tilespmem:s2], [sflag:$0x3] =	stream.linear.gather [hbm4b:s10+s2], $0x20, $0x38;
	[tilespmem:$0x10100] =	vst v63  }
0x2b2: {  	_ =	swait.ge [sflag:s8], $0x20  }
0x2b3: {  	[sflag:s8] =	ssyncset.done $0x0  }
0x2b4: {  	[sflag:s8] =	ssyncadd.s32 $0xFFFFFFE0  }
0x2b5: {  	v3 =	vld [tilespmem:$0x0];
	_ =	sdelay $0x4  }
0x2b6: {  	v56 =	vshll.u32 v3, $0x3  }
0x2b7: {  	v3 =	vand.u32 $0x7, v3;
	v4 =	vand.u32 $0xFFFFFFC0, v56  }
0x2b8: {  	v3 =	vor.u32 v3, v4  }
0x2b9: {  	v4 =	vperm.xlane v3, v0;
	_ =	sdelay $0x1  }
0x2ba: {  	v4 =	vadd.s32 v1, v4;
	_ =	sdelay $0x4  }
0x2bb: {  	[tilespmem:s9], [sflag:$0x1] =	stream.indirect_vreg.gather [hbm4b:s3+s2], $0x80, v4, vm0, $0xb8;
	[tilespmem:$0x10100] =	vst v63  }
0x2bc: {  	s11 =	simm.s32 $0x900;
	v3 =	vperm.xlane v3, v2  }
0x2bd: {  	[tilespmem:s11], [sflag:$0x1] =	stream.indirect_vreg.gather [hbm4b:s4+s2], $0x80, v4, vm0, $0xb8;
	[tilespmem:$0x10100] =	vst v63  }
0x2be: {  	s16 =	simm.s32 $0x1100;
	v3 =	vadd.s32 v1, v3  }
0x2bf: {  	[tilespmem:s16], [sflag:$0x1] =	stream.indirect_vreg.gather [hbm4b:s5+s2], $0x80, v4, vm0, $0xb8;
	[tilespmem:$0x10100] =	vst v63  }
0x2c0: {  	s21 =	simm.s32 $0x1900  }
0x2c1: {  	[tilespmem:s21], [sflag:$0x1] =	stream.indirect_vreg.gather [hbm4b:s6+s2], $0x80, v4, vm0, $0xb8;
	[tilespmem:$0x10100] =	vst v63  }
0x2c2: {  	s31 =	simm.s32 $0x2100  }
0x2c3: {  	[tilespmem:s31], [sflag:$0x1] =	stream.indirect_vreg.gather [hbm4b:s3+s2], $0x80, v3, vm0, $0xb8;
	[tilespmem:$0x10100] =	vst v63  }
0x2c4: {  	s11 =	simm.s32 $0x2900  }
0x2c5: {  	[tilespmem:s11], [sflag:$0x1] =	stream.indirect_vreg.gather [hbm4b:s4+s2], $0x80, v3, vm0, $0xb8;
	[tilespmem:$0x10100] =	vst v63  }
0x2c6: {  	s16 =	simm.s32 $0x3100  }
0x2c7: {  	[tilespmem:s16], [sflag:$0x1] =	stream.indirect_vreg.gather [hbm4b:s5+s2], $0x80, v3, vm0, $0xb8;
	[tilespmem:$0x10100] =	vst v63  }
0x2c8: {  	s21 =	simm.s32 $0x3900  }
0x2c9: {  	[tilespmem:s21], [sflag:$0x1] =	stream.indirect_vreg.gather [hbm4b:s6+s2], $0x80, v3, vm0, $0xb8;
	[tilespmem:$0x10100] =	vst v63  }
0x2ca: {  	v3 =	vld [tilespmem:$0x10];
	_ =	sdelay $0x4  }
0x2cb: {  	v57 =	vshll.u32 v3, $0x3  }
0x2cc: {  	v3 =	vand.u32 $0x7, v3;
	v4 =	vand.u32 $0xFFFFFFC0, v57  }
0x2cd: {  	v3 =	vor.u32 v3, v4  }
0x2ce: {  	v4 =	vperm.xlane v3, v0;
	_ =	sdelay $0x1  }
0x2cf: {  	v4 =	vadd.s32 v1, v4;
	_ =	sdelay $0x3  }
0x2d0: {  	s22 =	simm.s32 $0x4100  }
0x2d1: {  	[tilespmem:s22], [sflag:$0x1] =	stream.indirect_vreg.gather [hbm4b:s3+s2], $0x80, v4, vm0, $0xb8;
	[tilespmem:$0x10100] =	vst v63  }
0x2d2: {  	s31 =	simm.s32 $0x4900;
	v3 =	vperm.xlane v3, v2  }
0x2d3: {  	[tilespmem:s31], [sflag:$0x1] =	stream.indirect_vreg.gather [hbm4b:s4+s2], $0x80, v4, vm0, $0xb8;
	[tilespmem:$0x10100] =	vst v63  }
0x2d4: {  	s12 =	simm.s32 $0x5100;
	v3 =	vadd.s32 v1, v3  }
0x2d5: {  	[tilespmem:s12], [sflag:$0x1] =	stream.indirect_vreg.gather [hbm4b:s5+s2], $0x80, v4, vm0, $0xb8;
	[tilespmem:$0x10100] =	vst v63  }
0x2d6: {  	s11 =	simm.s32 $0x5900  }
0x2d7: {  	[tilespmem:s11], [sflag:$0x1] =	stream.indirect_vreg.gather [hbm4b:s6+s2], $0x80, v4, vm0, $0xb8;
	[tilespmem:$0x10100] =	vst v63  }
0x2d8: {  	s29 =	simm.s32 $0x6100  }
0x2d9: {  	[tilespmem:s29], [sflag:$0x1] =	stream.indirect_vreg.gather [hbm4b:s3+s2], $0x80, v3, vm0, $0xb8;
	[tilespmem:$0x10100] =	vst v63  }
0x2da: {  	s17 =	simm.s32 $0x6900  }
0x2db: {  	[tilespmem:s17], [sflag:$0x1] =	stream.indirect_vreg.gather [hbm4b:s4+s2], $0x80, v3, vm0, $0xb8;
	[tilespmem:$0x10100] =	vst v63  }
0x2dc: {  	s18 =	simm.s32 $0x7100  }
0x2dd: {  	[tilespmem:s18], [sflag:$0x1] =	stream.indirect_vreg.gather [hbm4b:s5+s2], $0x80, v3, vm0, $0xb8;
	[tilespmem:$0x10100] =	vst v63  }
0x2de: {  	s23 =	simm.s32 $0x7900  }
0x2df: {  	[tilespmem:s23], [sflag:$0x1] =	stream.indirect_vreg.gather [hbm4b:s6+s2], $0x80, v3, vm0, $0xb8;
	[tilespmem:$0x10100] =	vst v63  }
0x2e0: {  	_ =	swait.ge [sflag:s20], $0x8000  }
0x2e1: {  	[sflag:s20] =	ssyncset.done $0x0  }
0x2e2: {  	s12 =	rddreg [dreg:$0x1a];
	[sflag:s20] =	ssyncadd.s32 $0xFFFF8000  }
0x2e3: {  	[hbm4b:s12+s2] =	stream.linear.scatter [tilespmem:s26], [sflag:$0x3], $0x8000, $0x38;
	[tilespmem:$0x10100] =	vst v63  }
0x2e4: {  	_ =	swait.ge [sflag:s8], $0x8000  }
0x2e5: {  	[sflag:s8] =	ssyncset.done $0x0  }
0x2e6: {  	s1 =	simm.s32 $0x80;
	s16 =	rddreg [dreg:$0x1b];
	[sflag:s8] =	ssyncadd.s32 $0xFFFF8000  }
0x2e7: {  	[tilespmem:s1], [sflag:$0x3] =	stream.linear.gather [hbm4b:s16+s2], $0x20, $0x38;
	[tilespmem:$0x10100] =	vst v63  }
0x2e8: {  	_ =	swait.ge [sflag:s8], $0x20  }
0x2e9: {  	[sflag:s8] =	ssyncset.done $0x0  }
0x2ea: {  	[sflag:s8] =	ssyncadd.s32 $0xFFFFFFE0  }
0x2eb: {  	v3 =	vld [tilespmem:$0x80];
	_ =	sdelay $0x4  }
0x2ec: {  	v58 =	vshll.u32 v3, $0x3  }
0x2ed: {  	v3 =	vand.u32 $0x7, v3;
	v4 =	vand.u32 $0xFFFFFFC0, v58  }
0x2ee: {  	v3 =	vor.u32 v3, v4  }
0x2ef: {  	v4 =	vperm.xlane v3, v0;
	_ =	sdelay $0x1  }
0x2f0: {  	v4 =	vadd.s32 v1, v4;
	_ =	sdelay $0x4  }
0x2f1: {  	[tilespmem:s26], [sflag:$0x2] =	stream.indirect_vreg.gather [hbm4b:s3+s2], $0x80, v4, vm0, $0xb8;
	[tilespmem:$0x10100] =	vst v63  }
0x2f2: {  	s7 =	simm.s32 $0x8900;
	v3 =	vperm.xlane v3, v2  }
0x2f3: {  	[tilespmem:s7], [sflag:$0x2] =	stream.indirect_vreg.gather [hbm4b:s4+s2], $0x80, v4, vm0, $0xb8;
	[tilespmem:$0x10100] =	vst v63  }
0x2f4: {  	s0 =	simm.s32 $0x9100;
	v3 =	vadd.s32 v1, v3  }
0x2f5: {  	[tilespmem:s0], [sflag:$0x2] =	stream.indirect_vreg.gather [hbm4b:s5+s2], $0x80, v4, vm0, $0xb8;
	[tilespmem:$0x10100] =	vst v63  }
0x2f6: {  	s21 =	simm.s32 $0x9900  }
0x2f7: {  	[tilespmem:s21], [sflag:$0x2] =	stream.indirect_vreg.gather [hbm4b:s6+s2], $0x80, v4, vm0, $0xb8;
	[tilespmem:$0x10100] =	vst v63  }
0x2f8: {  	s23 =	simm.s32 $0xA100  }
0x2f9: {  	[tilespmem:s23], [sflag:$0x2] =	stream.indirect_vreg.gather [hbm4b:s3+s2], $0x80, v3, vm0, $0xb8;
	[tilespmem:$0x10100] =	vst v63  }
0x2fa: {  	s25 =	simm.s32 $0xA900  }
0x2fb: {  	[tilespmem:s25], [sflag:$0x2] =	stream.indirect_vreg.gather [hbm4b:s4+s2], $0x80, v3, vm0, $0xb8;
	[tilespmem:$0x10100] =	vst v63  }
0x2fc: {  	s28 =	simm.s32 $0xB100  }
0x2fd: {  	[tilespmem:s28], [sflag:$0x2] =	stream.indirect_vreg.gather [hbm4b:s5+s2], $0x80, v3, vm0, $0xb8;
	[tilespmem:$0x10100] =	vst v63  }
0x2fe: {  	s28 =	simm.s32 $0xB900  }
0x2ff: {  	[tilespmem:s28], [sflag:$0x2] =	stream.indirect_vreg.gather [hbm4b:s6+s2], $0x80, v3, vm0, $0xb8;
	[tilespmem:$0x10100] =	vst v63  }
0x300: {  	v3 =	vld [tilespmem:$0x90];
	_ =	sdelay $0x4  }
0x301: {  	v59 =	vshll.u32 v3, $0x3  }
0x302: {  	v3 =	vand.u32 $0x7, v3;
	v4 =	vand.u32 $0xFFFFFFC0, v59  }
0x303: {  	v3 =	vor.u32 v3, v4  }
0x304: {  	v4 =	vperm.xlane v3, v0;
	_ =	sdelay $0x1  }
0x305: {  	v4 =	vadd.s32 v1, v4;
	_ =	sdelay $0x3  }
0x306: {  	s25 =	simm.s32 $0xC100  }
0x307: {  	[tilespmem:s25], [sflag:$0x2] =	stream.indirect_vreg.gather [hbm4b:s3+s2], $0x80, v4, vm0, $0xb8;
	[tilespmem:$0x10100] =	vst v63  }
0x308: {  	s28 =	simm.s32 $0xC900;
	v3 =	vperm.xlane v3, v2  }
0x309: {  	[tilespmem:s28], [sflag:$0x2] =	stream.indirect_vreg.gather [hbm4b:s4+s2], $0x80, v4, vm0, $0xb8;
	[tilespmem:$0x10100] =	vst v63  }
0x30a: {  	s30 =	simm.s32 $0xD100;
	v3 =	vadd.s32 v1, v3  }
0x30b: {  	[tilespmem:s30], [sflag:$0x2] =	stream.indirect_vreg.gather [hbm4b:s5+s2], $0x80, v4, vm0, $0xb8;
	[tilespmem:$0x10100] =	vst v63  }
0x30c: {  	s13 =	simm.s32 $0xD900  }
0x30d: {  	[tilespmem:s13], [sflag:$0x2] =	stream.indirect_vreg.gather [hbm4b:s6+s2], $0x80, v4, vm0, $0xb8;
	[tilespmem:$0x10100] =	vst v63  }
0x30e: {  	s14 =	simm.s32 $0xE100  }
0x30f: {  	[tilespmem:s14], [sflag:$0x2] =	stream.indirect_vreg.gather [hbm4b:s3+s2], $0x80, v3, vm0, $0xb8;
	[tilespmem:$0x10100] =	vst v63  }
0x310: {  	s15 =	simm.s32 $0xE900  }
0x311: {  	[tilespmem:s15], [sflag:$0x2] =	stream.indirect_vreg.gather [hbm4b:s4+s2], $0x80, v3, vm0, $0xb8;
	[tilespmem:$0x10100] =	vst v63  }
0x312: {  	s21 =	simm.s32 $0xF100  }
0x313: {  	[tilespmem:s21], [sflag:$0x2] =	stream.indirect_vreg.gather [hbm4b:s5+s2], $0x80, v3, vm0, $0xb8;
	[tilespmem:$0x10100] =	vst v63  }
0x314: {  	s30 =	simm.s32 $0xF900  }
0x315: {  	[tilespmem:s30], [sflag:$0x2] =	stream.indirect_vreg.gather [hbm4b:s6+s2], $0x80, v3, vm0, $0xb8;
	[tilespmem:$0x10100] =	vst v63  }
0x316: {  	_ =	swait.ge [sflag:s19], $0x8000  }
0x317: {  	[sflag:s19] =	ssyncset.done $0x0  }
0x318: {  	s21 =	rddreg [dreg:$0x1c];
	[sflag:s19] =	ssyncadd.s32 $0xFFFF8000  }
0x319: {  	[hbm4b:s21+s2] =	stream.linear.scatter [tilespmem:s9], [sflag:$0x3], $0x8000, $0x38;
	[tilespmem:$0x10100] =	vst v63  }
0x31a: {  	_ =	swait.ge [sflag:s8], $0x8000  }
0x31b: {  	[sflag:s8] =	ssyncset.done $0x0  }
0x31c: {  	s21 =	rddreg [dreg:$0x1d];
	[sflag:s8] =	ssyncadd.s32 $0xFFFF8000  }
0x31d: {  	[tilespmem:s2], [sflag:$0x3] =	stream.linear.gather [hbm4b:s21+s2], $0x20, $0x38;
	[tilespmem:$0x10100] =	vst v63  }
0x31e: {  	_ =	swait.ge [sflag:s8], $0x20  }
0x31f: {  	[sflag:s8] =	ssyncset.done $0x0  }
0x320: {  	[sflag:s8] =	ssyncadd.s32 $0xFFFFFFE0  }
0x321: {  	v3 =	vld [tilespmem:$0x0];
	_ =	sdelay $0x4  }
0x322: {  	v60 =	vshll.u32 v3, $0x3  }
0x323: {  	v3 =	vand.u32 $0x7, v3;
	v4 =	vand.u32 $0xFFFFFFC0, v60  }
0x324: {  	v3 =	vor.u32 v3, v4  }
0x325: {  	v4 =	vperm.xlane v3, v0;
	_ =	sdelay $0x1  }
0x326: {  	v4 =	vadd.s32 v1, v4;
	_ =	sdelay $0x4  }
0x327: {  	[tilespmem:s9], [sflag:$0x1] =	stream.indirect_vreg.gather [hbm4b:s3+s2], $0x80, v4, vm0, $0xb8;
	[tilespmem:$0x10100] =	vst v63  }
0x328: {  	s21 =	simm.s32 $0x900;
	v3 =	vperm.xlane v3, v2  }
0x329: {  	[tilespmem:s21], [sflag:$0x1] =	stream.indirect_vreg.gather [hbm4b:s4+s2], $0x80, v4, vm0, $0xb8;
	[tilespmem:$0x10100] =	vst v63  }
0x32a: {  	v3 =	vadd.s32 v1, v3;
	s21 =	simm.s32 $0x1100  }
0x32b: {  	[tilespmem:s21], [sflag:$0x1] =	stream.indirect_vreg.gather [hbm4b:s5+s2], $0x80, v4, vm0, $0xb8;
	[tilespmem:$0x10100] =	vst v63  }
0x32c: {  	s21 =	simm.s32 $0x1900  }
0x32d: {  	[tilespmem:s21], [sflag:$0x1] =	stream.indirect_vreg.gather [hbm4b:s6+s2], $0x80, v4, vm0, $0xb8;
	[tilespmem:$0x10100] =	vst v63  }
0x32e: {  	s21 =	simm.s32 $0x2100  }
0x32f: {  	[tilespmem:s21], [sflag:$0x1] =	stream.indirect_vreg.gather [hbm4b:s3+s2], $0x80, v3, vm0, $0xb8;
	[tilespmem:$0x10100] =	vst v63  }
0x330: {  	s21 =	simm.s32 $0x2900  }
0x331: {  	[tilespmem:s21], [sflag:$0x1] =	stream.indirect_vreg.gather [hbm4b:s4+s2], $0x80, v3, vm0, $0xb8;
	[tilespmem:$0x10100] =	vst v63  }
0x332: {  	s21 =	simm.s32 $0x3100  }
0x333: {  	[tilespmem:s21], [sflag:$0x1] =	stream.indirect_vreg.gather [hbm4b:s5+s2], $0x80, v3, vm0, $0xb8;
	[tilespmem:$0x10100] =	vst v63  }
0x334: {  	s21 =	simm.s32 $0x3900  }
0x335: {  	[tilespmem:s21], [sflag:$0x1] =	stream.indirect_vreg.gather [hbm4b:s6+s2], $0x80, v3, vm0, $0xb8;
	[tilespmem:$0x10100] =	vst v63  }
0x336: {  	v3 =	vld [tilespmem:$0x10];
	_ =	sdelay $0x4  }
0x337: {  	v61 =	vshll.u32 v3, $0x3  }
0x338: {  	v3 =	vand.u32 $0x7, v3;
	v4 =	vand.u32 $0xFFFFFFC0, v61  }
0x339: {  	v3 =	vor.u32 v3, v4  }
0x33a: {  	v4 =	vperm.xlane v3, v0;
	_ =	sdelay $0x1  }
0x33b: {  	v4 =	vadd.s32 v1, v4;
	_ =	sdelay $0x3  }
0x33c: {  	s10 =	simm.s32 $0x4100  }
0x33d: {  	[tilespmem:s10], [sflag:$0x1] =	stream.indirect_vreg.gather [hbm4b:s3+s2], $0x80, v4, vm0, $0xb8;
	[tilespmem:$0x10100] =	vst v63  }
0x33e: {  	s21 =	simm.s32 $0x4900;
	v3 =	vperm.xlane v3, v2  }
0x33f: {  	[tilespmem:s21], [sflag:$0x1] =	stream.indirect_vreg.gather [hbm4b:s4+s2], $0x80, v4, vm0, $0xb8;
	[tilespmem:$0x10100] =	vst v63  }
0x340: {  	s31 =	simm.s32 $0x5100;
	v3 =	vadd.s32 v1, v3  }
0x341: {  	[tilespmem:s31], [sflag:$0x1] =	stream.indirect_vreg.gather [hbm4b:s5+s2], $0x80, v4, vm0, $0xb8;
	[tilespmem:$0x10100] =	vst v63  }
0x342: {  	s22 =	simm.s32 $0x5900  }
0x343: {  	[tilespmem:s22], [sflag:$0x1] =	stream.indirect_vreg.gather [hbm4b:s6+s2], $0x80, v4, vm0, $0xb8;
	[tilespmem:$0x10100] =	vst v63  }
0x344: {  	s11 =	simm.s32 $0x6100  }
0x345: {  	[tilespmem:s11], [sflag:$0x1] =	stream.indirect_vreg.gather [hbm4b:s3+s2], $0x80, v3, vm0, $0xb8;
	[tilespmem:$0x10100] =	vst v63  }
0x346: {  	s29 =	simm.s32 $0x6900  }
0x347: {  	[tilespmem:s29], [sflag:$0x1] =	stream.indirect_vreg.gather [hbm4b:s4+s2], $0x80, v3, vm0, $0xb8;
	[tilespmem:$0x10100] =	vst v63  }
0x348: {  	s17 =	simm.s32 $0x7100  }
0x349: {  	[tilespmem:s17], [sflag:$0x1] =	stream.indirect_vreg.gather [hbm4b:s5+s2], $0x80, v3, vm0, $0xb8;
	[tilespmem:$0x10100] =	vst v63  }
0x34a: {  	s18 =	simm.s32 $0x7900  }
0x34b: {  	[tilespmem:s18], [sflag:$0x1] =	stream.indirect_vreg.gather [hbm4b:s6+s2], $0x80, v3, vm0, $0xb8;
	[tilespmem:$0x10100] =	vst v63  }
0x34c: {  	_ =	swait.ge [sflag:s20], $0x8000  }
0x34d: {  	[sflag:s20] =	ssyncset.done $0x0  }
0x34e: {  	s17 =	rddreg [dreg:$0x1e];
	[sflag:s20] =	ssyncadd.s32 $0xFFFF8000  }
0x34f: {  	[hbm4b:s17+s2] =	stream.linear.scatter [tilespmem:s26], [sflag:$0x3], $0x8000, $0x38;
	[tilespmem:$0x10100] =	vst v63  }
0x350: {  	_ =	swait.ge [sflag:s8], $0x8000  }
0x351: {  	[sflag:s8] =	ssyncset.done $0x0  }
0x352: {  	s12 =	simm.s32 $0x80;
	s18 =	rddreg [dreg:$0x1f];
	[sflag:s8] =	ssyncadd.s32 $0xFFFF8000  }
0x353: {  	[tilespmem:s12], [sflag:$0x3] =	stream.linear.gather [hbm4b:s18+s2], $0x20, $0x38;
	[tilespmem:$0x10100] =	vst v63  }
0x354: {  	_ =	swait.ge [sflag:s8], $0x20  }
0x355: {  	[sflag:s8] =	ssyncset.done $0x0  }
0x356: {  	[sflag:s8] =	ssyncadd.s32 $0xFFFFFFE0  }
0x357: {  	v3 =	vld [tilespmem:$0x80];
	_ =	sdelay $0x4  }
0x358: {  	v62 =	vshll.u32 v3, $0x3  }
0x359: {  	v3 =	vand.u32 $0x7, v3;
	v4 =	vand.u32 $0xFFFFFFC0, v62  }
0x35a: {  	v3 =	vor.u32 v3, v4  }
0x35b: {  	v4 =	vperm.xlane v3, v0;
	_ =	sdelay $0x1  }
0x35c: {  	v4 =	vadd.s32 v1, v4;
	_ =	sdelay $0x4  }
0x35d: {  	[tilespmem:s26], [sflag:$0x2] =	stream.indirect_vreg.gather [hbm4b:s3+s2], $0x80, v4, vm0, $0xb8;
	[tilespmem:$0x10100] =	vst v63  }
0x35e: {  	s1 =	simm.s32 $0x8900;
	v3 =	vperm.xlane v3, v2  }
0x35f: {  	[tilespmem:s1], [sflag:$0x2] =	stream.indirect_vreg.gather [hbm4b:s4+s2], $0x80, v4, vm0, $0xb8;
	[tilespmem:$0x10100] =	vst v63  }
0x360: {  	s16 =	simm.s32 $0x9100;
	v3 =	vadd.s32 v1, v3  }
0x361: {  	[tilespmem:s16], [sflag:$0x2] =	stream.indirect_vreg.gather [hbm4b:s5+s2], $0x80, v4, vm0, $0xb8;
	[tilespmem:$0x10100] =	vst v63  }
0x362: {  	s21 =	simm.s32 $0x9900  }
0x363: {  	[tilespmem:s21], [sflag:$0x2] =	stream.indirect_vreg.gather [hbm4b:s6+s2], $0x80, v4, vm0, $0xb8;
	[tilespmem:$0x10100] =	vst v63  }
0x364: {  	s0 =	simm.s32 $0xA100  }
0x365: {  	[tilespmem:s0], [sflag:$0x2] =	stream.indirect_vreg.gather [hbm4b:s3+s2], $0x80, v3, vm0, $0xb8;
	[tilespmem:$0x10100] =	vst v63  }
0x366: {  	s7 =	simm.s32 $0xA900  }
0x367: {  	[tilespmem:s7], [sflag:$0x2] =	stream.indirect_vreg.gather [hbm4b:s4+s2], $0x80, v3, vm0, $0xb8;
	[tilespmem:$0x10100] =	vst v63  }
0x368: {  	s23 =	simm.s32 $0xB100  }
0x369: {  	[tilespmem:s23], [sflag:$0x2] =	stream.indirect_vreg.gather [hbm4b:s5+s2], $0x80, v3, vm0, $0xb8;
	[tilespmem:$0x10100] =	vst v63  }
0x36a: {  	s22 =	simm.s32 $0xB900  }
0x36b: {  	[tilespmem:s22], [sflag:$0x2] =	stream.indirect_vreg.gather [hbm4b:s6+s2], $0x80, v3, vm0, $0xb8;
	[tilespmem:$0x10100] =	vst v63  }
0x36c: {  	v3 =	vld [tilespmem:$0x90];
	_ =	sdelay $0x4  }
0x36d: {  	v63 =	vshll.u32 v3, $0x3  }
0x36e: {  	v3 =	vand.u32 $0x7, v3;
	v4 =	vand.u32 $0xFFFFFFC0, v63  }
0x36f: {  	v3 =	vor.u32 v3, v4  }
0x370: {  	v4 =	vperm.xlane v3, v0;
	_ =	sdelay $0x1  }
0x371: {  	v4 =	vadd.s32 v1, v4;
	_ =	sdelay $0x3  }
0x372: {  	s23 =	simm.s32 $0xC100  }
0x373: {  	[tilespmem:s23], [sflag:$0x2] =	stream.indirect_vreg.gather [hbm4b:s3+s2], $0x80, v4, vm0, $0xb8;
	[tilespmem:$0x10100] =	vst v63  }
0x374: {  	s29 =	simm.s32 $0xC900;
	v3 =	vperm.xlane v3, v2  }
0x375: {  	[tilespmem:s29], [sflag:$0x2] =	stream.indirect_vreg.gather [hbm4b:s4+s2], $0x80, v4, vm0, $0xb8;
	[tilespmem:$0x10100] =	vst v63  }
0x376: {  	s28 =	simm.s32 $0xD100;
	v3 =	vadd.s32 v1, v3  }
0x377: {  	[tilespmem:s28], [sflag:$0x2] =	stream.indirect_vreg.gather [hbm4b:s5+s2], $0x80, v4, vm0, $0xb8;
	[tilespmem:$0x10100] =	vst v63  }
0x378: {  	s25 =	simm.s32 $0xD900  }
0x379: {  	[tilespmem:s25], [sflag:$0x2] =	stream.indirect_vreg.gather [hbm4b:s6+s2], $0x80, v4, vm0, $0xb8;
	[tilespmem:$0x10100] =	vst v63  }
0x37a: {  	s13 =	simm.s32 $0xE100  }
0x37b: {  	[tilespmem:s13], [sflag:$0x2] =	stream.indirect_vreg.gather [hbm4b:s3+s2], $0x80, v3, vm0, $0xb8;
	[tilespmem:$0x10100] =	vst v63  }
0x37c: {  	s14 =	simm.s32 $0xE900  }
0x37d: {  	[tilespmem:s14], [sflag:$0x2] =	stream.indirect_vreg.gather [hbm4b:s4+s2], $0x80, v3, vm0, $0xb8;
	[tilespmem:$0x10100] =	vst v63  }
0x37e: {  	s15 =	simm.s32 $0xF100  }
0x37f: {  	[tilespmem:s15], [sflag:$0x2] =	stream.indirect_vreg.gather [hbm4b:s5+s2], $0x80, v3, vm0, $0xb8;
	[tilespmem:$0x10100] =	vst v63  }
0x380: {  	s30 =	simm.s32 $0xF900  }
0x381: {  	[tilespmem:s30], [sflag:$0x2] =	stream.indirect_vreg.gather [hbm4b:s6+s2], $0x80, v3, vm0, $0xb8;
	[tilespmem:$0x10100] =	vst v63  }
0x382: {  	_ =	swait.ge [sflag:s19], $0x8000  }
0x383: {  	s30 =	sld [smem:$0x7FC]  }
0x384: {  	[sflag:s19] =	ssyncset.done $0x0  }
0x385: {  	[sflag:s19] =	ssyncadd.s32 $0xFFFF8000  }
0x386: {  	[hbm4b:s30+s2] =	stream.linear.scatter [tilespmem:s9], [sflag:$0x3], $0x8000, $0x38;
	[tilespmem:$0x10100] =	vst v63  }
0x387: {  	_ =	swait.ge [sflag:s8], $0x8000  }
0x388: {  	[sflag:s8] =	ssyncset.done $0x0  }
0x389: {  	[sflag:s8] =	ssyncadd.s32 $0xFFFF8000  }
0x38a: {  	_ =	swait.ge [sflag:s20], $0x8000  }
0x38b: {  	s31 =	sld [smem:$0x7FD]  }
0x38c: {  	p0 =	sne.s32 s24, $0x1;
	[sflag:s20] =	ssyncset.done $0x0  }
.Ltmp0:
0x38d: {  	[sflag:s20] =	ssyncadd.s32 $0xFFFF8000;
	(pc) =	sbr.rel @p0 .LBB2_1-.Ltmp0, $4  }
0x38e: {  	[hbm4b:s31+s2] =	stream.linear.scatter [tilespmem:s26], [sflag:$0x3], $0x8000, $0x38;
	[tilespmem:$0x10100] =	vst v63  }
0x38f: {  	_ =	swait.ge [sflag:s8], $0x8000  }
0x390: {  	[sflag:s8] =	ssyncset.done $0x0  }
0x391: {  	s24 =	sadd.s32 $0xFFFFFFFF, s24;
	[sflag:s8] =	ssyncadd.s32 $0xFFFF8000  }
0x392: {  	_ =	sfence.sel $0x180000  }
0x393: {  	[bflag:$0x0] =	sbarrier.arrive $0xFFFF  }
0x394: {  	_ =	strace $0x90000050  }
0x395: {  	s0 =	stileid.u32;
	[bflag:$0x2] =	sbarrier.arrive $0xFFFF  }
0x396: {  	p0 =	sne.s32 s0, $0x0;
	s0 =	rddreg [dreg:$0x1]  }
0x397: {  	s0 =	sadd.s32 @!p0 $0x100000, s0  }
0x398: {  	[sflag:s0] =	ssyncadd.tile.s32 @!p0 $0x1;
	_ =	shalt  }
.Lfunc_end2:
_tile_overlayer_lowered:
.L_overlay_start_2:
0x399: {  	(tag) =	ssettag $0x2  }
0x39a: {  	s0 =	rddreg [dreg:$0x0];
	s2 =	stileid.u32  }
0x39b: {  	s1 =	rddreg [dreg:$0x1];
	p0 =	sne.s32 s2, $0x0  }
0x39c: {  	s3 =	rddreg [dreg:$0x2];
	[bflag:$0x3] =	sbarrier.arrive $0xFFFF;
	s2 =	simm.s32 @!p0 $0x1C03  }
0x39d: {  	[timem:s3], [sflag:s2] =	dma.local @!p0 [hbm:s0], s1  }
0x39e: {  	s0 =	simm.s32 @!p0 $0x3  }
0x39f: {  	_ =	swait.ge @!p0 [sflag:s0], s1  }
0x3a0: {  	s1 =	ssub.s32 @!p0 $0x0, s1;
	[sflag:s0] =	ssyncset.done @!p0 $0x0  }
0x3a1: {  	[sflag:s0] =	ssyncadd.s32 @!p0 s1  }
0x3a2: {  	[bflag:$0x3] =	sbarrier.arrive $0xFFFF  }
0x3a3: {  	_ =	shalt  }

// kernel: scatter_offload_async_start
scs
__scs_entry_jumppad:
0x0: {  	(pc) =	sbr.rel $0x88, $3  }
0x1: {  	(tag) =	ssettag $0x0;
	lr =	simm.s32 $0x1  }
0x2: {  	[smem:$0x3F93] =	sst lr;
	_ =	strace $0xD0000000  }
0x3: {  	_ = 	snop  }
0x4: {  	_ = 	snop  }
0x5: {  	_ = 	snop  }
0x6: {  	_ = 	snop  }
0x7: {  	_ = 	snop  }
__scs_overlays_trampoline_lowered:
0x8: {  	[smem:$0x3FA2] =	sst s0  }
0x9: {  	[smem:$0x3FA3] =	sst s1  }
0xa: {  	[smem:$0x3FA4] =	sst s2  }
0xb: {  	[smem:$0x3FA5] =	sst s3  }
0xc: {  	[smem:$0x3FA6] =	sst s4  }
0xd: {  	[smem:$0x3FA7] =	sst s5  }
0xe: {  	[smem:$0x3FA8] =	sst s6  }
0xf: {  	[smem:$0x3FA9] =	sst s7  }
0x10: {  	[smem:$0x3FAA] =	sst s8  }
0x11: {  	[smem:$0x3FAB] =	sst s9;
	s0 =	simm.s32 @!p0 $0x0  }
0x12: {  	s1 =	sld [smem:$0x3F91];
	s0 =	simm.s32 @p0 $0x1  }
0x13: {  	[smem:$0x3FAC] =	sst s0;
	s0 =	simm.s32 @!p1 $0x0  }
0x14: {  	s2 =	sld [smem:$0x3F90];
	s0 =	simm.s32 @p1 $0x1  }
0x15: {  	[smem:$0x3FAD] =	sst s0;
	s0 =	simm.s32 @!p2 $0x0  }
0x16: {  	s3 =	sld [smem:$0x3FDB];
	s0 =	simm.s32 @p2 $0x1  }
0x17: {  	s4 =	simm.s32 $0x1BF5;
	[smem:$0x3FAF] =	sst s0  }
0x18: {  	s0 =	sld [smem:$0x3F92];
	_ =	swait.ge [sflag:s4], $0x0  }
0x19: {  	s7 =	sld [smem:$0x3F93]  }
0x1a: {  	s8 =	sadd.s32 $0xFFFFE003, lr  }
0x1b: {  	s9 =	sadd.s32 $0xFFFFFEF7, lr;
	s5 =	simm.s32 $0xFFFFFFFF;
	p2 =	slt.u32 s8, $0xFFFFF086  }
0x1c: {  	p1 =	slt.u32 s9, $0xF7A;
	s5 =	simm.s32 @!p2 $0x0  }
0x1d: {  	s5 =	simm.s32 @p1 $0x1;
	p0 =	seq.s32 s7, s2  }
0x1e: {  	s7 =	smul.u32 @!p0 $0xF7A, s2;
	p2 =	seq.s32 @!p0 s5, $0x0  }
0x1f: {  	s9 =	smul.u32 $0xF7A, s1;
	s8 =	simm.s32 @!p0 $0x1BF5;
	p2 =	por !p2, p0  }
0x20: {  	[sflag:s8] =	ssyncset.s32 @!p0 $0xFFFFF086;
	s6 =	sadd.s32 @!p0 s3, s7;
	s7 =	simm.s32 @!p0 $0x108  }
0x21: {  	s3 =	sadd.s32 s3, s9;
	s6 =	sadd.s32 @!p0 $0x88, s6;
	s7 =	simm.s32 @p2 $0x1082  }
0x22: {  	[simem:s7], [sflag:s8] =	dma.local @!p0 [hbm:s6], $0xF7A  }
0x23: {  	s9 =	sor.u32 $0xD0000000, s2;
	s6 =	simm.s32 $0x108;
	_ =	swait.ge @!p0 [sflag:s8], $0x0  }
0x24: {  	s3 =	sadd.s32 $0x88, s3;
	s6 =	simm.s32 @!p1 $0x1082;
	[sflag:s4] =	ssyncset.s32 $0xFFFFF086  }
0x25: {  	[simem:s6], [sflag:s4] =	dma.local [hbm:s3], $0xF7A  }
0x26: {  	[smem:$0x3F93] =	sst s1;
	(tag) =	ssettag s2;
	_ =	strace s9  }
0x27: {  	s1 =	sld [smem:$0x3FA3]  }
0x28: {  	s2 =	sld [smem:$0x3FA4]  }
0x29: {  	s4 =	sld [smem:$0x3FA6]  }
0x2a: {  	p0 =	seq.s32 s5, $0x0;
	s5 =	sld [smem:$0x3FA7]  }
0x2b: {  	s6 =	sld [smem:$0x3FA8]  }
0x2c: {  	s7 =	sld [smem:$0x3FA9]  }
0x2d: {  	s3 =	simm.s32 $0x108;
	s8 =	sld [smem:$0x3FAA]  }
0x2e: {  	s3 =	simm.s32 @!p0 $0x1082;
	s9 =	sld [smem:$0x3FAB]  }
0x2f: {  	lr =	sadd.s32 s0, s3;
	s0 =	sld [smem:$0x3FA2]  }
0x30: {  	s3 =	sld [smem:$0x3FA5]  }
0x31: {  	[smem:$0x3FAE] =	sst s10  }
0x32: {  	s10 =	sld [smem:$0x3FAC];
	_ =	sdelay $0x3  }
0x33: {  	p0 =	seq.s32 s10, $0x1;
	s10 =	sld [smem:$0x3FAE];
	_ =	sdelay $0x3  }
0x34: {  	[smem:$0x3FAE] =	sst s10  }
0x35: {  	s10 =	sld [smem:$0x3FAD];
	_ =	sdelay $0x3  }
0x36: {  	p1 =	seq.s32 s10, $0x1;
	s10 =	sld [smem:$0x3FAE];
	_ =	sdelay $0x3  }
0x37: {  	[smem:$0x3FAE] =	sst s10  }
0x38: {  	s10 =	sld [smem:$0x3FAF]  }
0x39: {  	_ = 	snop;
	(pc) =	sbr.ind lr, $3  }
0x3a: {  	_ = 	snop  }
0x3b: {  	_ = 	snop  }
0x3c: {  	p2 =	seq.s32 s10, $0x1;
	s10 =	sld [smem:$0x3FAE]  }
0x3d: {  	_ =	shalt  }
0x3e: {  	_ =	shalt  }
0x3f: {  	_ =	shalt  }
0x40: {  	_ =	shalt  }
0x41: {  	_ =	shalt  }
0x42: {  	_ =	shalt  }
0x43: {  	_ =	shalt  }
0x44: {  	_ =	shalt  }
0x45: {  	_ =	shalt  }
0x46: {  	_ =	shalt  }
0x47: {  	_ =	shalt  }
0x48: {  	_ =	shalt  }
0x49: {  	_ =	shalt  }
0x4a: {  	_ =	shalt  }
0x4b: {  	_ =	shalt  }
0x4c: {  	_ =	shalt  }
0x4d: {  	_ =	shalt  }
0x4e: {  	_ =	shalt  }
0x4f: {  	_ =	shalt  }
0x50: {  	_ =	shalt  }
0x51: {  	_ =	shalt  }
0x52: {  	_ =	shalt  }
0x53: {  	_ =	shalt  }
0x54: {  	_ =	shalt  }
0x55: {  	_ =	shalt  }
0x56: {  	_ =	shalt  }
0x57: {  	_ =	shalt  }
0x58: {  	_ =	shalt  }
0x59: {  	_ =	shalt  }
0x5a: {  	_ =	shalt  }
0x5b: {  	_ =	shalt  }
0x5c: {  	_ =	shalt  }
0x5d: {  	_ =	shalt  }
0x5e: {  	_ =	shalt  }
0x5f: {  	_ =	shalt  }
0x60: {  	_ =	shalt  }
0x61: {  	_ =	shalt  }
0x62: {  	_ =	shalt  }
0x63: {  	_ =	shalt  }
0x64: {  	_ =	shalt  }
0x65: {  	_ =	shalt  }
0x66: {  	_ =	shalt  }
0x67: {  	_ =	shalt  }
0x68: {  	_ =	shalt  }
0x69: {  	_ =	shalt  }
0x6a: {  	_ =	shalt  }
0x6b: {  	_ =	shalt  }
0x6c: {  	_ =	shalt  }
0x6d: {  	_ =	shalt  }
0x6e: {  	_ =	shalt  }
0x6f: {  	_ =	shalt  }
0x70: {  	_ =	shalt  }
0x71: {  	_ =	shalt  }
0x72: {  	_ =	shalt  }
0x73: {  	_ =	shalt  }
0x74: {  	_ =	shalt  }
0x75: {  	_ =	shalt  }
0x76: {  	_ =	shalt  }
0x77: {  	_ =	shalt  }
0x78: {  	_ =	shalt  }
0x79: {  	_ =	shalt  }
0x7a: {  	_ =	shalt  }
0x7b: {  	_ =	shalt  }
0x7c: {  	_ =	shalt  }
0x7d: {  	_ =	shalt  }
0x7e: {  	_ =	shalt  }
0x7f: {  	_ =	shalt  }
0x80: {  	_ =	shalt  }
0x81: {  	_ =	shalt  }
0x82: {  	_ =	shalt  }
0x83: {  	_ =	shalt  }
0x84: {  	_ =	shalt  }
0x85: {  	_ =	shalt  }
0x86: {  	_ =	shalt  }
0x87: {  	_ =	shalt  }
.Lfunc_end0:
.L_simem_size_0:
called_computation_lowered:
.L_overlay_start_0:
0x88: {  	s0 =	sld [smem:$0x3FD9]  }
0x89: {  	s1 =	sld [smem:$0x3FFE];
	_ =	sdelay $0x3  }
0x8a: {  	s0 =	sadd.s32 s1, s0  }
0x8b: {  	[smem:$0x3FBA] =	sst s0  }
0x8c: {  	_ = 	snop  }
0x8d: {  	(tm) =	ssettm $0x1  }
0x8e: {  	s15 =	sld [smem:$0x3FFB];
	_ =	sdelay $0x3  }
0x8f: {  	_ =	strace s15  }
0x90: {  	s0 =	sld [smem:$0x3FFC];
	_ =	sdelay $0x3  }
0x91: {  	_ =	strace s0  }
0x92: {  	s0 =	sld [smem:$0x3FFD];
	_ =	sdelay $0x3  }
0x93: {  	_ =	strace s0  }
0x94: {  	_ =	strace $0x8FFFFFFF  }
0x95: {  	s16 =	sld [smem:$0x3FDB];
	_ =	sdelay $0x1  }
0x96: {  	s17 =	simm.s32 $_scs_section_size  }
0x97: {  	s2 =	simm.s32 $_size__tile_overlayer_lowered;
	s3 =	simm.s32 $_tile_overlayer_lowered  }
0x98: {  	s20 =	simm.s32 $0x1BFF;
	s19 =	sshll.u32 s3, $0x1;
	s0 =	sadd.s32 s17, s16  }
0x99: {  	s4 =	simm.s32 $0x0;
	s18 =	sshll.u32 s2, $0x1;
	s2 =	sadd.s32 s19, s0  }
0x9a: {  	[timem:s4], [sflag:s20] =	dma.local [hbm:s2], s18  }
0x9b: {  	_ =	swait.ge [sflag:s20], s18  }
0x9c: {  	s1 =	ssub.s32 $0x0, s18;
	[sflag:s20] =	ssyncset.done $0x0  }
0x9d: {  	[sflag:s20] =	ssyncadd.s32 s1;
	_ =	sdelay $0x1  }
0x9e: {  	s21 =	simm.s32 $0x1B8B  }
0x9f: {  	_ =	swait.ge [sflag:s21], $0x1  }
0xa0: {  	[sflag:s21] =	ssyncset.done $0x0  }
0xa1: {  	s23 =	simm.s32 $0x1B8E;
	s22 =	sld [smem:$0x3FFE];
	[sflag:s21] =	ssyncadd.s32 $0xFFFFFFFF  }
0xa2: {  	s24 =	simm.s32 $execute0_lowered;
	[smem:$0x3FD2] =	sst s23  }
0xa3: {  	s2 =	sshll.u32 s24, $0x1;
	_ =	strace $0x80000046;
	[dreg:$0x1] =	wrdreg $0xFFFFFFFF  }
0xa4: {  	s25 =	simm.s32 $_size_execute0_lowered;
	s0 =	sadd.s32 s0, s2;
	[dreg:$0x0] =	wrdreg $0x0  }
0xa5: {  	s2 =	sshll.u32 s25, $0x1;
	[dreg:$0x2] =	wrdreg s0  }
0xa6: {  	[dreg:$0x3] =	wrdreg s2  }
0xa7: {  	[dreg:$0x4] =	wrdreg $0xC0  }
0xa8: {  	_ =	task [dreg:s4], $0x5FFFF  }
0xa9: {  	[dreg:$0x1] =	wrdreg $0xFFFFFFFF  }
0xaa: {  	[dreg:$0x0] =	wrdreg $0x60  }
0xab: {  	[dreg:$0x2] =	wrdreg s22  }
0xac: {  	[dreg:$0x3] =	wrdreg $0x9  }
0xad: {  	_ =	task.clear_ibuf [dreg:s4], $0x4FFFF;
	_ =	strace $0x90000046  }
0xae: {  	s26 =	simm.s32 $0x9;
	_ =	strace $0x80000048  }
0xaf: {  	_ =	swait.ge [sflag:s26], $0x1  }
0xb0: {  	[sflag:s26] =	ssyncadd.s32 $0xFFFFFFFF  }
0xb1: {  	_ =	strace $0x90000048  }
0xb2: {  	_ =	sfence  }
0xb3: {  	s28 =	sld [smem:$0x0];
	_ =	sdelay $0x1  }
0xb4: {  	s29 =	srdreg.scid  }
0xb5: {  	s30 =	sshll.u32 s29, $0xD;
	s31 =	sshrl.u32 s29, $0x2  }
0xb6: {  	s1 =	sand.u32 $0x1, s29;
	s2 =	sand.u32 $0x4000, s30;
	s0 =	sadd.s32 s31, s28  }
0xb7: {  	s1 =	sor.u32 s2, s1;
	s0 =	sshll.u32 s0, $0x11  }
0xb8: {  	s0 =	sor.u32 s0, s1  }
0xb9: {  	s0 =	sadd.s32 $0x8F2B, s0  }
0xba: {  	[sflag:s0] =	ssyncadd.remote.s32 $0x1  }
0xbb: {  	_ =	sfence.sel $0xFFFF  }
0xbc: {  	[dreg:$0x0] =	wrdreg $0xFFFFFFFF;
	(pc) =	sbr.abs _section_cstart, $3  }
0xbd: {  	[dreg:$0x1] =	wrdreg $0xFFFFFFFF  }
0xbe: {  	_ =	task.clear_ibuf [dreg:s4], $0x2FFFF;
	_ =	strace $0x9FFFFFFF  }
0xbf: {  	(tm) =	ssettm $0x7FFFFFFF  }
tec
execute0_lowered:
.L_overlay_start_1:
0x0: {  	(tag) =	ssettag $0x1  }
0x1: {  	s2 =	rddreg [dreg:$0x0]  }
0x2: {  	s0 =	rddreg [dreg:$0x1];
	_ =	strace $0x80000047;
	s3 =	stileid.u32  }
0x3: {  	s4 =	simm.s32 $0x3E;
	s1 =	sadd.s32 $0x1A00, s2;
	p0 =	sne.s32 s3, $0x0  }
0x4: {  	[sflag:s4] =	ssyncpa.u1 $0x0;
	s5 =	simm.s32 @!p0 $0x1C3E;
	s6 =	simm.s32 @!p0 $0x0  }
0x5: {  	[spmem:s6], [sflag:s5] =	dma.local @!p0 [hbm:s1], $0x10  }
0x6: {  	s5 =	simm.s32 @!p0 $0x3E  }
0x7: {  	_ =	swait.ge @!p0 [sflag:s5], $0x10  }
0x8: {  	[sflag:s5] =	ssyncset.done @!p0 $0x0  }
0x9: {  	s26 =	simm.s32 $0x1;
	[sflag:s5] =	ssyncadd.s32 @!p0 $0xFFFFFFF0  }
0xa: {  	s29 =	simm.s32 $0x2;
	s7 =	simm.s32 $0x408;
	[bflag:$0x0] =	sbarrier.arrive $0xFFFF  }
0xb: {  	s28 =	sadd.s32 $0x5200, s2;
	s30 =	sadd.s32 $0x1C00, s2;
	[sflag:s4] =	ssyncpa.u1 $0x1  }
0xc: {  	s3 =	sshll.u32 s3, $0x7;
	s2 =	simm.s32 $0x0;
	[sflag:s26] =	ssyncpa.u1 $0x0  }
0xd: {  	s4 =	sadd.s32 s28, s3;
	(ifvalue) =	ssetifvalue $0x80;
	[sflag:s29] =	ssyncpa.u1 $0x0  }
0xe: {  	[tilespmem:s7], [sflag:$0x2] =	stream.linear.gather [hbm4b:s4+s2], $0x400, $0x38;
	[tilespmem:$0x1008] =	vst v63  }
0xf: {  	s31 =	sadd.s32 s30, s3;
	s3 =	simm.s32 $0xC08  }
0x10: {  	[tilespmem:s3], [sflag:$0x2] =	stream.linear.gather [hbm4b:s31+s2], $0x400, $0x38;
	[tilespmem:$0x1008] =	vst v63  }
0x11: {  	_ =	swait.ge [sflag:s29], $0x800  }
0x12: {  	[sflag:s29] =	ssyncset.done $0x0  }
0x13: {  	[sflag:s29] =	ssyncadd.s32 $0xFFFFF800  }
0x14: {  	v0 =	vld.msk [tilespmem:s7+$0x0 ss:$0x1], $0xffff;
	_ =	sdelay $0x4  }
0x15: {  	v0 =	vmin.u32 v0, $0x80;
	_ =	sdelay $0x3  }
0x16: {  	vm0 =	vmmov $0xffff;
	s5 =	simm.s32 $0x418;
	s4 =	simm.s32 $0x0  }
0x17: {  	[spmem:s2] =	stream.indirect_vreg.scatter.add.s32 [tilespmem:s3], [sflag:$0x1], $0x1, v0, vm0, $0x4038;
	[tilespmem:$0x1008] =	vst v63  }
.LBB2_1:
0x18: {  	v0 =	vld.msk [tilespmem:s5+$0x0 ss:$0x1], $0xffff;
	s4 =	sadd.s32 $0x10, s4  }
0x19: {  	p1 =	slt.u32 s4, $0x3F0;
	_ =	sdelay $0x4  }
0x1a: {  	v0 =	vmin.u32 v0, $0x80  }
.Ltmp0:
0x1b: {  	(pc) =	sbr.rel @p1 .LBB2_1-.Ltmp0, $3  }
0x1c: {  	_ =	sdelay $0x1  }
0x1d: {  	s5 =	sadd.s32 $0x10, s5;
	s3 =	sadd.s32 $0x10, s3  }
0x1e: {  	[spmem:s2] =	stream.indirect_vreg.scatter.add.s32 [tilespmem:s3], [sflag:$0x1], $0x1, v0, vm0, $0x4038;
	[tilespmem:$0x1008] =	vst v63  }
0x1f: {  	s2 =	simm.s32 $0x1  }
0x20: {  	_ =	swait.ge [sflag:s2], $0x400  }
0x21: {  	[sflag:s2] =	ssyncset.done $0x0  }
0x22: {  	[sflag:s2] =	ssyncadd.s32 $0xFFFFFC00  }
0x23: {  	_ =	sfence.sel $0x180000  }
0x24: {  	s3 =	simm.s32 $0x2;
	[bflag:$0x0] =	sbarrier.arrive $0xFFFF  }
0x25: {  	[sflag:s3] =	ssyncpa.u1 $0x1  }
0x26: {  	[sflag:s2] =	ssyncpa.u1 $0x1  }
0x27: {  	_ =	sfence.stream.spmem  }
0x28: {  	s31 =	simm.s32 $0x3D;
	[bflag:$0x0] =	sbarrier.arrive $0xFFFF  }
0x29: {  	s2 =	simm.s32 @p0 $0x3D;
	[sflag:s31] =	ssyncpa.u1 $0x0  }
0x2a: {  	[sflag:s2] =	ssyncpa.u1 @p0 $0x1  }
0x2b: {  	[bflag:$0x0] =	sbarrier.arrive @p0 $0xFFFF  }
0x2c: {  	_ =	strace @p0 $0x90000047  }
0x2d: {  	s3 =	simm.s32 @!p0 $0x1C3D;
	s2 =	simm.s32 @!p0 $0x0;
	[bflag:$0x2] =	sbarrier.arrive @p0 $0xFFFF  }
0x2e: {  	[hbm:s1], [sflag:s3] =	dma.local @!p0 [spmem:s2], $0x10  }
0x2f: {  	s1 =	simm.s32 @!p0 $0x3D  }
0x30: {  	_ =	swait.ge @!p0 [sflag:s1], $0x10  }
0x31: {  	[sflag:s1] =	ssyncset.done @!p0 $0x0  }
0x32: {  	[sflag:s1] =	ssyncadd.s32 @!p0 $0xFFFFFFF0  }
0x33: {  	[sflag:s1] =	ssyncpa.u1 @!p0 $0x1  }
0x34: {  	[bflag:$0x0] =	sbarrier.arrive @!p0 $0xFFFF  }
0x35: {  	_ =	strace @!p0 $0x90000047  }
0x36: {  	s0 =	sadd.s32 @!p0 $0x100000, s0;
	[bflag:$0x2] =	sbarrier.arrive @!p0 $0xFFFF  }
0x37: {  	[sflag:s0] =	ssyncadd.tile.s32 @!p0 $0x1;
	_ =	shalt  }
.Lfunc_end2:
_tile_overlayer_lowered:
.L_overlay_start_2:
0x38: {  	(tag) =	ssettag $0x2  }
0x39: {  	s0 =	rddreg [dreg:$0x0];
	s2 =	stileid.u32  }
0x3a: {  	s1 =	rddreg [dreg:$0x1];
	p0 =	sne.s32 s2, $0x0  }
0x3b: {  	s3 =	rddreg [dreg:$0x2];
	[bflag:$0x3] =	sbarrier.arrive $0xFFFF;
	s2 =	simm.s32 @!p0 $0x1C01  }
0x3c: {  	[timem:s3], [sflag:s2] =	dma.local @!p0 [hbm:s0], s1  }
0x3d: {  	s0 =	simm.s32 @!p0 $0x1  }
0x3e: {  	_ =	swait.ge @!p0 [sflag:s0], s1  }
0x3f: {  	s1 =	ssub.s32 @!p0 $0x0, s1;
	[sflag:s0] =	ssyncset.done @!p0 $0x0  }
0x40: {  	[sflag:s0] =	ssyncadd.s32 @!p0 s1  }
0x41: {  	[bflag:$0x3] =	sbarrier.arrive $0xFFFF  }
0x42: {  	_ =	shalt  }

</sc_bundles>
